<compile_context>
chip_gen: v7x
topology: tpu7x:2x2x1
jax: 0.10.2.dev20260603
libtpu: 0.0.44.dev20260713+nightly
codegen_flags: <defaults>
</compile_context>

<pallas_src>
import functools

import jax
import jax.numpy as jnp
from jax import lax
from jax.experimental import pallas as pl
from jax.experimental.pallas import tpu as pltpu
from jax.experimental.pallas import tpu_sc as plsc

N = 10000
E = 160000
D = 256
DH = 128
NS = 16
NC = 2
B = 128
NBLK = 79
HBLK = 40
EPT = NBLK * B
EPAD = NS * EPT
RPT = 632
NPAD = NS * RPT
ZR = 640

_CHUNKS = tuple((k * B, B) for k in range(4)) + ((4 * B, RPT - 4 * B),)



def _pre_body(x_ref, wl_ref, wr_ref, b_ref, ya_ref, yb_ref, s_ref):
    x = x_ref[...]
    y = jnp.dot(x, wl_ref[...], preferred_element_type=jnp.float32)
    ya_ref[...] = y[:, :DH]
    yb_ref[...] = y[:, DH:]
    s_ref[...] = jnp.dot(x, wr_ref[...], preferred_element_type=jnp.float32) + b_ref[...]


def _pre(x, wl, wr, b):
    bn = 1000
    return pl.pallas_call(
        _pre_body,
        grid=(N // bn,),
        in_specs=[
            pl.BlockSpec((bn, D), lambda i: (i, 0)),
            pl.BlockSpec((D, D), lambda i: (0, 0)),
            pl.BlockSpec((D, D), lambda i: (0, 0)),
            pl.BlockSpec((1, D), lambda i: (0, 0)),
        ],
        out_specs=[
            pl.BlockSpec((bn, DH), lambda i: (i, 0)),
            pl.BlockSpec((bn, DH), lambda i: (i, 0)),
            pl.BlockSpec((bn, D), lambda i: (i, 0)),
        ],
        out_shape=[
            jax.ShapeDtypeStruct((N, DH), jnp.float32),
            jax.ShapeDtypeStruct((N, DH), jnp.float32),
            jax.ShapeDtypeStruct((N, D), jnp.float32),
        ],
    )(x, wl, wr, b)



def _finish(a_ref, b_ref, d0_ref, d1_ref, s_ref, relu):
    inv = 1.0 / jnp.maximum(d0_ref[:, 0:1] + d1_ref[:, 0:1], 1.0)
    o = jnp.concatenate([a_ref[...], b_ref[...]], axis=1) * inv + s_ref[...]
    if relu:
        o = jnp.maximum(o, 0.0)
    return o


def _post_body(a_ref, b_ref, d0_ref, d1_ref, s_ref, o_ref, *, relu=False):
    o_ref[...] = _finish(a_ref, b_ref, d0_ref, d1_ref, s_ref, relu=relu)


def _post(acc_a, acc_b, d0, d1, s, relu=False):
    bn = 1000
    return pl.pallas_call(
        functools.partial(_post_body, relu=relu),
        grid=(N // bn,),
        in_specs=[
            pl.BlockSpec((bn, DH), lambda i: (i, 0)),
            pl.BlockSpec((bn, DH), lambda i: (i, 0)),
            pl.BlockSpec((bn, DH), lambda i: (i, 0)),
            pl.BlockSpec((bn, DH), lambda i: (i, 0)),
            pl.BlockSpec((bn, D), lambda i: (i, 0)),
        ],
        out_specs=pl.BlockSpec((bn, D), lambda i: (i, 0)),
        out_shape=jax.ShapeDtypeStruct((N, D), jnp.float32),
    )(acc_a, acc_b, d0, d1, s)



def _make_mesh():
    return plsc.VectorSubcoreMesh(core_axis_name="c", subcore_axis_name="s",
                                  num_cores=NC, num_subcores=NS)


def _sc_run(table, acc_out, src3, dst3, zeros, acc_sh, src_v, dst_v,
            rows0, sem0, s):
    r0 = s * RPT
    bufs = (rows0,)
    sems = (sem0,)
    pltpu.sync_copy(zeros.at[pl.ds(0, B)], rows0)
    for off, ln in _CHUNKS:
        pltpu.sync_copy(rows0.at[pl.ds(0, ln)],
                        acc_sh.at[pl.ds(r0 + off, ln)])
    plsc.subcore_barrier()

    def body(j, carry):
        pltpu.async_copy(table.at[src_v.at[j]], bufs[0], sems[0]).wait()
        pltpu.sync_copy(bufs[0], acc_sh.at[dst_v.at[j]], add=True)
        return carry

    for ph, nb in ((0, HBLK), (1, NBLK - HBLK)):
        pltpu.sync_copy(src3.at[s, pl.ds(ph * HBLK, nb)],
                        src_v.at[pl.ds(0, nb)])
        pltpu.sync_copy(dst3.at[s, pl.ds(ph * HBLK, nb)],
                        dst_v.at[pl.ds(0, nb)])
        lax.fori_loop(0, nb, body, 0)
    plsc.subcore_barrier()
    for off, ln in _CHUNKS:
        pltpu.sync_copy(acc_sh.at[pl.ds(r0 + off, ln)],
                        rows0.at[pl.ds(0, ln)])
        pltpu.sync_copy(rows0.at[pl.ds(0, ln)],
                        acc_out.at[pl.ds(r0 + off, ln)])


def _make_sc_agg():
    @functools.partial(
        pl.kernel, mesh=_make_mesh(),
        out_type=[
            jax.ShapeDtypeStruct((NPAD, DH), jnp.float32),
            jax.ShapeDtypeStruct((NPAD, DH), jnp.float32),
        ],
        scratch_types=[
            pltpu.VMEM((HBLK, B), jnp.int32),
            pltpu.VMEM((HBLK, B), jnp.int32),
            pltpu.VMEM((B, DH), jnp.float32),
            pltpu.VMEM_SHARED((NPAD, DH), jnp.float32),
            pltpu.SemaphoreType.DMA,
        ])
    def k(ya, yb, src3, dst3, zeros,
          acc_a_o, acc_b_o,
          src_v, dst_v, rows0, acc_sh, sem0):
        c = lax.axis_index("c")
        s = lax.axis_index("s")

        @pl.when(c == 0)
        def _():
            _sc_run(ya, acc_a_o, src3, dst3, zeros, acc_sh, src_v,
                    dst_v, rows0, sem0, s)

        @pl.when(c == 1)
        def _():
            _sc_run(yb, acc_b_o, src3, dst3, zeros, acc_sh, src_v,
                    dst_v, rows0, sem0, s)
    return k


def _make_sc_deg():
    HB2 = HBLK

    @functools.partial(
        pl.kernel, mesh=_make_mesh(),
        out_type=[
            jax.ShapeDtypeStruct((NPAD, DH), jnp.float32),
            jax.ShapeDtypeStruct((NPAD, DH), jnp.float32),
        ],
        scratch_types=[
            pltpu.VMEM((HB2, B), jnp.int32),
            pltpu.VMEM((B, DH), jnp.float32),
            pltpu.VMEM_SHARED((NPAD, DH), jnp.float32),
        ])
    def k(dst3, ones128, zeros, deg0_o, deg1_o, dst_v, ones_v, deg_sh):
        c = lax.axis_index("c")
        s = lax.axis_index("s")
        r0 = s * RPT

        pltpu.sync_copy(zeros.at[pl.ds(0, B)], ones_v)
        for off, ln in _CHUNKS:
            pltpu.sync_copy(ones_v.at[pl.ds(0, ln)],
                            deg_sh.at[pl.ds(r0 + off, ln)])
        pltpu.sync_copy(ones128, ones_v)
        plsc.subcore_barrier()

        def body(j, carry):
            pltpu.sync_copy(ones_v, deg_sh.at[dst_v.at[j]], add=True)
            return carry

        def run(ph, nb, deg_o):
            pltpu.sync_copy(dst3.at[s, pl.ds(ph * HB2, nb)],
                            dst_v.at[pl.ds(0, nb)])
            lax.fori_loop(0, nb, body, 0)
            plsc.subcore_barrier()
            pltpu.sync_copy(deg_sh.at[pl.ds(r0, RPT)],
                            deg_o.at[pl.ds(r0, RPT)])

        @pl.when(c == 0)
        def _():
            run(0, HBLK, deg0_o)

        @pl.when(c == 1)
        def _():
            run(1, NBLK - HBLK, deg1_o)
    return k


_sc_agg = _make_sc_agg()
_sc_deg = _make_sc_deg()


def kernel(x, edge_index, W_l1, W_r1, b1, W_l2, W_r2, b2):
    npad_e = EPAD - E
    src_p = jnp.concatenate(
        [edge_index[0], jnp.zeros((npad_e,), jnp.int32)])
    dst_p = jnp.concatenate(
        [edge_index[1], jnp.full((npad_e,), N, jnp.int32)])
    src3 = src_p.reshape(NS, NBLK, B)
    dst3 = dst_p.reshape(NS, NBLK, B)
    zeros = jnp.zeros((ZR, DH), jnp.float32)
    ones128 = jnp.ones((B, DH), jnp.float32)
    b1r = b1.reshape(1, D)
    b2r = b2.reshape(1, D)

    d0, d1 = _sc_deg(dst3, ones128, zeros)
    ya1, yb1, s1 = _pre(x, W_l1, W_r1, b1r)
    acc_a1, acc_b1 = _sc_agg(ya1, yb1, src3, dst3, zeros)
    h = _post(acc_a1, acc_b1, d0, d1, s1, relu=True)
    ya2, yb2, s2 = _pre(h, W_l2, W_r2, b2r)
    acc_a2, acc_b2 = _sc_agg(ya2, yb2, src3, dst3, zeros)
    return _post(acc_a2, acc_b2, d0, d1, s2)

# --- scband reference (transcript-rebuilt; emitter-appended) ---
"""Pipeline reference for scband-flexible-gnn-19155554140459 (READ-ONLY COPY).

The authoritative reference and input builder live on the scoring server;
editing this copy changes nothing except your own understanding.
"""

import jax, jax.numpy as jnp
import numpy as np

N = 10000
E = 160000
D_IN = 256
D_HID = 256
D_OUT = 256


def _sage_conv(x, src, dst, W_l, W_r, b):
    # PyG SAGEConv (aggr='mean'): out = lin_l(mean_j x_j) + lin_r(x_i)
    n = x.shape[0]
    msg = jnp.take(x, src, axis=0)
    agg = jax.ops.segment_sum(msg, dst, num_segments=n)
    deg = jax.ops.segment_sum(jnp.ones((src.shape[0],), dtype=x.dtype), dst, num_segments=n)
    agg = agg / jnp.clip(deg, 1.0, None)[:, None]
    return agg @ W_l + x @ W_r + b


def setup_inputs(seed: int = 0) -> dict:
    key = jax.random.key(seed)
    ks = jax.random.split(key, 9)
    x = jax.random.normal(ks[0], (N, D_IN), dtype=jnp.float32)
    edge_index = jax.random.randint(ks[1], (2, E), 0, N, dtype=jnp.int32)
    s_in = 1.0 / np.sqrt(D_IN)
    s_hid = 1.0 / np.sqrt(D_HID)
    W_l1 = jax.random.uniform(ks[2], (D_IN, D_HID), dtype=jnp.float32, minval=-s_in, maxval=s_in)
    W_r1 = jax.random.uniform(ks[3], (D_IN, D_HID), dtype=jnp.float32, minval=-s_in, maxval=s_in)
    b1 = jax.random.uniform(ks[4], (D_HID,), dtype=jnp.float32, minval=-s_in, maxval=s_in)
    W_l2 = jax.random.uniform(ks[5], (D_HID, D_OUT), dtype=jnp.float32, minval=-s_hid, maxval=s_hid)
    W_r2 = jax.random.uniform(ks[6], (D_HID, D_OUT), dtype=jnp.float32, minval=-s_hid, maxval=s_hid)
    b2 = jax.random.uniform(ks[7], (D_OUT,), dtype=jnp.float32, minval=-s_hid, maxval=s_hid)
    return {"x": x, "edge_index": edge_index, "W_l1": W_l1, "W_r1": W_r1, "b1": b1, "W_l2": W_l2, "W_r2": W_r2, "b2": b2}


def reference(x, edge_index, W_l1, W_r1, b1, W_l2, W_r2, b2):
    src = edge_index[0]
    dst = edge_index[1]
    h = _sage_conv(x, src, dst, W_l1, W_r1, b1)
    h = jax.nn.relu(h)
    # F.dropout with training=False (eval mode) is identity
    out = _sage_conv(h, src, dst, W_l2, W_r2, b2)
    return out

if __name__ == "__main__":
    import jax
    _d = setup_inputs()
    print(jax.jit(kernel)(*tuple(_d.values())))

</pallas_src>

<mosaic_0001>
#map = affine_map<(d0, d1) -> (0, 0)>
#map1 = affine_map<(d0, d1) -> (0, 0, 0)>
module attributes {stable_mosaic.version = 14 : i64} {
  func.func @k(%arg0: i32, %arg1: i32, %arg2: memref<10000x128xf32, #tpu.memory_space<hbm>>, %arg3: memref<10000x128xf32, #tpu.memory_space<hbm>>, %arg4: memref<16x79x128xi32, #tpu.memory_space<hbm>>, %arg5: memref<16x79x128xi32, #tpu.memory_space<hbm>>, %arg6: memref<640x128xf32, #tpu.memory_space<hbm>>, %arg7: memref<10112x128xf32, #tpu.memory_space<hbm>>, %arg8: memref<10112x128xf32, #tpu.memory_space<hbm>>, %arg9: memref<40x128xi32, #tpu.memory_space<vmem>>, %arg10: memref<40x128xi32, #tpu.memory_space<vmem>>, %arg11: memref<128x128xf32, #tpu.memory_space<vmem>>, %arg12: memref<10112x128xf32, #tpu.memory_space<vmem_shared>>, %arg13: memref<!tpu.dma_semaphore, #tpu.memory_space<semaphore_mem>>) attributes {dimension_semantics = [#tpu.dimension_semantics<core_parallel>, #tpu.dimension_semantics<subcore_parallel>], iteration_bounds = array<i64: 2, 16>, scalar_prefetch = 0 : i64, scratch_operands = 5 : i64, tpu.core_type = #tpu.core_type<sc_vector_subcore>, window_params = [{transform_indices = #map}, {transform_indices = #map}, {transform_indices = #map1}, {transform_indices = #map1}, {transform_indices = #map}, {transform_indices = #map}, {transform_indices = #map}]} {
    %eq3A = arith.constant 0 : i32
    %eq3A_0 = arith.cmpi eq, %arg0, %eq3A : i32
    %convert_element_type3A = arith.extui %eq3A_0 : i1 to i32
    %cond3A = arith.constant 0 : i32
    %cond3A_1 = arith.cmpi ne, %convert_element_type3A, %cond3A : i32
    scf.if %cond3A_1 {
      %mul3A = arith.constant 632 : i32
      %mul3A_7 = arith.muli %arg1, %mul3A : i32
      "tpu.region"() ({
        %run_scoped3A = tpu.sem_alloc : memref<!tpu.dma_semaphore, #tpu.memory_space<semaphore_mem>>
        %dma_start3A = arith.constant 0 : i32
        %dma_start3A_49 = arith.constant 0 : i32
        %dma_start3A_50 = tpu.memref_slice %arg6[%dma_start3A, %dma_start3A_49] : memref<640x128xf32, #tpu.memory_space<hbm>> -> memref<128x128xf32, #tpu.memory_space<hbm>>
        %dma_start3A_51 = arith.constant 0 : i32
        %dma_start3A_52 = arith.constant 0 : i32
        %dma_start3A_53 = tpu.memref_slice %arg6[%dma_start3A_51, %dma_start3A_52] : memref<640x128xf32, #tpu.memory_space<hbm>> -> memref<128x128xf32, #tpu.memory_space<hbm>>
        tpu.enqueue_dma source(%dma_start3A_53 : memref<128x128xf32, #tpu.memory_space<hbm>>) target(%arg11 : memref<128x128xf32, #tpu.memory_space<vmem>>) target_semaphore(%run_scoped3A : memref<!tpu.dma_semaphore, #tpu.memory_space<semaphore_mem>>)
        %dma_wait3A = arith.constant 0 : i32
        %dma_wait3A_54 = arith.constant 0 : i32
        %dma_wait3A_55 = tpu.memref_slice %arg6[%dma_wait3A, %dma_wait3A_54] : memref<640x128xf32, #tpu.memory_space<hbm>> -> memref<128x128xf32, #tpu.memory_space<hbm>>
        %dma_wait3A_56 = arith.constant 0 : i32
        %dma_wait3A_57 = arith.constant 0 : i32
        %dma_wait3A_58 = tpu.memref_slice %arg6[%dma_wait3A_56, %dma_wait3A_57] : memref<640x128xf32, #tpu.memory_space<hbm>> -> memref<128x128xf32, #tpu.memory_space<hbm>>
        tpu.wait_dma2 semaphore(%run_scoped3A : memref<!tpu.dma_semaphore, #tpu.memory_space<semaphore_mem>>) src(%dma_wait3A_58 : memref<128x128xf32, #tpu.memory_space<hbm>>) dst(%arg11 : memref<128x128xf32, #tpu.memory_space<vmem>>)
        tpu.yield
      }) : () -> ()
      %add3A = arith.constant 0 : i32
      %add3A_8 = arith.addi %mul3A_7, %add3A : i32
      "tpu.region"() ({
        %run_scoped3A = tpu.sem_alloc : memref<!tpu.dma_semaphore, #tpu.memory_space<semaphore_mem>>
        %dma_start3A = arith.constant 0 : i32
        %dma_start3A_49 = arith.constant 0 : i32
        %dma_start3A_50 = tpu.memref_slice %arg11[%dma_start3A, %dma_start3A_49] : memref<128x128xf32, #tpu.memory_space<vmem>> -> memref<128x128xf32, #tpu.memory_space<vmem>>
        %dma_start3A_51 = arith.constant 0 : i32
        %dma_start3A_52 = tpu.memref_slice %arg12[%add3A_8, %dma_start3A_51] : memref<10112x128xf32, #tpu.memory_space<vmem_shared>> -> memref<128x128xf32, #tpu.memory_space<vmem_shared>>
        %dma_start3A_53 = arith.constant 0 : i32
        %dma_start3A_54 = tpu.memref_slice %arg12[%add3A_8, %dma_start3A_53] : memref<10112x128xf32, #tpu.memory_space<vmem_shared>> -> memref<128x128xf32, #tpu.memory_space<vmem_shared>>
        %dma_start3A_55 = arith.constant 0 : i32
        %dma_start3A_56 = arith.constant 0 : i32
        %dma_start3A_57 = tpu.memref_slice %arg11[%dma_start3A_55, %dma_start3A_56] : memref<128x128xf32, #tpu.memory_space<vmem>> -> memref<128x128xf32, #tpu.memory_space<vmem>>
        tpu.enqueue_dma source(%dma_start3A_57 : memref<128x128xf32, #tpu.memory_space<vmem>>) target(%dma_start3A_54 : memref<128x128xf32, #tpu.memory_space<vmem_shared>>) target_semaphore(%run_scoped3A : memref<!tpu.dma_semaphore, #tpu.memory_space<semaphore_mem>>)
        %dma_wait3A = arith.constant 0 : i32
        %dma_wait3A_58 = arith.constant 0 : i32
        %dma_wait3A_59 = tpu.memref_slice %arg11[%dma_wait3A, %dma_wait3A_58] : memref<128x128xf32, #tpu.memory_space<vmem>> -> memref<128x128xf32, #tpu.memory_space<vmem>>
        %dma_wait3A_60 = arith.constant 0 : i32
        %dma_wait3A_61 = tpu.memref_slice %arg12[%add3A_8, %dma_wait3A_60] : memref<10112x128xf32, #tpu.memory_space<vmem_shared>> -> memref<128x128xf32, #tpu.memory_space<vmem_shared>>
        %dma_wait3A_62 = arith.constant 0 : i32
        %dma_wait3A_63 = tpu.memref_slice %arg12[%add3A_8, %dma_wait3A_62] : memref<10112x128xf32, #tpu.memory_space<vmem_shared>> -> memref<128x128xf32, #tpu.memory_space<vmem_shared>>
        %dma_wait3A_64 = arith.constant 0 : i32
        %dma_wait3A_65 = arith.constant 0 : i32
        %dma_wait3A_66 = tpu.memref_slice %arg11[%dma_wait3A_64, %dma_wait3A_65] : memref<128x128xf32, #tpu.memory_space<vmem>> -> memref<128x128xf32, #tpu.memory_space<vmem>>
        tpu.wait_dma2 semaphore(%run_scoped3A : memref<!tpu.dma_semaphore, #tpu.memory_space<semaphore_mem>>) src(%dma_wait3A_66 : memref<128x128xf32, #tpu.memory_space<vmem>>) dst(%dma_wait3A_63 : memref<128x128xf32, #tpu.memory_space<vmem_shared>>)
        tpu.yield
      }) : () -> ()
      %add3A_9 = arith.constant 128 : i32
      %add3A_10 = arith.addi %mul3A_7, %add3A_9 : i32
      "tpu.region"() ({
        %run_scoped3A = tpu.sem_alloc : memref<!tpu.dma_semaphore, #tpu.memory_space<semaphore_mem>>
        %dma_start3A = arith.constant 0 : i32
        %dma_start3A_49 = arith.constant 0 : i32
        %dma_start3A_50 = tpu.memref_slice %arg11[%dma_start3A, %dma_start3A_49] : memref<128x128xf32, #tpu.memory_space<vmem>> -> memref<128x128xf32, #tpu.memory_space<vmem>>
        %dma_start3A_51 = arith.constant 0 : i32
        %dma_start3A_52 = tpu.memref_slice %arg12[%add3A_10, %dma_start3A_51] : memref<10112x128xf32, #tpu.memory_space<vmem_shared>> -> memref<128x128xf32, #tpu.memory_space<vmem_shared>>
        %dma_start3A_53 = arith.constant 0 : i32
        %dma_start3A_54 = tpu.memref_slice %arg12[%add3A_10, %dma_start3A_53] : memref<10112x128xf32, #tpu.memory_space<vmem_shared>> -> memref<128x128xf32, #tpu.memory_space<vmem_shared>>
        %dma_start3A_55 = arith.constant 0 : i32
        %dma_start3A_56 = arith.constant 0 : i32
        %dma_start3A_57 = tpu.memref_slice %arg11[%dma_start3A_55, %dma_start3A_56] : memref<128x128xf32, #tpu.memory_space<vmem>> -> memref<128x128xf32, #tpu.memory_space<vmem>>
        tpu.enqueue_dma source(%dma_start3A_57 : memref<128x128xf32, #tpu.memory_space<vmem>>) target(%dma_start3A_54 : memref<128x128xf32, #tpu.memory_space<vmem_shared>>) target_semaphore(%run_scoped3A : memref<!tpu.dma_semaphore, #tpu.memory_space<semaphore_mem>>)
        %dma_wait3A = arith.constant 0 : i32
        %dma_wait3A_58 = arith.constant 0 : i32
        %dma_wait3A_59 = tpu.memref_slice %arg11[%dma_wait3A, %dma_wait3A_58] : memref<128x128xf32, #tpu.memory_space<vmem>> -> memref<128x128xf32, #tpu.memory_space<vmem>>
        %dma_wait3A_60 = arith.constant 0 : i32
        %dma_wait3A_61 = tpu.memref_slice %arg12[%add3A_10, %dma_wait3A_60] : memref<10112x128xf32, #tpu.memory_space<vmem_shared>> -> memref<128x128xf32, #tpu.memory_space<vmem_shared>>
        %dma_wait3A_62 = arith.constant 0 : i32
        %dma_wait3A_63 = tpu.memref_slice %arg12[%add3A_10, %dma_wait3A_62] : memref<10112x128xf32, #tpu.memory_space<vmem_shared>> -> memref<128x128xf32, #tpu.memory_space<vmem_shared>>
        %dma_wait3A_64 = arith.constant 0 : i32
        %dma_wait3A_65 = arith.constant 0 : i32
        %dma_wait3A_66 = tpu.memref_slice %arg11[%dma_wait3A_64, %dma_wait3A_65] : memref<128x128xf32, #tpu.memory_space<vmem>> -> memref<128x128xf32, #tpu.memory_space<vmem>>
        tpu.wait_dma2 semaphore(%run_scoped3A : memref<!tpu.dma_semaphore, #tpu.memory_space<semaphore_mem>>) src(%dma_wait3A_66 : memref<128x128xf32, #tpu.memory_space<vmem>>) dst(%dma_wait3A_63 : memref<128x128xf32, #tpu.memory_space<vmem_shared>>)
        tpu.yield
      }) : () -> ()
      %add3A_11 = arith.constant 256 : i32
      %add3A_12 = arith.addi %mul3A_7, %add3A_11 : i32
      "tpu.region"() ({
        %run_scoped3A = tpu.sem_alloc : memref<!tpu.dma_semaphore, #tpu.memory_space<semaphore_mem>>
        %dma_start3A = arith.constant 0 : i32
        %dma_start3A_49 = arith.constant 0 : i32
        %dma_start3A_50 = tpu.memref_slice %arg11[%dma_start3A, %dma_start3A_49] : memref<128x128xf32, #tpu.memory_space<vmem>> -> memref<128x128xf32, #tpu.memory_space<vmem>>
        %dma_start3A_51 = arith.constant 0 : i32
        %dma_start3A_52 = tpu.memref_slice %arg12[%add3A_12, %dma_start3A_51] : memref<10112x128xf32, #tpu.memory_space<vmem_shared>> -> memref<128x128xf32, #tpu.memory_space<vmem_shared>>
        %dma_start3A_53 = arith.constant 0 : i32
        %dma_start3A_54 = tpu.memref_slice %arg12[%add3A_12, %dma_start3A_53] : memref<10112x128xf32, #tpu.memory_space<vmem_shared>> -> memref<128x128xf32, #tpu.memory_space<vmem_shared>>
        %dma_start3A_55 = arith.constant 0 : i32
        %dma_start3A_56 = arith.constant 0 : i32
        %dma_start3A_57 = tpu.memref_slice %arg11[%dma_start3A_55, %dma_start3A_56] : memref<128x128xf32, #tpu.memory_space<vmem>> -> memref<128x128xf32, #tpu.memory_space<vmem>>
        tpu.enqueue_dma source(%dma_start3A_57 : memref<128x128xf32, #tpu.memory_space<vmem>>) target(%dma_start3A_54 : memref<128x128xf32, #tpu.memory_space<vmem_shared>>) target_semaphore(%run_scoped3A : memref<!tpu.dma_semaphore, #tpu.memory_space<semaphore_mem>>)
        %dma_wait3A = arith.constant 0 : i32
        %dma_wait3A_58 = arith.constant 0 : i32
        %dma_wait3A_59 = tpu.memref_slice %arg11[%dma_wait3A, %dma_wait3A_58] : memref<128x128xf32, #tpu.memory_space<vmem>> -> memref<128x128xf32, #tpu.memory_space<vmem>>
        %dma_wait3A_60 = arith.constant 0 : i32
        %dma_wait3A_61 = tpu.memref_slice %arg12[%add3A_12, %dma_wait3A_60] : memref<10112x128xf32, #tpu.memory_space<vmem_shared>> -> memref<128x128xf32, #tpu.memory_space<vmem_shared>>
        %dma_wait3A_62 = arith.constant 0 : i32
        %dma_wait3A_63 = tpu.memref_slice %arg12[%add3A_12, %dma_wait3A_62] : memref<10112x128xf32, #tpu.memory_space<vmem_shared>> -> memref<128x128xf32, #tpu.memory_space<vmem_shared>>
        %dma_wait3A_64 = arith.constant 0 : i32
        %dma_wait3A_65 = arith.constant 0 : i32
        %dma_wait3A_66 = tpu.memref_slice %arg11[%dma_wait3A_64, %dma_wait3A_65] : memref<128x128xf32, #tpu.memory_space<vmem>> -> memref<128x128xf32, #tpu.memory_space<vmem>>
        tpu.wait_dma2 semaphore(%run_scoped3A : memref<!tpu.dma_semaphore, #tpu.memory_space<semaphore_mem>>) src(%dma_wait3A_66 : memref<128x128xf32, #tpu.memory_space<vmem>>) dst(%dma_wait3A_63 : memref<128x128xf32, #tpu.memory_space<vmem_shared>>)
        tpu.yield
      }) : () -> ()
      %add3A_13 = arith.constant 384 : i32
      %add3A_14 = arith.addi %mul3A_7, %add3A_13 : i32
      "tpu.region"() ({
        %run_scoped3A = tpu.sem_alloc : memref<!tpu.dma_semaphore, #tpu.memory_space<semaphore_mem>>
        %dma_start3A = arith.constant 0 : i32
        %dma_start3A_49 = arith.constant 0 : i32
        %dma_start3A_50 = tpu.memref_slice %arg11[%dma_start3A, %dma_start3A_49] : memref<128x128xf32, #tpu.memory_space<vmem>> -> memref<128x128xf32, #tpu.memory_space<vmem>>
        %dma_start3A_51 = arith.constant 0 : i32
        %dma_start3A_52 = tpu.memref_slice %arg12[%add3A_14, %dma_start3A_51] : memref<10112x128xf32, #tpu.memory_space<vmem_shared>> -> memref<128x128xf32, #tpu.memory_space<vmem_shared>>
        %dma_start3A_53 = arith.constant 0 : i32
        %dma_start3A_54 = tpu.memref_slice %arg12[%add3A_14, %dma_start3A_53] : memref<10112x128xf32, #tpu.memory_space<vmem_shared>> -> memref<128x128xf32, #tpu.memory_space<vmem_shared>>
        %dma_start3A_55 = arith.constant 0 : i32
        %dma_start3A_56 = arith.constant 0 : i32
        %dma_start3A_57 = tpu.memref_slice %arg11[%dma_start3A_55, %dma_start3A_56] : memref<128x128xf32, #tpu.memory_space<vmem>> -> memref<128x128xf32, #tpu.memory_space<vmem>>
        tpu.enqueue_dma source(%dma_start3A_57 : memref<128x128xf32, #tpu.memory_space<vmem>>) target(%dma_start3A_54 : memref<128x128xf32, #tpu.memory_space<vmem_shared>>) target_semaphore(%run_scoped3A : memref<!tpu.dma_semaphore, #tpu.memory_space<semaphore_mem>>)
        %dma_wait3A = arith.constant 0 : i32
        %dma_wait3A_58 = arith.constant 0 : i32
        %dma_wait3A_59 = tpu.memref_slice %arg11[%dma_wait3A, %dma_wait3A_58] : memref<128x128xf32, #tpu.memory_space<vmem>> -> memref<128x128xf32, #tpu.memory_space<vmem>>
        %dma_wait3A_60 = arith.constant 0 : i32
        %dma_wait3A_61 = tpu.memref_slice %arg12[%add3A_14, %dma_wait3A_60] : memref<10112x128xf32, #tpu.memory_space<vmem_shared>> -> memref<128x128xf32, #tpu.memory_space<vmem_shared>>
        %dma_wait3A_62 = arith.constant 0 : i32
        %dma_wait3A_63 = tpu.memref_slice %arg12[%add3A_14, %dma_wait3A_62] : memref<10112x128xf32, #tpu.memory_space<vmem_shared>> -> memref<128x128xf32, #tpu.memory_space<vmem_shared>>
        %dma_wait3A_64 = arith.constant 0 : i32
        %dma_wait3A_65 = arith.constant 0 : i32
        %dma_wait3A_66 = tpu.memref_slice %arg11[%dma_wait3A_64, %dma_wait3A_65] : memref<128x128xf32, #tpu.memory_space<vmem>> -> memref<128x128xf32, #tpu.memory_space<vmem>>
        tpu.wait_dma2 semaphore(%run_scoped3A : memref<!tpu.dma_semaphore, #tpu.memory_space<semaphore_mem>>) src(%dma_wait3A_66 : memref<128x128xf32, #tpu.memory_space<vmem>>) dst(%dma_wait3A_63 : memref<128x128xf32, #tpu.memory_space<vmem_shared>>)
        tpu.yield
      }) : () -> ()
      %add3A_15 = arith.constant 512 : i32
      %add3A_16 = arith.addi %mul3A_7, %add3A_15 : i32
      "tpu.region"() ({
        %run_scoped3A = tpu.sem_alloc : memref<!tpu.dma_semaphore, #tpu.memory_space<semaphore_mem>>
        %dma_start3A = arith.constant 0 : i32
        %dma_start3A_49 = arith.constant 0 : i32
        %dma_start3A_50 = tpu.memref_slice %arg11[%dma_start3A, %dma_start3A_49] : memref<128x128xf32, #tpu.memory_space<vmem>> -> memref<120x128xf32, #tpu.memory_space<vmem>>
        %dma_start3A_51 = arith.constant 0 : i32
        %dma_start3A_52 = tpu.memref_slice %arg12[%add3A_16, %dma_start3A_51] : memref<10112x128xf32, #tpu.memory_space<vmem_shared>> -> memref<120x128xf32, #tpu.memory_space<vmem_shared>>
        %dma_start3A_53 = arith.constant 0 : i32
        %dma_start3A_54 = tpu.memref_slice %arg12[%add3A_16, %dma_start3A_53] : memref<10112x128xf32, #tpu.memory_space<vmem_shared>> -> memref<120x128xf32, #tpu.memory_space<vmem_shared>>
        %dma_start3A_55 = arith.constant 0 : i32
        %dma_start3A_56 = arith.constant 0 : i32
        %dma_start3A_57 = tpu.memref_slice %arg11[%dma_start3A_55, %dma_start3A_56] : memref<128x128xf32, #tpu.memory_space<vmem>> -> memref<120x128xf32, #tpu.memory_space<vmem>>
        tpu.enqueue_dma source(%dma_start3A_57 : memref<120x128xf32, #tpu.memory_space<vmem>>) target(%dma_start3A_54 : memref<120x128xf32, #tpu.memory_space<vmem_shared>>) target_semaphore(%run_scoped3A : memref<!tpu.dma_semaphore, #tpu.memory_space<semaphore_mem>>)
        %dma_wait3A = arith.constant 0 : i32
        %dma_wait3A_58 = arith.constant 0 : i32
        %dma_wait3A_59 = tpu.memref_slice %arg11[%dma_wait3A, %dma_wait3A_58] : memref<128x128xf32, #tpu.memory_space<vmem>> -> memref<120x128xf32, #tpu.memory_space<vmem>>
        %dma_wait3A_60 = arith.constant 0 : i32
        %dma_wait3A_61 = tpu.memref_slice %arg12[%add3A_16, %dma_wait3A_60] : memref<10112x128xf32, #tpu.memory_space<vmem_shared>> -> memref<120x128xf32, #tpu.memory_space<vmem_shared>>
        %dma_wait3A_62 = arith.constant 0 : i32
        %dma_wait3A_63 = tpu.memref_slice %arg12[%add3A_16, %dma_wait3A_62] : memref<10112x128xf32, #tpu.memory_space<vmem_shared>> -> memref<120x128xf32, #tpu.memory_space<vmem_shared>>
        %dma_wait3A_64 = arith.constant 0 : i32
        %dma_wait3A_65 = arith.constant 0 : i32
        %dma_wait3A_66 = tpu.memref_slice %arg11[%dma_wait3A_64, %dma_wait3A_65] : memref<128x128xf32, #tpu.memory_space<vmem>> -> memref<120x128xf32, #tpu.memory_space<vmem>>
        tpu.wait_dma2 semaphore(%run_scoped3A : memref<!tpu.dma_semaphore, #tpu.memory_space<semaphore_mem>>) src(%dma_wait3A_66 : memref<120x128xf32, #tpu.memory_space<vmem>>) dst(%dma_wait3A_63 : memref<120x128xf32, #tpu.memory_space<vmem_shared>>)
        tpu.yield
      }) : () -> ()
      %barrier3A = arith.constant 0 : index
      tpu.barrier barrier_id(%barrier3A)
      "tpu.region"() ({
        %run_scoped3A = tpu.sem_alloc : memref<!tpu.dma_semaphore, #tpu.memory_space<semaphore_mem>>
        %dma_start3A = arith.constant 0 : i32
        %dma_start3A_49 = arith.constant 0 : i32
        %dma_start3A_50 = tpu.memref_slice %arg9[%dma_start3A, %dma_start3A_49] : memref<40x128xi32, #tpu.memory_space<vmem>> -> memref<40x128xi32, #tpu.memory_space<vmem>>
        %dma_start3A_51 = arith.constant 0 : i32
        %dma_start3A_52 = arith.constant 0 : i32
        %dma_start3A_53 = tpu.memref_slice %arg4[%arg1, %dma_start3A_51, %dma_start3A_52] : memref<16x79x128xi32, #tpu.memory_space<hbm>> -> memref<1x40x128xi32, #tpu.memory_space<hbm>>
        %dma_start3A_54 = tpu.memref_squeeze %dma_start3A_53 : memref<1x40x128xi32, #tpu.memory_space<hbm>> -> memref<40x128xi32, #tpu.memory_space<hbm>>
        %dma_start3A_55 = arith.constant 0 : i32
        %dma_start3A_56 = arith.constant 0 : i32
        %dma_start3A_57 = tpu.memref_slice %arg9[%dma_start3A_55, %dma_start3A_56] : memref<40x128xi32, #tpu.memory_space<vmem>> -> memref<40x128xi32, #tpu.memory_space<vmem>>
        %dma_start3A_58 = arith.constant 0 : i32
        %dma_start3A_59 = arith.constant 0 : i32
        %dma_start3A_60 = tpu.memref_slice %arg4[%arg1, %dma_start3A_58, %dma_start3A_59] : memref<16x79x128xi32, #tpu.memory_space<hbm>> -> memref<1x40x128xi32, #tpu.memory_space<hbm>>
        %dma_start3A_61 = tpu.memref_squeeze %dma_start3A_60 : memref<1x40x128xi32, #tpu.memory_space<hbm>> -> memref<40x128xi32, #tpu.memory_space<hbm>>
        tpu.enqueue_dma source(%dma_start3A_61 : memref<40x128xi32, #tpu.memory_space<hbm>>) target(%dma_start3A_57 : memref<40x128xi32, #tpu.memory_space<vmem>>) target_semaphore(%run_scoped3A : memref<!tpu.dma_semaphore, #tpu.memory_space<semaphore_mem>>)
        %dma_wait3A = arith.constant 0 : i32
        %dma_wait3A_62 = arith.constant 0 : i32
        %dma_wait3A_63 = tpu.memref_slice %arg9[%dma_wait3A, %dma_wait3A_62] : memref<40x128xi32, #tpu.memory_space<vmem>> -> memref<40x128xi32, #tpu.memory_space<vmem>>
        %dma_wait3A_64 = arith.constant 0 : i32
        %dma_wait3A_65 = arith.constant 0 : i32
        %dma_wait3A_66 = tpu.memref_slice %arg4[%arg1, %dma_wait3A_64, %dma_wait3A_65] : memref<16x79x128xi32, #tpu.memory_space<hbm>> -> memref<1x40x128xi32, #tpu.memory_space<hbm>>
        %dma_wait3A_67 = tpu.memref_squeeze %dma_wait3A_66 : memref<1x40x128xi32, #tpu.memory_space<hbm>> -> memref<40x128xi32, #tpu.memory_space<hbm>>
        %dma_wait3A_68 = arith.constant 0 : i32
        %dma_wait3A_69 = arith.constant 0 : i32
        %dma_wait3A_70 = tpu.memref_slice %arg9[%dma_wait3A_68, %dma_wait3A_69] : memref<40x128xi32, #tpu.memory_space<vmem>> -> memref<40x128xi32, #tpu.memory_space<vmem>>
        %dma_wait3A_71 = arith.constant 0 : i32
        %dma_wait3A_72 = arith.constant 0 : i32
        %dma_wait3A_73 = tpu.memref_slice %arg4[%arg1, %dma_wait3A_71, %dma_wait3A_72] : memref<16x79x128xi32, #tpu.memory_space<hbm>> -> memref<1x40x128xi32, #tpu.memory_space<hbm>>
        %dma_wait3A_74 = tpu.memref_squeeze %dma_wait3A_73 : memref<1x40x128xi32, #tpu.memory_space<hbm>> -> memref<40x128xi32, #tpu.memory_space<hbm>>
        tpu.wait_dma2 semaphore(%run_scoped3A : memref<!tpu.dma_semaphore, #tpu.memory_space<semaphore_mem>>) src(%dma_wait3A_74 : memref<40x128xi32, #tpu.memory_space<hbm>>) dst(%dma_wait3A_70 : memref<40x128xi32, #tpu.memory_space<vmem>>)
        tpu.yield
      }) : () -> ()
      "tpu.region"() ({
        %run_scoped3A = tpu.sem_alloc : memref<!tpu.dma_semaphore, #tpu.memory_space<semaphore_mem>>
        %dma_start3A = arith.constant 0 : i32
        %dma_start3A_49 = arith.constant 0 : i32
        %dma_start3A_50 = tpu.memref_slice %arg10[%dma_start3A, %dma_start3A_49] : memref<40x128xi32, #tpu.memory_space<vmem>> -> memref<40x128xi32, #tpu.memory_space<vmem>>
        %dma_start3A_51 = arith.constant 0 : i32
        %dma_start3A_52 = arith.constant 0 : i32
        %dma_start3A_53 = tpu.memref_slice %arg5[%arg1, %dma_start3A_51, %dma_start3A_52] : memref<16x79x128xi32, #tpu.memory_space<hbm>> -> memref<1x40x128xi32, #tpu.memory_space<hbm>>
        %dma_start3A_54 = tpu.memref_squeeze %dma_start3A_53 : memref<1x40x128xi32, #tpu.memory_space<hbm>> -> memref<40x128xi32, #tpu.memory_space<hbm>>
        %dma_start3A_55 = arith.constant 0 : i32
        %dma_start3A_56 = arith.constant 0 : i32
        %dma_start3A_57 = tpu.memref_slice %arg10[%dma_start3A_55, %dma_start3A_56] : memref<40x128xi32, #tpu.memory_space<vmem>> -> memref<40x128xi32, #tpu.memory_space<vmem>>
        %dma_start3A_58 = arith.constant 0 : i32
        %dma_start3A_59 = arith.constant 0 : i32
        %dma_start3A_60 = tpu.memref_slice %arg5[%arg1, %dma_start3A_58, %dma_start3A_59] : memref<16x79x128xi32, #tpu.memory_space<hbm>> -> memref<1x40x128xi32, #tpu.memory_space<hbm>>
        %dma_start3A_61 = tpu.memref_squeeze %dma_start3A_60 : memref<1x40x128xi32, #tpu.memory_space<hbm>> -> memref<40x128xi32, #tpu.memory_space<hbm>>
        tpu.enqueue_dma source(%dma_start3A_61 : memref<40x128xi32, #tpu.memory_space<hbm>>) target(%dma_start3A_57 : memref<40x128xi32, #tpu.memory_space<vmem>>) target_semaphore(%run_scoped3A : memref<!tpu.dma_semaphore, #tpu.memory_space<semaphore_mem>>)
        %dma_wait3A = arith.constant 0 : i32
        %dma_wait3A_62 = arith.constant 0 : i32
        %dma_wait3A_63 = tpu.memref_slice %arg10[%dma_wait3A, %dma_wait3A_62] : memref<40x128xi32, #tpu.memory_space<vmem>> -> memref<40x128xi32, #tpu.memory_space<vmem>>
        %dma_wait3A_64 = arith.constant 0 : i32
        %dma_wait3A_65 = arith.constant 0 : i32
        %dma_wait3A_66 = tpu.memref_slice %arg5[%arg1, %dma_wait3A_64, %dma_wait3A_65] : memref<16x79x128xi32, #tpu.memory_space<hbm>> -> memref<1x40x128xi32, #tpu.memory_space<hbm>>
        %dma_wait3A_67 = tpu.memref_squeeze %dma_wait3A_66 : memref<1x40x128xi32, #tpu.memory_space<hbm>> -> memref<40x128xi32, #tpu.memory_space<hbm>>
        %dma_wait3A_68 = arith.constant 0 : i32
        %dma_wait3A_69 = arith.constant 0 : i32
        %dma_wait3A_70 = tpu.memref_slice %arg10[%dma_wait3A_68, %dma_wait3A_69] : memref<40x128xi32, #tpu.memory_space<vmem>> -> memref<40x128xi32, #tpu.memory_space<vmem>>
        %dma_wait3A_71 = arith.constant 0 : i32
        %dma_wait3A_72 = arith.constant 0 : i32
        %dma_wait3A_73 = tpu.memref_slice %arg5[%arg1, %dma_wait3A_71, %dma_wait3A_72] : memref<16x79x128xi32, #tpu.memory_space<hbm>> -> memref<1x40x128xi32, #tpu.memory_space<hbm>>
        %dma_wait3A_74 = tpu.memref_squeeze %dma_wait3A_73 : memref<1x40x128xi32, #tpu.memory_space<hbm>> -> memref<40x128xi32, #tpu.memory_space<hbm>>
        tpu.wait_dma2 semaphore(%run_scoped3A : memref<!tpu.dma_semaphore, #tpu.memory_space<semaphore_mem>>) src(%dma_wait3A_74 : memref<40x128xi32, #tpu.memory_space<hbm>>) dst(%dma_wait3A_70 : memref<40x128xi32, #tpu.memory_space<vmem>>)
        tpu.yield
      }) : () -> ()
      %scan3A = arith.constant 0 : i32
      %scan3A_17 = arith.constant 0 : i32
      %scan3A_18 = arith.constant 40 : i32
      %scan3A_19 = arith.addi %scan3A_17, %scan3A_18 : i32
      %scan3A_20 = arith.constant 1 : i32
      scf.for %scan3A_49 = %scan3A_17 to %scan3A_19 step %scan3A_20  : i32 {
        %dma_start3A = arith.constant 0 : i32
        %dma_start3A_50 = tpu.memref_slice %arg9[%scan3A_49, %dma_start3A] : memref<40x128xi32, #tpu.memory_space<vmem>> -> memref<1x128xi32, #tpu.memory_space<vmem>>
        %dma_start3A_51 = tpu.memref_squeeze %dma_start3A_50 : memref<1x128xi32, #tpu.memory_space<vmem>> -> memref<128xi32, #tpu.memory_space<vmem>>
        %dma_start3A_52 = arith.constant 0 : i32
        %dma_start3A_53 = arith.constant 0 : i32
        %dma_start3A_54 = tpu.memref_slice %arg2[%dma_start3A_52, %dma_start3A_53] : memref<10000x128xf32, #tpu.memory_space<hbm>> -> memref<10000x128xf32, #tpu.memory_space<hbm>>
        tpu.enqueue_indirect_dma source(%dma_start3A_54 : memref<10000x128xf32, #tpu.memory_space<hbm>>) target(%arg11 : memref<128x128xf32, #tpu.memory_space<vmem>>) offsets(%dma_start3A_51 : memref<128xi32, #tpu.memory_space<vmem>>) semaphore(%arg13 : memref<!tpu.dma_semaphore, #tpu.memory_space<semaphore_mem>>)
        %dma_wait3A = arith.constant 0 : i32
        %dma_wait3A_55 = tpu.memref_slice %arg9[%scan3A_49, %dma_wait3A] : memref<40x128xi32, #tpu.memory_space<vmem>> -> memref<1x128xi32, #tpu.memory_space<vmem>>
        %dma_wait3A_56 = tpu.memref_squeeze %dma_wait3A_55 : memref<1x128xi32, #tpu.memory_space<vmem>> -> memref<128xi32, #tpu.memory_space<vmem>>
        %dma_wait3A_57 = arith.constant 0 : i32
        %dma_wait3A_58 = arith.constant 0 : i32
        %dma_wait3A_59 = tpu.memref_slice %arg2[%dma_wait3A_57, %dma_wait3A_58] : memref<10000x128xf32, #tpu.memory_space<hbm>> -> memref<10000x128xf32, #tpu.memory_space<hbm>>
        tpu.wait_indirect_dma semaphore(%arg13 : memref<!tpu.dma_semaphore, #tpu.memory_space<semaphore_mem>>) src(%dma_wait3A_59 : memref<10000x128xf32, #tpu.memory_space<hbm>>) dst(%arg11 : memref<128x128xf32, #tpu.memory_space<vmem>>)
        "tpu.region"() ({
          %run_scoped3A = tpu.sem_alloc : memref<!tpu.dma_semaphore, #tpu.memory_space<semaphore_mem>>
          %dma_start3A_60 = arith.constant 0 : i32
          %dma_start3A_61 = tpu.memref_slice %arg10[%scan3A_49, %dma_start3A_60] : memref<40x128xi32, #tpu.memory_space<vmem>> -> memref<1x128xi32, #tpu.memory_space<vmem>>
          %dma_start3A_62 = tpu.memref_squeeze %dma_start3A_61 : memref<1x128xi32, #tpu.memory_space<vmem>> -> memref<128xi32, #tpu.memory_space<vmem>>
          %dma_start3A_63 = arith.constant 0 : i32
          %dma_start3A_64 = arith.constant 0 : i32
          %dma_start3A_65 = tpu.memref_slice %arg12[%dma_start3A_63, %dma_start3A_64] : memref<10112x128xf32, #tpu.memory_space<vmem_shared>> -> memref<10112x128xf32, #tpu.memory_space<vmem_shared>>
          tpu.enqueue_indirect_dma source(%arg11 : memref<128x128xf32, #tpu.memory_space<vmem>>) target(%dma_start3A_65 : memref<10112x128xf32, #tpu.memory_space<vmem_shared>>) offsets(%dma_start3A_62 : memref<128xi32, #tpu.memory_space<vmem>>) semaphore(%run_scoped3A : memref<!tpu.dma_semaphore, #tpu.memory_space<semaphore_mem>>) {add = true}
          %dma_wait3A_66 = arith.constant 0 : i32
          %dma_wait3A_67 = tpu.memref_slice %arg10[%scan3A_49, %dma_wait3A_66] : memref<40x128xi32, #tpu.memory_space<vmem>> -> memref<1x128xi32, #tpu.memory_space<vmem>>
          %dma_wait3A_68 = tpu.memref_squeeze %dma_wait3A_67 : memref<1x128xi32, #tpu.memory_space<vmem>> -> memref<128xi32, #tpu.memory_space<vmem>>
          %dma_wait3A_69 = arith.constant 0 : i32
          %dma_wait3A_70 = arith.constant 0 : i32
          %dma_wait3A_71 = tpu.memref_slice %arg12[%dma_wait3A_69, %dma_wait3A_70] : memref<10112x128xf32, #tpu.memory_space<vmem_shared>> -> memref<10112x128xf32, #tpu.memory_space<vmem_shared>>
          tpu.wait_indirect_dma semaphore(%run_scoped3A : memref<!tpu.dma_semaphore, #tpu.memory_space<semaphore_mem>>) src(%arg11 : memref<128x128xf32, #tpu.memory_space<vmem>>) dst(%dma_wait3A_71 : memref<10112x128xf32, #tpu.memory_space<vmem_shared>>)
          tpu.yield
        }) : () -> ()
      }
      %scan3A_21 = arith.constant 40 : i32
      "tpu.region"() ({
        %run_scoped3A = tpu.sem_alloc : memref<!tpu.dma_semaphore, #tpu.memory_space<semaphore_mem>>
        %dma_start3A = arith.constant 0 : i32
        %dma_start3A_49 = arith.constant 0 : i32
        %dma_start3A_50 = tpu.memref_slice %arg9[%dma_start3A, %dma_start3A_49] : memref<40x128xi32, #tpu.memory_space<vmem>> -> memref<39x128xi32, #tpu.memory_space<vmem>>
        %dma_start3A_51 = arith.constant 40 : i32
        %dma_start3A_52 = arith.constant 0 : i32
        %dma_start3A_53 = tpu.memref_slice %arg4[%arg1, %dma_start3A_51, %dma_start3A_52] : memref<16x79x128xi32, #tpu.memory_space<hbm>> -> memref<1x39x128xi32, #tpu.memory_space<hbm>>
        %dma_start3A_54 = tpu.memref_squeeze %dma_start3A_53 : memref<1x39x128xi32, #tpu.memory_space<hbm>> -> memref<39x128xi32, #tpu.memory_space<hbm>>
        %dma_start3A_55 = arith.constant 0 : i32
        %dma_start3A_56 = arith.constant 0 : i32
        %dma_start3A_57 = tpu.memref_slice %arg9[%dma_start3A_55, %dma_start3A_56] : memref<40x128xi32, #tpu.memory_space<vmem>> -> memref<39x128xi32, #tpu.memory_space<vmem>>
        %dma_start3A_58 = arith.constant 40 : i32
        %dma_start3A_59 = arith.constant 0 : i32
        %dma_start3A_60 = tpu.memref_slice %arg4[%arg1, %dma_start3A_58, %dma_start3A_59] : memref<16x79x128xi32, #tpu.memory_space<hbm>> -> memref<1x39x128xi32, #tpu.memory_space<hbm>>
        %dma_start3A_61 = tpu.memref_squeeze %dma_start3A_60 : memref<1x39x128xi32, #tpu.memory_space<hbm>> -> memref<39x128xi32, #tpu.memory_space<hbm>>
        tpu.enqueue_dma source(%dma_start3A_61 : memref<39x128xi32, #tpu.memory_space<hbm>>) target(%dma_start3A_57 : memref<39x128xi32, #tpu.memory_space<vmem>>) target_semaphore(%run_scoped3A : memref<!tpu.dma_semaphore, #tpu.memory_space<semaphore_mem>>)
        %dma_wait3A = arith.constant 0 : i32
        %dma_wait3A_62 = arith.constant 0 : i32
        %dma_wait3A_63 = tpu.memref_slice %arg9[%dma_wait3A, %dma_wait3A_62] : memref<40x128xi32, #tpu.memory_space<vmem>> -> memref<39x128xi32, #tpu.memory_space<vmem>>
        %dma_wait3A_64 = arith.constant 40 : i32
        %dma_wait3A_65 = arith.constant 0 : i32
        %dma_wait3A_66 = tpu.memref_slice %arg4[%arg1, %dma_wait3A_64, %dma_wait3A_65] : memref<16x79x128xi32, #tpu.memory_space<hbm>> -> memref<1x39x128xi32, #tpu.memory_space<hbm>>
        %dma_wait3A_67 = tpu.memref_squeeze %dma_wait3A_66 : memref<1x39x128xi32, #tpu.memory_space<hbm>> -> memref<39x128xi32, #tpu.memory_space<hbm>>
        %dma_wait3A_68 = arith.constant 0 : i32
        %dma_wait3A_69 = arith.constant 0 : i32
        %dma_wait3A_70 = tpu.memref_slice %arg9[%dma_wait3A_68, %dma_wait3A_69] : memref<40x128xi32, #tpu.memory_space<vmem>> -> memref<39x128xi32, #tpu.memory_space<vmem>>
        %dma_wait3A_71 = arith.constant 40 : i32
        %dma_wait3A_72 = arith.constant 0 : i32
        %dma_wait3A_73 = tpu.memref_slice %arg4[%arg1, %dma_wait3A_71, %dma_wait3A_72] : memref<16x79x128xi32, #tpu.memory_space<hbm>> -> memref<1x39x128xi32, #tpu.memory_space<hbm>>
        %dma_wait3A_74 = tpu.memref_squeeze %dma_wait3A_73 : memref<1x39x128xi32, #tpu.memory_space<hbm>> -> memref<39x128xi32, #tpu.memory_space<hbm>>
        tpu.wait_dma2 semaphore(%run_scoped3A : memref<!tpu.dma_semaphore, #tpu.memory_space<semaphore_mem>>) src(%dma_wait3A_74 : memref<39x128xi32, #tpu.memory_space<hbm>>) dst(%dma_wait3A_70 : memref<39x128xi32, #tpu.memory_space<vmem>>)
        tpu.yield
      }) : () -> ()
      "tpu.region"() ({
        %run_scoped3A = tpu.sem_alloc : memref<!tpu.dma_semaphore, #tpu.memory_space<semaphore_mem>>
        %dma_start3A = arith.constant 0 : i32
        %dma_start3A_49 = arith.constant 0 : i32
        %dma_start3A_50 = tpu.memref_slice %arg10[%dma_start3A, %dma_start3A_49] : memref<40x128xi32, #tpu.memory_space<vmem>> -> memref<39x128xi32, #tpu.memory_space<vmem>>
        %dma_start3A_51 = arith.constant 40 : i32
        %dma_start3A_52 = arith.constant 0 : i32
        %dma_start3A_53 = tpu.memref_slice %arg5[%arg1, %dma_start3A_51, %dma_start3A_52] : memref<16x79x128xi32, #tpu.memory_space<hbm>> -> memref<1x39x128xi32, #tpu.memory_space<hbm>>
        %dma_start3A_54 = tpu.memref_squeeze %dma_start3A_53 : memref<1x39x128xi32, #tpu.memory_space<hbm>> -> memref<39x128xi32, #tpu.memory_space<hbm>>
        %dma_start3A_55 = arith.constant 0 : i32
        %dma_start3A_56 = arith.constant 0 : i32
        %dma_start3A_57 = tpu.memref_slice %arg10[%dma_start3A_55, %dma_start3A_56] : memref<40x128xi32, #tpu.memory_space<vmem>> -> memref<39x128xi32, #tpu.memory_space<vmem>>
        %dma_start3A_58 = arith.constant 40 : i32
        %dma_start3A_59 = arith.constant 0 : i32
        %dma_start3A_60 = tpu.memref_slice %arg5[%arg1, %dma_start3A_58, %dma_start3A_59] : memref<16x79x128xi32, #tpu.memory_space<hbm>> -> memref<1x39x128xi32, #tpu.memory_space<hbm>>
        %dma_start3A_61 = tpu.memref_squeeze %dma_start3A_60 : memref<1x39x128xi32, #tpu.memory_space<hbm>> -> memref<39x128xi32, #tpu.memory_space<hbm>>
        tpu.enqueue_dma source(%dma_start3A_61 : memref<39x128xi32, #tpu.memory_space<hbm>>) target(%dma_start3A_57 : memref<39x128xi32, #tpu.memory_space<vmem>>) target_semaphore(%run_scoped3A : memref<!tpu.dma_semaphore, #tpu.memory_space<semaphore_mem>>)
        %dma_wait3A = arith.constant 0 : i32
        %dma_wait3A_62 = arith.constant 0 : i32
        %dma_wait3A_63 = tpu.memref_slice %arg10[%dma_wait3A, %dma_wait3A_62] : memref<40x128xi32, #tpu.memory_space<vmem>> -> memref<39x128xi32, #tpu.memory_space<vmem>>
        %dma_wait3A_64 = arith.constant 40 : i32
        %dma_wait3A_65 = arith.constant 0 : i32
        %dma_wait3A_66 = tpu.memref_slice %arg5[%arg1, %dma_wait3A_64, %dma_wait3A_65] : memref<16x79x128xi32, #tpu.memory_space<hbm>> -> memref<1x39x128xi32, #tpu.memory_space<hbm>>
        %dma_wait3A_67 = tpu.memref_squeeze %dma_wait3A_66 : memref<1x39x128xi32, #tpu.memory_space<hbm>> -> memref<39x128xi32, #tpu.memory_space<hbm>>
        %dma_wait3A_68 = arith.constant 0 : i32
        %dma_wait3A_69 = arith.constant 0 : i32
        %dma_wait3A_70 = tpu.memref_slice %arg10[%dma_wait3A_68, %dma_wait3A_69] : memref<40x128xi32, #tpu.memory_space<vmem>> -> memref<39x128xi32, #tpu.memory_space<vmem>>
        %dma_wait3A_71 = arith.constant 40 : i32
        %dma_wait3A_72 = arith.constant 0 : i32
        %dma_wait3A_73 = tpu.memref_slice %arg5[%arg1, %dma_wait3A_71, %dma_wait3A_72] : memref<16x79x128xi32, #tpu.memory_space<hbm>> -> memref<1x39x128xi32, #tpu.memory_space<hbm>>
        %dma_wait3A_74 = tpu.memref_squeeze %dma_wait3A_73 : memref<1x39x128xi32, #tpu.memory_space<hbm>> -> memref<39x128xi32, #tpu.memory_space<hbm>>
        tpu.wait_dma2 semaphore(%run_scoped3A : memref<!tpu.dma_semaphore, #tpu.memory_space<semaphore_mem>>) src(%dma_wait3A_74 : memref<39x128xi32, #tpu.memory_space<hbm>>) dst(%dma_wait3A_70 : memref<39x128xi32, #tpu.memory_space<vmem>>)
        tpu.yield
      }) : () -> ()
      %scan3A_22 = arith.constant 0 : i32
      %scan3A_23 = arith.constant 0 : i32
      %scan3A_24 = arith.constant 39 : i32
      %scan3A_25 = arith.addi %scan3A_23, %scan3A_24 : i32
      %scan3A_26 = arith.constant 1 : i32
      scf.for %scan3A_49 = %scan3A_23 to %scan3A_25 step %scan3A_26  : i32 {
        %dma_start3A = arith.constant 0 : i32
        %dma_start3A_50 = tpu.memref_slice %arg9[%scan3A_49, %dma_start3A] : memref<40x128xi32, #tpu.memory_space<vmem>> -> memref<1x128xi32, #tpu.memory_space<vmem>>
        %dma_start3A_51 = tpu.memref_squeeze %dma_start3A_50 : memref<1x128xi32, #tpu.memory_space<vmem>> -> memref<128xi32, #tpu.memory_space<vmem>>
        %dma_start3A_52 = arith.constant 0 : i32
        %dma_start3A_53 = arith.constant 0 : i32
        %dma_start3A_54 = tpu.memref_slice %arg2[%dma_start3A_52, %dma_start3A_53] : memref<10000x128xf32, #tpu.memory_space<hbm>> -> memref<10000x128xf32, #tpu.memory_space<hbm>>
        tpu.enqueue_indirect_dma source(%dma_start3A_54 : memref<10000x128xf32, #tpu.memory_space<hbm>>) target(%arg11 : memref<128x128xf32, #tpu.memory_space<vmem>>) offsets(%dma_start3A_51 : memref<128xi32, #tpu.memory_space<vmem>>) semaphore(%arg13 : memref<!tpu.dma_semaphore, #tpu.memory_space<semaphore_mem>>)
        %dma_wait3A = arith.constant 0 : i32
        %dma_wait3A_55 = tpu.memref_slice %arg9[%scan3A_49, %dma_wait3A] : memref<40x128xi32, #tpu.memory_space<vmem>> -> memref<1x128xi32, #tpu.memory_space<vmem>>
        %dma_wait3A_56 = tpu.memref_squeeze %dma_wait3A_55 : memref<1x128xi32, #tpu.memory_space<vmem>> -> memref<128xi32, #tpu.memory_space<vmem>>
        %dma_wait3A_57 = arith.constant 0 : i32
        %dma_wait3A_58 = arith.constant 0 : i32
        %dma_wait3A_59 = tpu.memref_slice %arg2[%dma_wait3A_57, %dma_wait3A_58] : memref<10000x128xf32, #tpu.memory_space<hbm>> -> memref<10000x128xf32, #tpu.memory_space<hbm>>
        tpu.wait_indirect_dma semaphore(%arg13 : memref<!tpu.dma_semaphore, #tpu.memory_space<semaphore_mem>>) src(%dma_wait3A_59 : memref<10000x128xf32, #tpu.memory_space<hbm>>) dst(%arg11 : memref<128x128xf32, #tpu.memory_space<vmem>>)
        "tpu.region"() ({
          %run_scoped3A = tpu.sem_alloc : memref<!tpu.dma_semaphore, #tpu.memory_space<semaphore_mem>>
          %dma_start3A_60 = arith.constant 0 : i32
          %dma_start3A_61 = tpu.memref_slice %arg10[%scan3A_49, %dma_start3A_60] : memref<40x128xi32, #tpu.memory_space<vmem>> -> memref<1x128xi32, #tpu.memory_space<vmem>>
          %dma_start3A_62 = tpu.memref_squeeze %dma_start3A_61 : memref<1x128xi32, #tpu.memory_space<vmem>> -> memref<128xi32, #tpu.memory_space<vmem>>
          %dma_start3A_63 = arith.constant 0 : i32
          %dma_start3A_64 = arith.constant 0 : i32
          %dma_start3A_65 = tpu.memref_slice %arg12[%dma_start3A_63, %dma_start3A_64] : memref<10112x128xf32, #tpu.memory_space<vmem_shared>> -> memref<10112x128xf32, #tpu.memory_space<vmem_shared>>
          tpu.enqueue_indirect_dma source(%arg11 : memref<128x128xf32, #tpu.memory_space<vmem>>) target(%dma_start3A_65 : memref<10112x128xf32, #tpu.memory_space<vmem_shared>>) offsets(%dma_start3A_62 : memref<128xi32, #tpu.memory_space<vmem>>) semaphore(%run_scoped3A : memref<!tpu.dma_semaphore, #tpu.memory_space<semaphore_mem>>) {add = true}
          %dma_wait3A_66 = arith.constant 0 : i32
          %dma_wait3A_67 = tpu.memref_slice %arg10[%scan3A_49, %dma_wait3A_66] : memref<40x128xi32, #tpu.memory_space<vmem>> -> memref<1x128xi32, #tpu.memory_space<vmem>>
          %dma_wait3A_68 = tpu.memref_squeeze %dma_wait3A_67 : memref<1x128xi32, #tpu.memory_space<vmem>> -> memref<128xi32, #tpu.memory_space<vmem>>
          %dma_wait3A_69 = arith.constant 0 : i32
          %dma_wait3A_70 = arith.constant 0 : i32
          %dma_wait3A_71 = tpu.memref_slice %arg12[%dma_wait3A_69, %dma_wait3A_70] : memref<10112x128xf32, #tpu.memory_space<vmem_shared>> -> memref<10112x128xf32, #tpu.memory_space<vmem_shared>>
          tpu.wait_indirect_dma semaphore(%run_scoped3A : memref<!tpu.dma_semaphore, #tpu.memory_space<semaphore_mem>>) src(%arg11 : memref<128x128xf32, #tpu.memory_space<vmem>>) dst(%dma_wait3A_71 : memref<10112x128xf32, #tpu.memory_space<vmem_shared>>)
          tpu.yield
        }) : () -> ()
      }
      %scan3A_27 = arith.constant 39 : i32
      %barrier3A_28 = arith.constant 0 : index
      tpu.barrier barrier_id(%barrier3A_28)
      %add3A_29 = arith.constant 0 : i32
      %add3A_30 = arith.addi %mul3A_7, %add3A_29 : i32
      "tpu.region"() ({
        %run_scoped3A = tpu.sem_alloc : memref<!tpu.dma_semaphore, #tpu.memory_space<semaphore_mem>>
        %dma_start3A = arith.constant 0 : i32
        %dma_start3A_49 = arith.constant 0 : i32
        %dma_start3A_50 = tpu.memref_slice %arg11[%dma_start3A, %dma_start3A_49] : memref<128x128xf32, #tpu.memory_space<vmem>> -> memref<128x128xf32, #tpu.memory_space<vmem>>
        %dma_start3A_51 = arith.constant 0 : i32
        %dma_start3A_52 = tpu.memref_slice %arg12[%add3A_30, %dma_start3A_51] : memref<10112x128xf32, #tpu.memory_space<vmem_shared>> -> memref<128x128xf32, #tpu.memory_space<vmem_shared>>
        %dma_start3A_53 = arith.constant 0 : i32
        %dma_start3A_54 = arith.constant 0 : i32
        %dma_start3A_55 = tpu.memref_slice %arg11[%dma_start3A_53, %dma_start3A_54] : memref<128x128xf32, #tpu.memory_space<vmem>> -> memref<128x128xf32, #tpu.memory_space<vmem>>
        %dma_start3A_56 = arith.constant 0 : i32
        %dma_start3A_57 = tpu.memref_slice %arg12[%add3A_30, %dma_start3A_56] : memref<10112x128xf32, #tpu.memory_space<vmem_shared>> -> memref<128x128xf32, #tpu.memory_space<vmem_shared>>
        tpu.enqueue_dma source(%dma_start3A_57 : memref<128x128xf32, #tpu.memory_space<vmem_shared>>) target(%dma_start3A_55 : memref<128x128xf32, #tpu.memory_space<vmem>>) target_semaphore(%run_scoped3A : memref<!tpu.dma_semaphore, #tpu.memory_space<semaphore_mem>>)
        %dma_wait3A = arith.constant 0 : i32
        %dma_wait3A_58 = arith.constant 0 : i32
        %dma_wait3A_59 = tpu.memref_slice %arg11[%dma_wait3A, %dma_wait3A_58] : memref<128x128xf32, #tpu.memory_space<vmem>> -> memref<128x128xf32, #tpu.memory_space<vmem>>
        %dma_wait3A_60 = arith.constant 0 : i32
        %dma_wait3A_61 = tpu.memref_slice %arg12[%add3A_30, %dma_wait3A_60] : memref<10112x128xf32, #tpu.memory_space<vmem_shared>> -> memref<128x128xf32, #tpu.memory_space<vmem_shared>>
        %dma_wait3A_62 = arith.constant 0 : i32
        %dma_wait3A_63 = arith.constant 0 : i32
        %dma_wait3A_64 = tpu.memref_slice %arg11[%dma_wait3A_62, %dma_wait3A_63] : memref<128x128xf32, #tpu.memory_space<vmem>> -> memref<128x128xf32, #tpu.memory_space<vmem>>
        %dma_wait3A_65 = arith.constant 0 : i32
        %dma_wait3A_66 = tpu.memref_slice %arg12[%add3A_30, %dma_wait3A_65] : memref<10112x128xf32, #tpu.memory_space<vmem_shared>> -> memref<128x128xf32, #tpu.memory_space<vmem_shared>>
        tpu.wait_dma2 semaphore(%run_scoped3A : memref<!tpu.dma_semaphore, #tpu.memory_space<semaphore_mem>>) src(%dma_wait3A_66 : memref<128x128xf32, #tpu.memory_space<vmem_shared>>) dst(%dma_wait3A_64 : memref<128x128xf32, #tpu.memory_space<vmem>>)
        tpu.yield
      }) : () -> ()
      %add3A_31 = arith.constant 0 : i32
      %add3A_32 = arith.addi %mul3A_7, %add3A_31 : i32
      "tpu.region"() ({
        %run_scoped3A = tpu.sem_alloc : memref<!tpu.dma_semaphore, #tpu.memory_space<semaphore_mem>>
        %dma_start3A = arith.constant 0 : i32
        %dma_start3A_49 = arith.constant 0 : i32
        %dma_start3A_50 = tpu.memref_slice %arg11[%dma_start3A, %dma_start3A_49] : memref<128x128xf32, #tpu.memory_space<vmem>> -> memref<128x128xf32, #tpu.memory_space<vmem>>
        %dma_start3A_51 = arith.constant 0 : i32
        %dma_start3A_52 = tpu.memref_slice %arg7[%add3A_32, %dma_start3A_51] : memref<10112x128xf32, #tpu.memory_space<hbm>> -> memref<128x128xf32, #tpu.memory_space<hbm>>
        %dma_start3A_53 = arith.constant 0 : i32
        %dma_start3A_54 = tpu.memref_slice %arg7[%add3A_32, %dma_start3A_53] : memref<10112x128xf32, #tpu.memory_space<hbm>> -> memref<128x128xf32, #tpu.memory_space<hbm>>
        %dma_start3A_55 = arith.constant 0 : i32
        %dma_start3A_56 = arith.constant 0 : i32
        %dma_start3A_57 = tpu.memref_slice %arg11[%dma_start3A_55, %dma_start3A_56] : memref<128x128xf32, #tpu.memory_space<vmem>> -> memref<128x128xf32, #tpu.memory_space<vmem>>
        tpu.enqueue_dma source(%dma_start3A_57 : memref<128x128xf32, #tpu.memory_space<vmem>>) target(%dma_start3A_54 : memref<128x128xf32, #tpu.memory_space<hbm>>) target_semaphore(%run_scoped3A : memref<!tpu.dma_semaphore, #tpu.memory_space<semaphore_mem>>)
        %dma_wait3A = arith.constant 0 : i32
        %dma_wait3A_58 = arith.constant 0 : i32
        %dma_wait3A_59 = tpu.memref_slice %arg11[%dma_wait3A, %dma_wait3A_58] : memref<128x128xf32, #tpu.memory_space<vmem>> -> memref<128x128xf32, #tpu.memory_space<vmem>>
        %dma_wait3A_60 = arith.constant 0 : i32
        %dma_wait3A_61 = tpu.memref_slice %arg7[%add3A_32, %dma_wait3A_60] : memref<10112x128xf32, #tpu.memory_space<hbm>> -> memref<128x128xf32, #tpu.memory_space<hbm>>
        %dma_wait3A_62 = arith.constant 0 : i32
        %dma_wait3A_63 = tpu.memref_slice %arg7[%add3A_32, %dma_wait3A_62] : memref<10112x128xf32, #tpu.memory_space<hbm>> -> memref<128x128xf32, #tpu.memory_space<hbm>>
        %dma_wait3A_64 = arith.constant 0 : i32
        %dma_wait3A_65 = arith.constant 0 : i32
        %dma_wait3A_66 = tpu.memref_slice %arg11[%dma_wait3A_64, %dma_wait3A_65] : memref<128x128xf32, #tpu.memory_space<vmem>> -> memref<128x128xf32, #tpu.memory_space<vmem>>
        tpu.wait_dma2 semaphore(%run_scoped3A : memref<!tpu.dma_semaphore, #tpu.memory_space<semaphore_mem>>) src(%dma_wait3A_66 : memref<128x128xf32, #tpu.memory_space<vmem>>) dst(%dma_wait3A_63 : memref<128x128xf32, #tpu.memory_space<hbm>>)
        tpu.yield
      }) : () -> ()
      %add3A_33 = arith.constant 128 : i32
      %add3A_34 = arith.addi %mul3A_7, %add3A_33 : i32
      "tpu.region"() ({
        %run_scoped3A = tpu.sem_alloc : memref<!tpu.dma_semaphore, #tpu.memory_space<semaphore_mem>>
        %dma_start3A = arith.constant 0 : i32
        %dma_start3A_49 = arith.constant 0 : i32
        %dma_start3A_50 = tpu.memref_slice %arg11[%dma_start3A, %dma_start3A_49] : memref<128x128xf32, #tpu.memory_space<vmem>> -> memref<128x128xf32, #tpu.memory_space<vmem>>
        %dma_start3A_51 = arith.constant 0 : i32
        %dma_start3A_52 = tpu.memref_slice %arg12[%add3A_34, %dma_start3A_51] : memref<10112x128xf32, #tpu.memory_space<vmem_shared>> -> memref<128x128xf32, #tpu.memory_space<vmem_shared>>
        %dma_start3A_53 = arith.constant 0 : i32
        %dma_start3A_54 = arith.constant 0 : i32
        %dma_start3A_55 = tpu.memref_slice %arg11[%dma_start3A_53, %dma_start3A_54] : memref<128x128xf32, #tpu.memory_space<vmem>> -> memref<128x128xf32, #tpu.memory_space<vmem>>
        %dma_start3A_56 = arith.constant 0 : i32
        %dma_start3A_57 = tpu.memref_slice %arg12[%add3A_34, %dma_start3A_56] : memref<10112x128xf32, #tpu.memory_space<vmem_shared>> -> memref<128x128xf32, #tpu.memory_space<vmem_shared>>
        tpu.enqueue_dma source(%dma_start3A_57 : memref<128x128xf32, #tpu.memory_space<vmem_shared>>) target(%dma_start3A_55 : memref<128x128xf32, #tpu.memory_space<vmem>>) target_semaphore(%run_scoped3A : memref<!tpu.dma_semaphore, #tpu.memory_space<semaphore_mem>>)
        %dma_wait3A = arith.constant 0 : i32
        %dma_wait3A_58 = arith.constant 0 : i32
        %dma_wait3A_59 = tpu.memref_slice %arg11[%dma_wait3A, %dma_wait3A_58] : memref<128x128xf32, #tpu.memory_space<vmem>> -> memref<128x128xf32, #tpu.memory_space<vmem>>
        %dma_wait3A_60 = arith.constant 0 : i32
        %dma_wait3A_61 = tpu.memref_slice %arg12[%add3A_34, %dma_wait3A_60] : memref<10112x128xf32, #tpu.memory_space<vmem_shared>> -> memref<128x128xf32, #tpu.memory_space<vmem_shared>>
        %dma_wait3A_62 = arith.constant 0 : i32
        %dma_wait3A_63 = arith.constant 0 : i32
        %dma_wait3A_64 = tpu.memref_slice %arg11[%dma_wait3A_62, %dma_wait3A_63] : memref<128x128xf32, #tpu.memory_space<vmem>> -> memref<128x128xf32, #tpu.memory_space<vmem>>
        %dma_wait3A_65 = arith.constant 0 : i32
        %dma_wait3A_66 = tpu.memref_slice %arg12[%add3A_34, %dma_wait3A_65] : memref<10112x128xf32, #tpu.memory_space<vmem_shared>> -> memref<128x128xf32, #tpu.memory_space<vmem_shared>>
        tpu.wait_dma2 semaphore(%run_scoped3A : memref<!tpu.dma_semaphore, #tpu.memory_space<semaphore_mem>>) src(%dma_wait3A_66 : memref<128x128xf32, #tpu.memory_space<vmem_shared>>) dst(%dma_wait3A_64 : memref<128x128xf32, #tpu.memory_space<vmem>>)
        tpu.yield
      }) : () -> ()
      %add3A_35 = arith.constant 128 : i32
      %add3A_36 = arith.addi %mul3A_7, %add3A_35 : i32
      "tpu.region"() ({
        %run_scoped3A = tpu.sem_alloc : memref<!tpu.dma_semaphore, #tpu.memory_space<semaphore_mem>>
        %dma_start3A = arith.constant 0 : i32
        %dma_start3A_49 = arith.constant 0 : i32
        %dma_start3A_50 = tpu.memref_slice %arg11[%dma_start3A, %dma_start3A_49] : memref<128x128xf32, #tpu.memory_space<vmem>> -> memref<128x128xf32, #tpu.memory_space<vmem>>
        %dma_start3A_51 = arith.constant 0 : i32
        %dma_start3A_52 = tpu.memref_slice %arg7[%add3A_36, %dma_start3A_51] : memref<10112x128xf32, #tpu.memory_space<hbm>> -> memref<128x128xf32, #tpu.memory_space<hbm>>
        %dma_start3A_53 = arith.constant 0 : i32
        %dma_start3A_54 = tpu.memref_slice %arg7[%add3A_36, %dma_start3A_53] : memref<10112x128xf32, #tpu.memory_space<hbm>> -> memref<128x128xf32, #tpu.memory_space<hbm>>
        %dma_start3A_55 = arith.constant 0 : i32
        %dma_start3A_56 = arith.constant 0 : i32
        %dma_start3A_57 = tpu.memref_slice %arg11[%dma_start3A_55, %dma_start3A_56] : memref<128x128xf32, #tpu.memory_space<vmem>> -> memref<128x128xf32, #tpu.memory_space<vmem>>
        tpu.enqueue_dma source(%dma_start3A_57 : memref<128x128xf32, #tpu.memory_space<vmem>>) target(%dma_start3A_54 : memref<128x128xf32, #tpu.memory_space<hbm>>) target_semaphore(%run_scoped3A : memref<!tpu.dma_semaphore, #tpu.memory_space<semaphore_mem>>)
        %dma_wait3A = arith.constant 0 : i32
        %dma_wait3A_58 = arith.constant 0 : i32
        %dma_wait3A_59 = tpu.memref_slice %arg11[%dma_wait3A, %dma_wait3A_58] : memref<128x128xf32, #tpu.memory_space<vmem>> -> memref<128x128xf32, #tpu.memory_space<vmem>>
        %dma_wait3A_60 = arith.constant 0 : i32
        %dma_wait3A_61 = tpu.memref_slice %arg7[%add3A_36, %dma_wait3A_60] : memref<10112x128xf32, #tpu.memory_space<hbm>> -> memref<128x128xf32, #tpu.memory_space<hbm>>
        %dma_wait3A_62 = arith.constant 0 : i32
        %dma_wait3A_63 = tpu.memref_slice %arg7[%add3A_36, %dma_wait3A_62] : memref<10112x128xf32, #tpu.memory_space<hbm>> -> memref<128x128xf32, #tpu.memory_space<hbm>>
        %dma_wait3A_64 = arith.constant 0 : i32
        %dma_wait3A_65 = arith.constant 0 : i32
        %dma_wait3A_66 = tpu.memref_slice %arg11[%dma_wait3A_64, %dma_wait3A_65] : memref<128x128xf32, #tpu.memory_space<vmem>> -> memref<128x128xf32, #tpu.memory_space<vmem>>
        tpu.wait_dma2 semaphore(%run_scoped3A : memref<!tpu.dma_semaphore, #tpu.memory_space<semaphore_mem>>) src(%dma_wait3A_66 : memref<128x128xf32, #tpu.memory_space<vmem>>) dst(%dma_wait3A_63 : memref<128x128xf32, #tpu.memory_space<hbm>>)
        tpu.yield
      }) : () -> ()
      %add3A_37 = arith.constant 256 : i32
      %add3A_38 = arith.addi %mul3A_7, %add3A_37 : i32
      "tpu.region"() ({
        %run_scoped3A = tpu.sem_alloc : memref<!tpu.dma_semaphore, #tpu.memory_space<semaphore_mem>>
        %dma_start3A = arith.constant 0 : i32
        %dma_start3A_49 = arith.constant 0 : i32
        %dma_start3A_50 = tpu.memref_slice %arg11[%dma_start3A, %dma_start3A_49] : memref<128x128xf32, #tpu.memory_space<vmem>> -> memref<128x128xf32, #tpu.memory_space<vmem>>
        %dma_start3A_51 = arith.constant 0 : i32
        %dma_start3A_52 = tpu.memref_slice %arg12[%add3A_38, %dma_start3A_51] : memref<10112x128xf32, #tpu.memory_space<vmem_shared>> -> memref<128x128xf32, #tpu.memory_space<vmem_shared>>
        %dma_start3A_53 = arith.constant 0 : i32
        %dma_start3A_54 = arith.constant 0 : i32
        %dma_start3A_55 = tpu.memref_slice %arg11[%dma_start3A_53, %dma_start3A_54] : memref<128x128xf32, #tpu.memory_space<vmem>> -> memref<128x128xf32, #tpu.memory_space<vmem>>
        %dma_start3A_56 = arith.constant 0 : i32
        %dma_start3A_57 = tpu.memref_slice %arg12[%add3A_38, %dma_start3A_56] : memref<10112x128xf32, #tpu.memory_space<vmem_shared>> -> memref<128x128xf32, #tpu.memory_space<vmem_shared>>
        tpu.enqueue_dma source(%dma_start3A_57 : memref<128x128xf32, #tpu.memory_space<vmem_shared>>) target(%dma_start3A_55 : memref<128x128xf32, #tpu.memory_space<vmem>>) target_semaphore(%run_scoped3A : memref<!tpu.dma_semaphore, #tpu.memory_space<semaphore_mem>>)
        %dma_wait3A = arith.constant 0 : i32
        %dma_wait3A_58 = arith.constant 0 : i32
        %dma_wait3A_59 = tpu.memref_slice %arg11[%dma_wait3A, %dma_wait3A_58] : memref<128x128xf32, #tpu.memory_space<vmem>> -> memref<128x128xf32, #tpu.memory_space<vmem>>
        %dma_wait3A_60 = arith.constant 0 : i32
        %dma_wait3A_61 = tpu.memref_slice %arg12[%add3A_38, %dma_wait3A_60] : memref<10112x128xf32, #tpu.memory_space<vmem_shared>> -> memref<128x128xf32, #tpu.memory_space<vmem_shared>>
        %dma_wait3A_62 = arith.constant 0 : i32
        %dma_wait3A_63 = arith.constant 0 : i32
        %dma_wait3A_64 = tpu.memref_slice %arg11[%dma_wait3A_62, %dma_wait3A_63] : memref<128x128xf32, #tpu.memory_space<vmem>> -> memref<128x128xf32, #tpu.memory_space<vmem>>
        %dma_wait3A_65 = arith.constant 0 : i32
        %dma_wait3A_66 = tpu.memref_slice %arg12[%add3A_38, %dma_wait3A_65] : memref<10112x128xf32, #tpu.memory_space<vmem_shared>> -> memref<128x128xf32, #tpu.memory_space<vmem_shared>>
        tpu.wait_dma2 semaphore(%run_scoped3A : memref<!tpu.dma_semaphore, #tpu.memory_space<semaphore_mem>>) src(%dma_wait3A_66 : memref<128x128xf32, #tpu.memory_space<vmem_shared>>) dst(%dma_wait3A_64 : memref<128x128xf32, #tpu.memory_space<vmem>>)
        tpu.yield
      }) : () -> ()
      %add3A_39 = arith.constant 256 : i32
      %add3A_40 = arith.addi %mul3A_7, %add3A_39 : i32
      "tpu.region"() ({
        %run_scoped3A = tpu.sem_alloc : memref<!tpu.dma_semaphore, #tpu.memory_space<semaphore_mem>>
        %dma_start3A = arith.constant 0 : i32
        %dma_start3A_49 = arith.constant 0 : i32
        %dma_start3A_50 = tpu.memref_slice %arg11[%dma_start3A, %dma_start3A_49] : memref<128x128xf32, #tpu.memory_space<vmem>> -> memref<128x128xf32, #tpu.memory_space<vmem>>
        %dma_start3A_51 = arith.constant 0 : i32
        %dma_start3A_52 = tpu.memref_slice %arg7[%add3A_40, %dma_start3A_51] : memref<10112x128xf32, #tpu.memory_space<hbm>> -> memref<128x128xf32, #tpu.memory_space<hbm>>
        %dma_start3A_53 = arith.constant 0 : i32
        %dma_start3A_54 = tpu.memref_slice %arg7[%add3A_40, %dma_start3A_53] : memref<10112x128xf32, #tpu.memory_space<hbm>> -> memref<128x128xf32, #tpu.memory_space<hbm>>
        %dma_start3A_55 = arith.constant 0 : i32
        %dma_start3A_56 = arith.constant 0 : i32
        %dma_start3A_57 = tpu.memref_slice %arg11[%dma_start3A_55, %dma_start3A_56] : memref<128x128xf32, #tpu.memory_space<vmem>> -> memref<128x128xf32, #tpu.memory_space<vmem>>
        tpu.enqueue_dma source(%dma_start3A_57 : memref<128x128xf32, #tpu.memory_space<vmem>>) target(%dma_start3A_54 : memref<128x128xf32, #tpu.memory_space<hbm>>) target_semaphore(%run_scoped3A : memref<!tpu.dma_semaphore, #tpu.memory_space<semaphore_mem>>)
        %dma_wait3A = arith.constant 0 : i32
        %dma_wait3A_58 = arith.constant 0 : i32
        %dma_wait3A_59 = tpu.memref_slice %arg11[%dma_wait3A, %dma_wait3A_58] : memref<128x128xf32, #tpu.memory_space<vmem>> -> memref<128x128xf32, #tpu.memory_space<vmem>>
        %dma_wait3A_60 = arith.constant 0 : i32
        %dma_wait3A_61 = tpu.memref_slice %arg7[%add3A_40, %dma_wait3A_60] : memref<10112x128xf32, #tpu.memory_space<hbm>> -> memref<128x128xf32, #tpu.memory_space<hbm>>
        %dma_wait3A_62 = arith.constant 0 : i32
        %dma_wait3A_63 = tpu.memref_slice %arg7[%add3A_40, %dma_wait3A_62] : memref<10112x128xf32, #tpu.memory_space<hbm>> -> memref<128x128xf32, #tpu.memory_space<hbm>>
        %dma_wait3A_64 = arith.constant 0 : i32
        %dma_wait3A_65 = arith.constant 0 : i32
        %dma_wait3A_66 = tpu.memref_slice %arg11[%dma_wait3A_64, %dma_wait3A_65] : memref<128x128xf32, #tpu.memory_space<vmem>> -> memref<128x128xf32, #tpu.memory_space<vmem>>
        tpu.wait_dma2 semaphore(%run_scoped3A : memref<!tpu.dma_semaphore, #tpu.memory_space<semaphore_mem>>) src(%dma_wait3A_66 : memref<128x128xf32, #tpu.memory_space<vmem>>) dst(%dma_wait3A_63 : memref<128x128xf32, #tpu.memory_space<hbm>>)
        tpu.yield
      }) : () -> ()
      %add3A_41 = arith.constant 384 : i32
      %add3A_42 = arith.addi %mul3A_7, %add3A_41 : i32
      "tpu.region"() ({
        %run_scoped3A = tpu.sem_alloc : memref<!tpu.dma_semaphore, #tpu.memory_space<semaphore_mem>>
        %dma_start3A = arith.constant 0 : i32
        %dma_start3A_49 = arith.constant 0 : i32
        %dma_start3A_50 = tpu.memref_slice %arg11[%dma_start3A, %dma_start3A_49] : memref<128x128xf32, #tpu.memory_space<vmem>> -> memref<128x128xf32, #tpu.memory_space<vmem>>
        %dma_start3A_51 = arith.constant 0 : i32
        %dma_start3A_52 = tpu.memref_slice %arg12[%add3A_42, %dma_start3A_51] : memref<10112x128xf32, #tpu.memory_space<vmem_shared>> -> memref<128x128xf32, #tpu.memory_space<vmem_shared>>
        %dma_start3A_53 = arith.constant 0 : i32
        %dma_start3A_54 = arith.constant 0 : i32
        %dma_start3A_55 = tpu.memref_slice %arg11[%dma_start3A_53, %dma_start3A_54] : memref<128x128xf32, #tpu.memory_space<vmem>> -> memref<128x128xf32, #tpu.memory_space<vmem>>
        %dma_start3A_56 = arith.constant 0 : i32
        %dma_start3A_57 = tpu.memref_slice %arg12[%add3A_42, %dma_start3A_56] : memref<10112x128xf32, #tpu.memory_space<vmem_shared>> -> memref<128x128xf32, #tpu.memory_space<vmem_shared>>
        tpu.enqueue_dma source(%dma_start3A_57 : memref<128x128xf32, #tpu.memory_space<vmem_shared>>) target(%dma_start3A_55 : memref<128x128xf32, #tpu.memory_space<vmem>>) target_semaphore(%run_scoped3A : memref<!tpu.dma_semaphore, #tpu.memory_space<semaphore_mem>>)
        %dma_wait3A = arith.constant 0 : i32
        %dma_wait3A_58 = arith.constant 0 : i32
        %dma_wait3A_59 = tpu.memref_slice %arg11[%dma_wait3A, %dma_wait3A_58] : memref<128x128xf32, #tpu.memory_space<vmem>> -> memref<128x128xf32, #tpu.memory_space<vmem>>
        %dma_wait3A_60 = arith.constant 0 : i32
        %dma_wait3A_61 = tpu.memref_slice %arg12[%add3A_42, %dma_wait3A_60] : memref<10112x128xf32, #tpu.memory_space<vmem_shared>> -> memref<128x128xf32, #tpu.memory_space<vmem_shared>>
        %dma_wait3A_62 = arith.constant 0 : i32
        %dma_wait3A_63 = arith.constant 0 : i32
        %dma_wait3A_64 = tpu.memref_slice %arg11[%dma_wait3A_62, %dma_wait3A_63] : memref<128x128xf32, #tpu.memory_space<vmem>> -> memref<128x128xf32, #tpu.memory_space<vmem>>
        %dma_wait3A_65 = arith.constant 0 : i32
        %dma_wait3A_66 = tpu.memref_slice %arg12[%add3A_42, %dma_wait3A_65] : memref<10112x128xf32, #tpu.memory_space<vmem_shared>> -> memref<128x128xf32, #tpu.memory_space<vmem_shared>>
        tpu.wait_dma2 semaphore(%run_scoped3A : memref<!tpu.dma_semaphore, #tpu.memory_space<semaphore_mem>>) src(%dma_wait3A_66 : memref<128x128xf32, #tpu.memory_space<vmem_shared>>) dst(%dma_wait3A_64 : memref<128x128xf32, #tpu.memory_space<vmem>>)
        tpu.yield
      }) : () -> ()
      %add3A_43 = arith.constant 384 : i32
      %add3A_44 = arith.addi %mul3A_7, %add3A_43 : i32
      "tpu.region"() ({
        %run_scoped3A = tpu.sem_alloc : memref<!tpu.dma_semaphore, #tpu.memory_space<semaphore_mem>>
        %dma_start3A = arith.constant 0 : i32
        %dma_start3A_49 = arith.constant 0 : i32
        %dma_start3A_50 = tpu.memref_slice %arg11[%dma_start3A, %dma_start3A_49] : memref<128x128xf32, #tpu.memory_space<vmem>> -> memref<128x128xf32, #tpu.memory_space<vmem>>
        %dma_start3A_51 = arith.constant 0 : i32
        %dma_start3A_52 = tpu.memref_slice %arg7[%add3A_44, %dma_start3A_51] : memref<10112x128xf32, #tpu.memory_space<hbm>> -> memref<128x128xf32, #tpu.memory_space<hbm>>
        %dma_start3A_53 = arith.constant 0 : i32
        %dma_start3A_54 = tpu.memref_slice %arg7[%add3A_44, %dma_start3A_53] : memref<10112x128xf32, #tpu.memory_space<hbm>> -> memref<128x128xf32, #tpu.memory_space<hbm>>
        %dma_start3A_55 = arith.constant 0 : i32
        %dma_start3A_56 = arith.constant 0 : i32
        %dma_start3A_57 = tpu.memref_slice %arg11[%dma_start3A_55, %dma_start3A_56] : memref<128x128xf32, #tpu.memory_space<vmem>> -> memref<128x128xf32, #tpu.memory_space<vmem>>
        tpu.enqueue_dma source(%dma_start3A_57 : memref<128x128xf32, #tpu.memory_space<vmem>>) target(%dma_start3A_54 : memref<128x128xf32, #tpu.memory_space<hbm>>) target_semaphore(%run_scoped3A : memref<!tpu.dma_semaphore, #tpu.memory_space<semaphore_mem>>)
        %dma_wait3A = arith.constant 0 : i32
        %dma_wait3A_58 = arith.constant 0 : i32
        %dma_wait3A_59 = tpu.memref_slice %arg11[%dma_wait3A, %dma_wait3A_58] : memref<128x128xf32, #tpu.memory_space<vmem>> -> memref<128x128xf32, #tpu.memory_space<vmem>>
        %dma_wait3A_60 = arith.constant 0 : i32
        %dma_wait3A_61 = tpu.memref_slice %arg7[%add3A_44, %dma_wait3A_60] : memref<10112x128xf32, #tpu.memory_space<hbm>> -> memref<128x128xf32, #tpu.memory_space<hbm>>
        %dma_wait3A_62 = arith.constant 0 : i32
        %dma_wait3A_63 = tpu.memref_slice %arg7[%add3A_44, %dma_wait3A_62] : memref<10112x128xf32, #tpu.memory_space<hbm>> -> memref<128x128xf32, #tpu.memory_space<hbm>>
        %dma_wait3A_64 = arith.constant 0 : i32
        %dma_wait3A_65 = arith.constant 0 : i32
        %dma_wait3A_66 = tpu.memref_slice %arg11[%dma_wait3A_64, %dma_wait3A_65] : memref<128x128xf32, #tpu.memory_space<vmem>> -> memref<128x128xf32, #tpu.memory_space<vmem>>
        tpu.wait_dma2 semaphore(%run_scoped3A : memref<!tpu.dma_semaphore, #tpu.memory_space<semaphore_mem>>) src(%dma_wait3A_66 : memref<128x128xf32, #tpu.memory_space<vmem>>) dst(%dma_wait3A_63 : memref<128x128xf32, #tpu.memory_space<hbm>>)
        tpu.yield
      }) : () -> ()
      %add3A_45 = arith.constant 512 : i32
      %add3A_46 = arith.addi %mul3A_7, %add3A_45 : i32
      "tpu.region"() ({
        %run_scoped3A = tpu.sem_alloc : memref<!tpu.dma_semaphore, #tpu.memory_space<semaphore_mem>>
        %dma_start3A = arith.constant 0 : i32
        %dma_start3A_49 = arith.constant 0 : i32
        %dma_start3A_50 = tpu.memref_slice %arg11[%dma_start3A, %dma_start3A_49] : memref<128x128xf32, #tpu.memory_space<vmem>> -> memref<120x128xf32, #tpu.memory_space<vmem>>
        %dma_start3A_51 = arith.constant 0 : i32
        %dma_start3A_52 = tpu.memref_slice %arg12[%add3A_46, %dma_start3A_51] : memref<10112x128xf32, #tpu.memory_space<vmem_shared>> -> memref<120x128xf32, #tpu.memory_space<vmem_shared>>
        %dma_start3A_53 = arith.constant 0 : i32
        %dma_start3A_54 = arith.constant 0 : i32
        %dma_start3A_55 = tpu.memref_slice %arg11[%dma_start3A_53, %dma_start3A_54] : memref<128x128xf32, #tpu.memory_space<vmem>> -> memref<120x128xf32, #tpu.memory_space<vmem>>
        %dma_start3A_56 = arith.constant 0 : i32
        %dma_start3A_57 = tpu.memref_slice %arg12[%add3A_46, %dma_start3A_56] : memref<10112x128xf32, #tpu.memory_space<vmem_shared>> -> memref<120x128xf32, #tpu.memory_space<vmem_shared>>
        tpu.enqueue_dma source(%dma_start3A_57 : memref<120x128xf32, #tpu.memory_space<vmem_shared>>) target(%dma_start3A_55 : memref<120x128xf32, #tpu.memory_space<vmem>>) target_semaphore(%run_scoped3A : memref<!tpu.dma_semaphore, #tpu.memory_space<semaphore_mem>>)
        %dma_wait3A = arith.constant 0 : i32
        %dma_wait3A_58 = arith.constant 0 : i32
        %dma_wait3A_59 = tpu.memref_slice %arg11[%dma_wait3A, %dma_wait3A_58] : memref<128x128xf32, #tpu.memory_space<vmem>> -> memref<120x128xf32, #tpu.memory_space<vmem>>
        %dma_wait3A_60 = arith.constant 0 : i32
        %dma_wait3A_61 = tpu.memref_slice %arg12[%add3A_46, %dma_wait3A_60] : memref<10112x128xf32, #tpu.memory_space<vmem_shared>> -> memref<120x128xf32, #tpu.memory_space<vmem_shared>>
        %dma_wait3A_62 = arith.constant 0 : i32
        %dma_wait3A_63 = arith.constant 0 : i32
        %dma_wait3A_64 = tpu.memref_slice %arg11[%dma_wait3A_62, %dma_wait3A_63] : memref<128x128xf32, #tpu.memory_space<vmem>> -> memref<120x128xf32, #tpu.memory_space<vmem>>
        %dma_wait3A_65 = arith.constant 0 : i32
        %dma_wait3A_66 = tpu.memref_slice %arg12[%add3A_46, %dma_wait3A_65] : memref<10112x128xf32, #tpu.memory_space<vmem_shared>> -> memref<120x128xf32, #tpu.memory_space<vmem_shared>>
        tpu.wait_dma2 semaphore(%run_scoped3A : memref<!tpu.dma_semaphore, #tpu.memory_space<semaphore_mem>>) src(%dma_wait3A_66 : memref<120x128xf32, #tpu.memory_space<vmem_shared>>) dst(%dma_wait3A_64 : memref<120x128xf32, #tpu.memory_space<vmem>>)
        tpu.yield
      }) : () -> ()
      %add3A_47 = arith.constant 512 : i32
      %add3A_48 = arith.addi %mul3A_7, %add3A_47 : i32
      "tpu.region"() ({
        %run_scoped3A = tpu.sem_alloc : memref<!tpu.dma_semaphore, #tpu.memory_space<semaphore_mem>>
        %dma_start3A = arith.constant 0 : i32
        %dma_start3A_49 = arith.constant 0 : i32
        %dma_start3A_50 = tpu.memref_slice %arg11[%dma_start3A, %dma_start3A_49] : memref<128x128xf32, #tpu.memory_space<vmem>> -> memref<120x128xf32, #tpu.memory_space<vmem>>
        %dma_start3A_51 = arith.constant 0 : i32
        %dma_start3A_52 = tpu.memref_slice %arg7[%add3A_48, %dma_start3A_51] : memref<10112x128xf32, #tpu.memory_space<hbm>> -> memref<120x128xf32, #tpu.memory_space<hbm>>
        %dma_start3A_53 = arith.constant 0 : i32
        %dma_start3A_54 = tpu.memref_slice %arg7[%add3A_48, %dma_start3A_53] : memref<10112x128xf32, #tpu.memory_space<hbm>> -> memref<120x128xf32, #tpu.memory_space<hbm>>
        %dma_start3A_55 = arith.constant 0 : i32
        %dma_start3A_56 = arith.constant 0 : i32
        %dma_start3A_57 = tpu.memref_slice %arg11[%dma_start3A_55, %dma_start3A_56] : memref<128x128xf32, #tpu.memory_space<vmem>> -> memref<120x128xf32, #tpu.memory_space<vmem>>
        tpu.enqueue_dma source(%dma_start3A_57 : memref<120x128xf32, #tpu.memory_space<vmem>>) target(%dma_start3A_54 : memref<120x128xf32, #tpu.memory_space<hbm>>) target_semaphore(%run_scoped3A : memref<!tpu.dma_semaphore, #tpu.memory_space<semaphore_mem>>)
        %dma_wait3A = arith.constant 0 : i32
        %dma_wait3A_58 = arith.constant 0 : i32
        %dma_wait3A_59 = tpu.memref_slice %arg11[%dma_wait3A, %dma_wait3A_58] : memref<128x128xf32, #tpu.memory_space<vmem>> -> memref<120x128xf32, #tpu.memory_space<vmem>>
        %dma_wait3A_60 = arith.constant 0 : i32
        %dma_wait3A_61 = tpu.memref_slice %arg7[%add3A_48, %dma_wait3A_60] : memref<10112x128xf32, #tpu.memory_space<hbm>> -> memref<120x128xf32, #tpu.memory_space<hbm>>
        %dma_wait3A_62 = arith.constant 0 : i32
        %dma_wait3A_63 = tpu.memref_slice %arg7[%add3A_48, %dma_wait3A_62] : memref<10112x128xf32, #tpu.memory_space<hbm>> -> memref<120x128xf32, #tpu.memory_space<hbm>>
        %dma_wait3A_64 = arith.constant 0 : i32
        %dma_wait3A_65 = arith.constant 0 : i32
        %dma_wait3A_66 = tpu.memref_slice %arg11[%dma_wait3A_64, %dma_wait3A_65] : memref<128x128xf32, #tpu.memory_space<vmem>> -> memref<120x128xf32, #tpu.memory_space<vmem>>
        tpu.wait_dma2 semaphore(%run_scoped3A : memref<!tpu.dma_semaphore, #tpu.memory_space<semaphore_mem>>) src(%dma_wait3A_66 : memref<120x128xf32, #tpu.memory_space<vmem>>) dst(%dma_wait3A_63 : memref<120x128xf32, #tpu.memory_space<hbm>>)
        tpu.yield
      }) : () -> ()
    } else {
    }
    %eq3A_2 = arith.constant 1 : i32
    %eq3A_3 = arith.cmpi eq, %arg0, %eq3A_2 : i32
    %convert_element_type3A_4 = arith.extui %eq3A_3 : i1 to i32
    %cond3A_5 = arith.constant 0 : i32
    %cond3A_6 = arith.cmpi ne, %convert_element_type3A_4, %cond3A_5 : i32
    scf.if %cond3A_6 {
      %mul3A = arith.constant 632 : i32
      %mul3A_7 = arith.muli %arg1, %mul3A : i32
      "tpu.region"() ({
        %run_scoped3A = tpu.sem_alloc : memref<!tpu.dma_semaphore, #tpu.memory_space<semaphore_mem>>
        %dma_start3A = arith.constant 0 : i32
        %dma_start3A_49 = arith.constant 0 : i32
        %dma_start3A_50 = tpu.memref_slice %arg6[%dma_start3A, %dma_start3A_49] : memref<640x128xf32, #tpu.memory_space<hbm>> -> memref<128x128xf32, #tpu.memory_space<hbm>>
        %dma_start3A_51 = arith.constant 0 : i32
        %dma_start3A_52 = arith.constant 0 : i32
        %dma_start3A_53 = tpu.memref_slice %arg6[%dma_start3A_51, %dma_start3A_52] : memref<640x128xf32, #tpu.memory_space<hbm>> -> memref<128x128xf32, #tpu.memory_space<hbm>>
        tpu.enqueue_dma source(%dma_start3A_53 : memref<128x128xf32, #tpu.memory_space<hbm>>) target(%arg11 : memref<128x128xf32, #tpu.memory_space<vmem>>) target_semaphore(%run_scoped3A : memref<!tpu.dma_semaphore, #tpu.memory_space<semaphore_mem>>)
        %dma_wait3A = arith.constant 0 : i32
        %dma_wait3A_54 = arith.constant 0 : i32
        %dma_wait3A_55 = tpu.memref_slice %arg6[%dma_wait3A, %dma_wait3A_54] : memref<640x128xf32, #tpu.memory_space<hbm>> -> memref<128x128xf32, #tpu.memory_space<hbm>>
        %dma_wait3A_56 = arith.constant 0 : i32
        %dma_wait3A_57 = arith.constant 0 : i32
        %dma_wait3A_58 = tpu.memref_slice %arg6[%dma_wait3A_56, %dma_wait3A_57] : memref<640x128xf32, #tpu.memory_space<hbm>> -> memref<128x128xf32, #tpu.memory_space<hbm>>
        tpu.wait_dma2 semaphore(%run_scoped3A : memref<!tpu.dma_semaphore, #tpu.memory_space<semaphore_mem>>) src(%dma_wait3A_58 : memref<128x128xf32, #tpu.memory_space<hbm>>) dst(%arg11 : memref<128x128xf32, #tpu.memory_space<vmem>>)
        tpu.yield
      }) : () -> ()
      %add3A = arith.constant 0 : i32
      %add3A_8 = arith.addi %mul3A_7, %add3A : i32
      "tpu.region"() ({
        %run_scoped3A = tpu.sem_alloc : memref<!tpu.dma_semaphore, #tpu.memory_space<semaphore_mem>>
        %dma_start3A = arith.constant 0 : i32
        %dma_start3A_49 = arith.constant 0 : i32
        %dma_start3A_50 = tpu.memref_slice %arg11[%dma_start3A, %dma_start3A_49] : memref<128x128xf32, #tpu.memory_space<vmem>> -> memref<128x128xf32, #tpu.memory_space<vmem>>
        %dma_start3A_51 = arith.constant 0 : i32
        %dma_start3A_52 = tpu.memref_slice %arg12[%add3A_8, %dma_start3A_51] : memref<10112x128xf32, #tpu.memory_space<vmem_shared>> -> memref<128x128xf32, #tpu.memory_space<vmem_shared>>
        %dma_start3A_53 = arith.constant 0 : i32
        %dma_start3A_54 = tpu.memref_slice %arg12[%add3A_8, %dma_start3A_53] : memref<10112x128xf32, #tpu.memory_space<vmem_shared>> -> memref<128x128xf32, #tpu.memory_space<vmem_shared>>
        %dma_start3A_55 = arith.constant 0 : i32
        %dma_start3A_56 = arith.constant 0 : i32
        %dma_start3A_57 = tpu.memref_slice %arg11[%dma_start3A_55, %dma_start3A_56] : memref<128x128xf32, #tpu.memory_space<vmem>> -> memref<128x128xf32, #tpu.memory_space<vmem>>
        tpu.enqueue_dma source(%dma_start3A_57 : memref<128x128xf32, #tpu.memory_space<vmem>>) target(%dma_start3A_54 : memref<128x128xf32, #tpu.memory_space<vmem_shared>>) target_semaphore(%run_scoped3A : memref<!tpu.dma_semaphore, #tpu.memory_space<semaphore_mem>>)
        %dma_wait3A = arith.constant 0 : i32
        %dma_wait3A_58 = arith.constant 0 : i32
        %dma_wait3A_59 = tpu.memref_slice %arg11[%dma_wait3A, %dma_wait3A_58] : memref<128x128xf32, #tpu.memory_space<vmem>> -> memref<128x128xf32, #tpu.memory_space<vmem>>
        %dma_wait3A_60 = arith.constant 0 : i32
        %dma_wait3A_61 = tpu.memref_slice %arg12[%add3A_8, %dma_wait3A_60] : memref<10112x128xf32, #tpu.memory_space<vmem_shared>> -> memref<128x128xf32, #tpu.memory_space<vmem_shared>>
        %dma_wait3A_62 = arith.constant 0 : i32
        %dma_wait3A_63 = tpu.memref_slice %arg12[%add3A_8, %dma_wait3A_62] : memref<10112x128xf32, #tpu.memory_space<vmem_shared>> -> memref<128x128xf32, #tpu.memory_space<vmem_shared>>
        %dma_wait3A_64 = arith.constant 0 : i32
        %dma_wait3A_65 = arith.constant 0 : i32
        %dma_wait3A_66 = tpu.memref_slice %arg11[%dma_wait3A_64, %dma_wait3A_65] : memref<128x128xf32, #tpu.memory_space<vmem>> -> memref<128x128xf32, #tpu.memory_space<vmem>>
        tpu.wait_dma2 semaphore(%run_scoped3A : memref<!tpu.dma_semaphore, #tpu.memory_space<semaphore_mem>>) src(%dma_wait3A_66 : memref<128x128xf32, #tpu.memory_space<vmem>>) dst(%dma_wait3A_63 : memref<128x128xf32, #tpu.memory_space<vmem_shared>>)
        tpu.yield
      }) : () -> ()
      %add3A_9 = arith.constant 128 : i32
      %add3A_10 = arith.addi %mul3A_7, %add3A_9 : i32
      "tpu.region"() ({
        %run_scoped3A = tpu.sem_alloc : memref<!tpu.dma_semaphore, #tpu.memory_space<semaphore_mem>>
        %dma_start3A = arith.constant 0 : i32
        %dma_start3A_49 = arith.constant 0 : i32
        %dma_start3A_50 = tpu.memref_slice %arg11[%dma_start3A, %dma_start3A_49] : memref<128x128xf32, #tpu.memory_space<vmem>> -> memref<128x128xf32, #tpu.memory_space<vmem>>
        %dma_start3A_51 = arith.constant 0 : i32
        %dma_start3A_52 = tpu.memref_slice %arg12[%add3A_10, %dma_start3A_51] : memref<10112x128xf32, #tpu.memory_space<vmem_shared>> -> memref<128x128xf32, #tpu.memory_space<vmem_shared>>
        %dma_start3A_53 = arith.constant 0 : i32
        %dma_start3A_54 = tpu.memref_slice %arg12[%add3A_10, %dma_start3A_53] : memref<10112x128xf32, #tpu.memory_space<vmem_shared>> -> memref<128x128xf32, #tpu.memory_space<vmem_shared>>
        %dma_start3A_55 = arith.constant 0 : i32
        %dma_start3A_56 = arith.constant 0 : i32
        %dma_start3A_57 = tpu.memref_slice %arg11[%dma_start3A_55, %dma_start3A_56] : memref<128x128xf32, #tpu.memory_space<vmem>> -> memref<128x128xf32, #tpu.memory_space<vmem>>
        tpu.enqueue_dma source(%dma_start3A_57 : memref<128x128xf32, #tpu.memory_space<vmem>>) target(%dma_start3A_54 : memref<128x128xf32, #tpu.memory_space<vmem_shared>>) target_semaphore(%run_scoped3A : memref<!tpu.dma_semaphore, #tpu.memory_space<semaphore_mem>>)
        %dma_wait3A = arith.constant 0 : i32
        %dma_wait3A_58 = arith.constant 0 : i32
        %dma_wait3A_59 = tpu.memref_slice %arg11[%dma_wait3A, %dma_wait3A_58] : memref<128x128xf32, #tpu.memory_space<vmem>> -> memref<128x128xf32, #tpu.memory_space<vmem>>
        %dma_wait3A_60 = arith.constant 0 : i32
        %dma_wait3A_61 = tpu.memref_slice %arg12[%add3A_10, %dma_wait3A_60] : memref<10112x128xf32, #tpu.memory_space<vmem_shared>> -> memref<128x128xf32, #tpu.memory_space<vmem_shared>>
        %dma_wait3A_62 = arith.constant 0 : i32
        %dma_wait3A_63 = tpu.memref_slice %arg12[%add3A_10, %dma_wait3A_62] : memref<10112x128xf32, #tpu.memory_space<vmem_shared>> -> memref<128x128xf32, #tpu.memory_space<vmem_shared>>
        %dma_wait3A_64 = arith.constant 0 : i32
        %dma_wait3A_65 = arith.constant 0 : i32
        %dma_wait3A_66 = tpu.memref_slice %arg11[%dma_wait3A_64, %dma_wait3A_65] : memref<128x128xf32, #tpu.memory_space<vmem>> -> memref<128x128xf32, #tpu.memory_space<vmem>>
        tpu.wait_dma2 semaphore(%run_scoped3A : memref<!tpu.dma_semaphore, #tpu.memory_space<semaphore_mem>>) src(%dma_wait3A_66 : memref<128x128xf32, #tpu.memory_space<vmem>>) dst(%dma_wait3A_63 : memref<128x128xf32, #tpu.memory_space<vmem_shared>>)
        tpu.yield
      }) : () -> ()
      %add3A_11 = arith.constant 256 : i32
      %add3A_12 = arith.addi %mul3A_7, %add3A_11 : i32
      "tpu.region"() ({
        %run_scoped3A = tpu.sem_alloc : memref<!tpu.dma_semaphore, #tpu.memory_space<semaphore_mem>>
        %dma_start3A = arith.constant 0 : i32
        %dma_start3A_49 = arith.constant 0 : i32
        %dma_start3A_50 = tpu.memref_slice %arg11[%dma_start3A, %dma_start3A_49] : memref<128x128xf32, #tpu.memory_space<vmem>> -> memref<128x128xf32, #tpu.memory_space<vmem>>
        %dma_start3A_51 = arith.constant 0 : i32
        %dma_start3A_52 = tpu.memref_slice %arg12[%add3A_12, %dma_start3A_51] : memref<10112x128xf32, #tpu.memory_space<vmem_shared>> -> memref<128x128xf32, #tpu.memory_space<vmem_shared>>
        %dma_start3A_53 = arith.constant 0 : i32
        %dma_start3A_54 = tpu.memref_slice %arg12[%add3A_12, %dma_start3A_53] : memref<10112x128xf32, #tpu.memory_space<vmem_shared>> -> memref<128x128xf32, #tpu.memory_space<vmem_shared>>
        %dma_start3A_55 = arith.constant 0 : i32
        %dma_start3A_56 = arith.constant 0 : i32
        %dma_start3A_57 = tpu.memref_slice %arg11[%dma_start3A_55, %dma_start3A_56] : memref<128x128xf32, #tpu.memory_space<vmem>> -> memref<128x128xf32, #tpu.memory_space<vmem>>
        tpu.enqueue_dma source(%dma_start3A_57 : memref<128x128xf32, #tpu.memory_space<vmem>>) target(%dma_start3A_54 : memref<128x128xf32, #tpu.memory_space<vmem_shared>>) target_semaphore(%run_scoped3A : memref<!tpu.dma_semaphore, #tpu.memory_space<semaphore_mem>>)
        %dma_wait3A = arith.constant 0 : i32
        %dma_wait3A_58 = arith.constant 0 : i32
        %dma_wait3A_59 = tpu.memref_slice %arg11[%dma_wait3A, %dma_wait3A_58] : memref<128x128xf32, #tpu.memory_space<vmem>> -> memref<128x128xf32, #tpu.memory_space<vmem>>
        %dma_wait3A_60 = arith.constant 0 : i32
        %dma_wait3A_61 = tpu.memref_slice %arg12[%add3A_12, %dma_wait3A_60] : memref<10112x128xf32, #tpu.memory_space<vmem_shared>> -> memref<128x128xf32, #tpu.memory_space<vmem_shared>>
        %dma_wait3A_62 = arith.constant 0 : i32
        %dma_wait3A_63 = tpu.memref_slice %arg12[%add3A_12, %dma_wait3A_62] : memref<10112x128xf32, #tpu.memory_space<vmem_shared>> -> memref<128x128xf32, #tpu.memory_space<vmem_shared>>
        %dma_wait3A_64 = arith.constant 0 : i32
        %dma_wait3A_65 = arith.constant 0 : i32
        %dma_wait3A_66 = tpu.memref_slice %arg11[%dma_wait3A_64, %dma_wait3A_65] : memref<128x128xf32, #tpu.memory_space<vmem>> -> memref<128x128xf32, #tpu.memory_space<vmem>>
        tpu.wait_dma2 semaphore(%run_scoped3A : memref<!tpu.dma_semaphore, #tpu.memory_space<semaphore_mem>>) src(%dma_wait3A_66 : memref<128x128xf32, #tpu.memory_space<vmem>>) dst(%dma_wait3A_63 : memref<128x128xf32, #tpu.memory_space<vmem_shared>>)
        tpu.yield
      }) : () -> ()
      %add3A_13 = arith.constant 384 : i32
      %add3A_14 = arith.addi %mul3A_7, %add3A_13 : i32
      "tpu.region"() ({
        %run_scoped3A = tpu.sem_alloc : memref<!tpu.dma_semaphore, #tpu.memory_space<semaphore_mem>>
        %dma_start3A = arith.constant 0 : i32
        %dma_start3A_49 = arith.constant 0 : i32
        %dma_start3A_50 = tpu.memref_slice %arg11[%dma_start3A, %dma_start3A_49] : memref<128x128xf32, #tpu.memory_space<vmem>> -> memref<128x128xf32, #tpu.memory_space<vmem>>
        %dma_start3A_51 = arith.constant 0 : i32
        %dma_start3A_52 = tpu.memref_slice %arg12[%add3A_14, %dma_start3A_51] : memref<10112x128xf32, #tpu.memory_space<vmem_shared>> -> memref<128x128xf32, #tpu.memory_space<vmem_shared>>
        %dma_start3A_53 = arith.constant 0 : i32
        %dma_start3A_54 = tpu.memref_slice %arg12[%add3A_14, %dma_start3A_53] : memref<10112x128xf32, #tpu.memory_space<vmem_shared>> -> memref<128x128xf32, #tpu.memory_space<vmem_shared>>
        %dma_start3A_55 = arith.constant 0 : i32
        %dma_start3A_56 = arith.constant 0 : i32
        %dma_start3A_57 = tpu.memref_slice %arg11[%dma_start3A_55, %dma_start3A_56] : memref<128x128xf32, #tpu.memory_space<vmem>> -> memref<128x128xf32, #tpu.memory_space<vmem>>
        tpu.enqueue_dma source(%dma_start3A_57 : memref<128x128xf32, #tpu.memory_space<vmem>>) target(%dma_start3A_54 : memref<128x128xf32, #tpu.memory_space<vmem_shared>>) target_semaphore(%run_scoped3A : memref<!tpu.dma_semaphore, #tpu.memory_space<semaphore_mem>>)
        %dma_wait3A = arith.constant 0 : i32
        %dma_wait3A_58 = arith.constant 0 : i32
        %dma_wait3A_59 = tpu.memref_slice %arg11[%dma_wait3A, %dma_wait3A_58] : memref<128x128xf32, #tpu.memory_space<vmem>> -> memref<128x128xf32, #tpu.memory_space<vmem>>
        %dma_wait3A_60 = arith.constant 0 : i32
        %dma_wait3A_61 = tpu.memref_slice %arg12[%add3A_14, %dma_wait3A_60] : memref<10112x128xf32, #tpu.memory_space<vmem_shared>> -> memref<128x128xf32, #tpu.memory_space<vmem_shared>>
        %dma_wait3A_62 = arith.constant 0 : i32
        %dma_wait3A_63 = tpu.memref_slice %arg12[%add3A_14, %dma_wait3A_62] : memref<10112x128xf32, #tpu.memory_space<vmem_shared>> -> memref<128x128xf32, #tpu.memory_space<vmem_shared>>
        %dma_wait3A_64 = arith.constant 0 : i32
        %dma_wait3A_65 = arith.constant 0 : i32
        %dma_wait3A_66 = tpu.memref_slice %arg11[%dma_wait3A_64, %dma_wait3A_65] : memref<128x128xf32, #tpu.memory_space<vmem>> -> memref<128x128xf32, #tpu.memory_space<vmem>>
        tpu.wait_dma2 semaphore(%run_scoped3A : memref<!tpu.dma_semaphore, #tpu.memory_space<semaphore_mem>>) src(%dma_wait3A_66 : memref<128x128xf32, #tpu.memory_space<vmem>>) dst(%dma_wait3A_63 : memref<128x128xf32, #tpu.memory_space<vmem_shared>>)
        tpu.yield
      }) : () -> ()
      %add3A_15 = arith.constant 512 : i32
      %add3A_16 = arith.addi %mul3A_7, %add3A_15 : i32
      "tpu.region"() ({
        %run_scoped3A = tpu.sem_alloc : memref<!tpu.dma_semaphore, #tpu.memory_space<semaphore_mem>>
        %dma_start3A = arith.constant 0 : i32
        %dma_start3A_49 = arith.constant 0 : i32
        %dma_start3A_50 = tpu.memref_slice %arg11[%dma_start3A, %dma_start3A_49] : memref<128x128xf32, #tpu.memory_space<vmem>> -> memref<120x128xf32, #tpu.memory_space<vmem>>
        %dma_start3A_51 = arith.constant 0 : i32
        %dma_start3A_52 = tpu.memref_slice %arg12[%add3A_16, %dma_start3A_51] : memref<10112x128xf32, #tpu.memory_space<vmem_shared>> -> memref<120x128xf32, #tpu.memory_space<vmem_shared>>
        %dma_start3A_53 = arith.constant 0 : i32
        %dma_start3A_54 = tpu.memref_slice %arg12[%add3A_16, %dma_start3A_53] : memref<10112x128xf32, #tpu.memory_space<vmem_shared>> -> memref<120x128xf32, #tpu.memory_space<vmem_shared>>
        %dma_start3A_55 = arith.constant 0 : i32
        %dma_start3A_56 = arith.constant 0 : i32
        %dma_start3A_57 = tpu.memref_slice %arg11[%dma_start3A_55, %dma_start3A_56] : memref<128x128xf32, #tpu.memory_space<vmem>> -> memref<120x128xf32, #tpu.memory_space<vmem>>
        tpu.enqueue_dma source(%dma_start3A_57 : memref<120x128xf32, #tpu.memory_space<vmem>>) target(%dma_start3A_54 : memref<120x128xf32, #tpu.memory_space<vmem_shared>>) target_semaphore(%run_scoped3A : memref<!tpu.dma_semaphore, #tpu.memory_space<semaphore_mem>>)
        %dma_wait3A = arith.constant 0 : i32
        %dma_wait3A_58 = arith.constant 0 : i32
        %dma_wait3A_59 = tpu.memref_slice %arg11[%dma_wait3A, %dma_wait3A_58] : memref<128x128xf32, #tpu.memory_space<vmem>> -> memref<120x128xf32, #tpu.memory_space<vmem>>
        %dma_wait3A_60 = arith.constant 0 : i32
        %dma_wait3A_61 = tpu.memref_slice %arg12[%add3A_16, %dma_wait3A_60] : memref<10112x128xf32, #tpu.memory_space<vmem_shared>> -> memref<120x128xf32, #tpu.memory_space<vmem_shared>>
        %dma_wait3A_62 = arith.constant 0 : i32
        %dma_wait3A_63 = tpu.memref_slice %arg12[%add3A_16, %dma_wait3A_62] : memref<10112x128xf32, #tpu.memory_space<vmem_shared>> -> memref<120x128xf32, #tpu.memory_space<vmem_shared>>
        %dma_wait3A_64 = arith.constant 0 : i32
        %dma_wait3A_65 = arith.constant 0 : i32
        %dma_wait3A_66 = tpu.memref_slice %arg11[%dma_wait3A_64, %dma_wait3A_65] : memref<128x128xf32, #tpu.memory_space<vmem>> -> memref<120x128xf32, #tpu.memory_space<vmem>>
        tpu.wait_dma2 semaphore(%run_scoped3A : memref<!tpu.dma_semaphore, #tpu.memory_space<semaphore_mem>>) src(%dma_wait3A_66 : memref<120x128xf32, #tpu.memory_space<vmem>>) dst(%dma_wait3A_63 : memref<120x128xf32, #tpu.memory_space<vmem_shared>>)
        tpu.yield
      }) : () -> ()
      %barrier3A = arith.constant 0 : index
      tpu.barrier barrier_id(%barrier3A)
      "tpu.region"() ({
        %run_scoped3A = tpu.sem_alloc : memref<!tpu.dma_semaphore, #tpu.memory_space<semaphore_mem>>
        %dma_start3A = arith.constant 0 : i32
        %dma_start3A_49 = arith.constant 0 : i32
        %dma_start3A_50 = tpu.memref_slice %arg9[%dma_start3A, %dma_start3A_49] : memref<40x128xi32, #tpu.memory_space<vmem>> -> memref<40x128xi32, #tpu.memory_space<vmem>>
        %dma_start3A_51 = arith.constant 0 : i32
        %dma_start3A_52 = arith.constant 0 : i32
        %dma_start3A_53 = tpu.memref_slice %arg4[%arg1, %dma_start3A_51, %dma_start3A_52] : memref<16x79x128xi32, #tpu.memory_space<hbm>> -> memref<1x40x128xi32, #tpu.memory_space<hbm>>
        %dma_start3A_54 = tpu.memref_squeeze %dma_start3A_53 : memref<1x40x128xi32, #tpu.memory_space<hbm>> -> memref<40x128xi32, #tpu.memory_space<hbm>>
        %dma_start3A_55 = arith.constant 0 : i32
        %dma_start3A_56 = arith.constant 0 : i32
        %dma_start3A_57 = tpu.memref_slice %arg9[%dma_start3A_55, %dma_start3A_56] : memref<40x128xi32, #tpu.memory_space<vmem>> -> memref<40x128xi32, #tpu.memory_space<vmem>>
        %dma_start3A_58 = arith.constant 0 : i32
        %dma_start3A_59 = arith.constant 0 : i32
        %dma_start3A_60 = tpu.memref_slice %arg4[%arg1, %dma_start3A_58, %dma_start3A_59] : memref<16x79x128xi32, #tpu.memory_space<hbm>> -> memref<1x40x128xi32, #tpu.memory_space<hbm>>
        %dma_start3A_61 = tpu.memref_squeeze %dma_start3A_60 : memref<1x40x128xi32, #tpu.memory_space<hbm>> -> memref<40x128xi32, #tpu.memory_space<hbm>>
        tpu.enqueue_dma source(%dma_start3A_61 : memref<40x128xi32, #tpu.memory_space<hbm>>) target(%dma_start3A_57 : memref<40x128xi32, #tpu.memory_space<vmem>>) target_semaphore(%run_scoped3A : memref<!tpu.dma_semaphore, #tpu.memory_space<semaphore_mem>>)
        %dma_wait3A = arith.constant 0 : i32
        %dma_wait3A_62 = arith.constant 0 : i32
        %dma_wait3A_63 = tpu.memref_slice %arg9[%dma_wait3A, %dma_wait3A_62] : memref<40x128xi32, #tpu.memory_space<vmem>> -> memref<40x128xi32, #tpu.memory_space<vmem>>
        %dma_wait3A_64 = arith.constant 0 : i32
        %dma_wait3A_65 = arith.constant 0 : i32
        %dma_wait3A_66 = tpu.memref_slice %arg4[%arg1, %dma_wait3A_64, %dma_wait3A_65] : memref<16x79x128xi32, #tpu.memory_space<hbm>> -> memref<1x40x128xi32, #tpu.memory_space<hbm>>
        %dma_wait3A_67 = tpu.memref_squeeze %dma_wait3A_66 : memref<1x40x128xi32, #tpu.memory_space<hbm>> -> memref<40x128xi32, #tpu.memory_space<hbm>>
        %dma_wait3A_68 = arith.constant 0 : i32
        %dma_wait3A_69 = arith.constant 0 : i32
        %dma_wait3A_70 = tpu.memref_slice %arg9[%dma_wait3A_68, %dma_wait3A_69] : memref<40x128xi32, #tpu.memory_space<vmem>> -> memref<40x128xi32, #tpu.memory_space<vmem>>
        %dma_wait3A_71 = arith.constant 0 : i32
        %dma_wait3A_72 = arith.constant 0 : i32
        %dma_wait3A_73 = tpu.memref_slice %arg4[%arg1, %dma_wait3A_71, %dma_wait3A_72] : memref<16x79x128xi32, #tpu.memory_space<hbm>> -> memref<1x40x128xi32, #tpu.memory_space<hbm>>
        %dma_wait3A_74 = tpu.memref_squeeze %dma_wait3A_73 : memref<1x40x128xi32, #tpu.memory_space<hbm>> -> memref<40x128xi32, #tpu.memory_space<hbm>>
        tpu.wait_dma2 semaphore(%run_scoped3A : memref<!tpu.dma_semaphore, #tpu.memory_space<semaphore_mem>>) src(%dma_wait3A_74 : memref<40x128xi32, #tpu.memory_space<hbm>>) dst(%dma_wait3A_70 : memref<40x128xi32, #tpu.memory_space<vmem>>)
        tpu.yield
      }) : () -> ()
      "tpu.region"() ({
        %run_scoped3A = tpu.sem_alloc : memref<!tpu.dma_semaphore, #tpu.memory_space<semaphore_mem>>
        %dma_start3A = arith.constant 0 : i32
        %dma_start3A_49 = arith.constant 0 : i32
        %dma_start3A_50 = tpu.memref_slice %arg10[%dma_start3A, %dma_start3A_49] : memref<40x128xi32, #tpu.memory_space<vmem>> -> memref<40x128xi32, #tpu.memory_space<vmem>>
        %dma_start3A_51 = arith.constant 0 : i32
        %dma_start3A_52 = arith.constant 0 : i32
        %dma_start3A_53 = tpu.memref_slice %arg5[%arg1, %dma_start3A_51, %dma_start3A_52] : memref<16x79x128xi32, #tpu.memory_space<hbm>> -> memref<1x40x128xi32, #tpu.memory_space<hbm>>
        %dma_start3A_54 = tpu.memref_squeeze %dma_start3A_53 : memref<1x40x128xi32, #tpu.memory_space<hbm>> -> memref<40x128xi32, #tpu.memory_space<hbm>>
        %dma_start3A_55 = arith.constant 0 : i32
        %dma_start3A_56 = arith.constant 0 : i32
        %dma_start3A_57 = tpu.memref_slice %arg10[%dma_start3A_55, %dma_start3A_56] : memref<40x128xi32, #tpu.memory_space<vmem>> -> memref<40x128xi32, #tpu.memory_space<vmem>>
        %dma_start3A_58 = arith.constant 0 : i32
        %dma_start3A_59 = arith.constant 0 : i32
        %dma_start3A_60 = tpu.memref_slice %arg5[%arg1, %dma_start3A_58, %dma_start3A_59] : memref<16x79x128xi32, #tpu.memory_space<hbm>> -> memref<1x40x128xi32, #tpu.memory_space<hbm>>
        %dma_start3A_61 = tpu.memref_squeeze %dma_start3A_60 : memref<1x40x128xi32, #tpu.memory_space<hbm>> -> memref<40x128xi32, #tpu.memory_space<hbm>>
        tpu.enqueue_dma source(%dma_start3A_61 : memref<40x128xi32, #tpu.memory_space<hbm>>) target(%dma_start3A_57 : memref<40x128xi32, #tpu.memory_space<vmem>>) target_semaphore(%run_scoped3A : memref<!tpu.dma_semaphore, #tpu.memory_space<semaphore_mem>>)
        %dma_wait3A = arith.constant 0 : i32
        %dma_wait3A_62 = arith.constant 0 : i32
        %dma_wait3A_63 = tpu.memref_slice %arg10[%dma_wait3A, %dma_wait3A_62] : memref<40x128xi32, #tpu.memory_space<vmem>> -> memref<40x128xi32, #tpu.memory_space<vmem>>
        %dma_wait3A_64 = arith.constant 0 : i32
        %dma_wait3A_65 = arith.constant 0 : i32
        %dma_wait3A_66 = tpu.memref_slice %arg5[%arg1, %dma_wait3A_64, %dma_wait3A_65] : memref<16x79x128xi32, #tpu.memory_space<hbm>> -> memref<1x40x128xi32, #tpu.memory_space<hbm>>
        %dma_wait3A_67 = tpu.memref_squeeze %dma_wait3A_66 : memref<1x40x128xi32, #tpu.memory_space<hbm>> -> memref<40x128xi32, #tpu.memory_space<hbm>>
        %dma_wait3A_68 = arith.constant 0 : i32
        %dma_wait3A_69 = arith.constant 0 : i32
        %dma_wait3A_70 = tpu.memref_slice %arg10[%dma_wait3A_68, %dma_wait3A_69] : memref<40x128xi32, #tpu.memory_space<vmem>> -> memref<40x128xi32, #tpu.memory_space<vmem>>
        %dma_wait3A_71 = arith.constant 0 : i32
        %dma_wait3A_72 = arith.constant 0 : i32
        %dma_wait3A_73 = tpu.memref_slice %arg5[%arg1, %dma_wait3A_71, %dma_wait3A_72] : memref<16x79x128xi32, #tpu.memory_space<hbm>> -> memref<1x40x128xi32, #tpu.memory_space<hbm>>
        %dma_wait3A_74 = tpu.memref_squeeze %dma_wait3A_73 : memref<1x40x128xi32, #tpu.memory_space<hbm>> -> memref<40x128xi32, #tpu.memory_space<hbm>>
        tpu.wait_dma2 semaphore(%run_scoped3A : memref<!tpu.dma_semaphore, #tpu.memory_space<semaphore_mem>>) src(%dma_wait3A_74 : memref<40x128xi32, #tpu.memory_space<hbm>>) dst(%dma_wait3A_70 : memref<40x128xi32, #tpu.memory_space<vmem>>)
        tpu.yield
      }) : () -> ()
      %scan3A = arith.constant 0 : i32
      %scan3A_17 = arith.constant 0 : i32
      %scan3A_18 = arith.constant 40 : i32
      %scan3A_19 = arith.addi %scan3A_17, %scan3A_18 : i32
      %scan3A_20 = arith.constant 1 : i32
      scf.for %scan3A_49 = %scan3A_17 to %scan3A_19 step %scan3A_20  : i32 {
        %dma_start3A = arith.constant 0 : i32
        %dma_start3A_50 = tpu.memref_slice %arg9[%scan3A_49, %dma_start3A] : memref<40x128xi32, #tpu.memory_space<vmem>> -> memref<1x128xi32, #tpu.memory_space<vmem>>
        %dma_start3A_51 = tpu.memref_squeeze %dma_start3A_50 : memref<1x128xi32, #tpu.memory_space<vmem>> -> memref<128xi32, #tpu.memory_space<vmem>>
        %dma_start3A_52 = arith.constant 0 : i32
        %dma_start3A_53 = arith.constant 0 : i32
        %dma_start3A_54 = tpu.memref_slice %arg3[%dma_start3A_52, %dma_start3A_53] : memref<10000x128xf32, #tpu.memory_space<hbm>> -> memref<10000x128xf32, #tpu.memory_space<hbm>>
        tpu.enqueue_indirect_dma source(%dma_start3A_54 : memref<10000x128xf32, #tpu.memory_space<hbm>>) target(%arg11 : memref<128x128xf32, #tpu.memory_space<vmem>>) offsets(%dma_start3A_51 : memref<128xi32, #tpu.memory_space<vmem>>) semaphore(%arg13 : memref<!tpu.dma_semaphore, #tpu.memory_space<semaphore_mem>>)
        %dma_wait3A = arith.constant 0 : i32
        %dma_wait3A_55 = tpu.memref_slice %arg9[%scan3A_49, %dma_wait3A] : memref<40x128xi32, #tpu.memory_space<vmem>> -> memref<1x128xi32, #tpu.memory_space<vmem>>
        %dma_wait3A_56 = tpu.memref_squeeze %dma_wait3A_55 : memref<1x128xi32, #tpu.memory_space<vmem>> -> memref<128xi32, #tpu.memory_space<vmem>>
        %dma_wait3A_57 = arith.constant 0 : i32
        %dma_wait3A_58 = arith.constant 0 : i32
        %dma_wait3A_59 = tpu.memref_slice %arg3[%dma_wait3A_57, %dma_wait3A_58] : memref<10000x128xf32, #tpu.memory_space<hbm>> -> memref<10000x128xf32, #tpu.memory_space<hbm>>
        tpu.wait_indirect_dma semaphore(%arg13 : memref<!tpu.dma_semaphore, #tpu.memory_space<semaphore_mem>>) src(%dma_wait3A_59 : memref<10000x128xf32, #tpu.memory_space<hbm>>) dst(%arg11 : memref<128x128xf32, #tpu.memory_space<vmem>>)
        "tpu.region"() ({
          %run_scoped3A = tpu.sem_alloc : memref<!tpu.dma_semaphore, #tpu.memory_space<semaphore_mem>>
          %dma_start3A_60 = arith.constant 0 : i32
          %dma_start3A_61 = tpu.memref_slice %arg10[%scan3A_49, %dma_start3A_60] : memref<40x128xi32, #tpu.memory_space<vmem>> -> memref<1x128xi32, #tpu.memory_space<vmem>>
          %dma_start3A_62 = tpu.memref_squeeze %dma_start3A_61 : memref<1x128xi32, #tpu.memory_space<vmem>> -> memref<128xi32, #tpu.memory_space<vmem>>
          %dma_start3A_63 = arith.constant 0 : i32
          %dma_start3A_64 = arith.constant 0 : i32
          %dma_start3A_65 = tpu.memref_slice %arg12[%dma_start3A_63, %dma_start3A_64] : memref<10112x128xf32, #tpu.memory_space<vmem_shared>> -> memref<10112x128xf32, #tpu.memory_space<vmem_shared>>
          tpu.enqueue_indirect_dma source(%arg11 : memref<128x128xf32, #tpu.memory_space<vmem>>) target(%dma_start3A_65 : memref<10112x128xf32, #tpu.memory_space<vmem_shared>>) offsets(%dma_start3A_62 : memref<128xi32, #tpu.memory_space<vmem>>) semaphore(%run_scoped3A : memref<!tpu.dma_semaphore, #tpu.memory_space<semaphore_mem>>) {add = true}
          %dma_wait3A_66 = arith.constant 0 : i32
          %dma_wait3A_67 = tpu.memref_slice %arg10[%scan3A_49, %dma_wait3A_66] : memref<40x128xi32, #tpu.memory_space<vmem>> -> memref<1x128xi32, #tpu.memory_space<vmem>>
          %dma_wait3A_68 = tpu.memref_squeeze %dma_wait3A_67 : memref<1x128xi32, #tpu.memory_space<vmem>> -> memref<128xi32, #tpu.memory_space<vmem>>
          %dma_wait3A_69 = arith.constant 0 : i32
          %dma_wait3A_70 = arith.constant 0 : i32
          %dma_wait3A_71 = tpu.memref_slice %arg12[%dma_wait3A_69, %dma_wait3A_70] : memref<10112x128xf32, #tpu.memory_space<vmem_shared>> -> memref<10112x128xf32, #tpu.memory_space<vmem_shared>>
          tpu.wait_indirect_dma semaphore(%run_scoped3A : memref<!tpu.dma_semaphore, #tpu.memory_space<semaphore_mem>>) src(%arg11 : memref<128x128xf32, #tpu.memory_space<vmem>>) dst(%dma_wait3A_71 : memref<10112x128xf32, #tpu.memory_space<vmem_shared>>)
          tpu.yield
        }) : () -> ()
      }
      %scan3A_21 = arith.constant 40 : i32
      "tpu.region"() ({
        %run_scoped3A = tpu.sem_alloc : memref<!tpu.dma_semaphore, #tpu.memory_space<semaphore_mem>>
        %dma_start3A = arith.constant 0 : i32
        %dma_start3A_49 = arith.constant 0 : i32
        %dma_start3A_50 = tpu.memref_slice %arg9[%dma_start3A, %dma_start3A_49] : memref<40x128xi32, #tpu.memory_space<vmem>> -> memref<39x128xi32, #tpu.memory_space<vmem>>
        %dma_start3A_51 = arith.constant 40 : i32
        %dma_start3A_52 = arith.constant 0 : i32
        %dma_start3A_53 = tpu.memref_slice %arg4[%arg1, %dma_start3A_51, %dma_start3A_52] : memref<16x79x128xi32, #tpu.memory_space<hbm>> -> memref<1x39x128xi32, #tpu.memory_space<hbm>>
        %dma_start3A_54 = tpu.memref_squeeze %dma_start3A_53 : memref<1x39x128xi32, #tpu.memory_space<hbm>> -> memref<39x128xi32, #tpu.memory_space<hbm>>
        %dma_start3A_55 = arith.constant 0 : i32
        %dma_start3A_56 = arith.constant 0 : i32
        %dma_start3A_57 = tpu.memref_slice %arg9[%dma_start3A_55, %dma_start3A_56] : memref<40x128xi32, #tpu.memory_space<vmem>> -> memref<39x128xi32, #tpu.memory_space<vmem>>
        %dma_start3A_58 = arith.constant 40 : i32
        %dma_start3A_59 = arith.constant 0 : i32
        %dma_start3A_60 = tpu.memref_slice %arg4[%arg1, %dma_start3A_58, %dma_start3A_59] : memref<16x79x128xi32, #tpu.memory_space<hbm>> -> memref<1x39x128xi32, #tpu.memory_space<hbm>>
        %dma_start3A_61 = tpu.memref_squeeze %dma_start3A_60 : memref<1x39x128xi32, #tpu.memory_space<hbm>> -> memref<39x128xi32, #tpu.memory_space<hbm>>
        tpu.enqueue_dma source(%dma_start3A_61 : memref<39x128xi32, #tpu.memory_space<hbm>>) target(%dma_start3A_57 : memref<39x128xi32, #tpu.memory_space<vmem>>) target_semaphore(%run_scoped3A : memref<!tpu.dma_semaphore, #tpu.memory_space<semaphore_mem>>)
        %dma_wait3A = arith.constant 0 : i32
        %dma_wait3A_62 = arith.constant 0 : i32
        %dma_wait3A_63 = tpu.memref_slice %arg9[%dma_wait3A, %dma_wait3A_62] : memref<40x128xi32, #tpu.memory_space<vmem>> -> memref<39x128xi32, #tpu.memory_space<vmem>>
        %dma_wait3A_64 = arith.constant 40 : i32
        %dma_wait3A_65 = arith.constant 0 : i32
        %dma_wait3A_66 = tpu.memref_slice %arg4[%arg1, %dma_wait3A_64, %dma_wait3A_65] : memref<16x79x128xi32, #tpu.memory_space<hbm>> -> memref<1x39x128xi32, #tpu.memory_space<hbm>>
        %dma_wait3A_67 = tpu.memref_squeeze %dma_wait3A_66 : memref<1x39x128xi32, #tpu.memory_space<hbm>> -> memref<39x128xi32, #tpu.memory_space<hbm>>
        %dma_wait3A_68 = arith.constant 0 : i32
        %dma_wait3A_69 = arith.constant 0 : i32
        %dma_wait3A_70 = tpu.memref_slice %arg9[%dma_wait3A_68, %dma_wait3A_69] : memref<40x128xi32, #tpu.memory_space<vmem>> -> memref<39x128xi32, #tpu.memory_space<vmem>>
        %dma_wait3A_71 = arith.constant 40 : i32
        %dma_wait3A_72 = arith.constant 0 : i32
        %dma_wait3A_73 = tpu.memref_slice %arg4[%arg1, %dma_wait3A_71, %dma_wait3A_72] : memref<16x79x128xi32, #tpu.memory_space<hbm>> -> memref<1x39x128xi32, #tpu.memory_space<hbm>>
        %dma_wait3A_74 = tpu.memref_squeeze %dma_wait3A_73 : memref<1x39x128xi32, #tpu.memory_space<hbm>> -> memref<39x128xi32, #tpu.memory_space<hbm>>
        tpu.wait_dma2 semaphore(%run_scoped3A : memref<!tpu.dma_semaphore, #tpu.memory_space<semaphore_mem>>) src(%dma_wait3A_74 : memref<39x128xi32, #tpu.memory_space<hbm>>) dst(%dma_wait3A_70 : memref<39x128xi32, #tpu.memory_space<vmem>>)
        tpu.yield
      }) : () -> ()
      "tpu.region"() ({
        %run_scoped3A = tpu.sem_alloc : memref<!tpu.dma_semaphore, #tpu.memory_space<semaphore_mem>>
        %dma_start3A = arith.constant 0 : i32
        %dma_start3A_49 = arith.constant 0 : i32
        %dma_start3A_50 = tpu.memref_slice %arg10[%dma_start3A, %dma_start3A_49] : memref<40x128xi32, #tpu.memory_space<vmem>> -> memref<39x128xi32, #tpu.memory_space<vmem>>
        %dma_start3A_51 = arith.constant 40 : i32
        %dma_start3A_52 = arith.constant 0 : i32
        %dma_start3A_53 = tpu.memref_slice %arg5[%arg1, %dma_start3A_51, %dma_start3A_52] : memref<16x79x128xi32, #tpu.memory_space<hbm>> -> memref<1x39x128xi32, #tpu.memory_space<hbm>>
        %dma_start3A_54 = tpu.memref_squeeze %dma_start3A_53 : memref<1x39x128xi32, #tpu.memory_space<hbm>> -> memref<39x128xi32, #tpu.memory_space<hbm>>
        %dma_start3A_55 = arith.constant 0 : i32
        %dma_start3A_56 = arith.constant 0 : i32
        %dma_start3A_57 = tpu.memref_slice %arg10[%dma_start3A_55, %dma_start3A_56] : memref<40x128xi32, #tpu.memory_space<vmem>> -> memref<39x128xi32, #tpu.memory_space<vmem>>
        %dma_start3A_58 = arith.constant 40 : i32
        %dma_start3A_59 = arith.constant 0 : i32
        %dma_start3A_60 = tpu.memref_slice %arg5[%arg1, %dma_start3A_58, %dma_start3A_59] : memref<16x79x128xi32, #tpu.memory_space<hbm>> -> memref<1x39x128xi32, #tpu.memory_space<hbm>>
        %dma_start3A_61 = tpu.memref_squeeze %dma_start3A_60 : memref<1x39x128xi32, #tpu.memory_space<hbm>> -> memref<39x128xi32, #tpu.memory_space<hbm>>
        tpu.enqueue_dma source(%dma_start3A_61 : memref<39x128xi32, #tpu.memory_space<hbm>>) target(%dma_start3A_57 : memref<39x128xi32, #tpu.memory_space<vmem>>) target_semaphore(%run_scoped3A : memref<!tpu.dma_semaphore, #tpu.memory_space<semaphore_mem>>)
        %dma_wait3A = arith.constant 0 : i32
        %dma_wait3A_62 = arith.constant 0 : i32
        %dma_wait3A_63 = tpu.memref_slice %arg10[%dma_wait3A, %dma_wait3A_62] : memref<40x128xi32, #tpu.memory_space<vmem>> -> memref<39x128xi32, #tpu.memory_space<vmem>>
        %dma_wait3A_64 = arith.constant 40 : i32
        %dma_wait3A_65 = arith.constant 0 : i32
        %dma_wait3A_66 = tpu.memref_slice %arg5[%arg1, %dma_wait3A_64, %dma_wait3A_65] : memref<16x79x128xi32, #tpu.memory_space<hbm>> -> memref<1x39x128xi32, #tpu.memory_space<hbm>>
        %dma_wait3A_67 = tpu.memref_squeeze %dma_wait3A_66 : memref<1x39x128xi32, #tpu.memory_space<hbm>> -> memref<39x128xi32, #tpu.memory_space<hbm>>
        %dma_wait3A_68 = arith.constant 0 : i32
        %dma_wait3A_69 = arith.constant 0 : i32
        %dma_wait3A_70 = tpu.memref_slice %arg10[%dma_wait3A_68, %dma_wait3A_69] : memref<40x128xi32, #tpu.memory_space<vmem>> -> memref<39x128xi32, #tpu.memory_space<vmem>>
        %dma_wait3A_71 = arith.constant 40 : i32
        %dma_wait3A_72 = arith.constant 0 : i32
        %dma_wait3A_73 = tpu.memref_slice %arg5[%arg1, %dma_wait3A_71, %dma_wait3A_72] : memref<16x79x128xi32, #tpu.memory_space<hbm>> -> memref<1x39x128xi32, #tpu.memory_space<hbm>>
        %dma_wait3A_74 = tpu.memref_squeeze %dma_wait3A_73 : memref<1x39x128xi32, #tpu.memory_space<hbm>> -> memref<39x128xi32, #tpu.memory_space<hbm>>
        tpu.wait_dma2 semaphore(%run_scoped3A : memref<!tpu.dma_semaphore, #tpu.memory_space<semaphore_mem>>) src(%dma_wait3A_74 : memref<39x128xi32, #tpu.memory_space<hbm>>) dst(%dma_wait3A_70 : memref<39x128xi32, #tpu.memory_space<vmem>>)
        tpu.yield
      }) : () -> ()
      %scan3A_22 = arith.constant 0 : i32
      %scan3A_23 = arith.constant 0 : i32
      %scan3A_24 = arith.constant 39 : i32
      %scan3A_25 = arith.addi %scan3A_23, %scan3A_24 : i32
      %scan3A_26 = arith.constant 1 : i32
      scf.for %scan3A_49 = %scan3A_23 to %scan3A_25 step %scan3A_26  : i32 {
        %dma_start3A = arith.constant 0 : i32
        %dma_start3A_50 = tpu.memref_slice %arg9[%scan3A_49, %dma_start3A] : memref<40x128xi32, #tpu.memory_space<vmem>> -> memref<1x128xi32, #tpu.memory_space<vmem>>
        %dma_start3A_51 = tpu.memref_squeeze %dma_start3A_50 : memref<1x128xi32, #tpu.memory_space<vmem>> -> memref<128xi32, #tpu.memory_space<vmem>>
        %dma_start3A_52 = arith.constant 0 : i32
        %dma_start3A_53 = arith.constant 0 : i32
        %dma_start3A_54 = tpu.memref_slice %arg3[%dma_start3A_52, %dma_start3A_53] : memref<10000x128xf32, #tpu.memory_space<hbm>> -> memref<10000x128xf32, #tpu.memory_space<hbm>>
        tpu.enqueue_indirect_dma source(%dma_start3A_54 : memref<10000x128xf32, #tpu.memory_space<hbm>>) target(%arg11 : memref<128x128xf32, #tpu.memory_space<vmem>>) offsets(%dma_start3A_51 : memref<128xi32, #tpu.memory_space<vmem>>) semaphore(%arg13 : memref<!tpu.dma_semaphore, #tpu.memory_space<semaphore_mem>>)
        %dma_wait3A = arith.constant 0 : i32
        %dma_wait3A_55 = tpu.memref_slice %arg9[%scan3A_49, %dma_wait3A] : memref<40x128xi32, #tpu.memory_space<vmem>> -> memref<1x128xi32, #tpu.memory_space<vmem>>
        %dma_wait3A_56 = tpu.memref_squeeze %dma_wait3A_55 : memref<1x128xi32, #tpu.memory_space<vmem>> -> memref<128xi32, #tpu.memory_space<vmem>>
        %dma_wait3A_57 = arith.constant 0 : i32
        %dma_wait3A_58 = arith.constant 0 : i32
        %dma_wait3A_59 = tpu.memref_slice %arg3[%dma_wait3A_57, %dma_wait3A_58] : memref<10000x128xf32, #tpu.memory_space<hbm>> -> memref<10000x128xf32, #tpu.memory_space<hbm>>
        tpu.wait_indirect_dma semaphore(%arg13 : memref<!tpu.dma_semaphore, #tpu.memory_space<semaphore_mem>>) src(%dma_wait3A_59 : memref<10000x128xf32, #tpu.memory_space<hbm>>) dst(%arg11 : memref<128x128xf32, #tpu.memory_space<vmem>>)
        "tpu.region"() ({
          %run_scoped3A = tpu.sem_alloc : memref<!tpu.dma_semaphore, #tpu.memory_space<semaphore_mem>>
          %dma_start3A_60 = arith.constant 0 : i32
          %dma_start3A_61 = tpu.memref_slice %arg10[%scan3A_49, %dma_start3A_60] : memref<40x128xi32, #tpu.memory_space<vmem>> -> memref<1x128xi32, #tpu.memory_space<vmem>>
          %dma_start3A_62 = tpu.memref_squeeze %dma_start3A_61 : memref<1x128xi32, #tpu.memory_space<vmem>> -> memref<128xi32, #tpu.memory_space<vmem>>
          %dma_start3A_63 = arith.constant 0 : i32
          %dma_start3A_64 = arith.constant 0 : i32
          %dma_start3A_65 = tpu.memref_slice %arg12[%dma_start3A_63, %dma_start3A_64] : memref<10112x128xf32, #tpu.memory_space<vmem_shared>> -> memref<10112x128xf32, #tpu.memory_space<vmem_shared>>
          tpu.enqueue_indirect_dma source(%arg11 : memref<128x128xf32, #tpu.memory_space<vmem>>) target(%dma_start3A_65 : memref<10112x128xf32, #tpu.memory_space<vmem_shared>>) offsets(%dma_start3A_62 : memref<128xi32, #tpu.memory_space<vmem>>) semaphore(%run_scoped3A : memref<!tpu.dma_semaphore, #tpu.memory_space<semaphore_mem>>) {add = true}
          %dma_wait3A_66 = arith.constant 0 : i32
          %dma_wait3A_67 = tpu.memref_slice %arg10[%scan3A_49, %dma_wait3A_66] : memref<40x128xi32, #tpu.memory_space<vmem>> -> memref<1x128xi32, #tpu.memory_space<vmem>>
          %dma_wait3A_68 = tpu.memref_squeeze %dma_wait3A_67 : memref<1x128xi32, #tpu.memory_space<vmem>> -> memref<128xi32, #tpu.memory_space<vmem>>
          %dma_wait3A_69 = arith.constant 0 : i32
          %dma_wait3A_70 = arith.constant 0 : i32
          %dma_wait3A_71 = tpu.memref_slice %arg12[%dma_wait3A_69, %dma_wait3A_70] : memref<10112x128xf32, #tpu.memory_space<vmem_shared>> -> memref<10112x128xf32, #tpu.memory_space<vmem_shared>>
          tpu.wait_indirect_dma semaphore(%run_scoped3A : memref<!tpu.dma_semaphore, #tpu.memory_space<semaphore_mem>>) src(%arg11 : memref<128x128xf32, #tpu.memory_space<vmem>>) dst(%dma_wait3A_71 : memref<10112x128xf32, #tpu.memory_space<vmem_shared>>)
          tpu.yield
        }) : () -> ()
      }
      %scan3A_27 = arith.constant 39 : i32
      %barrier3A_28 = arith.constant 0 : index
      tpu.barrier barrier_id(%barrier3A_28)
      %add3A_29 = arith.constant 0 : i32
      %add3A_30 = arith.addi %mul3A_7, %add3A_29 : i32
      "tpu.region"() ({
        %run_scoped3A = tpu.sem_alloc : memref<!tpu.dma_semaphore, #tpu.memory_space<semaphore_mem>>
        %dma_start3A = arith.constant 0 : i32
        %dma_start3A_49 = arith.constant 0 : i32
        %dma_start3A_50 = tpu.memref_slice %arg11[%dma_start3A, %dma_start3A_49] : memref<128x128xf32, #tpu.memory_space<vmem>> -> memref<128x128xf32, #tpu.memory_space<vmem>>
        %dma_start3A_51 = arith.constant 0 : i32
        %dma_start3A_52 = tpu.memref_slice %arg12[%add3A_30, %dma_start3A_51] : memref<10112x128xf32, #tpu.memory_space<vmem_shared>> -> memref<128x128xf32, #tpu.memory_space<vmem_shared>>
        %dma_start3A_53 = arith.constant 0 : i32
        %dma_start3A_54 = arith.constant 0 : i32
        %dma_start3A_55 = tpu.memref_slice %arg11[%dma_start3A_53, %dma_start3A_54] : memref<128x128xf32, #tpu.memory_space<vmem>> -> memref<128x128xf32, #tpu.memory_space<vmem>>
        %dma_start3A_56 = arith.constant 0 : i32
        %dma_start3A_57 = tpu.memref_slice %arg12[%add3A_30, %dma_start3A_56] : memref<10112x128xf32, #tpu.memory_space<vmem_shared>> -> memref<128x128xf32, #tpu.memory_space<vmem_shared>>
        tpu.enqueue_dma source(%dma_start3A_57 : memref<128x128xf32, #tpu.memory_space<vmem_shared>>) target(%dma_start3A_55 : memref<128x128xf32, #tpu.memory_space<vmem>>) target_semaphore(%run_scoped3A : memref<!tpu.dma_semaphore, #tpu.memory_space<semaphore_mem>>)
        %dma_wait3A = arith.constant 0 : i32
        %dma_wait3A_58 = arith.constant 0 : i32
        %dma_wait3A_59 = tpu.memref_slice %arg11[%dma_wait3A, %dma_wait3A_58] : memref<128x128xf32, #tpu.memory_space<vmem>> -> memref<128x128xf32, #tpu.memory_space<vmem>>
        %dma_wait3A_60 = arith.constant 0 : i32
        %dma_wait3A_61 = tpu.memref_slice %arg12[%add3A_30, %dma_wait3A_60] : memref<10112x128xf32, #tpu.memory_space<vmem_shared>> -> memref<128x128xf32, #tpu.memory_space<vmem_shared>>
        %dma_wait3A_62 = arith.constant 0 : i32
        %dma_wait3A_63 = arith.constant 0 : i32
        %dma_wait3A_64 = tpu.memref_slice %arg11[%dma_wait3A_62, %dma_wait3A_63] : memref<128x128xf32, #tpu.memory_space<vmem>> -> memref<128x128xf32, #tpu.memory_space<vmem>>
        %dma_wait3A_65 = arith.constant 0 : i32
        %dma_wait3A_66 = tpu.memref_slice %arg12[%add3A_30, %dma_wait3A_65] : memref<10112x128xf32, #tpu.memory_space<vmem_shared>> -> memref<128x128xf32, #tpu.memory_space<vmem_shared>>
        tpu.wait_dma2 semaphore(%run_scoped3A : memref<!tpu.dma_semaphore, #tpu.memory_space<semaphore_mem>>) src(%dma_wait3A_66 : memref<128x128xf32, #tpu.memory_space<vmem_shared>>) dst(%dma_wait3A_64 : memref<128x128xf32, #tpu.memory_space<vmem>>)
        tpu.yield
      }) : () -> ()
      %add3A_31 = arith.constant 0 : i32
      %add3A_32 = arith.addi %mul3A_7, %add3A_31 : i32
      "tpu.region"() ({
        %run_scoped3A = tpu.sem_alloc : memref<!tpu.dma_semaphore, #tpu.memory_space<semaphore_mem>>
        %dma_start3A = arith.constant 0 : i32
        %dma_start3A_49 = arith.constant 0 : i32
        %dma_start3A_50 = tpu.memref_slice %arg11[%dma_start3A, %dma_start3A_49] : memref<128x128xf32, #tpu.memory_space<vmem>> -> memref<128x128xf32, #tpu.memory_space<vmem>>
        %dma_start3A_51 = arith.constant 0 : i32
        %dma_start3A_52 = tpu.memref_slice %arg8[%add3A_32, %dma_start3A_51] : memref<10112x128xf32, #tpu.memory_space<hbm>> -> memref<128x128xf32, #tpu.memory_space<hbm>>
        %dma_start3A_53 = arith.constant 0 : i32
        %dma_start3A_54 = tpu.memref_slice %arg8[%add3A_32, %dma_start3A_53] : memref<10112x128xf32, #tpu.memory_space<hbm>> -> memref<128x128xf32, #tpu.memory_space<hbm>>
        %dma_start3A_55 = arith.constant 0 : i32
        %dma_start3A_56 = arith.constant 0 : i32
        %dma_start3A_57 = tpu.memref_slice %arg11[%dma_start3A_55, %dma_start3A_56] : memref<128x128xf32, #tpu.memory_space<vmem>> -> memref<128x128xf32, #tpu.memory_space<vmem>>
        tpu.enqueue_dma source(%dma_start3A_57 : memref<128x128xf32, #tpu.memory_space<vmem>>) target(%dma_start3A_54 : memref<128x128xf32, #tpu.memory_space<hbm>>) target_semaphore(%run_scoped3A : memref<!tpu.dma_semaphore, #tpu.memory_space<semaphore_mem>>)
        %dma_wait3A = arith.constant 0 : i32
        %dma_wait3A_58 = arith.constant 0 : i32
        %dma_wait3A_59 = tpu.memref_slice %arg11[%dma_wait3A, %dma_wait3A_58] : memref<128x128xf32, #tpu.memory_space<vmem>> -> memref<128x128xf32, #tpu.memory_space<vmem>>
        %dma_wait3A_60 = arith.constant 0 : i32
        %dma_wait3A_61 = tpu.memref_slice %arg8[%add3A_32, %dma_wait3A_60] : memref<10112x128xf32, #tpu.memory_space<hbm>> -> memref<128x128xf32, #tpu.memory_space<hbm>>
        %dma_wait3A_62 = arith.constant 0 : i32
        %dma_wait3A_63 = tpu.memref_slice %arg8[%add3A_32, %dma_wait3A_62] : memref<10112x128xf32, #tpu.memory_space<hbm>> -> memref<128x128xf32, #tpu.memory_space<hbm>>
        %dma_wait3A_64 = arith.constant 0 : i32
        %dma_wait3A_65 = arith.constant 0 : i32
        %dma_wait3A_66 = tpu.memref_slice %arg11[%dma_wait3A_64, %dma_wait3A_65] : memref<128x128xf32, #tpu.memory_space<vmem>> -> memref<128x128xf32, #tpu.memory_space<vmem>>
        tpu.wait_dma2 semaphore(%run_scoped3A : memref<!tpu.dma_semaphore, #tpu.memory_space<semaphore_mem>>) src(%dma_wait3A_66 : memref<128x128xf32, #tpu.memory_space<vmem>>) dst(%dma_wait3A_63 : memref<128x128xf32, #tpu.memory_space<hbm>>)
        tpu.yield
      }) : () -> ()
      %add3A_33 = arith.constant 128 : i32
      %add3A_34 = arith.addi %mul3A_7, %add3A_33 : i32
      "tpu.region"() ({
        %run_scoped3A = tpu.sem_alloc : memref<!tpu.dma_semaphore, #tpu.memory_space<semaphore_mem>>
        %dma_start3A = arith.constant 0 : i32
        %dma_start3A_49 = arith.constant 0 : i32
        %dma_start3A_50 = tpu.memref_slice %arg11[%dma_start3A, %dma_start3A_49] : memref<128x128xf32, #tpu.memory_space<vmem>> -> memref<128x128xf32, #tpu.memory_space<vmem>>
        %dma_start3A_51 = arith.constant 0 : i32
        %dma_start3A_52 = tpu.memref_slice %arg12[%add3A_34, %dma_start3A_51] : memref<10112x128xf32, #tpu.memory_space<vmem_shared>> -> memref<128x128xf32, #tpu.memory_space<vmem_shared>>
        %dma_start3A_53 = arith.constant 0 : i32
        %dma_start3A_54 = arith.constant 0 : i32
        %dma_start3A_55 = tpu.memref_slice %arg11[%dma_start3A_53, %dma_start3A_54] : memref<128x128xf32, #tpu.memory_space<vmem>> -> memref<128x128xf32, #tpu.memory_space<vmem>>
        %dma_start3A_56 = arith.constant 0 : i32
        %dma_start3A_57 = tpu.memref_slice %arg12[%add3A_34, %dma_start3A_56] : memref<10112x128xf32, #tpu.memory_space<vmem_shared>> -> memref<128x128xf32, #tpu.memory_space<vmem_shared>>
        tpu.enqueue_dma source(%dma_start3A_57 : memref<128x128xf32, #tpu.memory_space<vmem_shared>>) target(%dma_start3A_55 : memref<128x128xf32, #tpu.memory_space<vmem>>) target_semaphore(%run_scoped3A : memref<!tpu.dma_semaphore, #tpu.memory_space<semaphore_mem>>)
        %dma_wait3A = arith.constant 0 : i32
        %dma_wait3A_58 = arith.constant 0 : i32
        %dma_wait3A_59 = tpu.memref_slice %arg11[%dma_wait3A, %dma_wait3A_58] : memref<128x128xf32, #tpu.memory_space<vmem>> -> memref<128x128xf32, #tpu.memory_space<vmem>>
        %dma_wait3A_60 = arith.constant 0 : i32
        %dma_wait3A_61 = tpu.memref_slice %arg12[%add3A_34, %dma_wait3A_60] : memref<10112x128xf32, #tpu.memory_space<vmem_shared>> -> memref<128x128xf32, #tpu.memory_space<vmem_shared>>
        %dma_wait3A_62 = arith.constant 0 : i32
        %dma_wait3A_63 = arith.constant 0 : i32
        %dma_wait3A_64 = tpu.memref_slice %arg11[%dma_wait3A_62, %dma_wait3A_63] : memref<128x128xf32, #tpu.memory_space<vmem>> -> memref<128x128xf32, #tpu.memory_space<vmem>>
        %dma_wait3A_65 = arith.constant 0 : i32
        %dma_wait3A_66 = tpu.memref_slice %arg12[%add3A_34, %dma_wait3A_65] : memref<10112x128xf32, #tpu.memory_space<vmem_shared>> -> memref<128x128xf32, #tpu.memory_space<vmem_shared>>
        tpu.wait_dma2 semaphore(%run_scoped3A : memref<!tpu.dma_semaphore, #tpu.memory_space<semaphore_mem>>) src(%dma_wait3A_66 : memref<128x128xf32, #tpu.memory_space<vmem_shared>>) dst(%dma_wait3A_64 : memref<128x128xf32, #tpu.memory_space<vmem>>)
        tpu.yield
      }) : () -> ()
      %add3A_35 = arith.constant 128 : i32
      %add3A_36 = arith.addi %mul3A_7, %add3A_35 : i32
      "tpu.region"() ({
        %run_scoped3A = tpu.sem_alloc : memref<!tpu.dma_semaphore, #tpu.memory_space<semaphore_mem>>
        %dma_start3A = arith.constant 0 : i32
        %dma_start3A_49 = arith.constant 0 : i32
        %dma_start3A_50 = tpu.memref_slice %arg11[%dma_start3A, %dma_start3A_49] : memref<128x128xf32, #tpu.memory_space<vmem>> -> memref<128x128xf32, #tpu.memory_space<vmem>>
        %dma_start3A_51 = arith.constant 0 : i32
        %dma_start3A_52 = tpu.memref_slice %arg8[%add3A_36, %dma_start3A_51] : memref<10112x128xf32, #tpu.memory_space<hbm>> -> memref<128x128xf32, #tpu.memory_space<hbm>>
        %dma_start3A_53 = arith.constant 0 : i32
        %dma_start3A_54 = tpu.memref_slice %arg8[%add3A_36, %dma_start3A_53] : memref<10112x128xf32, #tpu.memory_space<hbm>> -> memref<128x128xf32, #tpu.memory_space<hbm>>
        %dma_start3A_55 = arith.constant 0 : i32
        %dma_start3A_56 = arith.constant 0 : i32
        %dma_start3A_57 = tpu.memref_slice %arg11[%dma_start3A_55, %dma_start3A_56] : memref<128x128xf32, #tpu.memory_space<vmem>> -> memref<128x128xf32, #tpu.memory_space<vmem>>
        tpu.enqueue_dma source(%dma_start3A_57 : memref<128x128xf32, #tpu.memory_space<vmem>>) target(%dma_start3A_54 : memref<128x128xf32, #tpu.memory_space<hbm>>) target_semaphore(%run_scoped3A : memref<!tpu.dma_semaphore, #tpu.memory_space<semaphore_mem>>)
        %dma_wait3A = arith.constant 0 : i32
        %dma_wait3A_58 = arith.constant 0 : i32
        %dma_wait3A_59 = tpu.memref_slice %arg11[%dma_wait3A, %dma_wait3A_58] : memref<128x128xf32, #tpu.memory_space<vmem>> -> memref<128x128xf32, #tpu.memory_space<vmem>>
        %dma_wait3A_60 = arith.constant 0 : i32
        %dma_wait3A_61 = tpu.memref_slice %arg8[%add3A_36, %dma_wait3A_60] : memref<10112x128xf32, #tpu.memory_space<hbm>> -> memref<128x128xf32, #tpu.memory_space<hbm>>
        %dma_wait3A_62 = arith.constant 0 : i32
        %dma_wait3A_63 = tpu.memref_slice %arg8[%add3A_36, %dma_wait3A_62] : memref<10112x128xf32, #tpu.memory_space<hbm>> -> memref<128x128xf32, #tpu.memory_space<hbm>>
        %dma_wait3A_64 = arith.constant 0 : i32
        %dma_wait3A_65 = arith.constant 0 : i32
        %dma_wait3A_66 = tpu.memref_slice %arg11[%dma_wait3A_64, %dma_wait3A_65] : memref<128x128xf32, #tpu.memory_space<vmem>> -> memref<128x128xf32, #tpu.memory_space<vmem>>
        tpu.wait_dma2 semaphore(%run_scoped3A : memref<!tpu.dma_semaphore, #tpu.memory_space<semaphore_mem>>) src(%dma_wait3A_66 : memref<128x128xf32, #tpu.memory_space<vmem>>) dst(%dma_wait3A_63 : memref<128x128xf32, #tpu.memory_space<hbm>>)
        tpu.yield
      }) : () -> ()
      %add3A_37 = arith.constant 256 : i32
      %add3A_38 = arith.addi %mul3A_7, %add3A_37 : i32
      "tpu.region"() ({
        %run_scoped3A = tpu.sem_alloc : memref<!tpu.dma_semaphore, #tpu.memory_space<semaphore_mem>>
        %dma_start3A = arith.constant 0 : i32
        %dma_start3A_49 = arith.constant 0 : i32
        %dma_start3A_50 = tpu.memref_slice %arg11[%dma_start3A, %dma_start3A_49] : memref<128x128xf32, #tpu.memory_space<vmem>> -> memref<128x128xf32, #tpu.memory_space<vmem>>
        %dma_start3A_51 = arith.constant 0 : i32
        %dma_start3A_52 = tpu.memref_slice %arg12[%add3A_38, %dma_start3A_51] : memref<10112x128xf32, #tpu.memory_space<vmem_shared>> -> memref<128x128xf32, #tpu.memory_space<vmem_shared>>
        %dma_start3A_53 = arith.constant 0 : i32
        %dma_start3A_54 = arith.constant 0 : i32
        %dma_start3A_55 = tpu.memref_slice %arg11[%dma_start3A_53, %dma_start3A_54] : memref<128x128xf32, #tpu.memory_space<vmem>> -> memref<128x128xf32, #tpu.memory_space<vmem>>
        %dma_start3A_56 = arith.constant 0 : i32
        %dma_start3A_57 = tpu.memref_slice %arg12[%add3A_38, %dma_start3A_56] : memref<10112x128xf32, #tpu.memory_space<vmem_shared>> -> memref<128x128xf32, #tpu.memory_space<vmem_shared>>
        tpu.enqueue_dma source(%dma_start3A_57 : memref<128x128xf32, #tpu.memory_space<vmem_shared>>) target(%dma_start3A_55 : memref<128x128xf32, #tpu.memory_space<vmem>>) target_semaphore(%run_scoped3A : memref<!tpu.dma_semaphore, #tpu.memory_space<semaphore_mem>>)
        %dma_wait3A = arith.constant 0 : i32
        %dma_wait3A_58 = arith.constant 0 : i32
        %dma_wait3A_59 = tpu.memref_slice %arg11[%dma_wait3A, %dma_wait3A_58] : memref<128x128xf32, #tpu.memory_space<vmem>> -> memref<128x128xf32, #tpu.memory_space<vmem>>
        %dma_wait3A_60 = arith.constant 0 : i32
        %dma_wait3A_61 = tpu.memref_slice %arg12[%add3A_38, %dma_wait3A_60] : memref<10112x128xf32, #tpu.memory_space<vmem_shared>> -> memref<128x128xf32, #tpu.memory_space<vmem_shared>>
        %dma_wait3A_62 = arith.constant 0 : i32
        %dma_wait3A_63 = arith.constant 0 : i32
        %dma_wait3A_64 = tpu.memref_slice %arg11[%dma_wait3A_62, %dma_wait3A_63] : memref<128x128xf32, #tpu.memory_space<vmem>> -> memref<128x128xf32, #tpu.memory_space<vmem>>
        %dma_wait3A_65 = arith.constant 0 : i32
        %dma_wait3A_66 = tpu.memref_slice %arg12[%add3A_38, %dma_wait3A_65] : memref<10112x128xf32, #tpu.memory_space<vmem_shared>> -> memref<128x128xf32, #tpu.memory_space<vmem_shared>>
        tpu.wait_dma2 semaphore(%run_scoped3A : memref<!tpu.dma_semaphore, #tpu.memory_space<semaphore_mem>>) src(%dma_wait3A_66 : memref<128x128xf32, #tpu.memory_space<vmem_shared>>) dst(%dma_wait3A_64 : memref<128x128xf32, #tpu.memory_space<vmem>>)
        tpu.yield
      }) : () -> ()
      %add3A_39 = arith.constant 256 : i32
      %add3A_40 = arith.addi %mul3A_7, %add3A_39 : i32
      "tpu.region"() ({
        %run_scoped3A = tpu.sem_alloc : memref<!tpu.dma_semaphore, #tpu.memory_space<semaphore_mem>>
        %dma_start3A = arith.constant 0 : i32
        %dma_start3A_49 = arith.constant 0 : i32
        %dma_start3A_50 = tpu.memref_slice %arg11[%dma_start3A, %dma_start3A_49] : memref<128x128xf32, #tpu.memory_space<vmem>> -> memref<128x128xf32, #tpu.memory_space<vmem>>
        %dma_start3A_51 = arith.constant 0 : i32
        %dma_start3A_52 = tpu.memref_slice %arg8[%add3A_40, %dma_start3A_51] : memref<10112x128xf32, #tpu.memory_space<hbm>> -> memref<128x128xf32, #tpu.memory_space<hbm>>
        %dma_start3A_53 = arith.constant 0 : i32
        %dma_start3A_54 = tpu.memref_slice %arg8[%add3A_40, %dma_start3A_53] : memref<10112x128xf32, #tpu.memory_space<hbm>> -> memref<128x128xf32, #tpu.memory_space<hbm>>
        %dma_start3A_55 = arith.constant 0 : i32
        %dma_start3A_56 = arith.constant 0 : i32
        %dma_start3A_57 = tpu.memref_slice %arg11[%dma_start3A_55, %dma_start3A_56] : memref<128x128xf32, #tpu.memory_space<vmem>> -> memref<128x128xf32, #tpu.memory_space<vmem>>
        tpu.enqueue_dma source(%dma_start3A_57 : memref<128x128xf32, #tpu.memory_space<vmem>>) target(%dma_start3A_54 : memref<128x128xf32, #tpu.memory_space<hbm>>) target_semaphore(%run_scoped3A : memref<!tpu.dma_semaphore, #tpu.memory_space<semaphore_mem>>)
        %dma_wait3A = arith.constant 0 : i32
        %dma_wait3A_58 = arith.constant 0 : i32
        %dma_wait3A_59 = tpu.memref_slice %arg11[%dma_wait3A, %dma_wait3A_58] : memref<128x128xf32, #tpu.memory_space<vmem>> -> memref<128x128xf32, #tpu.memory_space<vmem>>
        %dma_wait3A_60 = arith.constant 0 : i32
        %dma_wait3A_61 = tpu.memref_slice %arg8[%add3A_40, %dma_wait3A_60] : memref<10112x128xf32, #tpu.memory_space<hbm>> -> memref<128x128xf32, #tpu.memory_space<hbm>>
        %dma_wait3A_62 = arith.constant 0 : i32
        %dma_wait3A_63 = tpu.memref_slice %arg8[%add3A_40, %dma_wait3A_62] : memref<10112x128xf32, #tpu.memory_space<hbm>> -> memref<128x128xf32, #tpu.memory_space<hbm>>
        %dma_wait3A_64 = arith.constant 0 : i32
        %dma_wait3A_65 = arith.constant 0 : i32
        %dma_wait3A_66 = tpu.memref_slice %arg11[%dma_wait3A_64, %dma_wait3A_65] : memref<128x128xf32, #tpu.memory_space<vmem>> -> memref<128x128xf32, #tpu.memory_space<vmem>>
        tpu.wait_dma2 semaphore(%run_scoped3A : memref<!tpu.dma_semaphore, #tpu.memory_space<semaphore_mem>>) src(%dma_wait3A_66 : memref<128x128xf32, #tpu.memory_space<vmem>>) dst(%dma_wait3A_63 : memref<128x128xf32, #tpu.memory_space<hbm>>)
        tpu.yield
      }) : () -> ()
      %add3A_41 = arith.constant 384 : i32
      %add3A_42 = arith.addi %mul3A_7, %add3A_41 : i32
      "tpu.region"() ({
        %run_scoped3A = tpu.sem_alloc : memref<!tpu.dma_semaphore, #tpu.memory_space<semaphore_mem>>
        %dma_start3A = arith.constant 0 : i32
        %dma_start3A_49 = arith.constant 0 : i32
        %dma_start3A_50 = tpu.memref_slice %arg11[%dma_start3A, %dma_start3A_49] : memref<128x128xf32, #tpu.memory_space<vmem>> -> memref<128x128xf32, #tpu.memory_space<vmem>>
        %dma_start3A_51 = arith.constant 0 : i32
        %dma_start3A_52 = tpu.memref_slice %arg12[%add3A_42, %dma_start3A_51] : memref<10112x128xf32, #tpu.memory_space<vmem_shared>> -> memref<128x128xf32, #tpu.memory_space<vmem_shared>>
        %dma_start3A_53 = arith.constant 0 : i32
        %dma_start3A_54 = arith.constant 0 : i32
        %dma_start3A_55 = tpu.memref_slice %arg11[%dma_start3A_53, %dma_start3A_54] : memref<128x128xf32, #tpu.memory_space<vmem>> -> memref<128x128xf32, #tpu.memory_space<vmem>>
        %dma_start3A_56 = arith.constant 0 : i32
        %dma_start3A_57 = tpu.memref_slice %arg12[%add3A_42, %dma_start3A_56] : memref<10112x128xf32, #tpu.memory_space<vmem_shared>> -> memref<128x128xf32, #tpu.memory_space<vmem_shared>>
        tpu.enqueue_dma source(%dma_start3A_57 : memref<128x128xf32, #tpu.memory_space<vmem_shared>>) target(%dma_start3A_55 : memref<128x128xf32, #tpu.memory_space<vmem>>) target_semaphore(%run_scoped3A : memref<!tpu.dma_semaphore, #tpu.memory_space<semaphore_mem>>)
        %dma_wait3A = arith.constant 0 : i32
        %dma_wait3A_58 = arith.constant 0 : i32
        %dma_wait3A_59 = tpu.memref_slice %arg11[%dma_wait3A, %dma_wait3A_58] : memref<128x128xf32, #tpu.memory_space<vmem>> -> memref<128x128xf32, #tpu.memory_space<vmem>>
        %dma_wait3A_60 = arith.constant 0 : i32
        %dma_wait3A_61 = tpu.memref_slice %arg12[%add3A_42, %dma_wait3A_60] : memref<10112x128xf32, #tpu.memory_space<vmem_shared>> -> memref<128x128xf32, #tpu.memory_space<vmem_shared>>
        %dma_wait3A_62 = arith.constant 0 : i32
        %dma_wait3A_63 = arith.constant 0 : i32
        %dma_wait3A_64 = tpu.memref_slice %arg11[%dma_wait3A_62, %dma_wait3A_63] : memref<128x128xf32, #tpu.memory_space<vmem>> -> memref<128x128xf32, #tpu.memory_space<vmem>>
        %dma_wait3A_65 = arith.constant 0 : i32
        %dma_wait3A_66 = tpu.memref_slice %arg12[%add3A_42, %dma_wait3A_65] : memref<10112x128xf32, #tpu.memory_space<vmem_shared>> -> memref<128x128xf32, #tpu.memory_space<vmem_shared>>
        tpu.wait_dma2 semaphore(%run_scoped3A : memref<!tpu.dma_semaphore, #tpu.memory_space<semaphore_mem>>) src(%dma_wait3A_66 : memref<128x128xf32, #tpu.memory_space<vmem_shared>>) dst(%dma_wait3A_64 : memref<128x128xf32, #tpu.memory_space<vmem>>)
        tpu.yield
      }) : () -> ()
      %add3A_43 = arith.constant 384 : i32
      %add3A_44 = arith.addi %mul3A_7, %add3A_43 : i32
      "tpu.region"() ({
        %run_scoped3A = tpu.sem_alloc : memref<!tpu.dma_semaphore, #tpu.memory_space<semaphore_mem>>
        %dma_start3A = arith.constant 0 : i32
        %dma_start3A_49 = arith.constant 0 : i32
        %dma_start3A_50 = tpu.memref_slice %arg11[%dma_start3A, %dma_start3A_49] : memref<128x128xf32, #tpu.memory_space<vmem>> -> memref<128x128xf32, #tpu.memory_space<vmem>>
        %dma_start3A_51 = arith.constant 0 : i32
        %dma_start3A_52 = tpu.memref_slice %arg8[%add3A_44, %dma_start3A_51] : memref<10112x128xf32, #tpu.memory_space<hbm>> -> memref<128x128xf32, #tpu.memory_space<hbm>>
        %dma_start3A_53 = arith.constant 0 : i32
        %dma_start3A_54 = tpu.memref_slice %arg8[%add3A_44, %dma_start3A_53] : memref<10112x128xf32, #tpu.memory_space<hbm>> -> memref<128x128xf32, #tpu.memory_space<hbm>>
        %dma_start3A_55 = arith.constant 0 : i32
        %dma_start3A_56 = arith.constant 0 : i32
        %dma_start3A_57 = tpu.memref_slice %arg11[%dma_start3A_55, %dma_start3A_56] : memref<128x128xf32, #tpu.memory_space<vmem>> -> memref<128x128xf32, #tpu.memory_space<vmem>>
        tpu.enqueue_dma source(%dma_start3A_57 : memref<128x128xf32, #tpu.memory_space<vmem>>) target(%dma_start3A_54 : memref<128x128xf32, #tpu.memory_space<hbm>>) target_semaphore(%run_scoped3A : memref<!tpu.dma_semaphore, #tpu.memory_space<semaphore_mem>>)
        %dma_wait3A = arith.constant 0 : i32
        %dma_wait3A_58 = arith.constant 0 : i32
        %dma_wait3A_59 = tpu.memref_slice %arg11[%dma_wait3A, %dma_wait3A_58] : memref<128x128xf32, #tpu.memory_space<vmem>> -> memref<128x128xf32, #tpu.memory_space<vmem>>
        %dma_wait3A_60 = arith.constant 0 : i32
        %dma_wait3A_61 = tpu.memref_slice %arg8[%add3A_44, %dma_wait3A_60] : memref<10112x128xf32, #tpu.memory_space<hbm>> -> memref<128x128xf32, #tpu.memory_space<hbm>>
        %dma_wait3A_62 = arith.constant 0 : i32
        %dma_wait3A_63 = tpu.memref_slice %arg8[%add3A_44, %dma_wait3A_62] : memref<10112x128xf32, #tpu.memory_space<hbm>> -> memref<128x128xf32, #tpu.memory_space<hbm>>
        %dma_wait3A_64 = arith.constant 0 : i32
        %dma_wait3A_65 = arith.constant 0 : i32
        %dma_wait3A_66 = tpu.memref_slice %arg11[%dma_wait3A_64, %dma_wait3A_65] : memref<128x128xf32, #tpu.memory_space<vmem>> -> memref<128x128xf32, #tpu.memory_space<vmem>>
        tpu.wait_dma2 semaphore(%run_scoped3A : memref<!tpu.dma_semaphore, #tpu.memory_space<semaphore_mem>>) src(%dma_wait3A_66 : memref<128x128xf32, #tpu.memory_space<vmem>>) dst(%dma_wait3A_63 : memref<128x128xf32, #tpu.memory_space<hbm>>)
        tpu.yield
      }) : () -> ()
      %add3A_45 = arith.constant 512 : i32
      %add3A_46 = arith.addi %mul3A_7, %add3A_45 : i32
      "tpu.region"() ({
        %run_scoped3A = tpu.sem_alloc : memref<!tpu.dma_semaphore, #tpu.memory_space<semaphore_mem>>
        %dma_start3A = arith.constant 0 : i32
        %dma_start3A_49 = arith.constant 0 : i32
        %dma_start3A_50 = tpu.memref_slice %arg11[%dma_start3A, %dma_start3A_49] : memref<128x128xf32, #tpu.memory_space<vmem>> -> memref<120x128xf32, #tpu.memory_space<vmem>>
        %dma_start3A_51 = arith.constant 0 : i32
        %dma_start3A_52 = tpu.memref_slice %arg12[%add3A_46, %dma_start3A_51] : memref<10112x128xf32, #tpu.memory_space<vmem_shared>> -> memref<120x128xf32, #tpu.memory_space<vmem_shared>>
        %dma_start3A_53 = arith.constant 0 : i32
        %dma_start3A_54 = arith.constant 0 : i32
        %dma_start3A_55 = tpu.memref_slice %arg11[%dma_start3A_53, %dma_start3A_54] : memref<128x128xf32, #tpu.memory_space<vmem>> -> memref<120x128xf32, #tpu.memory_space<vmem>>
        %dma_start3A_56 = arith.constant 0 : i32
        %dma_start3A_57 = tpu.memref_slice %arg12[%add3A_46, %dma_start3A_56] : memref<10112x128xf32, #tpu.memory_space<vmem_shared>> -> memref<120x128xf32, #tpu.memory_space<vmem_shared>>
        tpu.enqueue_dma source(%dma_start3A_57 : memref<120x128xf32, #tpu.memory_space<vmem_shared>>) target(%dma_start3A_55 : memref<120x128xf32, #tpu.memory_space<vmem>>) target_semaphore(%run_scoped3A : memref<!tpu.dma_semaphore, #tpu.memory_space<semaphore_mem>>)
        %dma_wait3A = arith.constant 0 : i32
        %dma_wait3A_58 = arith.constant 0 : i32
        %dma_wait3A_59 = tpu.memref_slice %arg11[%dma_wait3A, %dma_wait3A_58] : memref<128x128xf32, #tpu.memory_space<vmem>> -> memref<120x128xf32, #tpu.memory_space<vmem>>
        %dma_wait3A_60 = arith.constant 0 : i32
        %dma_wait3A_61 = tpu.memref_slice %arg12[%add3A_46, %dma_wait3A_60] : memref<10112x128xf32, #tpu.memory_space<vmem_shared>> -> memref<120x128xf32, #tpu.memory_space<vmem_shared>>
        %dma_wait3A_62 = arith.constant 0 : i32
        %dma_wait3A_63 = arith.constant 0 : i32
        %dma_wait3A_64 = tpu.memref_slice %arg11[%dma_wait3A_62, %dma_wait3A_63] : memref<128x128xf32, #tpu.memory_space<vmem>> -> memref<120x128xf32, #tpu.memory_space<vmem>>
        %dma_wait3A_65 = arith.constant 0 : i32
        %dma_wait3A_66 = tpu.memref_slice %arg12[%add3A_46, %dma_wait3A_65] : memref<10112x128xf32, #tpu.memory_space<vmem_shared>> -> memref<120x128xf32, #tpu.memory_space<vmem_shared>>
        tpu.wait_dma2 semaphore(%run_scoped3A : memref<!tpu.dma_semaphore, #tpu.memory_space<semaphore_mem>>) src(%dma_wait3A_66 : memref<120x128xf32, #tpu.memory_space<vmem_shared>>) dst(%dma_wait3A_64 : memref<120x128xf32, #tpu.memory_space<vmem>>)
        tpu.yield
      }) : () -> ()
      %add3A_47 = arith.constant 512 : i32
      %add3A_48 = arith.addi %mul3A_7, %add3A_47 : i32
      "tpu.region"() ({
        %run_scoped3A = tpu.sem_alloc : memref<!tpu.dma_semaphore, #tpu.memory_space<semaphore_mem>>
        %dma_start3A = arith.constant 0 : i32
        %dma_start3A_49 = arith.constant 0 : i32
        %dma_start3A_50 = tpu.memref_slice %arg11[%dma_start3A, %dma_start3A_49] : memref<128x128xf32, #tpu.memory_space<vmem>> -> memref<120x128xf32, #tpu.memory_space<vmem>>
        %dma_start3A_51 = arith.constant 0 : i32
        %dma_start3A_52 = tpu.memref_slice %arg8[%add3A_48, %dma_start3A_51] : memref<10112x128xf32, #tpu.memory_space<hbm>> -> memref<120x128xf32, #tpu.memory_space<hbm>>
        %dma_start3A_53 = arith.constant 0 : i32
        %dma_start3A_54 = tpu.memref_slice %arg8[%add3A_48, %dma_start3A_53] : memref<10112x128xf32, #tpu.memory_space<hbm>> -> memref<120x128xf32, #tpu.memory_space<hbm>>
        %dma_start3A_55 = arith.constant 0 : i32
        %dma_start3A_56 = arith.constant 0 : i32
        %dma_start3A_57 = tpu.memref_slice %arg11[%dma_start3A_55, %dma_start3A_56] : memref<128x128xf32, #tpu.memory_space<vmem>> -> memref<120x128xf32, #tpu.memory_space<vmem>>
        tpu.enqueue_dma source(%dma_start3A_57 : memref<120x128xf32, #tpu.memory_space<vmem>>) target(%dma_start3A_54 : memref<120x128xf32, #tpu.memory_space<hbm>>) target_semaphore(%run_scoped3A : memref<!tpu.dma_semaphore, #tpu.memory_space<semaphore_mem>>)
        %dma_wait3A = arith.constant 0 : i32
        %dma_wait3A_58 = arith.constant 0 : i32
        %dma_wait3A_59 = tpu.memref_slice %arg11[%dma_wait3A, %dma_wait3A_58] : memref<128x128xf32, #tpu.memory_space<vmem>> -> memref<120x128xf32, #tpu.memory_space<vmem>>
        %dma_wait3A_60 = arith.constant 0 : i32
        %dma_wait3A_61 = tpu.memref_slice %arg8[%add3A_48, %dma_wait3A_60] : memref<10112x128xf32, #tpu.memory_space<hbm>> -> memref<120x128xf32, #tpu.memory_space<hbm>>
        %dma_wait3A_62 = arith.constant 0 : i32
        %dma_wait3A_63 = tpu.memref_slice %arg8[%add3A_48, %dma_wait3A_62] : memref<10112x128xf32, #tpu.memory_space<hbm>> -> memref<120x128xf32, #tpu.memory_space<hbm>>
        %dma_wait3A_64 = arith.constant 0 : i32
        %dma_wait3A_65 = arith.constant 0 : i32
        %dma_wait3A_66 = tpu.memref_slice %arg11[%dma_wait3A_64, %dma_wait3A_65] : memref<128x128xf32, #tpu.memory_space<vmem>> -> memref<120x128xf32, #tpu.memory_space<vmem>>
        tpu.wait_dma2 semaphore(%run_scoped3A : memref<!tpu.dma_semaphore, #tpu.memory_space<semaphore_mem>>) src(%dma_wait3A_66 : memref<120x128xf32, #tpu.memory_space<vmem>>) dst(%dma_wait3A_63 : memref<120x128xf32, #tpu.memory_space<hbm>>)
        tpu.yield
      }) : () -> ()
    } else {
    }
    return
  }
}

#map = affine_map<(d0, d1) -> (0, 0, 0)>
#map1 = affine_map<(d0, d1) -> (0, 0)>
module attributes {stable_mosaic.version = 14 : i64} {
  func.func @k(%arg0: i32, %arg1: i32, %arg2: memref<16x79x128xi32, #tpu.memory_space<hbm>>, %arg3: memref<128x128xf32, #tpu.memory_space<hbm>>, %arg4: memref<640x128xf32, #tpu.memory_space<hbm>>, %arg5: memref<10112x128xf32, #tpu.memory_space<hbm>>, %arg6: memref<10112x128xf32, #tpu.memory_space<hbm>>, %arg7: memref<40x128xi32, #tpu.memory_space<vmem>>, %arg8: memref<128x128xf32, #tpu.memory_space<vmem>>, %arg9: memref<10112x128xf32, #tpu.memory_space<vmem_shared>>) attributes {dimension_semantics = [#tpu.dimension_semantics<core_parallel>, #tpu.dimension_semantics<subcore_parallel>], iteration_bounds = array<i64: 2, 16>, scalar_prefetch = 0 : i64, scratch_operands = 3 : i64, tpu.core_type = #tpu.core_type<sc_vector_subcore>, window_params = [{transform_indices = #map}, {transform_indices = #map1}, {transform_indices = #map1}, {transform_indices = #map1}, {transform_indices = #map1}]} {
    %mul3A = arith.constant 632 : i32
    %mul3A_0 = arith.muli %arg1, %mul3A : i32
    "tpu.region"() ({
      %run_scoped3A = tpu.sem_alloc : memref<!tpu.dma_semaphore, #tpu.memory_space<semaphore_mem>>
      %dma_start3A = arith.constant 0 : i32
      %dma_start3A_17 = arith.constant 0 : i32
      %dma_start3A_18 = tpu.memref_slice %arg4[%dma_start3A, %dma_start3A_17] : memref<640x128xf32, #tpu.memory_space<hbm>> -> memref<128x128xf32, #tpu.memory_space<hbm>>
      %dma_start3A_19 = arith.constant 0 : i32
      %dma_start3A_20 = arith.constant 0 : i32
      %dma_start3A_21 = tpu.memref_slice %arg4[%dma_start3A_19, %dma_start3A_20] : memref<640x128xf32, #tpu.memory_space<hbm>> -> memref<128x128xf32, #tpu.memory_space<hbm>>
      tpu.enqueue_dma source(%dma_start3A_21 : memref<128x128xf32, #tpu.memory_space<hbm>>) target(%arg8 : memref<128x128xf32, #tpu.memory_space<vmem>>) target_semaphore(%run_scoped3A : memref<!tpu.dma_semaphore, #tpu.memory_space<semaphore_mem>>)
      %dma_wait3A = arith.constant 0 : i32
      %dma_wait3A_22 = arith.constant 0 : i32
      %dma_wait3A_23 = tpu.memref_slice %arg4[%dma_wait3A, %dma_wait3A_22] : memref<640x128xf32, #tpu.memory_space<hbm>> -> memref<128x128xf32, #tpu.memory_space<hbm>>
      %dma_wait3A_24 = arith.constant 0 : i32
      %dma_wait3A_25 = arith.constant 0 : i32
      %dma_wait3A_26 = tpu.memref_slice %arg4[%dma_wait3A_24, %dma_wait3A_25] : memref<640x128xf32, #tpu.memory_space<hbm>> -> memref<128x128xf32, #tpu.memory_space<hbm>>
      tpu.wait_dma2 semaphore(%run_scoped3A : memref<!tpu.dma_semaphore, #tpu.memory_space<semaphore_mem>>) src(%dma_wait3A_26 : memref<128x128xf32, #tpu.memory_space<hbm>>) dst(%arg8 : memref<128x128xf32, #tpu.memory_space<vmem>>)
      tpu.yield
    }) : () -> ()
    %add3A = arith.constant 0 : i32
    %add3A_1 = arith.addi %mul3A_0, %add3A : i32
    "tpu.region"() ({
      %run_scoped3A = tpu.sem_alloc : memref<!tpu.dma_semaphore, #tpu.memory_space<semaphore_mem>>
      %dma_start3A = arith.constant 0 : i32
      %dma_start3A_17 = arith.constant 0 : i32
      %dma_start3A_18 = tpu.memref_slice %arg8[%dma_start3A, %dma_start3A_17] : memref<128x128xf32, #tpu.memory_space<vmem>> -> memref<128x128xf32, #tpu.memory_space<vmem>>
      %dma_start3A_19 = arith.constant 0 : i32
      %dma_start3A_20 = tpu.memref_slice %arg9[%add3A_1, %dma_start3A_19] : memref<10112x128xf32, #tpu.memory_space<vmem_shared>> -> memref<128x128xf32, #tpu.memory_space<vmem_shared>>
      %dma_start3A_21 = arith.constant 0 : i32
      %dma_start3A_22 = tpu.memref_slice %arg9[%add3A_1, %dma_start3A_21] : memref<10112x128xf32, #tpu.memory_space<vmem_shared>> -> memref<128x128xf32, #tpu.memory_space<vmem_shared>>
      %dma_start3A_23 = arith.constant 0 : i32
      %dma_start3A_24 = arith.constant 0 : i32
      %dma_start3A_25 = tpu.memref_slice %arg8[%dma_start3A_23, %dma_start3A_24] : memref<128x128xf32, #tpu.memory_space<vmem>> -> memref<128x128xf32, #tpu.memory_space<vmem>>
      tpu.enqueue_dma source(%dma_start3A_25 : memref<128x128xf32, #tpu.memory_space<vmem>>) target(%dma_start3A_22 : memref<128x128xf32, #tpu.memory_space<vmem_shared>>) target_semaphore(%run_scoped3A : memref<!tpu.dma_semaphore, #tpu.memory_space<semaphore_mem>>)
      %dma_wait3A = arith.constant 0 : i32
      %dma_wait3A_26 = arith.constant 0 : i32
      %dma_wait3A_27 = tpu.memref_slice %arg8[%dma_wait3A, %dma_wait3A_26] : memref<128x128xf32, #tpu.memory_space<vmem>> -> memref<128x128xf32, #tpu.memory_space<vmem>>
      %dma_wait3A_28 = arith.constant 0 : i32
      %dma_wait3A_29 = tpu.memref_slice %arg9[%add3A_1, %dma_wait3A_28] : memref<10112x128xf32, #tpu.memory_space<vmem_shared>> -> memref<128x128xf32, #tpu.memory_space<vmem_shared>>
      %dma_wait3A_30 = arith.constant 0 : i32
      %dma_wait3A_31 = tpu.memref_slice %arg9[%add3A_1, %dma_wait3A_30] : memref<10112x128xf32, #tpu.memory_space<vmem_shared>> -> memref<128x128xf32, #tpu.memory_space<vmem_shared>>
      %dma_wait3A_32 = arith.constant 0 : i32
      %dma_wait3A_33 = arith.constant 0 : i32
      %dma_wait3A_34 = tpu.memref_slice %arg8[%dma_wait3A_32, %dma_wait3A_33] : memref<128x128xf32, #tpu.memory_space<vmem>> -> memref<128x128xf32, #tpu.memory_space<vmem>>
      tpu.wait_dma2 semaphore(%run_scoped3A : memref<!tpu.dma_semaphore, #tpu.memory_space<semaphore_mem>>) src(%dma_wait3A_34 : memref<128x128xf32, #tpu.memory_space<vmem>>) dst(%dma_wait3A_31 : memref<128x128xf32, #tpu.memory_space<vmem_shared>>)
      tpu.yield
    }) : () -> ()
    %add3A_2 = arith.constant 128 : i32
    %add3A_3 = arith.addi %mul3A_0, %add3A_2 : i32
    "tpu.region"() ({
      %run_scoped3A = tpu.sem_alloc : memref<!tpu.dma_semaphore, #tpu.memory_space<semaphore_mem>>
      %dma_start3A = arith.constant 0 : i32
      %dma_start3A_17 = arith.constant 0 : i32
      %dma_start3A_18 = tpu.memref_slice %arg8[%dma_start3A, %dma_start3A_17] : memref<128x128xf32, #tpu.memory_space<vmem>> -> memref<128x128xf32, #tpu.memory_space<vmem>>
      %dma_start3A_19 = arith.constant 0 : i32
      %dma_start3A_20 = tpu.memref_slice %arg9[%add3A_3, %dma_start3A_19] : memref<10112x128xf32, #tpu.memory_space<vmem_shared>> -> memref<128x128xf32, #tpu.memory_space<vmem_shared>>
      %dma_start3A_21 = arith.constant 0 : i32
      %dma_start3A_22 = tpu.memref_slice %arg9[%add3A_3, %dma_start3A_21] : memref<10112x128xf32, #tpu.memory_space<vmem_shared>> -> memref<128x128xf32, #tpu.memory_space<vmem_shared>>
      %dma_start3A_23 = arith.constant 0 : i32
      %dma_start3A_24 = arith.constant 0 : i32
      %dma_start3A_25 = tpu.memref_slice %arg8[%dma_start3A_23, %dma_start3A_24] : memref<128x128xf32, #tpu.memory_space<vmem>> -> memref<128x128xf32, #tpu.memory_space<vmem>>
      tpu.enqueue_dma source(%dma_start3A_25 : memref<128x128xf32, #tpu.memory_space<vmem>>) target(%dma_start3A_22 : memref<128x128xf32, #tpu.memory_space<vmem_shared>>) target_semaphore(%run_scoped3A : memref<!tpu.dma_semaphore, #tpu.memory_space<semaphore_mem>>)
      %dma_wait3A = arith.constant 0 : i32
      %dma_wait3A_26 = arith.constant 0 : i32
      %dma_wait3A_27 = tpu.memref_slice %arg8[%dma_wait3A, %dma_wait3A_26] : memref<128x128xf32, #tpu.memory_space<vmem>> -> memref<128x128xf32, #tpu.memory_space<vmem>>
      %dma_wait3A_28 = arith.constant 0 : i32
      %dma_wait3A_29 = tpu.memref_slice %arg9[%add3A_3, %dma_wait3A_28] : memref<10112x128xf32, #tpu.memory_space<vmem_shared>> -> memref<128x128xf32, #tpu.memory_space<vmem_shared>>
      %dma_wait3A_30 = arith.constant 0 : i32
      %dma_wait3A_31 = tpu.memref_slice %arg9[%add3A_3, %dma_wait3A_30] : memref<10112x128xf32, #tpu.memory_space<vmem_shared>> -> memref<128x128xf32, #tpu.memory_space<vmem_shared>>
      %dma_wait3A_32 = arith.constant 0 : i32
      %dma_wait3A_33 = arith.constant 0 : i32
      %dma_wait3A_34 = tpu.memref_slice %arg8[%dma_wait3A_32, %dma_wait3A_33] : memref<128x128xf32, #tpu.memory_space<vmem>> -> memref<128x128xf32, #tpu.memory_space<vmem>>
      tpu.wait_dma2 semaphore(%run_scoped3A : memref<!tpu.dma_semaphore, #tpu.memory_space<semaphore_mem>>) src(%dma_wait3A_34 : memref<128x128xf32, #tpu.memory_space<vmem>>) dst(%dma_wait3A_31 : memref<128x128xf32, #tpu.memory_space<vmem_shared>>)
      tpu.yield
    }) : () -> ()
    %add3A_4 = arith.constant 256 : i32
    %add3A_5 = arith.addi %mul3A_0, %add3A_4 : i32
    "tpu.region"() ({
      %run_scoped3A = tpu.sem_alloc : memref<!tpu.dma_semaphore, #tpu.memory_space<semaphore_mem>>
      %dma_start3A = arith.constant 0 : i32
      %dma_start3A_17 = arith.constant 0 : i32
      %dma_start3A_18 = tpu.memref_slice %arg8[%dma_start3A, %dma_start3A_17] : memref<128x128xf32, #tpu.memory_space<vmem>> -> memref<128x128xf32, #tpu.memory_space<vmem>>
      %dma_start3A_19 = arith.constant 0 : i32
      %dma_start3A_20 = tpu.memref_slice %arg9[%add3A_5, %dma_start3A_19] : memref<10112x128xf32, #tpu.memory_space<vmem_shared>> -> memref<128x128xf32, #tpu.memory_space<vmem_shared>>
      %dma_start3A_21 = arith.constant 0 : i32
      %dma_start3A_22 = tpu.memref_slice %arg9[%add3A_5, %dma_start3A_21] : memref<10112x128xf32, #tpu.memory_space<vmem_shared>> -> memref<128x128xf32, #tpu.memory_space<vmem_shared>>
      %dma_start3A_23 = arith.constant 0 : i32
      %dma_start3A_24 = arith.constant 0 : i32
      %dma_start3A_25 = tpu.memref_slice %arg8[%dma_start3A_23, %dma_start3A_24] : memref<128x128xf32, #tpu.memory_space<vmem>> -> memref<128x128xf32, #tpu.memory_space<vmem>>
      tpu.enqueue_dma source(%dma_start3A_25 : memref<128x128xf32, #tpu.memory_space<vmem>>) target(%dma_start3A_22 : memref<128x128xf32, #tpu.memory_space<vmem_shared>>) target_semaphore(%run_scoped3A : memref<!tpu.dma_semaphore, #tpu.memory_space<semaphore_mem>>)
      %dma_wait3A = arith.constant 0 : i32
      %dma_wait3A_26 = arith.constant 0 : i32
      %dma_wait3A_27 = tpu.memref_slice %arg8[%dma_wait3A, %dma_wait3A_26] : memref<128x128xf32, #tpu.memory_space<vmem>> -> memref<128x128xf32, #tpu.memory_space<vmem>>
      %dma_wait3A_28 = arith.constant 0 : i32
      %dma_wait3A_29 = tpu.memref_slice %arg9[%add3A_5, %dma_wait3A_28] : memref<10112x128xf32, #tpu.memory_space<vmem_shared>> -> memref<128x128xf32, #tpu.memory_space<vmem_shared>>
      %dma_wait3A_30 = arith.constant 0 : i32
      %dma_wait3A_31 = tpu.memref_slice %arg9[%add3A_5, %dma_wait3A_30] : memref<10112x128xf32, #tpu.memory_space<vmem_shared>> -> memref<128x128xf32, #tpu.memory_space<vmem_shared>>
      %dma_wait3A_32 = arith.constant 0 : i32
      %dma_wait3A_33 = arith.constant 0 : i32
      %dma_wait3A_34 = tpu.memref_slice %arg8[%dma_wait3A_32, %dma_wait3A_33] : memref<128x128xf32, #tpu.memory_space<vmem>> -> memref<128x128xf32, #tpu.memory_space<vmem>>
      tpu.wait_dma2 semaphore(%run_scoped3A : memref<!tpu.dma_semaphore, #tpu.memory_space<semaphore_mem>>) src(%dma_wait3A_34 : memref<128x128xf32, #tpu.memory_space<vmem>>) dst(%dma_wait3A_31 : memref<128x128xf32, #tpu.memory_space<vmem_shared>>)
      tpu.yield
    }) : () -> ()
    %add3A_6 = arith.constant 384 : i32
    %add3A_7 = arith.addi %mul3A_0, %add3A_6 : i32
    "tpu.region"() ({
      %run_scoped3A = tpu.sem_alloc : memref<!tpu.dma_semaphore, #tpu.memory_space<semaphore_mem>>
      %dma_start3A = arith.constant 0 : i32
      %dma_start3A_17 = arith.constant 0 : i32
      %dma_start3A_18 = tpu.memref_slice %arg8[%dma_start3A, %dma_start3A_17] : memref<128x128xf32, #tpu.memory_space<vmem>> -> memref<128x128xf32, #tpu.memory_space<vmem>>
      %dma_start3A_19 = arith.constant 0 : i32
      %dma_start3A_20 = tpu.memref_slice %arg9[%add3A_7, %dma_start3A_19] : memref<10112x128xf32, #tpu.memory_space<vmem_shared>> -> memref<128x128xf32, #tpu.memory_space<vmem_shared>>
      %dma_start3A_21 = arith.constant 0 : i32
      %dma_start3A_22 = tpu.memref_slice %arg9[%add3A_7, %dma_start3A_21] : memref<10112x128xf32, #tpu.memory_space<vmem_shared>> -> memref<128x128xf32, #tpu.memory_space<vmem_shared>>
      %dma_start3A_23 = arith.constant 0 : i32
      %dma_start3A_24 = arith.constant 0 : i32
      %dma_start3A_25 = tpu.memref_slice %arg8[%dma_start3A_23, %dma_start3A_24] : memref<128x128xf32, #tpu.memory_space<vmem>> -> memref<128x128xf32, #tpu.memory_space<vmem>>
      tpu.enqueue_dma source(%dma_start3A_25 : memref<128x128xf32, #tpu.memory_space<vmem>>) target(%dma_start3A_22 : memref<128x128xf32, #tpu.memory_space<vmem_shared>>) target_semaphore(%run_scoped3A : memref<!tpu.dma_semaphore, #tpu.memory_space<semaphore_mem>>)
      %dma_wait3A = arith.constant 0 : i32
      %dma_wait3A_26 = arith.constant 0 : i32
      %dma_wait3A_27 = tpu.memref_slice %arg8[%dma_wait3A, %dma_wait3A_26] : memref<128x128xf32, #tpu.memory_space<vmem>> -> memref<128x128xf32, #tpu.memory_space<vmem>>
      %dma_wait3A_28 = arith.constant 0 : i32
      %dma_wait3A_29 = tpu.memref_slice %arg9[%add3A_7, %dma_wait3A_28] : memref<10112x128xf32, #tpu.memory_space<vmem_shared>> -> memref<128x128xf32, #tpu.memory_space<vmem_shared>>
      %dma_wait3A_30 = arith.constant 0 : i32
      %dma_wait3A_31 = tpu.memref_slice %arg9[%add3A_7, %dma_wait3A_30] : memref<10112x128xf32, #tpu.memory_space<vmem_shared>> -> memref<128x128xf32, #tpu.memory_space<vmem_shared>>
      %dma_wait3A_32 = arith.constant 0 : i32
      %dma_wait3A_33 = arith.constant 0 : i32
      %dma_wait3A_34 = tpu.memref_slice %arg8[%dma_wait3A_32, %dma_wait3A_33] : memref<128x128xf32, #tpu.memory_space<vmem>> -> memref<128x128xf32, #tpu.memory_space<vmem>>
      tpu.wait_dma2 semaphore(%run_scoped3A : memref<!tpu.dma_semaphore, #tpu.memory_space<semaphore_mem>>) src(%dma_wait3A_34 : memref<128x128xf32, #tpu.memory_space<vmem>>) dst(%dma_wait3A_31 : memref<128x128xf32, #tpu.memory_space<vmem_shared>>)
      tpu.yield
    }) : () -> ()
    %add3A_8 = arith.constant 512 : i32
    %add3A_9 = arith.addi %mul3A_0, %add3A_8 : i32
    "tpu.region"() ({
      %run_scoped3A = tpu.sem_alloc : memref<!tpu.dma_semaphore, #tpu.memory_space<semaphore_mem>>
      %dma_start3A = arith.constant 0 : i32
      %dma_start3A_17 = arith.constant 0 : i32
      %dma_start3A_18 = tpu.memref_slice %arg8[%dma_start3A, %dma_start3A_17] : memref<128x128xf32, #tpu.memory_space<vmem>> -> memref<120x128xf32, #tpu.memory_space<vmem>>
      %dma_start3A_19 = arith.constant 0 : i32
      %dma_start3A_20 = tpu.memref_slice %arg9[%add3A_9, %dma_start3A_19] : memref<10112x128xf32, #tpu.memory_space<vmem_shared>> -> memref<120x128xf32, #tpu.memory_space<vmem_shared>>
      %dma_start3A_21 = arith.constant 0 : i32
      %dma_start3A_22 = tpu.memref_slice %arg9[%add3A_9, %dma_start3A_21] : memref<10112x128xf32, #tpu.memory_space<vmem_shared>> -> memref<120x128xf32, #tpu.memory_space<vmem_shared>>
      %dma_start3A_23 = arith.constant 0 : i32
      %dma_start3A_24 = arith.constant 0 : i32
      %dma_start3A_25 = tpu.memref_slice %arg8[%dma_start3A_23, %dma_start3A_24] : memref<128x128xf32, #tpu.memory_space<vmem>> -> memref<120x128xf32, #tpu.memory_space<vmem>>
      tpu.enqueue_dma source(%dma_start3A_25 : memref<120x128xf32, #tpu.memory_space<vmem>>) target(%dma_start3A_22 : memref<120x128xf32, #tpu.memory_space<vmem_shared>>) target_semaphore(%run_scoped3A : memref<!tpu.dma_semaphore, #tpu.memory_space<semaphore_mem>>)
      %dma_wait3A = arith.constant 0 : i32
      %dma_wait3A_26 = arith.constant 0 : i32
      %dma_wait3A_27 = tpu.memref_slice %arg8[%dma_wait3A, %dma_wait3A_26] : memref<128x128xf32, #tpu.memory_space<vmem>> -> memref<120x128xf32, #tpu.memory_space<vmem>>
      %dma_wait3A_28 = arith.constant 0 : i32
      %dma_wait3A_29 = tpu.memref_slice %arg9[%add3A_9, %dma_wait3A_28] : memref<10112x128xf32, #tpu.memory_space<vmem_shared>> -> memref<120x128xf32, #tpu.memory_space<vmem_shared>>
      %dma_wait3A_30 = arith.constant 0 : i32
      %dma_wait3A_31 = tpu.memref_slice %arg9[%add3A_9, %dma_wait3A_30] : memref<10112x128xf32, #tpu.memory_space<vmem_shared>> -> memref<120x128xf32, #tpu.memory_space<vmem_shared>>
      %dma_wait3A_32 = arith.constant 0 : i32
      %dma_wait3A_33 = arith.constant 0 : i32
      %dma_wait3A_34 = tpu.memref_slice %arg8[%dma_wait3A_32, %dma_wait3A_33] : memref<128x128xf32, #tpu.memory_space<vmem>> -> memref<120x128xf32, #tpu.memory_space<vmem>>
      tpu.wait_dma2 semaphore(%run_scoped3A : memref<!tpu.dma_semaphore, #tpu.memory_space<semaphore_mem>>) src(%dma_wait3A_34 : memref<120x128xf32, #tpu.memory_space<vmem>>) dst(%dma_wait3A_31 : memref<120x128xf32, #tpu.memory_space<vmem_shared>>)
      tpu.yield
    }) : () -> ()
    "tpu.region"() ({
      %run_scoped3A = tpu.sem_alloc : memref<!tpu.dma_semaphore, #tpu.memory_space<semaphore_mem>>
      tpu.enqueue_dma source(%arg3 : memref<128x128xf32, #tpu.memory_space<hbm>>) target(%arg8 : memref<128x128xf32, #tpu.memory_space<vmem>>) target_semaphore(%run_scoped3A : memref<!tpu.dma_semaphore, #tpu.memory_space<semaphore_mem>>)
      tpu.wait_dma2 semaphore(%run_scoped3A : memref<!tpu.dma_semaphore, #tpu.memory_space<semaphore_mem>>) src(%arg3 : memref<128x128xf32, #tpu.memory_space<hbm>>) dst(%arg8 : memref<128x128xf32, #tpu.memory_space<vmem>>)
      tpu.yield
    }) : () -> ()
    %barrier3A = arith.constant 0 : index
    tpu.barrier barrier_id(%barrier3A)
    %eq3A = arith.constant 0 : i32
    %eq3A_10 = arith.cmpi eq, %arg0, %eq3A : i32
    %convert_element_type3A = arith.extui %eq3A_10 : i1 to i32
    %cond3A = arith.constant 0 : i32
    %cond3A_11 = arith.cmpi ne, %convert_element_type3A, %cond3A : i32
    scf.if %cond3A_11 {
      "tpu.region"() ({
        %run_scoped3A = tpu.sem_alloc : memref<!tpu.dma_semaphore, #tpu.memory_space<semaphore_mem>>
        %dma_start3A = arith.constant 0 : i32
        %dma_start3A_23 = arith.constant 0 : i32
        %dma_start3A_24 = tpu.memref_slice %arg7[%dma_start3A, %dma_start3A_23] : memref<40x128xi32, #tpu.memory_space<vmem>> -> memref<40x128xi32, #tpu.memory_space<vmem>>
        %dma_start3A_25 = arith.constant 0 : i32
        %dma_start3A_26 = arith.constant 0 : i32
        %dma_start3A_27 = tpu.memref_slice %arg2[%arg1, %dma_start3A_25, %dma_start3A_26] : memref<16x79x128xi32, #tpu.memory_space<hbm>> -> memref<1x40x128xi32, #tpu.memory_space<hbm>>
        %dma_start3A_28 = tpu.memref_squeeze %dma_start3A_27 : memref<1x40x128xi32, #tpu.memory_space<hbm>> -> memref<40x128xi32, #tpu.memory_space<hbm>>
        %dma_start3A_29 = arith.constant 0 : i32
        %dma_start3A_30 = arith.constant 0 : i32
        %dma_start3A_31 = tpu.memref_slice %arg7[%dma_start3A_29, %dma_start3A_30] : memref<40x128xi32, #tpu.memory_space<vmem>> -> memref<40x128xi32, #tpu.memory_space<vmem>>
        %dma_start3A_32 = arith.constant 0 : i32
        %dma_start3A_33 = arith.constant 0 : i32
        %dma_start3A_34 = tpu.memref_slice %arg2[%arg1, %dma_start3A_32, %dma_start3A_33] : memref<16x79x128xi32, #tpu.memory_space<hbm>> -> memref<1x40x128xi32, #tpu.memory_space<hbm>>
        %dma_start3A_35 = tpu.memref_squeeze %dma_start3A_34 : memref<1x40x128xi32, #tpu.memory_space<hbm>> -> memref<40x128xi32, #tpu.memory_space<hbm>>
        tpu.enqueue_dma source(%dma_start3A_35 : memref<40x128xi32, #tpu.memory_space<hbm>>) target(%dma_start3A_31 : memref<40x128xi32, #tpu.memory_space<vmem>>) target_semaphore(%run_scoped3A : memref<!tpu.dma_semaphore, #tpu.memory_space<semaphore_mem>>)
        %dma_wait3A = arith.constant 0 : i32
        %dma_wait3A_36 = arith.constant 0 : i32
        %dma_wait3A_37 = tpu.memref_slice %arg7[%dma_wait3A, %dma_wait3A_36] : memref<40x128xi32, #tpu.memory_space<vmem>> -> memref<40x128xi32, #tpu.memory_space<vmem>>
        %dma_wait3A_38 = arith.constant 0 : i32
        %dma_wait3A_39 = arith.constant 0 : i32
        %dma_wait3A_40 = tpu.memref_slice %arg2[%arg1, %dma_wait3A_38, %dma_wait3A_39] : memref<16x79x128xi32, #tpu.memory_space<hbm>> -> memref<1x40x128xi32, #tpu.memory_space<hbm>>
        %dma_wait3A_41 = tpu.memref_squeeze %dma_wait3A_40 : memref<1x40x128xi32, #tpu.memory_space<hbm>> -> memref<40x128xi32, #tpu.memory_space<hbm>>
        %dma_wait3A_42 = arith.constant 0 : i32
        %dma_wait3A_43 = arith.constant 0 : i32
        %dma_wait3A_44 = tpu.memref_slice %arg7[%dma_wait3A_42, %dma_wait3A_43] : memref<40x128xi32, #tpu.memory_space<vmem>> -> memref<40x128xi32, #tpu.memory_space<vmem>>
        %dma_wait3A_45 = arith.constant 0 : i32
        %dma_wait3A_46 = arith.constant 0 : i32
        %dma_wait3A_47 = tpu.memref_slice %arg2[%arg1, %dma_wait3A_45, %dma_wait3A_46] : memref<16x79x128xi32, #tpu.memory_space<hbm>> -> memref<1x40x128xi32, #tpu.memory_space<hbm>>
        %dma_wait3A_48 = tpu.memref_squeeze %dma_wait3A_47 : memref<1x40x128xi32, #tpu.memory_space<hbm>> -> memref<40x128xi32, #tpu.memory_space<hbm>>
        tpu.wait_dma2 semaphore(%run_scoped3A : memref<!tpu.dma_semaphore, #tpu.memory_space<semaphore_mem>>) src(%dma_wait3A_48 : memref<40x128xi32, #tpu.memory_space<hbm>>) dst(%dma_wait3A_44 : memref<40x128xi32, #tpu.memory_space<vmem>>)
        tpu.yield
      }) : () -> ()
      %scan3A = arith.constant 0 : i32
      %scan3A_17 = arith.constant 0 : i32
      %scan3A_18 = arith.constant 40 : i32
      %scan3A_19 = arith.addi %scan3A_17, %scan3A_18 : i32
      %scan3A_20 = arith.constant 1 : i32
      scf.for %scan3A_23 = %scan3A_17 to %scan3A_19 step %scan3A_20  : i32 {
        "tpu.region"() ({
          %run_scoped3A = tpu.sem_alloc : memref<!tpu.dma_semaphore, #tpu.memory_space<semaphore_mem>>
          %dma_start3A = arith.constant 0 : i32
          %dma_start3A_24 = tpu.memref_slice %arg7[%scan3A_23, %dma_start3A] : memref<40x128xi32, #tpu.memory_space<vmem>> -> memref<1x128xi32, #tpu.memory_space<vmem>>
          %dma_start3A_25 = tpu.memref_squeeze %dma_start3A_24 : memref<1x128xi32, #tpu.memory_space<vmem>> -> memref<128xi32, #tpu.memory_space<vmem>>
          %dma_start3A_26 = arith.constant 0 : i32
          %dma_start3A_27 = arith.constant 0 : i32
          %dma_start3A_28 = tpu.memref_slice %arg9[%dma_start3A_26, %dma_start3A_27] : memref<10112x128xf32, #tpu.memory_space<vmem_shared>> -> memref<10112x128xf32, #tpu.memory_space<vmem_shared>>
          tpu.enqueue_indirect_dma source(%arg8 : memref<128x128xf32, #tpu.memory_space<vmem>>) target(%dma_start3A_28 : memref<10112x128xf32, #tpu.memory_space<vmem_shared>>) offsets(%dma_start3A_25 : memref<128xi32, #tpu.memory_space<vmem>>) semaphore(%run_scoped3A : memref<!tpu.dma_semaphore, #tpu.memory_space<semaphore_mem>>) {add = true}
          %dma_wait3A = arith.constant 0 : i32
          %dma_wait3A_29 = tpu.memref_slice %arg7[%scan3A_23, %dma_wait3A] : memref<40x128xi32, #tpu.memory_space<vmem>> -> memref<1x128xi32, #tpu.memory_space<vmem>>
          %dma_wait3A_30 = tpu.memref_squeeze %dma_wait3A_29 : memref<1x128xi32, #tpu.memory_space<vmem>> -> memref<128xi32, #tpu.memory_space<vmem>>
          %dma_wait3A_31 = arith.constant 0 : i32
          %dma_wait3A_32 = arith.constant 0 : i32
          %dma_wait3A_33 = tpu.memref_slice %arg9[%dma_wait3A_31, %dma_wait3A_32] : memref<10112x128xf32, #tpu.memory_space<vmem_shared>> -> memref<10112x128xf32, #tpu.memory_space<vmem_shared>>
          tpu.wait_indirect_dma semaphore(%run_scoped3A : memref<!tpu.dma_semaphore, #tpu.memory_space<semaphore_mem>>) src(%arg8 : memref<128x128xf32, #tpu.memory_space<vmem>>) dst(%dma_wait3A_33 : memref<10112x128xf32, #tpu.memory_space<vmem_shared>>)
          tpu.yield
        }) : () -> ()
      }
      %scan3A_21 = arith.constant 40 : i32
      %barrier3A_22 = arith.constant 0 : index
      tpu.barrier barrier_id(%barrier3A_22)
      "tpu.region"() ({
        %run_scoped3A = tpu.sem_alloc : memref<!tpu.dma_semaphore, #tpu.memory_space<semaphore_mem>>
        %dma_start3A = arith.constant 0 : i32
        %dma_start3A_23 = tpu.memref_slice %arg5[%mul3A_0, %dma_start3A] : memref<10112x128xf32, #tpu.memory_space<hbm>> -> memref<632x128xf32, #tpu.memory_space<hbm>>
        %dma_start3A_24 = arith.constant 0 : i32
        %dma_start3A_25 = tpu.memref_slice %arg9[%mul3A_0, %dma_start3A_24] : memref<10112x128xf32, #tpu.memory_space<vmem_shared>> -> memref<632x128xf32, #tpu.memory_space<vmem_shared>>
        tpu.enqueue_dma source(%dma_start3A_25 : memref<632x128xf32, #tpu.memory_space<vmem_shared>>) target(%dma_start3A_23 : memref<632x128xf32, #tpu.memory_space<hbm>>) target_semaphore(%run_scoped3A : memref<!tpu.dma_semaphore, #tpu.memory_space<semaphore_mem>>)
        %dma_wait3A = arith.constant 0 : i32
        %dma_wait3A_26 = tpu.memref_slice %arg5[%mul3A_0, %dma_wait3A] : memref<10112x128xf32, #tpu.memory_space<hbm>> -> memref<632x128xf32, #tpu.memory_space<hbm>>
        %dma_wait3A_27 = arith.constant 0 : i32
        %dma_wait3A_28 = tpu.memref_slice %arg9[%mul3A_0, %dma_wait3A_27] : memref<10112x128xf32, #tpu.memory_space<vmem_shared>> -> memref<632x128xf32, #tpu.memory_space<vmem_shared>>
        tpu.wait_dma2 semaphore(%run_scoped3A : memref<!tpu.dma_semaphore, #tpu.memory_space<semaphore_mem>>) src(%dma_wait3A_28 : memref<632x128xf32, #tpu.memory_space<vmem_shared>>) dst(%dma_wait3A_26 : memref<632x128xf32, #tpu.memory_space<hbm>>)
        tpu.yield
      }) : () -> ()
    } else {
    }
    %eq3A_12 = arith.constant 1 : i32
    %eq3A_13 = arith.cmpi eq, %arg0, %eq3A_12 : i32
    %convert_element_type3A_14 = arith.extui %eq3A_13 : i1 to i32
    %cond3A_15 = arith.constant 0 : i32
    %cond3A_16 = arith.cmpi ne, %convert_element_type3A_14, %cond3A_15 : i32
    scf.if %cond3A_16 {
      "tpu.region"() ({
        %run_scoped3A = tpu.sem_alloc : memref<!tpu.dma_semaphore, #tpu.memory_space<semaphore_mem>>
        %dma_start3A = arith.constant 0 : i32
        %dma_start3A_23 = arith.constant 0 : i32
        %dma_start3A_24 = tpu.memref_slice %arg7[%dma_start3A, %dma_start3A_23] : memref<40x128xi32, #tpu.memory_space<vmem>> -> memref<39x128xi32, #tpu.memory_space<vmem>>
        %dma_start3A_25 = arith.constant 40 : i32
        %dma_start3A_26 = arith.constant 0 : i32
        %dma_start3A_27 = tpu.memref_slice %arg2[%arg1, %dma_start3A_25, %dma_start3A_26] : memref<16x79x128xi32, #tpu.memory_space<hbm>> -> memref<1x39x128xi32, #tpu.memory_space<hbm>>
        %dma_start3A_28 = tpu.memref_squeeze %dma_start3A_27 : memref<1x39x128xi32, #tpu.memory_space<hbm>> -> memref<39x128xi32, #tpu.memory_space<hbm>>
        %dma_start3A_29 = arith.constant 0 : i32
        %dma_start3A_30 = arith.constant 0 : i32
        %dma_start3A_31 = tpu.memref_slice %arg7[%dma_start3A_29, %dma_start3A_30] : memref<40x128xi32, #tpu.memory_space<vmem>> -> memref<39x128xi32, #tpu.memory_space<vmem>>
        %dma_start3A_32 = arith.constant 40 : i32
        %dma_start3A_33 = arith.constant 0 : i32
        %dma_start3A_34 = tpu.memref_slice %arg2[%arg1, %dma_start3A_32, %dma_start3A_33] : memref<16x79x128xi32, #tpu.memory_space<hbm>> -> memref<1x39x128xi32, #tpu.memory_space<hbm>>
        %dma_start3A_35 = tpu.memref_squeeze %dma_start3A_34 : memref<1x39x128xi32, #tpu.memory_space<hbm>> -> memref<39x128xi32, #tpu.memory_space<hbm>>
        tpu.enqueue_dma source(%dma_start3A_35 : memref<39x128xi32, #tpu.memory_space<hbm>>) target(%dma_start3A_31 : memref<39x128xi32, #tpu.memory_space<vmem>>) target_semaphore(%run_scoped3A : memref<!tpu.dma_semaphore, #tpu.memory_space<semaphore_mem>>)
        %dma_wait3A = arith.constant 0 : i32
        %dma_wait3A_36 = arith.constant 0 : i32
        %dma_wait3A_37 = tpu.memref_slice %arg7[%dma_wait3A, %dma_wait3A_36] : memref<40x128xi32, #tpu.memory_space<vmem>> -> memref<39x128xi32, #tpu.memory_space<vmem>>
        %dma_wait3A_38 = arith.constant 40 : i32
        %dma_wait3A_39 = arith.constant 0 : i32
        %dma_wait3A_40 = tpu.memref_slice %arg2[%arg1, %dma_wait3A_38, %dma_wait3A_39] : memref<16x79x128xi32, #tpu.memory_space<hbm>> -> memref<1x39x128xi32, #tpu.memory_space<hbm>>
        %dma_wait3A_41 = tpu.memref_squeeze %dma_wait3A_40 : memref<1x39x128xi32, #tpu.memory_space<hbm>> -> memref<39x128xi32, #tpu.memory_space<hbm>>
        %dma_wait3A_42 = arith.constant 0 : i32
        %dma_wait3A_43 = arith.constant 0 : i32
        %dma_wait3A_44 = tpu.memref_slice %arg7[%dma_wait3A_42, %dma_wait3A_43] : memref<40x128xi32, #tpu.memory_space<vmem>> -> memref<39x128xi32, #tpu.memory_space<vmem>>
        %dma_wait3A_45 = arith.constant 40 : i32
        %dma_wait3A_46 = arith.constant 0 : i32
        %dma_wait3A_47 = tpu.memref_slice %arg2[%arg1, %dma_wait3A_45, %dma_wait3A_46] : memref<16x79x128xi32, #tpu.memory_space<hbm>> -> memref<1x39x128xi32, #tpu.memory_space<hbm>>
        %dma_wait3A_48 = tpu.memref_squeeze %dma_wait3A_47 : memref<1x39x128xi32, #tpu.memory_space<hbm>> -> memref<39x128xi32, #tpu.memory_space<hbm>>
        tpu.wait_dma2 semaphore(%run_scoped3A : memref<!tpu.dma_semaphore, #tpu.memory_space<semaphore_mem>>) src(%dma_wait3A_48 : memref<39x128xi32, #tpu.memory_space<hbm>>) dst(%dma_wait3A_44 : memref<39x128xi32, #tpu.memory_space<vmem>>)
        tpu.yield
      }) : () -> ()
      %scan3A = arith.constant 0 : i32
      %scan3A_17 = arith.constant 0 : i32
      %scan3A_18 = arith.constant 39 : i32
      %scan3A_19 = arith.addi %scan3A_17, %scan3A_18 : i32
      %scan3A_20 = arith.constant 1 : i32
      scf.for %scan3A_23 = %scan3A_17 to %scan3A_19 step %scan3A_20  : i32 {
        "tpu.region"() ({
          %run_scoped3A = tpu.sem_alloc : memref<!tpu.dma_semaphore, #tpu.memory_space<semaphore_mem>>
          %dma_start3A = arith.constant 0 : i32
          %dma_start3A_24 = tpu.memref_slice %arg7[%scan3A_23, %dma_start3A] : memref<40x128xi32, #tpu.memory_space<vmem>> -> memref<1x128xi32, #tpu.memory_space<vmem>>
          %dma_start3A_25 = tpu.memref_squeeze %dma_start3A_24 : memref<1x128xi32, #tpu.memory_space<vmem>> -> memref<128xi32, #tpu.memory_space<vmem>>
          %dma_start3A_26 = arith.constant 0 : i32
          %dma_start3A_27 = arith.constant 0 : i32
          %dma_start3A_28 = tpu.memref_slice %arg9[%dma_start3A_26, %dma_start3A_27] : memref<10112x128xf32, #tpu.memory_space<vmem_shared>> -> memref<10112x128xf32, #tpu.memory_space<vmem_shared>>
          tpu.enqueue_indirect_dma source(%arg8 : memref<128x128xf32, #tpu.memory_space<vmem>>) target(%dma_start3A_28 : memref<10112x128xf32, #tpu.memory_space<vmem_shared>>) offsets(%dma_start3A_25 : memref<128xi32, #tpu.memory_space<vmem>>) semaphore(%run_scoped3A : memref<!tpu.dma_semaphore, #tpu.memory_space<semaphore_mem>>) {add = true}
          %dma_wait3A = arith.constant 0 : i32
          %dma_wait3A_29 = tpu.memref_slice %arg7[%scan3A_23, %dma_wait3A] : memref<40x128xi32, #tpu.memory_space<vmem>> -> memref<1x128xi32, #tpu.memory_space<vmem>>
          %dma_wait3A_30 = tpu.memref_squeeze %dma_wait3A_29 : memref<1x128xi32, #tpu.memory_space<vmem>> -> memref<128xi32, #tpu.memory_space<vmem>>
          %dma_wait3A_31 = arith.constant 0 : i32
          %dma_wait3A_32 = arith.constant 0 : i32
          %dma_wait3A_33 = tpu.memref_slice %arg9[%dma_wait3A_31, %dma_wait3A_32] : memref<10112x128xf32, #tpu.memory_space<vmem_shared>> -> memref<10112x128xf32, #tpu.memory_space<vmem_shared>>
          tpu.wait_indirect_dma semaphore(%run_scoped3A : memref<!tpu.dma_semaphore, #tpu.memory_space<semaphore_mem>>) src(%arg8 : memref<128x128xf32, #tpu.memory_space<vmem>>) dst(%dma_wait3A_33 : memref<10112x128xf32, #tpu.memory_space<vmem_shared>>)
          tpu.yield
        }) : () -> ()
      }
      %scan3A_21 = arith.constant 39 : i32
      %barrier3A_22 = arith.constant 0 : index
      tpu.barrier barrier_id(%barrier3A_22)
      "tpu.region"() ({
        %run_scoped3A = tpu.sem_alloc : memref<!tpu.dma_semaphore, #tpu.memory_space<semaphore_mem>>
        %dma_start3A = arith.constant 0 : i32
        %dma_start3A_23 = tpu.memref_slice %arg6[%mul3A_0, %dma_start3A] : memref<10112x128xf32, #tpu.memory_space<hbm>> -> memref<632x128xf32, #tpu.memory_space<hbm>>
        %dma_start3A_24 = arith.constant 0 : i32
        %dma_start3A_25 = tpu.memref_slice %arg9[%mul3A_0, %dma_start3A_24] : memref<10112x128xf32, #tpu.memory_space<vmem_shared>> -> memref<632x128xf32, #tpu.memory_space<vmem_shared>>
        tpu.enqueue_dma source(%dma_start3A_25 : memref<632x128xf32, #tpu.memory_space<vmem_shared>>) target(%dma_start3A_23 : memref<632x128xf32, #tpu.memory_space<hbm>>) target_semaphore(%run_scoped3A : memref<!tpu.dma_semaphore, #tpu.memory_space<semaphore_mem>>)
        %dma_wait3A = arith.constant 0 : i32
        %dma_wait3A_26 = tpu.memref_slice %arg6[%mul3A_0, %dma_wait3A] : memref<10112x128xf32, #tpu.memory_space<hbm>> -> memref<632x128xf32, #tpu.memory_space<hbm>>
        %dma_wait3A_27 = arith.constant 0 : i32
        %dma_wait3A_28 = tpu.memref_slice %arg9[%mul3A_0, %dma_wait3A_27] : memref<10112x128xf32, #tpu.memory_space<vmem_shared>> -> memref<632x128xf32, #tpu.memory_space<vmem_shared>>
        tpu.wait_dma2 semaphore(%run_scoped3A : memref<!tpu.dma_semaphore, #tpu.memory_space<semaphore_mem>>) src(%dma_wait3A_28 : memref<632x128xf32, #tpu.memory_space<vmem_shared>>) dst(%dma_wait3A_26 : memref<632x128xf32, #tpu.memory_space<hbm>>)
        tpu.yield
      }) : () -> ()
    } else {
    }
    return
  }
}

#map = affine_map<(d0, d1) -> (0, 0)>
#map1 = affine_map<(d0, d1) -> (0, 0, 0)>
module attributes {stable_mosaic.version = 14 : i64} {
  func.func @k(%arg0: i32, %arg1: i32, %arg2: memref<10000x128xf32, #tpu.memory_space<hbm>>, %arg3: memref<10000x128xf32, #tpu.memory_space<hbm>>, %arg4: memref<16x79x128xi32, #tpu.memory_space<hbm>>, %arg5: memref<16x79x128xi32, #tpu.memory_space<hbm>>, %arg6: memref<640x128xf32, #tpu.memory_space<hbm>>, %arg7: memref<10112x128xf32, #tpu.memory_space<hbm>>, %arg8: memref<10112x128xf32, #tpu.memory_space<hbm>>, %arg9: memref<40x128xi32, #tpu.memory_space<vmem>>, %arg10: memref<40x128xi32, #tpu.memory_space<vmem>>, %arg11: memref<128x128xf32, #tpu.memory_space<vmem>>, %arg12: memref<10112x128xf32, #tpu.memory_space<vmem_shared>>, %arg13: memref<!tpu.dma_semaphore, #tpu.memory_space<semaphore_mem>>) attributes {dimension_semantics = [#tpu.dimension_semantics<core_parallel>, #tpu.dimension_semantics<subcore_parallel>], iteration_bounds = array<i64: 2, 16>, scalar_prefetch = 0 : i64, scratch_operands = 5 : i64, tpu.core_type = #tpu.core_type<sc_vector_subcore>, window_params = [{transform_indices = #map}, {transform_indices = #map}, {transform_indices = #map1}, {transform_indices = #map1}, {transform_indices = #map}, {transform_indices = #map}, {transform_indices = #map}]} {
    %eq3A = arith.constant 0 : i32
    %eq3A_0 = arith.cmpi eq, %arg0, %eq3A : i32
    %convert_element_type3A = arith.extui %eq3A_0 : i1 to i32
    %cond3A = arith.constant 0 : i32
    %cond3A_1 = arith.cmpi ne, %convert_element_type3A, %cond3A : i32
    scf.if %cond3A_1 {
      %mul3A = arith.constant 632 : i32
      %mul3A_7 = arith.muli %arg1, %mul3A : i32
      "tpu.region"() ({
        %run_scoped3A = tpu.sem_alloc : memref<!tpu.dma_semaphore, #tpu.memory_space<semaphore_mem>>
        %dma_start3A = arith.constant 0 : i32
        %dma_start3A_49 = arith.constant 0 : i32
        %dma_start3A_50 = tpu.memref_slice %arg6[%dma_start3A, %dma_start3A_49] : memref<640x128xf32, #tpu.memory_space<hbm>> -> memref<128x128xf32, #tpu.memory_space<hbm>>
        %dma_start3A_51 = arith.constant 0 : i32
        %dma_start3A_52 = arith.constant 0 : i32
        %dma_start3A_53 = tpu.memref_slice %arg6[%dma_start3A_51, %dma_start3A_52] : memref<640x128xf32, #tpu.memory_space<hbm>> -> memref<128x128xf32, #tpu.memory_space<hbm>>
        tpu.enqueue_dma source(%dma_start3A_53 : memref<128x128xf32, #tpu.memory_space<hbm>>) target(%arg11 : memref<128x128xf32, #tpu.memory_space<vmem>>) target_semaphore(%run_scoped3A : memref<!tpu.dma_semaphore, #tpu.memory_space<semaphore_mem>>)
        %dma_wait3A = arith.constant 0 : i32
        %dma_wait3A_54 = arith.constant 0 : i32
        %dma_wait3A_55 = tpu.memref_slice %arg6[%dma_wait3A, %dma_wait3A_54] : memref<640x128xf32, #tpu.memory_space<hbm>> -> memref<128x128xf32, #tpu.memory_space<hbm>>
        %dma_wait3A_56 = arith.constant 0 : i32
        %dma_wait3A_57 = arith.constant 0 : i32
        %dma_wait3A_58 = tpu.memref_slice %arg6[%dma_wait3A_56, %dma_wait3A_57] : memref<640x128xf32, #tpu.memory_space<hbm>> -> memref<128x128xf32, #tpu.memory_space<hbm>>
        tpu.wait_dma2 semaphore(%run_scoped3A : memref<!tpu.dma_semaphore, #tpu.memory_space<semaphore_mem>>) src(%dma_wait3A_58 : memref<128x128xf32, #tpu.memory_space<hbm>>) dst(%arg11 : memref<128x128xf32, #tpu.memory_space<vmem>>)
        tpu.yield
      }) : () -> ()
      %add3A = arith.constant 0 : i32
      %add3A_8 = arith.addi %mul3A_7, %add3A : i32
      "tpu.region"() ({
        %run_scoped3A = tpu.sem_alloc : memref<!tpu.dma_semaphore, #tpu.memory_space<semaphore_mem>>
        %dma_start3A = arith.constant 0 : i32
        %dma_start3A_49 = arith.constant 0 : i32
        %dma_start3A_50 = tpu.memref_slice %arg11[%dma_start3A, %dma_start3A_49] : memref<128x128xf32, #tpu.memory_space<vmem>> -> memref<128x128xf32, #tpu.memory_space<vmem>>
        %dma_start3A_51 = arith.constant 0 : i32
        %dma_start3A_52 = tpu.memref_slice %arg12[%add3A_8, %dma_start3A_51] : memref<10112x128xf32, #tpu.memory_space<vmem_shared>> -> memref<128x128xf32, #tpu.memory_space<vmem_shared>>
        %dma_start3A_53 = arith.constant 0 : i32
        %dma_start3A_54 = tpu.memref_slice %arg12[%add3A_8, %dma_start3A_53] : memref<10112x128xf32, #tpu.memory_space<vmem_shared>> -> memref<128x128xf32, #tpu.memory_space<vmem_shared>>
        %dma_start3A_55 = arith.constant 0 : i32
        %dma_start3A_56 = arith.constant 0 : i32
        %dma_start3A_57 = tpu.memref_slice %arg11[%dma_start3A_55, %dma_start3A_56] : memref<128x128xf32, #tpu.memory_space<vmem>> -> memref<128x128xf32, #tpu.memory_space<vmem>>
        tpu.enqueue_dma source(%dma_start3A_57 : memref<128x128xf32, #tpu.memory_space<vmem>>) target(%dma_start3A_54 : memref<128x128xf32, #tpu.memory_space<vmem_shared>>) target_semaphore(%run_scoped3A : memref<!tpu.dma_semaphore, #tpu.memory_space<semaphore_mem>>)
        %dma_wait3A = arith.constant 0 : i32
        %dma_wait3A_58 = arith.constant 0 : i32
        %dma_wait3A_59 = tpu.memref_slice %arg11[%dma_wait3A, %dma_wait3A_58] : memref<128x128xf32, #tpu.memory_space<vmem>> -> memref<128x128xf32, #tpu.memory_space<vmem>>
        %dma_wait3A_60 = arith.constant 0 : i32
        %dma_wait3A_61 = tpu.memref_slice %arg12[%add3A_8, %dma_wait3A_60] : memref<10112x128xf32, #tpu.memory_space<vmem_shared>> -> memref<128x128xf32, #tpu.memory_space<vmem_shared>>
        %dma_wait3A_62 = arith.constant 0 : i32
        %dma_wait3A_63 = tpu.memref_slice %arg12[%add3A_8, %dma_wait3A_62] : memref<10112x128xf32, #tpu.memory_space<vmem_shared>> -> memref<128x128xf32, #tpu.memory_space<vmem_shared>>
        %dma_wait3A_64 = arith.constant 0 : i32
        %dma_wait3A_65 = arith.constant 0 : i32
        %dma_wait3A_66 = tpu.memref_slice %arg11[%dma_wait3A_64, %dma_wait3A_65] : memref<128x128xf32, #tpu.memory_space<vmem>> -> memref<128x128xf32, #tpu.memory_space<vmem>>
        tpu.wait_dma2 semaphore(%run_scoped3A : memref<!tpu.dma_semaphore, #tpu.memory_space<semaphore_mem>>) src(%dma_wait3A_66 : memref<128x128xf32, #tpu.memory_space<vmem>>) dst(%dma_wait3A_63 : memref<128x128xf32, #tpu.memory_space<vmem_shared>>)
        tpu.yield
      }) : () -> ()
      %add3A_9 = arith.constant 128 : i32
      %add3A_10 = arith.addi %mul3A_7, %add3A_9 : i32
      "tpu.region"() ({
        %run_scoped3A = tpu.sem_alloc : memref<!tpu.dma_semaphore, #tpu.memory_space<semaphore_mem>>
        %dma_start3A = arith.constant 0 : i32
        %dma_start3A_49 = arith.constant 0 : i32
        %dma_start3A_50 = tpu.memref_slice %arg11[%dma_start3A, %dma_start3A_49] : memref<128x128xf32, #tpu.memory_space<vmem>> -> memref<128x128xf32, #tpu.memory_space<vmem>>
        %dma_start3A_51 = arith.constant 0 : i32
        %dma_start3A_52 = tpu.memref_slice %arg12[%add3A_10, %dma_start3A_51] : memref<10112x128xf32, #tpu.memory_space<vmem_shared>> -> memref<128x128xf32, #tpu.memory_space<vmem_shared>>
        %dma_start3A_53 = arith.constant 0 : i32
        %dma_start3A_54 = tpu.memref_slice %arg12[%add3A_10, %dma_start3A_53] : memref<10112x128xf32, #tpu.memory_space<vmem_shared>> -> memref<128x128xf32, #tpu.memory_space<vmem_shared>>
        %dma_start3A_55 = arith.constant 0 : i32
        %dma_start3A_56 = arith.constant 0 : i32
        %dma_start3A_57 = tpu.memref_slice %arg11[%dma_start3A_55, %dma_start3A_56] : memref<128x128xf32, #tpu.memory_space<vmem>> -> memref<128x128xf32, #tpu.memory_space<vmem>>
        tpu.enqueue_dma source(%dma_start3A_57 : memref<128x128xf32, #tpu.memory_space<vmem>>) target(%dma_start3A_54 : memref<128x128xf32, #tpu.memory_space<vmem_shared>>) target_semaphore(%run_scoped3A : memref<!tpu.dma_semaphore, #tpu.memory_space<semaphore_mem>>)
        %dma_wait3A = arith.constant 0 : i32
        %dma_wait3A_58 = arith.constant 0 : i32
        %dma_wait3A_59 = tpu.memref_slice %arg11[%dma_wait3A, %dma_wait3A_58] : memref<128x128xf32, #tpu.memory_space<vmem>> -> memref<128x128xf32, #tpu.memory_space<vmem>>
        %dma_wait3A_60 = arith.constant 0 : i32
        %dma_wait3A_61 = tpu.memref_slice %arg12[%add3A_10, %dma_wait3A_60] : memref<10112x128xf32, #tpu.memory_space<vmem_shared>> -> memref<128x128xf32, #tpu.memory_space<vmem_shared>>
        %dma_wait3A_62 = arith.constant 0 : i32
        %dma_wait3A_63 = tpu.memref_slice %arg12[%add3A_10, %dma_wait3A_62] : memref<10112x128xf32, #tpu.memory_space<vmem_shared>> -> memref<128x128xf32, #tpu.memory_space<vmem_shared>>
        %dma_wait3A_64 = arith.constant 0 : i32
        %dma_wait3A_65 = arith.constant 0 : i32
        %dma_wait3A_66 = tpu.memref_slice %arg11[%dma_wait3A_64, %dma_wait3A_65] : memref<128x128xf32, #tpu.memory_space<vmem>> -> memref<128x128xf32, #tpu.memory_space<vmem>>
        tpu.wait_dma2 semaphore(%run_scoped3A : memref<!tpu.dma_semaphore, #tpu.memory_space<semaphore_mem>>) src(%dma_wait3A_66 : memref<128x128xf32, #tpu.memory_space<vmem>>) dst(%dma_wait3A_63 : memref<128x128xf32, #tpu.memory_space<vmem_shared>>)
        tpu.yield
      }) : () -> ()
      %add3A_11 = arith.constant 256 : i32
      %add3A_12 = arith.addi %mul3A_7, %add3A_11 : i32
      "tpu.region"() ({
        %run_scoped3A = tpu.sem_alloc : memref<!tpu.dma_semaphore, #tpu.memory_space<semaphore_mem>>
        %dma_start3A = arith.constant 0 : i32
        %dma_start3A_49 = arith.constant 0 : i32
        %dma_start3A_50 = tpu.memref_slice %arg11[%dma_start3A, %dma_start3A_49] : memref<128x128xf32, #tpu.memory_space<vmem>> -> memref<128x128xf32, #tpu.memory_space<vmem>>
        %dma_start3A_51 = arith.constant 0 : i32
        %dma_start3A_52 = tpu.memref_slice %arg12[%add3A_12, %dma_start3A_51] : memref<10112x128xf32, #tpu.memory_space<vmem_shared>> -> memref<128x128xf32, #tpu.memory_space<vmem_shared>>
        %dma_start3A_53 = arith.constant 0 : i32
        %dma_start3A_54 = tpu.memref_slice %arg12[%add3A_12, %dma_start3A_53] : memref<10112x128xf32, #tpu.memory_space<vmem_shared>> -> memref<128x128xf32, #tpu.memory_space<vmem_shared>>
        %dma_start3A_55 = arith.constant 0 : i32
        %dma_start3A_56 = arith.constant 0 : i32
        %dma_start3A_57 = tpu.memref_slice %arg11[%dma_start3A_55, %dma_start3A_56] : memref<128x128xf32, #tpu.memory_space<vmem>> -> memref<128x128xf32, #tpu.memory_space<vmem>>
        tpu.enqueue_dma source(%dma_start3A_57 : memref<128x128xf32, #tpu.memory_space<vmem>>) target(%dma_start3A_54 : memref<128x128xf32, #tpu.memory_space<vmem_shared>>) target_semaphore(%run_scoped3A : memref<!tpu.dma_semaphore, #tpu.memory_space<semaphore_mem>>)
        %dma_wait3A = arith.constant 0 : i32
        %dma_wait3A_58 = arith.constant 0 : i32
        %dma_wait3A_59 = tpu.memref_slice %arg11[%dma_wait3A, %dma_wait3A_58] : memref<128x128xf32, #tpu.memory_space<vmem>> -> memref<128x128xf32, #tpu.memory_space<vmem>>
        %dma_wait3A_60 = arith.constant 0 : i32
        %dma_wait3A_61 = tpu.memref_slice %arg12[%add3A_12, %dma_wait3A_60] : memref<10112x128xf32, #tpu.memory_space<vmem_shared>> -> memref<128x128xf32, #tpu.memory_space<vmem_shared>>
        %dma_wait3A_62 = arith.constant 0 : i32
        %dma_wait3A_63 = tpu.memref_slice %arg12[%add3A_12, %dma_wait3A_62] : memref<10112x128xf32, #tpu.memory_space<vmem_shared>> -> memref<128x128xf32, #tpu.memory_space<vmem_shared>>
        %dma_wait3A_64 = arith.constant 0 : i32
        %dma_wait3A_65 = arith.constant 0 : i32
        %dma_wait3A_66 = tpu.memref_slice %arg11[%dma_wait3A_64, %dma_wait3A_65] : memref<128x128xf32, #tpu.memory_space<vmem>> -> memref<128x128xf32, #tpu.memory_space<vmem>>
        tpu.wait_dma2 semaphore(%run_scoped3A : memref<!tpu.dma_semaphore, #tpu.memory_space<semaphore_mem>>) src(%dma_wait3A_66 : memref<128x128xf32, #tpu.memory_space<vmem>>) dst(%dma_wait3A_63 : memref<128x128xf32, #tpu.memory_space<vmem_shared>>)
        tpu.yield
      }) : () -> ()
      %add3A_13 = arith.constant 384 : i32
      %add3A_14 = arith.addi %mul3A_7, %add3A_13 : i32
      "tpu.region"() ({
        %run_scoped3A = tpu.sem_alloc : memref<!tpu.dma_semaphore, #tpu.memory_space<semaphore_mem>>
        %dma_start3A = arith.constant 0 : i32
        %dma_start3A_49 = arith.constant 0 : i32
        %dma_start3A_50 = tpu.memref_slice %arg11[%dma_start3A, %dma_start3A_49] : memref<128x128xf32, #tpu.memory_space<vmem>> -> memref<128x128xf32, #tpu.memory_space<vmem>>
        %dma_start3A_51 = arith.constant 0 : i32
        %dma_start3A_52 = tpu.memref_slice %arg12[%add3A_14, %dma_start3A_51] : memref<10112x128xf32, #tpu.memory_space<vmem_shared>> -> memref<128x128xf32, #tpu.memory_space<vmem_shared>>
        %dma_start3A_53 = arith.constant 0 : i32
        %dma_start3A_54 = tpu.memref_slice %arg12[%add3A_14, %dma_start3A_53] : memref<10112x128xf32, #tpu.memory_space<vmem_shared>> -> memref<128x128xf32, #tpu.memory_space<vmem_shared>>
        %dma_start3A_55 = arith.constant 0 : i32
        %dma_start3A_56 = arith.constant 0 : i32
        %dma_start3A_57 = tpu.memref_slice %arg11[%dma_start3A_55, %dma_start3A_56] : memref<128x128xf32, #tpu.memory_space<vmem>> -> memref<128x128xf32, #tpu.memory_space<vmem>>
        tpu.enqueue_dma source(%dma_start3A_57 : memref<128x128xf32, #tpu.memory_space<vmem>>) target(%dma_start3A_54 : memref<128x128xf32, #tpu.memory_space<vmem_shared>>) target_semaphore(%run_scoped3A : memref<!tpu.dma_semaphore, #tpu.memory_space<semaphore_mem>>)
        %dma_wait3A = arith.constant 0 : i32
        %dma_wait3A_58 = arith.constant 0 : i32
        %dma_wait3A_59 = tpu.memref_slice %arg11[%dma_wait3A, %dma_wait3A_58] : memref<128x128xf32, #tpu.memory_space<vmem>> -> memref<128x128xf32, #tpu.memory_space<vmem>>
        %dma_wait3A_60 = arith.constant 0 : i32
        %dma_wait3A_61 = tpu.memref_slice %arg12[%add3A_14, %dma_wait3A_60] : memref<10112x128xf32, #tpu.memory_space<vmem_shared>> -> memref<128x128xf32, #tpu.memory_space<vmem_shared>>
        %dma_wait3A_62 = arith.constant 0 : i32
        %dma_wait3A_63 = tpu.memref_slice %arg12[%add3A_14, %dma_wait3A_62] : memref<10112x128xf32, #tpu.memory_space<vmem_shared>> -> memref<128x128xf32, #tpu.memory_space<vmem_shared>>
        %dma_wait3A_64 = arith.constant 0 : i32
        %dma_wait3A_65 = arith.constant 0 : i32
        %dma_wait3A_66 = tpu.memref_slice %arg11[%dma_wait3A_64, %dma_wait3A_65] : memref<128x128xf32, #tpu.memory_space<vmem>> -> memref<128x128xf32, #tpu.memory_space<vmem>>
        tpu.wait_dma2 semaphore(%run_scoped3A : memref<!tpu.dma_semaphore, #tpu.memory_space<semaphore_mem>>) src(%dma_wait3A_66 : memref<128x128xf32, #tpu.memory_space<vmem>>) dst(%dma_wait3A_63 : memref<128x128xf32, #tpu.memory_space<vmem_shared>>)
        tpu.yield
      }) : () -> ()
      %add3A_15 = arith.constant 512 : i32
      %add3A_16 = arith.addi %mul3A_7, %add3A_15 : i32
      "tpu.region"() ({
        %run_scoped3A = tpu.sem_alloc : memref<!tpu.dma_semaphore, #tpu.memory_space<semaphore_mem>>
        %dma_start3A = arith.constant 0 : i32
        %dma_start3A_49 = arith.constant 0 : i32
        %dma_start3A_50 = tpu.memref_slice %arg11[%dma_start3A, %dma_start3A_49] : memref<128x128xf32, #tpu.memory_space<vmem>> -> memref<120x128xf32, #tpu.memory_space<vmem>>
        %dma_start3A_51 = arith.constant 0 : i32
        %dma_start3A_52 = tpu.memref_slice %arg12[%add3A_16, %dma_start3A_51] : memref<10112x128xf32, #tpu.memory_space<vmem_shared>> -> memref<120x128xf32, #tpu.memory_space<vmem_shared>>
        %dma_start3A_53 = arith.constant 0 : i32
        %dma_start3A_54 = tpu.memref_slice %arg12[%add3A_16, %dma_start3A_53] : memref<10112x128xf32, #tpu.memory_space<vmem_shared>> -> memref<120x128xf32, #tpu.memory_space<vmem_shared>>
        %dma_start3A_55 = arith.constant 0 : i32
        %dma_start3A_56 = arith.constant 0 : i32
        %dma_start3A_57 = tpu.memref_slice %arg11[%dma_start3A_55, %dma_start3A_56] : memref<128x128xf32, #tpu.memory_space<vmem>> -> memref<120x128xf32, #tpu.memory_space<vmem>>
        tpu.enqueue_dma source(%dma_start3A_57 : memref<120x128xf32, #tpu.memory_space<vmem>>) target(%dma_start3A_54 : memref<120x128xf32, #tpu.memory_space<vmem_shared>>) target_semaphore(%run_scoped3A : memref<!tpu.dma_semaphore, #tpu.memory_space<semaphore_mem>>)
        %dma_wait3A = arith.constant 0 : i32
        %dma_wait3A_58 = arith.constant 0 : i32
        %dma_wait3A_59 = tpu.memref_slice %arg11[%dma_wait3A, %dma_wait3A_58] : memref<128x128xf32, #tpu.memory_space<vmem>> -> memref<120x128xf32, #tpu.memory_space<vmem>>
        %dma_wait3A_60 = arith.constant 0 : i32
        %dma_wait3A_61 = tpu.memref_slice %arg12[%add3A_16, %dma_wait3A_60] : memref<10112x128xf32, #tpu.memory_space<vmem_shared>> -> memref<120x128xf32, #tpu.memory_space<vmem_shared>>
        %dma_wait3A_62 = arith.constant 0 : i32
        %dma_wait3A_63 = tpu.memref_slice %arg12[%add3A_16, %dma_wait3A_62] : memref<10112x128xf32, #tpu.memory_space<vmem_shared>> -> memref<120x128xf32, #tpu.memory_space<vmem_shared>>
        %dma_wait3A_64 = arith.constant 0 : i32
        %dma_wait3A_65 = arith.constant 0 : i32
        %dma_wait3A_66 = tpu.memref_slice %arg11[%dma_wait3A_64, %dma_wait3A_65] : memref<128x128xf32, #tpu.memory_space<vmem>> -> memref<120x128xf32, #tpu.memory_space<vmem>>
        tpu.wait_dma2 semaphore(%run_scoped3A : memref<!tpu.dma_semaphore, #tpu.memory_space<semaphore_mem>>) src(%dma_wait3A_66 : memref<120x128xf32, #tpu.memory_space<vmem>>) dst(%dma_wait3A_63 : memref<120x128xf32, #tpu.memory_space<vmem_shared>>)
        tpu.yield
      }) : () -> ()
      %barrier3A = arith.constant 0 : index
      tpu.barrier barrier_id(%barrier3A)
      "tpu.region"() ({
        %run_scoped3A = tpu.sem_alloc : memref<!tpu.dma_semaphore, #tpu.memory_space<semaphore_mem>>
        %dma_start3A = arith.constant 0 : i32
        %dma_start3A_49 = arith.constant 0 : i32
        %dma_start3A_50 = tpu.memref_slice %arg9[%dma_start3A, %dma_start3A_49] : memref<40x128xi32, #tpu.memory_space<vmem>> -> memref<40x128xi32, #tpu.memory_space<vmem>>
        %dma_start3A_51 = arith.constant 0 : i32
        %dma_start3A_52 = arith.constant 0 : i32
        %dma_start3A_53 = tpu.memref_slice %arg4[%arg1, %dma_start3A_51, %dma_start3A_52] : memref<16x79x128xi32, #tpu.memory_space<hbm>> -> memref<1x40x128xi32, #tpu.memory_space<hbm>>
        %dma_start3A_54 = tpu.memref_squeeze %dma_start3A_53 : memref<1x40x128xi32, #tpu.memory_space<hbm>> -> memref<40x128xi32, #tpu.memory_space<hbm>>
        %dma_start3A_55 = arith.constant 0 : i32
        %dma_start3A_56 = arith.constant 0 : i32
        %dma_start3A_57 = tpu.memref_slice %arg9[%dma_start3A_55, %dma_start3A_56] : memref<40x128xi32, #tpu.memory_space<vmem>> -> memref<40x128xi32, #tpu.memory_space<vmem>>
        %dma_start3A_58 = arith.constant 0 : i32
        %dma_start3A_59 = arith.constant 0 : i32
        %dma_start3A_60 = tpu.memref_slice %arg4[%arg1, %dma_start3A_58, %dma_start3A_59] : memref<16x79x128xi32, #tpu.memory_space<hbm>> -> memref<1x40x128xi32, #tpu.memory_space<hbm>>
        %dma_start3A_61 = tpu.memref_squeeze %dma_start3A_60 : memref<1x40x128xi32, #tpu.memory_space<hbm>> -> memref<40x128xi32, #tpu.memory_space<hbm>>
        tpu.enqueue_dma source(%dma_start3A_61 : memref<40x128xi32, #tpu.memory_space<hbm>>) target(%dma_start3A_57 : memref<40x128xi32, #tpu.memory_space<vmem>>) target_semaphore(%run_scoped3A : memref<!tpu.dma_semaphore, #tpu.memory_space<semaphore_mem>>)
        %dma_wait3A = arith.constant 0 : i32
        %dma_wait3A_62 = arith.constant 0 : i32
        %dma_wait3A_63 = tpu.memref_slice %arg9[%dma_wait3A, %dma_wait3A_62] : memref<40x128xi32, #tpu.memory_space<vmem>> -> memref<40x128xi32, #tpu.memory_space<vmem>>
        %dma_wait3A_64 = arith.constant 0 : i32
        %dma_wait3A_65 = arith.constant 0 : i32
        %dma_wait3A_66 = tpu.memref_slice %arg4[%arg1, %dma_wait3A_64, %dma_wait3A_65] : memref<16x79x128xi32, #tpu.memory_space<hbm>> -> memref<1x40x128xi32, #tpu.memory_space<hbm>>
        %dma_wait3A_67 = tpu.memref_squeeze %dma_wait3A_66 : memref<1x40x128xi32, #tpu.memory_space<hbm>> -> memref<40x128xi32, #tpu.memory_space<hbm>>
        %dma_wait3A_68 = arith.constant 0 : i32
        %dma_wait3A_69 = arith.constant 0 : i32
        %dma_wait3A_70 = tpu.memref_slice %arg9[%dma_wait3A_68, %dma_wait3A_69] : memref<40x128xi32, #tpu.memory_space<vmem>> -> memref<40x128xi32, #tpu.memory_space<vmem>>
        %dma_wait3A_71 = arith.constant 0 : i32
        %dma_wait3A_72 = arith.constant 0 : i32
        %dma_wait3A_73 = tpu.memref_slice %arg4[%arg1, %dma_wait3A_71, %dma_wait3A_72] : memref<16x79x128xi32, #tpu.memory_space<hbm>> -> memref<1x40x128xi32, #tpu.memory_space<hbm>>
        %dma_wait3A_74 = tpu.memref_squeeze %dma_wait3A_73 : memref<1x40x128xi32, #tpu.memory_space<hbm>> -> memref<40x128xi32, #tpu.memory_space<hbm>>
        tpu.wait_dma2 semaphore(%run_scoped3A : memref<!tpu.dma_semaphore, #tpu.memory_space<semaphore_mem>>) src(%dma_wait3A_74 : memref<40x128xi32, #tpu.memory_space<hbm>>) dst(%dma_wait3A_70 : memref<40x128xi32, #tpu.memory_space<vmem>>)
        tpu.yield
      }) : () -> ()
      "tpu.region"() ({
        %run_scoped3A = tpu.sem_alloc : memref<!tpu.dma_semaphore, #tpu.memory_space<semaphore_mem>>
        %dma_start3A = arith.constant 0 : i32
        %dma_start3A_49 = arith.constant 0 : i32
        %dma_start3A_50 = tpu.memref_slice %arg10[%dma_start3A, %dma_start3A_49] : memref<40x128xi32, #tpu.memory_space<vmem>> -> memref<40x128xi32, #tpu.memory_space<vmem>>
        %dma_start3A_51 = arith.constant 0 : i32
        %dma_start3A_52 = arith.constant 0 : i32
        %dma_start3A_53 = tpu.memref_slice %arg5[%arg1, %dma_start3A_51, %dma_start3A_52] : memref<16x79x128xi32, #tpu.memory_space<hbm>> -> memref<1x40x128xi32, #tpu.memory_space<hbm>>
        %dma_start3A_54 = tpu.memref_squeeze %dma_start3A_53 : memref<1x40x128xi32, #tpu.memory_space<hbm>> -> memref<40x128xi32, #tpu.memory_space<hbm>>
        %dma_start3A_55 = arith.constant 0 : i32
        %dma_start3A_56 = arith.constant 0 : i32
        %dma_start3A_57 = tpu.memref_slice %arg10[%dma_start3A_55, %dma_start3A_56] : memref<40x128xi32, #tpu.memory_space<vmem>> -> memref<40x128xi32, #tpu.memory_space<vmem>>
        %dma_start3A_58 = arith.constant 0 : i32
        %dma_start3A_59 = arith.constant 0 : i32
        %dma_start3A_60 = tpu.memref_slice %arg5[%arg1, %dma_start3A_58, %dma_start3A_59] : memref<16x79x128xi32, #tpu.memory_space<hbm>> -> memref<1x40x128xi32, #tpu.memory_space<hbm>>
        %dma_start3A_61 = tpu.memref_squeeze %dma_start3A_60 : memref<1x40x128xi32, #tpu.memory_space<hbm>> -> memref<40x128xi32, #tpu.memory_space<hbm>>
        tpu.enqueue_dma source(%dma_start3A_61 : memref<40x128xi32, #tpu.memory_space<hbm>>) target(%dma_start3A_57 : memref<40x128xi32, #tpu.memory_space<vmem>>) target_semaphore(%run_scoped3A : memref<!tpu.dma_semaphore, #tpu.memory_space<semaphore_mem>>)
        %dma_wait3A = arith.constant 0 : i32
        %dma_wait3A_62 = arith.constant 0 : i32
        %dma_wait3A_63 = tpu.memref_slice %arg10[%dma_wait3A, %dma_wait3A_62] : memref<40x128xi32, #tpu.memory_space<vmem>> -> memref<40x128xi32, #tpu.memory_space<vmem>>
        %dma_wait3A_64 = arith.constant 0 : i32
        %dma_wait3A_65 = arith.constant 0 : i32
        %dma_wait3A_66 = tpu.memref_slice %arg5[%arg1, %dma_wait3A_64, %dma_wait3A_65] : memref<16x79x128xi32, #tpu.memory_space<hbm>> -> memref<1x40x128xi32, #tpu.memory_space<hbm>>
        %dma_wait3A_67 = tpu.memref_squeeze %dma_wait3A_66 : memref<1x40x128xi32, #tpu.memory_space<hbm>> -> memref<40x128xi32, #tpu.memory_space<hbm>>
        %dma_wait3A_68 = arith.constant 0 : i32
        %dma_wait3A_69 = arith.constant 0 : i32
        %dma_wait3A_70 = tpu.memref_slice %arg10[%dma_wait3A_68, %dma_wait3A_69] : memref<40x128xi32, #tpu.memory_space<vmem>> -> memref<40x128xi32, #tpu.memory_space<vmem>>
        %dma_wait3A_71 = arith.constant 0 : i32
        %dma_wait3A_72 = arith.constant 0 : i32
        %dma_wait3A_73 = tpu.memref_slice %arg5[%arg1, %dma_wait3A_71, %dma_wait3A_72] : memref<16x79x128xi32, #tpu.memory_space<hbm>> -> memref<1x40x128xi32, #tpu.memory_space<hbm>>
        %dma_wait3A_74 = tpu.memref_squeeze %dma_wait3A_73 : memref<1x40x128xi32, #tpu.memory_space<hbm>> -> memref<40x128xi32, #tpu.memory_space<hbm>>
        tpu.wait_dma2 semaphore(%run_scoped3A : memref<!tpu.dma_semaphore, #tpu.memory_space<semaphore_mem>>) src(%dma_wait3A_74 : memref<40x128xi32, #tpu.memory_space<hbm>>) dst(%dma_wait3A_70 : memref<40x128xi32, #tpu.memory_space<vmem>>)
        tpu.yield
      }) : () -> ()
      %scan3A = arith.constant 0 : i32
      %scan3A_17 = arith.constant 0 : i32
      %scan3A_18 = arith.constant 40 : i32
      %scan3A_19 = arith.addi %scan3A_17, %scan3A_18 : i32
      %scan3A_20 = arith.constant 1 : i32
      scf.for %scan3A_49 = %scan3A_17 to %scan3A_19 step %scan3A_20  : i32 {
        %dma_start3A = arith.constant 0 : i32
        %dma_start3A_50 = tpu.memref_slice %arg9[%scan3A_49, %dma_start3A] : memref<40x128xi32, #tpu.memory_space<vmem>> -> memref<1x128xi32, #tpu.memory_space<vmem>>
        %dma_start3A_51 = tpu.memref_squeeze %dma_start3A_50 : memref<1x128xi32, #tpu.memory_space<vmem>> -> memref<128xi32, #tpu.memory_space<vmem>>
        %dma_start3A_52 = arith.constant 0 : i32
        %dma_start3A_53 = arith.constant 0 : i32
        %dma_start3A_54 = tpu.memref_slice %arg2[%dma_start3A_52, %dma_start3A_53] : memref<10000x128xf32, #tpu.memory_space<hbm>> -> memref<10000x128xf32, #tpu.memory_space<hbm>>
        tpu.enqueue_indirect_dma source(%dma_start3A_54 : memref<10000x128xf32, #tpu.memory_space<hbm>>) target(%arg11 : memref<128x128xf32, #tpu.memory_space<vmem>>) offsets(%dma_start3A_51 : memref<128xi32, #tpu.memory_space<vmem>>) semaphore(%arg13 : memref<!tpu.dma_semaphore, #tpu.memory_space<semaphore_mem>>)
        %dma_wait3A = arith.constant 0 : i32
        %dma_wait3A_55 = tpu.memref_slice %arg9[%scan3A_49, %dma_wait3A] : memref<40x128xi32, #tpu.memory_space<vmem>> -> memref<1x128xi32, #tpu.memory_space<vmem>>
        %dma_wait3A_56 = tpu.memref_squeeze %dma_wait3A_55 : memref<1x128xi32, #tpu.memory_space<vmem>> -> memref<128xi32, #tpu.memory_space<vmem>>
        %dma_wait3A_57 = arith.constant 0 : i32
        %dma_wait3A_58 = arith.constant 0 : i32
        %dma_wait3A_59 = tpu.memref_slice %arg2[%dma_wait3A_57, %dma_wait3A_58] : memref<10000x128xf32, #tpu.memory_space<hbm>> -> memref<10000x128xf32, #tpu.memory_space<hbm>>
        tpu.wait_indirect_dma semaphore(%arg13 : memref<!tpu.dma_semaphore, #tpu.memory_space<semaphore_mem>>) src(%dma_wait3A_59 : memref<10000x128xf32, #tpu.memory_space<hbm>>) dst(%arg11 : memref<128x128xf32, #tpu.memory_space<vmem>>)
        "tpu.region"() ({
          %run_scoped3A = tpu.sem_alloc : memref<!tpu.dma_semaphore, #tpu.memory_space<semaphore_mem>>
          %dma_start3A_60 = arith.constant 0 : i32
          %dma_start3A_61 = tpu.memref_slice %arg10[%scan3A_49, %dma_start3A_60] : memref<40x128xi32, #tpu.memory_space<vmem>> -> memref<1x128xi32, #tpu.memory_space<vmem>>
          %dma_start3A_62 = tpu.memref_squeeze %dma_start3A_61 : memref<1x128xi32, #tpu.memory_space<vmem>> -> memref<128xi32, #tpu.memory_space<vmem>>
          %dma_start3A_63 = arith.constant 0 : i32
          %dma_start3A_64 = arith.constant 0 : i32
          %dma_start3A_65 = tpu.memref_slice %arg12[%dma_start3A_63, %dma_start3A_64] : memref<10112x128xf32, #tpu.memory_space<vmem_shared>> -> memref<10112x128xf32, #tpu.memory_space<vmem_shared>>
          tpu.enqueue_indirect_dma source(%arg11 : memref<128x128xf32, #tpu.memory_space<vmem>>) target(%dma_start3A_65 : memref<10112x128xf32, #tpu.memory_space<vmem_shared>>) offsets(%dma_start3A_62 : memref<128xi32, #tpu.memory_space<vmem>>) semaphore(%run_scoped3A : memref<!tpu.dma_semaphore, #tpu.memory_space<semaphore_mem>>) {add = true}
          %dma_wait3A_66 = arith.constant 0 : i32
          %dma_wait3A_67 = tpu.memref_slice %arg10[%scan3A_49, %dma_wait3A_66] : memref<40x128xi32, #tpu.memory_space<vmem>> -> memref<1x128xi32, #tpu.memory_space<vmem>>
          %dma_wait3A_68 = tpu.memref_squeeze %dma_wait3A_67 : memref<1x128xi32, #tpu.memory_space<vmem>> -> memref<128xi32, #tpu.memory_space<vmem>>
          %dma_wait3A_69 = arith.constant 0 : i32
          %dma_wait3A_70 = arith.constant 0 : i32
          %dma_wait3A_71 = tpu.memref_slice %arg12[%dma_wait3A_69, %dma_wait3A_70] : memref<10112x128xf32, #tpu.memory_space<vmem_shared>> -> memref<10112x128xf32, #tpu.memory_space<vmem_shared>>
          tpu.wait_indirect_dma semaphore(%run_scoped3A : memref<!tpu.dma_semaphore, #tpu.memory_space<semaphore_mem>>) src(%arg11 : memref<128x128xf32, #tpu.memory_space<vmem>>) dst(%dma_wait3A_71 : memref<10112x128xf32, #tpu.memory_space<vmem_shared>>)
          tpu.yield
        }) : () -> ()
      }
      %scan3A_21 = arith.constant 40 : i32
      "tpu.region"() ({
        %run_scoped3A = tpu.sem_alloc : memref<!tpu.dma_semaphore, #tpu.memory_space<semaphore_mem>>
        %dma_start3A = arith.constant 0 : i32
        %dma_start3A_49 = arith.constant 0 : i32
        %dma_start3A_50 = tpu.memref_slice %arg9[%dma_start3A, %dma_start3A_49] : memref<40x128xi32, #tpu.memory_space<vmem>> -> memref<39x128xi32, #tpu.memory_space<vmem>>
        %dma_start3A_51 = arith.constant 40 : i32
        %dma_start3A_52 = arith.constant 0 : i32
        %dma_start3A_53 = tpu.memref_slice %arg4[%arg1, %dma_start3A_51, %dma_start3A_52] : memref<16x79x128xi32, #tpu.memory_space<hbm>> -> memref<1x39x128xi32, #tpu.memory_space<hbm>>
        %dma_start3A_54 = tpu.memref_squeeze %dma_start3A_53 : memref<1x39x128xi32, #tpu.memory_space<hbm>> -> memref<39x128xi32, #tpu.memory_space<hbm>>
        %dma_start3A_55 = arith.constant 0 : i32
        %dma_start3A_56 = arith.constant 0 : i32
        %dma_start3A_57 = tpu.memref_slice %arg9[%dma_start3A_55, %dma_start3A_56] : memref<40x128xi32, #tpu.memory_space<vmem>> -> memref<39x128xi32, #tpu.memory_space<vmem>>
        %dma_start3A_58 = arith.constant 40 : i32
        %dma_start3A_59 = arith.constant 0 : i32
        %dma_start3A_60 = tpu.memref_slice %arg4[%arg1, %dma_start3A_58, %dma_start3A_59] : memref<16x79x128xi32, #tpu.memory_space<hbm>> -> memref<1x39x128xi32, #tpu.memory_space<hbm>>
        %dma_start3A_61 = tpu.memref_squeeze %dma_start3A_60 : memref<1x39x128xi32, #tpu.memory_space<hbm>> -> memref<39x128xi32, #tpu.memory_space<hbm>>
        tpu.enqueue_dma source(%dma_start3A_61 : memref<39x128xi32, #tpu.memory_space<hbm>>) target(%dma_start3A_57 : memref<39x128xi32, #tpu.memory_space<vmem>>) target_semaphore(%run_scoped3A : memref<!tpu.dma_semaphore, #tpu.memory_space<semaphore_mem>>)
        %dma_wait3A = arith.constant 0 : i32
        %dma_wait3A_62 = arith.constant 0 : i32
        %dma_wait3A_63 = tpu.memref_slice %arg9[%dma_wait3A, %dma_wait3A_62] : memref<40x128xi32, #tpu.memory_space<vmem>> -> memref<39x128xi32, #tpu.memory_space<vmem>>
        %dma_wait3A_64 = arith.constant 40 : i32
        %dma_wait3A_65 = arith.constant 0 : i32
        %dma_wait3A_66 = tpu.memref_slice %arg4[%arg1, %dma_wait3A_64, %dma_wait3A_65] : memref<16x79x128xi32, #tpu.memory_space<hbm>> -> memref<1x39x128xi32, #tpu.memory_space<hbm>>
        %dma_wait3A_67 = tpu.memref_squeeze %dma_wait3A_66 : memref<1x39x128xi32, #tpu.memory_space<hbm>> -> memref<39x128xi32, #tpu.memory_space<hbm>>
        %dma_wait3A_68 = arith.constant 0 : i32
        %dma_wait3A_69 = arith.constant 0 : i32
        %dma_wait3A_70 = tpu.memref_slice %arg9[%dma_wait3A_68, %dma_wait3A_69] : memref<40x128xi32, #tpu.memory_space<vmem>> -> memref<39x128xi32, #tpu.memory_space<vmem>>
        %dma_wait3A_71 = arith.constant 40 : i32
        %dma_wait3A_72 = arith.constant 0 : i32
        %dma_wait3A_73 = tpu.memref_slice %arg4[%arg1, %dma_wait3A_71, %dma_wait3A_72] : memref<16x79x128xi32, #tpu.memory_space<hbm>> -> memref<1x39x128xi32, #tpu.memory_space<hbm>>
        %dma_wait3A_74 = tpu.memref_squeeze %dma_wait3A_73 : memref<1x39x128xi32, #tpu.memory_space<hbm>> -> memref<39x128xi32, #tpu.memory_space<hbm>>
        tpu.wait_dma2 semaphore(%run_scoped3A : memref<!tpu.dma_semaphore, #tpu.memory_space<semaphore_mem>>) src(%dma_wait3A_74 : memref<39x128xi32, #tpu.memory_space<hbm>>) dst(%dma_wait3A_70 : memref<39x128xi32, #tpu.memory_space<vmem>>)
        tpu.yield
      }) : () -> ()
      "tpu.region"() ({
        %run_scoped3A = tpu.sem_alloc : memref<!tpu.dma_semaphore, #tpu.memory_space<semaphore_mem>>
        %dma_start3A = arith.constant 0 : i32
        %dma_start3A_49 = arith.constant 0 : i32
        %dma_start3A_50 = tpu.memref_slice %arg10[%dma_start3A, %dma_start3A_49] : memref<40x128xi32, #tpu.memory_space<vmem>> -> memref<39x128xi32, #tpu.memory_space<vmem>>
        %dma_start3A_51 = arith.constant 40 : i32
        %dma_start3A_52 = arith.constant 0 : i32
        %dma_start3A_53 = tpu.memref_slice %arg5[%arg1, %dma_start3A_51, %dma_start3A_52] : memref<16x79x128xi32, #tpu.memory_space<hbm>> -> memref<1x39x128xi32, #tpu.memory_space<hbm>>
        %dma_start3A_54 = tpu.memref_squeeze %dma_start3A_53 : memref<1x39x128xi32, #tpu.memory_space<hbm>> -> memref<39x128xi32, #tpu.memory_space<hbm>>
        %dma_start3A_55 = arith.constant 0 : i32
        %dma_start3A_56 = arith.constant 0 : i32
        %dma_start3A_57 = tpu.memref_slice %arg10[%dma_start3A_55, %dma_start3A_56] : memref<40x128xi32, #tpu.memory_space<vmem>> -> memref<39x128xi32, #tpu.memory_space<vmem>>
        %dma_start3A_58 = arith.constant 40 : i32
        %dma_start3A_59 = arith.constant 0 : i32
        %dma_start3A_60 = tpu.memref_slice %arg5[%arg1, %dma_start3A_58, %dma_start3A_59] : memref<16x79x128xi32, #tpu.memory_space<hbm>> -> memref<1x39x128xi32, #tpu.memory_space<hbm>>
        %dma_start3A_61 = tpu.memref_squeeze %dma_start3A_60 : memref<1x39x128xi32, #tpu.memory_space<hbm>> -> memref<39x128xi32, #tpu.memory_space<hbm>>
        tpu.enqueue_dma source(%dma_start3A_61 : memref<39x128xi32, #tpu.memory_space<hbm>>) target(%dma_start3A_57 : memref<39x128xi32, #tpu.memory_space<vmem>>) target_semaphore(%run_scoped3A : memref<!tpu.dma_semaphore, #tpu.memory_space<semaphore_mem>>)
        %dma_wait3A = arith.constant 0 : i32
        %dma_wait3A_62 = arith.constant 0 : i32
        %dma_wait3A_63 = tpu.memref_slice %arg10[%dma_wait3A, %dma_wait3A_62] : memref<40x128xi32, #tpu.memory_space<vmem>> -> memref<39x128xi32, #tpu.memory_space<vmem>>
        %dma_wait3A_64 = arith.constant 40 : i32
        %dma_wait3A_65 = arith.constant 0 : i32
        %dma_wait3A_66 = tpu.memref_slice %arg5[%arg1, %dma_wait3A_64, %dma_wait3A_65] : memref<16x79x128xi32, #tpu.memory_space<hbm>> -> memref<1x39x128xi32, #tpu.memory_space<hbm>>
        %dma_wait3A_67 = tpu.memref_squeeze %dma_wait3A_66 : memref<1x39x128xi32, #tpu.memory_space<hbm>> -> memref<39x128xi32, #tpu.memory_space<hbm>>
        %dma_wait3A_68 = arith.constant 0 : i32
        %dma_wait3A_69 = arith.constant 0 : i32
        %dma_wait3A_70 = tpu.memref_slice %arg10[%dma_wait3A_68, %dma_wait3A_69] : memref<40x128xi32, #tpu.memory_space<vmem>> -> memref<39x128xi32, #tpu.memory_space<vmem>>
        %dma_wait3A_71 = arith.constant 40 : i32
        %dma_wait3A_72 = arith.constant 0 : i32
        %dma_wait3A_73 = tpu.memref_slice %arg5[%arg1, %dma_wait3A_71, %dma_wait3A_72] : memref<16x79x128xi32, #tpu.memory_space<hbm>> -> memref<1x39x128xi32, #tpu.memory_space<hbm>>
        %dma_wait3A_74 = tpu.memref_squeeze %dma_wait3A_73 : memref<1x39x128xi32, #tpu.memory_space<hbm>> -> memref<39x128xi32, #tpu.memory_space<hbm>>
        tpu.wait_dma2 semaphore(%run_scoped3A : memref<!tpu.dma_semaphore, #tpu.memory_space<semaphore_mem>>) src(%dma_wait3A_74 : memref<39x128xi32, #tpu.memory_space<hbm>>) dst(%dma_wait3A_70 : memref<39x128xi32, #tpu.memory_space<vmem>>)
        tpu.yield
      }) : () -> ()
      %scan3A_22 = arith.constant 0 : i32
      %scan3A_23 = arith.constant 0 : i32
      %scan3A_24 = arith.constant 39 : i32
      %scan3A_25 = arith.addi %scan3A_23, %scan3A_24 : i32
      %scan3A_26 = arith.constant 1 : i32
      scf.for %scan3A_49 = %scan3A_23 to %scan3A_25 step %scan3A_26  : i32 {
        %dma_start3A = arith.constant 0 : i32
        %dma_start3A_50 = tpu.memref_slice %arg9[%scan3A_49, %dma_start3A] : memref<40x128xi32, #tpu.memory_space<vmem>> -> memref<1x128xi32, #tpu.memory_space<vmem>>
        %dma_start3A_51 = tpu.memref_squeeze %dma_start3A_50 : memref<1x128xi32, #tpu.memory_space<vmem>> -> memref<128xi32, #tpu.memory_space<vmem>>
        %dma_start3A_52 = arith.constant 0 : i32
        %dma_start3A_53 = arith.constant 0 : i32
        %dma_start3A_54 = tpu.memref_slice %arg2[%dma_start3A_52, %dma_start3A_53] : memref<10000x128xf32, #tpu.memory_space<hbm>> -> memref<10000x128xf32, #tpu.memory_space<hbm>>
        tpu.enqueue_indirect_dma source(%dma_start3A_54 : memref<10000x128xf32, #tpu.memory_space<hbm>>) target(%arg11 : memref<128x128xf32, #tpu.memory_space<vmem>>) offsets(%dma_start3A_51 : memref<128xi32, #tpu.memory_space<vmem>>) semaphore(%arg13 : memref<!tpu.dma_semaphore, #tpu.memory_space<semaphore_mem>>)
        %dma_wait3A = arith.constant 0 : i32
        %dma_wait3A_55 = tpu.memref_slice %arg9[%scan3A_49, %dma_wait3A] : memref<40x128xi32, #tpu.memory_space<vmem>> -> memref<1x128xi32, #tpu.memory_space<vmem>>
        %dma_wait3A_56 = tpu.memref_squeeze %dma_wait3A_55 : memref<1x128xi32, #tpu.memory_space<vmem>> -> memref<128xi32, #tpu.memory_space<vmem>>
        %dma_wait3A_57 = arith.constant 0 : i32
        %dma_wait3A_58 = arith.constant 0 : i32
        %dma_wait3A_59 = tpu.memref_slice %arg2[%dma_wait3A_57, %dma_wait3A_58] : memref<10000x128xf32, #tpu.memory_space<hbm>> -> memref<10000x128xf32, #tpu.memory_space<hbm>>
        tpu.wait_indirect_dma semaphore(%arg13 : memref<!tpu.dma_semaphore, #tpu.memory_space<semaphore_mem>>) src(%dma_wait3A_59 : memref<10000x128xf32, #tpu.memory_space<hbm>>) dst(%arg11 : memref<128x128xf32, #tpu.memory_space<vmem>>)
        "tpu.region"() ({
          %run_scoped3A = tpu.sem_alloc : memref<!tpu.dma_semaphore, #tpu.memory_space<semaphore_mem>>
          %dma_start3A_60 = arith.constant 0 : i32
          %dma_start3A_61 = tpu.memref_slice %arg10[%scan3A_49, %dma_start3A_60] : memref<40x128xi32, #tpu.memory_space<vmem>> -> memref<1x128xi32, #tpu.memory_space<vmem>>
          %dma_start3A_62 = tpu.memref_squeeze %dma_start3A_61 : memref<1x128xi32, #tpu.memory_space<vmem>> -> memref<128xi32, #tpu.memory_space<vmem>>
          %dma_start3A_63 = arith.constant 0 : i32
          %dma_start3A_64 = arith.constant 0 : i32
          %dma_start3A_65 = tpu.memref_slice %arg12[%dma_start3A_63, %dma_start3A_64] : memref<10112x128xf32, #tpu.memory_space<vmem_shared>> -> memref<10112x128xf32, #tpu.memory_space<vmem_shared>>
          tpu.enqueue_indirect_dma source(%arg11 : memref<128x128xf32, #tpu.memory_space<vmem>>) target(%dma_start3A_65 : memref<10112x128xf32, #tpu.memory_space<vmem_shared>>) offsets(%dma_start3A_62 : memref<128xi32, #tpu.memory_space<vmem>>) semaphore(%run_scoped3A : memref<!tpu.dma_semaphore, #tpu.memory_space<semaphore_mem>>) {add = true}
          %dma_wait3A_66 = arith.constant 0 : i32
          %dma_wait3A_67 = tpu.memref_slice %arg10[%scan3A_49, %dma_wait3A_66] : memref<40x128xi32, #tpu.memory_space<vmem>> -> memref<1x128xi32, #tpu.memory_space<vmem>>
          %dma_wait3A_68 = tpu.memref_squeeze %dma_wait3A_67 : memref<1x128xi32, #tpu.memory_space<vmem>> -> memref<128xi32, #tpu.memory_space<vmem>>
          %dma_wait3A_69 = arith.constant 0 : i32
          %dma_wait3A_70 = arith.constant 0 : i32
          %dma_wait3A_71 = tpu.memref_slice %arg12[%dma_wait3A_69, %dma_wait3A_70] : memref<10112x128xf32, #tpu.memory_space<vmem_shared>> -> memref<10112x128xf32, #tpu.memory_space<vmem_shared>>
          tpu.wait_indirect_dma semaphore(%run_scoped3A : memref<!tpu.dma_semaphore, #tpu.memory_space<semaphore_mem>>) src(%arg11 : memref<128x128xf32, #tpu.memory_space<vmem>>) dst(%dma_wait3A_71 : memref<10112x128xf32, #tpu.memory_space<vmem_shared>>)
          tpu.yield
        }) : () -> ()
      }
      %scan3A_27 = arith.constant 39 : i32
      %barrier3A_28 = arith.constant 0 : index
      tpu.barrier barrier_id(%barrier3A_28)
      %add3A_29 = arith.constant 0 : i32
      %add3A_30 = arith.addi %mul3A_7, %add3A_29 : i32
      "tpu.region"() ({
        %run_scoped3A = tpu.sem_alloc : memref<!tpu.dma_semaphore, #tpu.memory_space<semaphore_mem>>
        %dma_start3A = arith.constant 0 : i32
        %dma_start3A_49 = arith.constant 0 : i32
        %dma_start3A_50 = tpu.memref_slice %arg11[%dma_start3A, %dma_start3A_49] : memref<128x128xf32, #tpu.memory_space<vmem>> -> memref<128x128xf32, #tpu.memory_space<vmem>>
        %dma_start3A_51 = arith.constant 0 : i32
        %dma_start3A_52 = tpu.memref_slice %arg12[%add3A_30, %dma_start3A_51] : memref<10112x128xf32, #tpu.memory_space<vmem_shared>> -> memref<128x128xf32, #tpu.memory_space<vmem_shared>>
        %dma_start3A_53 = arith.constant 0 : i32
        %dma_start3A_54 = arith.constant 0 : i32
        %dma_start3A_55 = tpu.memref_slice %arg11[%dma_start3A_53, %dma_start3A_54] : memref<128x128xf32, #tpu.memory_space<vmem>> -> memref<128x128xf32, #tpu.memory_space<vmem>>
        %dma_start3A_56 = arith.constant 0 : i32
        %dma_start3A_57 = tpu.memref_slice %arg12[%add3A_30, %dma_start3A_56] : memref<10112x128xf32, #tpu.memory_space<vmem_shared>> -> memref<128x128xf32, #tpu.memory_space<vmem_shared>>
        tpu.enqueue_dma source(%dma_start3A_57 : memref<128x128xf32, #tpu.memory_space<vmem_shared>>) target(%dma_start3A_55 : memref<128x128xf32, #tpu.memory_space<vmem>>) target_semaphore(%run_scoped3A : memref<!tpu.dma_semaphore, #tpu.memory_space<semaphore_mem>>)
        %dma_wait3A = arith.constant 0 : i32
        %dma_wait3A_58 = arith.constant 0 : i32
        %dma_wait3A_59 = tpu.memref_slice %arg11[%dma_wait3A, %dma_wait3A_58] : memref<128x128xf32, #tpu.memory_space<vmem>> -> memref<128x128xf32, #tpu.memory_space<vmem>>
        %dma_wait3A_60 = arith.constant 0 : i32
        %dma_wait3A_61 = tpu.memref_slice %arg12[%add3A_30, %dma_wait3A_60] : memref<10112x128xf32, #tpu.memory_space<vmem_shared>> -> memref<128x128xf32, #tpu.memory_space<vmem_shared>>
        %dma_wait3A_62 = arith.constant 0 : i32
        %dma_wait3A_63 = arith.constant 0 : i32
        %dma_wait3A_64 = tpu.memref_slice %arg11[%dma_wait3A_62, %dma_wait3A_63] : memref<128x128xf32, #tpu.memory_space<vmem>> -> memref<128x128xf32, #tpu.memory_space<vmem>>
        %dma_wait3A_65 = arith.constant 0 : i32
        %dma_wait3A_66 = tpu.memref_slice %arg12[%add3A_30, %dma_wait3A_65] : memref<10112x128xf32, #tpu.memory_space<vmem_shared>> -> memref<128x128xf32, #tpu.memory_space<vmem_shared>>
        tpu.wait_dma2 semaphore(%run_scoped3A : memref<!tpu.dma_semaphore, #tpu.memory_space<semaphore_mem>>) src(%dma_wait3A_66 : memref<128x128xf32, #tpu.memory_space<vmem_shared>>) dst(%dma_wait3A_64 : memref<128x128xf32, #tpu.memory_space<vmem>>)
        tpu.yield
      }) : () -> ()
      %add3A_31 = arith.constant 0 : i32
      %add3A_32 = arith.addi %mul3A_7, %add3A_31 : i32
      "tpu.region"() ({
        %run_scoped3A = tpu.sem_alloc : memref<!tpu.dma_semaphore, #tpu.memory_space<semaphore_mem>>
        %dma_start3A = arith.constant 0 : i32
        %dma_start3A_49 = arith.constant 0 : i32
        %dma_start3A_50 = tpu.memref_slice %arg11[%dma_start3A, %dma_start3A_49] : memref<128x128xf32, #tpu.memory_space<vmem>> -> memref<128x128xf32, #tpu.memory_space<vmem>>
        %dma_start3A_51 = arith.constant 0 : i32
        %dma_start3A_52 = tpu.memref_slice %arg7[%add3A_32, %dma_start3A_51] : memref<10112x128xf32, #tpu.memory_space<hbm>> -> memref<128x128xf32, #tpu.memory_space<hbm>>
        %dma_start3A_53 = arith.constant 0 : i32
        %dma_start3A_54 = tpu.memref_slice %arg7[%add3A_32, %dma_start3A_53] : memref<10112x128xf32, #tpu.memory_space<hbm>> -> memref<128x128xf32, #tpu.memory_space<hbm>>
        %dma_start3A_55 = arith.constant 0 : i32
        %dma_start3A_56 = arith.constant 0 : i32
        %dma_start3A_57 = tpu.memref_slice %arg11[%dma_start3A_55, %dma_start3A_56] : memref<128x128xf32, #tpu.memory_space<vmem>> -> memref<128x128xf32, #tpu.memory_space<vmem>>
        tpu.enqueue_dma source(%dma_start3A_57 : memref<128x128xf32, #tpu.memory_space<vmem>>) target(%dma_start3A_54 : memref<128x128xf32, #tpu.memory_space<hbm>>) target_semaphore(%run_scoped3A : memref<!tpu.dma_semaphore, #tpu.memory_space<semaphore_mem>>)
        %dma_wait3A = arith.constant 0 : i32
        %dma_wait3A_58 = arith.constant 0 : i32
        %dma_wait3A_59 = tpu.memref_slice %arg11[%dma_wait3A, %dma_wait3A_58] : memref<128x128xf32, #tpu.memory_space<vmem>> -> memref<128x128xf32, #tpu.memory_space<vmem>>
        %dma_wait3A_60 = arith.constant 0 : i32
        %dma_wait3A_61 = tpu.memref_slice %arg7[%add3A_32, %dma_wait3A_60] : memref<10112x128xf32, #tpu.memory_space<hbm>> -> memref<128x128xf32, #tpu.memory_space<hbm>>
        %dma_wait3A_62 = arith.constant 0 : i32
        %dma_wait3A_63 = tpu.memref_slice %arg7[%add3A_32, %dma_wait3A_62] : memref<10112x128xf32, #tpu.memory_space<hbm>> -> memref<128x128xf32, #tpu.memory_space<hbm>>
        %dma_wait3A_64 = arith.constant 0 : i32
        %dma_wait3A_65 = arith.constant 0 : i32
        %dma_wait3A_66 = tpu.memref_slice %arg11[%dma_wait3A_64, %dma_wait3A_65] : memref<128x128xf32, #tpu.memory_space<vmem>> -> memref<128x128xf32, #tpu.memory_space<vmem>>
        tpu.wait_dma2 semaphore(%run_scoped3A : memref<!tpu.dma_semaphore, #tpu.memory_space<semaphore_mem>>) src(%dma_wait3A_66 : memref<128x128xf32, #tpu.memory_space<vmem>>) dst(%dma_wait3A_63 : memref<128x128xf32, #tpu.memory_space<hbm>>)
        tpu.yield
      }) : () -> ()
      %add3A_33 = arith.constant 128 : i32
      %add3A_34 = arith.addi %mul3A_7, %add3A_33 : i32
      "tpu.region"() ({
        %run_scoped3A = tpu.sem_alloc : memref<!tpu.dma_semaphore, #tpu.memory_space<semaphore_mem>>
        %dma_start3A = arith.constant 0 : i32
        %dma_start3A_49 = arith.constant 0 : i32
        %dma_start3A_50 = tpu.memref_slice %arg11[%dma_start3A, %dma_start3A_49] : memref<128x128xf32, #tpu.memory_space<vmem>> -> memref<128x128xf32, #tpu.memory_space<vmem>>
        %dma_start3A_51 = arith.constant 0 : i32
        %dma_start3A_52 = tpu.memref_slice %arg12[%add3A_34, %dma_start3A_51] : memref<10112x128xf32, #tpu.memory_space<vmem_shared>> -> memref<128x128xf32, #tpu.memory_space<vmem_shared>>
        %dma_start3A_53 = arith.constant 0 : i32
        %dma_start3A_54 = arith.constant 0 : i32
        %dma_start3A_55 = tpu.memref_slice %arg11[%dma_start3A_53, %dma_start3A_54] : memref<128x128xf32, #tpu.memory_space<vmem>> -> memref<128x128xf32, #tpu.memory_space<vmem>>
        %dma_start3A_56 = arith.constant 0 : i32
        %dma_start3A_57 = tpu.memref_slice %arg12[%add3A_34, %dma_start3A_56] : memref<10112x128xf32, #tpu.memory_space<vmem_shared>> -> memref<128x128xf32, #tpu.memory_space<vmem_shared>>
        tpu.enqueue_dma source(%dma_start3A_57 : memref<128x128xf32, #tpu.memory_space<vmem_shared>>) target(%dma_start3A_55 : memref<128x128xf32, #tpu.memory_space<vmem>>) target_semaphore(%run_scoped3A : memref<!tpu.dma_semaphore, #tpu.memory_space<semaphore_mem>>)
        %dma_wait3A = arith.constant 0 : i32
        %dma_wait3A_58 = arith.constant 0 : i32
        %dma_wait3A_59 = tpu.memref_slice %arg11[%dma_wait3A, %dma_wait3A_58] : memref<128x128xf32, #tpu.memory_space<vmem>> -> memref<128x128xf32, #tpu.memory_space<vmem>>
        %dma_wait3A_60 = arith.constant 0 : i32
        %dma_wait3A_61 = tpu.memref_slice %arg12[%add3A_34, %dma_wait3A_60] : memref<10112x128xf32, #tpu.memory_space<vmem_shared>> -> memref<128x128xf32, #tpu.memory_space<vmem_shared>>
        %dma_wait3A_62 = arith.constant 0 : i32
        %dma_wait3A_63 = arith.constant 0 : i32
        %dma_wait3A_64 = tpu.memref_slice %arg11[%dma_wait3A_62, %dma_wait3A_63] : memref<128x128xf32, #tpu.memory_space<vmem>> -> memref<128x128xf32, #tpu.memory_space<vmem>>
        %dma_wait3A_65 = arith.constant 0 : i32
        %dma_wait3A_66 = tpu.memref_slice %arg12[%add3A_34, %dma_wait3A_65] : memref<10112x128xf32, #tpu.memory_space<vmem_shared>> -> memref<128x128xf32, #tpu.memory_space<vmem_shared>>
        tpu.wait_dma2 semaphore(%run_scoped3A : memref<!tpu.dma_semaphore, #tpu.memory_space<semaphore_mem>>) src(%dma_wait3A_66 : memref<128x128xf32, #tpu.memory_space<vmem_shared>>) dst(%dma_wait3A_64 : memref<128x128xf32, #tpu.memory_space<vmem>>)
        tpu.yield
      }) : () -> ()
      %add3A_35 = arith.constant 128 : i32
      %add3A_36 = arith.addi %mul3A_7, %add3A_35 : i32
      "tpu.region"() ({
        %run_scoped3A = tpu.sem_alloc : memref<!tpu.dma_semaphore, #tpu.memory_space<semaphore_mem>>
        %dma_start3A = arith.constant 0 : i32
        %dma_start3A_49 = arith.constant 0 : i32
        %dma_start3A_50 = tpu.memref_slice %arg11[%dma_start3A, %dma_start3A_49] : memref<128x128xf32, #tpu.memory_space<vmem>> -> memref<128x128xf32, #tpu.memory_space<vmem>>
        %dma_start3A_51 = arith.constant 0 : i32
        %dma_start3A_52 = tpu.memref_slice %arg7[%add3A_36, %dma_start3A_51] : memref<10112x128xf32, #tpu.memory_space<hbm>> -> memref<128x128xf32, #tpu.memory_space<hbm>>
        %dma_start3A_53 = arith.constant 0 : i32
        %dma_start3A_54 = tpu.memref_slice %arg7[%add3A_36, %dma_start3A_53] : memref<10112x128xf32, #tpu.memory_space<hbm>> -> memref<128x128xf32, #tpu.memory_space<hbm>>
        %dma_start3A_55 = arith.constant 0 : i32
        %dma_start3A_56 = arith.constant 0 : i32
        %dma_start3A_57 = tpu.memref_slice %arg11[%dma_start3A_55, %dma_start3A_56] : memref<128x128xf32, #tpu.memory_space<vmem>> -> memref<128x128xf32, #tpu.memory_space<vmem>>
        tpu.enqueue_dma source(%dma_start3A_57 : memref<128x128xf32, #tpu.memory_space<vmem>>) target(%dma_start3A_54 : memref<128x128xf32, #tpu.memory_space<hbm>>) target_semaphore(%run_scoped3A : memref<!tpu.dma_semaphore, #tpu.memory_space<semaphore_mem>>)
        %dma_wait3A = arith.constant 0 : i32
        %dma_wait3A_58 = arith.constant 0 : i32
        %dma_wait3A_59 = tpu.memref_slice %arg11[%dma_wait3A, %dma_wait3A_58] : memref<128x128xf32, #tpu.memory_space<vmem>> -> memref<128x128xf32, #tpu.memory_space<vmem>>
        %dma_wait3A_60 = arith.constant 0 : i32
        %dma_wait3A_61 = tpu.memref_slice %arg7[%add3A_36, %dma_wait3A_60] : memref<10112x128xf32, #tpu.memory_space<hbm>> -> memref<128x128xf32, #tpu.memory_space<hbm>>
        %dma_wait3A_62 = arith.constant 0 : i32
        %dma_wait3A_63 = tpu.memref_slice %arg7[%add3A_36, %dma_wait3A_62] : memref<10112x128xf32, #tpu.memory_space<hbm>> -> memref<128x128xf32, #tpu.memory_space<hbm>>
        %dma_wait3A_64 = arith.constant 0 : i32
        %dma_wait3A_65 = arith.constant 0 : i32
        %dma_wait3A_66 = tpu.memref_slice %arg11[%dma_wait3A_64, %dma_wait3A_65] : memref<128x128xf32, #tpu.memory_space<vmem>> -> memref<128x128xf32, #tpu.memory_space<vmem>>
        tpu.wait_dma2 semaphore(%run_scoped3A : memref<!tpu.dma_semaphore, #tpu.memory_space<semaphore_mem>>) src(%dma_wait3A_66 : memref<128x128xf32, #tpu.memory_space<vmem>>) dst(%dma_wait3A_63 : memref<128x128xf32, #tpu.memory_space<hbm>>)
        tpu.yield
      }) : () -> ()
      %add3A_37 = arith.constant 256 : i32
      %add3A_38 = arith.addi %mul3A_7, %add3A_37 : i32
      "tpu.region"() ({
        %run_scoped3A = tpu.sem_alloc : memref<!tpu.dma_semaphore, #tpu.memory_space<semaphore_mem>>
        %dma_start3A = arith.constant 0 : i32
        %dma_start3A_49 = arith.constant 0 : i32
        %dma_start3A_50 = tpu.memref_slice %arg11[%dma_start3A, %dma_start3A_49] : memref<128x128xf32, #tpu.memory_space<vmem>> -> memref<128x128xf32, #tpu.memory_space<vmem>>
        %dma_start3A_51 = arith.constant 0 : i32
        %dma_start3A_52 = tpu.memref_slice %arg12[%add3A_38, %dma_start3A_51] : memref<10112x128xf32, #tpu.memory_space<vmem_shared>> -> memref<128x128xf32, #tpu.memory_space<vmem_shared>>
        %dma_start3A_53 = arith.constant 0 : i32
        %dma_start3A_54 = arith.constant 0 : i32
        %dma_start3A_55 = tpu.memref_slice %arg11[%dma_start3A_53, %dma_start3A_54] : memref<128x128xf32, #tpu.memory_space<vmem>> -> memref<128x128xf32, #tpu.memory_space<vmem>>
        %dma_start3A_56 = arith.constant 0 : i32
        %dma_start3A_57 = tpu.memref_slice %arg12[%add3A_38, %dma_start3A_56] : memref<10112x128xf32, #tpu.memory_space<vmem_shared>> -> memref<128x128xf32, #tpu.memory_space<vmem_shared>>
        tpu.enqueue_dma source(%dma_start3A_57 : memref<128x128xf32, #tpu.memory_space<vmem_shared>>) target(%dma_start3A_55 : memref<128x128xf32, #tpu.memory_space<vmem>>) target_semaphore(%run_scoped3A : memref<!tpu.dma_semaphore, #tpu.memory_space<semaphore_mem>>)
        %dma_wait3A = arith.constant 0 : i32
        %dma_wait3A_58 = arith.constant 0 : i32
        %dma_wait3A_59 = tpu.memref_slice %arg11[%dma_wait3A, %dma_wait3A_58] : memref<128x128xf32, #tpu.memory_space<vmem>> -> memref<128x128xf32, #tpu.memory_space<vmem>>
        %dma_wait3A_60 = arith.constant 0 : i32
        %dma_wait3A_61 = tpu.memref_slice %arg12[%add3A_38, %dma_wait3A_60] : memref<10112x128xf32, #tpu.memory_space<vmem_shared>> -> memref<128x128xf32, #tpu.memory_space<vmem_shared>>
        %dma_wait3A_62 = arith.constant 0 : i32
        %dma_wait3A_63 = arith.constant 0 : i32
        %dma_wait3A_64 = tpu.memref_slice %arg11[%dma_wait3A_62, %dma_wait3A_63] : memref<128x128xf32, #tpu.memory_space<vmem>> -> memref<128x128xf32, #tpu.memory_space<vmem>>
        %dma_wait3A_65 = arith.constant 0 : i32
        %dma_wait3A_66 = tpu.memref_slice %arg12[%add3A_38, %dma_wait3A_65] : memref<10112x128xf32, #tpu.memory_space<vmem_shared>> -> memref<128x128xf32, #tpu.memory_space<vmem_shared>>
        tpu.wait_dma2 semaphore(%run_scoped3A : memref<!tpu.dma_semaphore, #tpu.memory_space<semaphore_mem>>) src(%dma_wait3A_66 : memref<128x128xf32, #tpu.memory_space<vmem_shared>>) dst(%dma_wait3A_64 : memref<128x128xf32, #tpu.memory_space<vmem>>)
        tpu.yield
      }) : () -> ()
      %add3A_39 = arith.constant 256 : i32
      %add3A_40 = arith.addi %mul3A_7, %add3A_39 : i32
      "tpu.region"() ({
        %run_scoped3A = tpu.sem_alloc : memref<!tpu.dma_semaphore, #tpu.memory_space<semaphore_mem>>
        %dma_start3A = arith.constant 0 : i32
        %dma_start3A_49 = arith.constant 0 : i32
        %dma_start3A_50 = tpu.memref_slice %arg11[%dma_start3A, %dma_start3A_49] : memref<128x128xf32, #tpu.memory_space<vmem>> -> memref<128x128xf32, #tpu.memory_space<vmem>>
        %dma_start3A_51 = arith.constant 0 : i32
        %dma_start3A_52 = tpu.memref_slice %arg7[%add3A_40, %dma_start3A_51] : memref<10112x128xf32, #tpu.memory_space<hbm>> -> memref<128x128xf32, #tpu.memory_space<hbm>>
        %dma_start3A_53 = arith.constant 0 : i32
        %dma_start3A_54 = tpu.memref_slice %arg7[%add3A_40, %dma_start3A_53] : memref<10112x128xf32, #tpu.memory_space<hbm>> -> memref<128x128xf32, #tpu.memory_space<hbm>>
        %dma_start3A_55 = arith.constant 0 : i32
        %dma_start3A_56 = arith.constant 0 : i32
        %dma_start3A_57 = tpu.memref_slice %arg11[%dma_start3A_55, %dma_start3A_56] : memref<128x128xf32, #tpu.memory_space<vmem>> -> memref<128x128xf32, #tpu.memory_space<vmem>>
        tpu.enqueue_dma source(%dma_start3A_57 : memref<128x128xf32, #tpu.memory_space<vmem>>) target(%dma_start3A_54 : memref<128x128xf32, #tpu.memory_space<hbm>>) target_semaphore(%run_scoped3A : memref<!tpu.dma_semaphore, #tpu.memory_space<semaphore_mem>>)
        %dma_wait3A = arith.constant 0 : i32
        %dma_wait3A_58 = arith.constant 0 : i32
        %dma_wait3A_59 = tpu.memref_slice %arg11[%dma_wait3A, %dma_wait3A_58] : memref<128x128xf32, #tpu.memory_space<vmem>> -> memref<128x128xf32, #tpu.memory_space<vmem>>
        %dma_wait3A_60 = arith.constant 0 : i32
        %dma_wait3A_61 = tpu.memref_slice %arg7[%add3A_40, %dma_wait3A_60] : memref<10112x128xf32, #tpu.memory_space<hbm>> -> memref<128x128xf32, #tpu.memory_space<hbm>>
        %dma_wait3A_62 = arith.constant 0 : i32
        %dma_wait3A_63 = tpu.memref_slice %arg7[%add3A_40, %dma_wait3A_62] : memref<10112x128xf32, #tpu.memory_space<hbm>> -> memref<128x128xf32, #tpu.memory_space<hbm>>
        %dma_wait3A_64 = arith.constant 0 : i32
        %dma_wait3A_65 = arith.constant 0 : i32
        %dma_wait3A_66 = tpu.memref_slice %arg11[%dma_wait3A_64, %dma_wait3A_65] : memref<128x128xf32, #tpu.memory_space<vmem>> -> memref<128x128xf32, #tpu.memory_space<vmem>>
        tpu.wait_dma2 semaphore(%run_scoped3A : memref<!tpu.dma_semaphore, #tpu.memory_space<semaphore_mem>>) src(%dma_wait3A_66 : memref<128x128xf32, #tpu.memory_space<vmem>>) dst(%dma_wait3A_63 : memref<128x128xf32, #tpu.memory_space<hbm>>)
        tpu.yield
      }) : () -> ()
      %add3A_41 = arith.constant 384 : i32
      %add3A_42 = arith.addi %mul3A_7, %add3A_41 : i32
      "tpu.region"() ({
        %run_scoped3A = tpu.sem_alloc : memref<!tpu.dma_semaphore, #tpu.memory_space<semaphore_mem>>
        %dma_start3A = arith.constant 0 : i32
        %dma_start3A_49 = arith.constant 0 : i32
        %dma_start3A_50 = tpu.memref_slice %arg11[%dma_start3A, %dma_start3A_49] : memref<128x128xf32, #tpu.memory_space<vmem>> -> memref<128x128xf32, #tpu.memory_space<vmem>>
        %dma_start3A_51 = arith.constant 0 : i32
        %dma_start3A_52 = tpu.memref_slice %arg12[%add3A_42, %dma_start3A_51] : memref<10112x128xf32, #tpu.memory_space<vmem_shared>> -> memref<128x128xf32, #tpu.memory_space<vmem_shared>>
        %dma_start3A_53 = arith.constant 0 : i32
        %dma_start3A_54 = arith.constant 0 : i32
        %dma_start3A_55 = tpu.memref_slice %arg11[%dma_start3A_53, %dma_start3A_54] : memref<128x128xf32, #tpu.memory_space<vmem>> -> memref<128x128xf32, #tpu.memory_space<vmem>>
        %dma_start3A_56 = arith.constant 0 : i32
        %dma_start3A_57 = tpu.memref_slice %arg12[%add3A_42, %dma_start3A_56] : memref<10112x128xf32, #tpu.memory_space<vmem_shared>> -> memref<128x128xf32, #tpu.memory_space<vmem_shared>>
        tpu.enqueue_dma source(%dma_start3A_57 : memref<128x128xf32, #tpu.memory_space<vmem_shared>>) target(%dma_start3A_55 : memref<128x128xf32, #tpu.memory_space<vmem>>) target_semaphore(%run_scoped3A : memref<!tpu.dma_semaphore, #tpu.memory_space<semaphore_mem>>)
        %dma_wait3A = arith.constant 0 : i32
        %dma_wait3A_58 = arith.constant 0 : i32
        %dma_wait3A_59 = tpu.memref_slice %arg11[%dma_wait3A, %dma_wait3A_58] : memref<128x128xf32, #tpu.memory_space<vmem>> -> memref<128x128xf32, #tpu.memory_space<vmem>>
        %dma_wait3A_60 = arith.constant 0 : i32
        %dma_wait3A_61 = tpu.memref_slice %arg12[%add3A_42, %dma_wait3A_60] : memref<10112x128xf32, #tpu.memory_space<vmem_shared>> -> memref<128x128xf32, #tpu.memory_space<vmem_shared>>
        %dma_wait3A_62 = arith.constant 0 : i32
        %dma_wait3A_63 = arith.constant 0 : i32
        %dma_wait3A_64 = tpu.memref_slice %arg11[%dma_wait3A_62, %dma_wait3A_63] : memref<128x128xf32, #tpu.memory_space<vmem>> -> memref<128x128xf32, #tpu.memory_space<vmem>>
        %dma_wait3A_65 = arith.constant 0 : i32
        %dma_wait3A_66 = tpu.memref_slice %arg12[%add3A_42, %dma_wait3A_65] : memref<10112x128xf32, #tpu.memory_space<vmem_shared>> -> memref<128x128xf32, #tpu.memory_space<vmem_shared>>
        tpu.wait_dma2 semaphore(%run_scoped3A : memref<!tpu.dma_semaphore, #tpu.memory_space<semaphore_mem>>) src(%dma_wait3A_66 : memref<128x128xf32, #tpu.memory_space<vmem_shared>>) dst(%dma_wait3A_64 : memref<128x128xf32, #tpu.memory_space<vmem>>)
        tpu.yield
      }) : () -> ()
      %add3A_43 = arith.constant 384 : i32
      %add3A_44 = arith.addi %mul3A_7, %add3A_43 : i32
      "tpu.region"() ({
        %run_scoped3A = tpu.sem_alloc : memref<!tpu.dma_semaphore, #tpu.memory_space<semaphore_mem>>
        %dma_start3A = arith.constant 0 : i32
        %dma_start3A_49 = arith.constant 0 : i32
        %dma_start3A_50 = tpu.memref_slice %arg11[%dma_start3A, %dma_start3A_49] : memref<128x128xf32, #tpu.memory_space<vmem>> -> memref<128x128xf32, #tpu.memory_space<vmem>>
        %dma_start3A_51 = arith.constant 0 : i32
        %dma_start3A_52 = tpu.memref_slice %arg7[%add3A_44, %dma_start3A_51] : memref<10112x128xf32, #tpu.memory_space<hbm>> -> memref<128x128xf32, #tpu.memory_space<hbm>>
        %dma_start3A_53 = arith.constant 0 : i32
        %dma_start3A_54 = tpu.memref_slice %arg7[%add3A_44, %dma_start3A_53] : memref<10112x128xf32, #tpu.memory_space<hbm>> -> memref<128x128xf32, #tpu.memory_space<hbm>>
        %dma_start3A_55 = arith.constant 0 : i32
        %dma_start3A_56 = arith.constant 0 : i32
        %dma_start3A_57 = tpu.memref_slice %arg11[%dma_start3A_55, %dma_start3A_56] : memref<128x128xf32, #tpu.memory_space<vmem>> -> memref<128x128xf32, #tpu.memory_space<vmem>>
        tpu.enqueue_dma source(%dma_start3A_57 : memref<128x128xf32, #tpu.memory_space<vmem>>) target(%dma_start3A_54 : memref<128x128xf32, #tpu.memory_space<hbm>>) target_semaphore(%run_scoped3A : memref<!tpu.dma_semaphore, #tpu.memory_space<semaphore_mem>>)
        %dma_wait3A = arith.constant 0 : i32
        %dma_wait3A_58 = arith.constant 0 : i32
        %dma_wait3A_59 = tpu.memref_slice %arg11[%dma_wait3A, %dma_wait3A_58] : memref<128x128xf32, #tpu.memory_space<vmem>> -> memref<128x128xf32, #tpu.memory_space<vmem>>
        %dma_wait3A_60 = arith.constant 0 : i32
        %dma_wait3A_61 = tpu.memref_slice %arg7[%add3A_44, %dma_wait3A_60] : memref<10112x128xf32, #tpu.memory_space<hbm>> -> memref<128x128xf32, #tpu.memory_space<hbm>>
        %dma_wait3A_62 = arith.constant 0 : i32
        %dma_wait3A_63 = tpu.memref_slice %arg7[%add3A_44, %dma_wait3A_62] : memref<10112x128xf32, #tpu.memory_space<hbm>> -> memref<128x128xf32, #tpu.memory_space<hbm>>
        %dma_wait3A_64 = arith.constant 0 : i32
        %dma_wait3A_65 = arith.constant 0 : i32
        %dma_wait3A_66 = tpu.memref_slice %arg11[%dma_wait3A_64, %dma_wait3A_65] : memref<128x128xf32, #tpu.memory_space<vmem>> -> memref<128x128xf32, #tpu.memory_space<vmem>>
        tpu.wait_dma2 semaphore(%run_scoped3A : memref<!tpu.dma_semaphore, #tpu.memory_space<semaphore_mem>>) src(%dma_wait3A_66 : memref<128x128xf32, #tpu.memory_space<vmem>>) dst(%dma_wait3A_63 : memref<128x128xf32, #tpu.memory_space<hbm>>)
        tpu.yield
      }) : () -> ()
      %add3A_45 = arith.constant 512 : i32
      %add3A_46 = arith.addi %mul3A_7, %add3A_45 : i32
      "tpu.region"() ({
        %run_scoped3A = tpu.sem_alloc : memref<!tpu.dma_semaphore, #tpu.memory_space<semaphore_mem>>
        %dma_start3A = arith.constant 0 : i32
        %dma_start3A_49 = arith.constant 0 : i32
        %dma_start3A_50 = tpu.memref_slice %arg11[%dma_start3A, %dma_start3A_49] : memref<128x128xf32, #tpu.memory_space<vmem>> -> memref<120x128xf32, #tpu.memory_space<vmem>>
        %dma_start3A_51 = arith.constant 0 : i32
        %dma_start3A_52 = tpu.memref_slice %arg12[%add3A_46, %dma_start3A_51] : memref<10112x128xf32, #tpu.memory_space<vmem_shared>> -> memref<120x128xf32, #tpu.memory_space<vmem_shared>>
        %dma_start3A_53 = arith.constant 0 : i32
        %dma_start3A_54 = arith.constant 0 : i32
        %dma_start3A_55 = tpu.memref_slice %arg11[%dma_start3A_53, %dma_start3A_54] : memref<128x128xf32, #tpu.memory_space<vmem>> -> memref<120x128xf32, #tpu.memory_space<vmem>>
        %dma_start3A_56 = arith.constant 0 : i32
        %dma_start3A_57 = tpu.memref_slice %arg12[%add3A_46, %dma_start3A_56] : memref<10112x128xf32, #tpu.memory_space<vmem_shared>> -> memref<120x128xf32, #tpu.memory_space<vmem_shared>>
        tpu.enqueue_dma source(%dma_start3A_57 : memref<120x128xf32, #tpu.memory_space<vmem_shared>>) target(%dma_start3A_55 : memref<120x128xf32, #tpu.memory_space<vmem>>) target_semaphore(%run_scoped3A : memref<!tpu.dma_semaphore, #tpu.memory_space<semaphore_mem>>)
        %dma_wait3A = arith.constant 0 : i32
        %dma_wait3A_58 = arith.constant 0 : i32
        %dma_wait3A_59 = tpu.memref_slice %arg11[%dma_wait3A, %dma_wait3A_58] : memref<128x128xf32, #tpu.memory_space<vmem>> -> memref<120x128xf32, #tpu.memory_space<vmem>>
        %dma_wait3A_60 = arith.constant 0 : i32
        %dma_wait3A_61 = tpu.memref_slice %arg12[%add3A_46, %dma_wait3A_60] : memref<10112x128xf32, #tpu.memory_space<vmem_shared>> -> memref<120x128xf32, #tpu.memory_space<vmem_shared>>
        %dma_wait3A_62 = arith.constant 0 : i32
        %dma_wait3A_63 = arith.constant 0 : i32
        %dma_wait3A_64 = tpu.memref_slice %arg11[%dma_wait3A_62, %dma_wait3A_63] : memref<128x128xf32, #tpu.memory_space<vmem>> -> memref<120x128xf32, #tpu.memory_space<vmem>>
        %dma_wait3A_65 = arith.constant 0 : i32
        %dma_wait3A_66 = tpu.memref_slice %arg12[%add3A_46, %dma_wait3A_65] : memref<10112x128xf32, #tpu.memory_space<vmem_shared>> -> memref<120x128xf32, #tpu.memory_space<vmem_shared>>
        tpu.wait_dma2 semaphore(%run_scoped3A : memref<!tpu.dma_semaphore, #tpu.memory_space<semaphore_mem>>) src(%dma_wait3A_66 : memref<120x128xf32, #tpu.memory_space<vmem_shared>>) dst(%dma_wait3A_64 : memref<120x128xf32, #tpu.memory_space<vmem>>)
        tpu.yield
      }) : () -> ()
      %add3A_47 = arith.constant 512 : i32
      %add3A_48 = arith.addi %mul3A_7, %add3A_47 : i32
      "tpu.region"() ({
        %run_scoped3A = tpu.sem_alloc : memref<!tpu.dma_semaphore, #tpu.memory_space<semaphore_mem>>
        %dma_start3A = arith.constant 0 : i32
        %dma_start3A_49 = arith.constant 0 : i32
        %dma_start3A_50 = tpu.memref_slice %arg11[%dma_start3A, %dma_start3A_49] : memref<128x128xf32, #tpu.memory_space<vmem>> -> memref<120x128xf32, #tpu.memory_space<vmem>>
        %dma_start3A_51 = arith.constant 0 : i32
        %dma_start3A_52 = tpu.memref_slice %arg7[%add3A_48, %dma_start3A_51] : memref<10112x128xf32, #tpu.memory_space<hbm>> -> memref<120x128xf32, #tpu.memory_space<hbm>>
        %dma_start3A_53 = arith.constant 0 : i32
        %dma_start3A_54 = tpu.memref_slice %arg7[%add3A_48, %dma_start3A_53] : memref<10112x128xf32, #tpu.memory_space<hbm>> -> memref<120x128xf32, #tpu.memory_space<hbm>>
        %dma_start3A_55 = arith.constant 0 : i32
        %dma_start3A_56 = arith.constant 0 : i32
        %dma_start3A_57 = tpu.memref_slice %arg11[%dma_start3A_55, %dma_start3A_56] : memref<128x128xf32, #tpu.memory_space<vmem>> -> memref<120x128xf32, #tpu.memory_space<vmem>>
        tpu.enqueue_dma source(%dma_start3A_57 : memref<120x128xf32, #tpu.memory_space<vmem>>) target(%dma_start3A_54 : memref<120x128xf32, #tpu.memory_space<hbm>>) target_semaphore(%run_scoped3A : memref<!tpu.dma_semaphore, #tpu.memory_space<semaphore_mem>>)
        %dma_wait3A = arith.constant 0 : i32
        %dma_wait3A_58 = arith.constant 0 : i32
        %dma_wait3A_59 = tpu.memref_slice %arg11[%dma_wait3A, %dma_wait3A_58] : memref<128x128xf32, #tpu.memory_space<vmem>> -> memref<120x128xf32, #tpu.memory_space<vmem>>
        %dma_wait3A_60 = arith.constant 0 : i32
        %dma_wait3A_61 = tpu.memref_slice %arg7[%add3A_48, %dma_wait3A_60] : memref<10112x128xf32, #tpu.memory_space<hbm>> -> memref<120x128xf32, #tpu.memory_space<hbm>>
        %dma_wait3A_62 = arith.constant 0 : i32
        %dma_wait3A_63 = tpu.memref_slice %arg7[%add3A_48, %dma_wait3A_62] : memref<10112x128xf32, #tpu.memory_space<hbm>> -> memref<120x128xf32, #tpu.memory_space<hbm>>
        %dma_wait3A_64 = arith.constant 0 : i32
        %dma_wait3A_65 = arith.constant 0 : i32
        %dma_wait3A_66 = tpu.memref_slice %arg11[%dma_wait3A_64, %dma_wait3A_65] : memref<128x128xf32, #tpu.memory_space<vmem>> -> memref<120x128xf32, #tpu.memory_space<vmem>>
        tpu.wait_dma2 semaphore(%run_scoped3A : memref<!tpu.dma_semaphore, #tpu.memory_space<semaphore_mem>>) src(%dma_wait3A_66 : memref<120x128xf32, #tpu.memory_space<vmem>>) dst(%dma_wait3A_63 : memref<120x128xf32, #tpu.memory_space<hbm>>)
        tpu.yield
      }) : () -> ()
    } else {
    }
    %eq3A_2 = arith.constant 1 : i32
    %eq3A_3 = arith.cmpi eq, %arg0, %eq3A_2 : i32
    %convert_element_type3A_4 = arith.extui %eq3A_3 : i1 to i32
    %cond3A_5 = arith.constant 0 : i32
    %cond3A_6 = arith.cmpi ne, %convert_element_type3A_4, %cond3A_5 : i32
    scf.if %cond3A_6 {
      %mul3A = arith.constant 632 : i32
      %mul3A_7 = arith.muli %arg1, %mul3A : i32
      "tpu.region"() ({
        %run_scoped3A = tpu.sem_alloc : memref<!tpu.dma_semaphore, #tpu.memory_space<semaphore_mem>>
        %dma_start3A = arith.constant 0 : i32
        %dma_start3A_49 = arith.constant 0 : i32
        %dma_start3A_50 = tpu.memref_slice %arg6[%dma_start3A, %dma_start3A_49] : memref<640x128xf32, #tpu.memory_space<hbm>> -> memref<128x128xf32, #tpu.memory_space<hbm>>
        %dma_start3A_51 = arith.constant 0 : i32
        %dma_start3A_52 = arith.constant 0 : i32
        %dma_start3A_53 = tpu.memref_slice %arg6[%dma_start3A_51, %dma_start3A_52] : memref<640x128xf32, #tpu.memory_space<hbm>> -> memref<128x128xf32, #tpu.memory_space<hbm>>
        tpu.enqueue_dma source(%dma_start3A_53 : memref<128x128xf32, #tpu.memory_space<hbm>>) target(%arg11 : memref<128x128xf32, #tpu.memory_space<vmem>>) target_semaphore(%run_scoped3A : memref<!tpu.dma_semaphore, #tpu.memory_space<semaphore_mem>>)
        %dma_wait3A = arith.constant 0 : i32
        %dma_wait3A_54 = arith.constant 0 : i32
        %dma_wait3A_55 = tpu.memref_slice %arg6[%dma_wait3A, %dma_wait3A_54] : memref<640x128xf32, #tpu.memory_space<hbm>> -> memref<128x128xf32, #tpu.memory_space<hbm>>
        %dma_wait3A_56 = arith.constant 0 : i32
        %dma_wait3A_57 = arith.constant 0 : i32
        %dma_wait3A_58 = tpu.memref_slice %arg6[%dma_wait3A_56, %dma_wait3A_57] : memref<640x128xf32, #tpu.memory_space<hbm>> -> memref<128x128xf32, #tpu.memory_space<hbm>>
        tpu.wait_dma2 semaphore(%run_scoped3A : memref<!tpu.dma_semaphore, #tpu.memory_space<semaphore_mem>>) src(%dma_wait3A_58 : memref<128x128xf32, #tpu.memory_space<hbm>>) dst(%arg11 : memref<128x128xf32, #tpu.memory_space<vmem>>)
        tpu.yield
      }) : () -> ()
      %add3A = arith.constant 0 : i32
      %add3A_8 = arith.addi %mul3A_7, %add3A : i32
      "tpu.region"() ({
        %run_scoped3A = tpu.sem_alloc : memref<!tpu.dma_semaphore, #tpu.memory_space<semaphore_mem>>
        %dma_start3A = arith.constant 0 : i32
        %dma_start3A_49 = arith.constant 0 : i32
        %dma_start3A_50 = tpu.memref_slice %arg11[%dma_start3A, %dma_start3A_49] : memref<128x128xf32, #tpu.memory_space<vmem>> -> memref<128x128xf32, #tpu.memory_space<vmem>>
        %dma_start3A_51 = arith.constant 0 : i32
        %dma_start3A_52 = tpu.memref_slice %arg12[%add3A_8, %dma_start3A_51] : memref<10112x128xf32, #tpu.memory_space<vmem_shared>> -> memref<128x128xf32, #tpu.memory_space<vmem_shared>>
        %dma_start3A_53 = arith.constant 0 : i32
        %dma_start3A_54 = tpu.memref_slice %arg12[%add3A_8, %dma_start3A_53] : memref<10112x128xf32, #tpu.memory_space<vmem_shared>> -> memref<128x128xf32, #tpu.memory_space<vmem_shared>>
        %dma_start3A_55 = arith.constant 0 : i32
        %dma_start3A_56 = arith.constant 0 : i32
        %dma_start3A_57 = tpu.memref_slice %arg11[%dma_start3A_55, %dma_start3A_56] : memref<128x128xf32, #tpu.memory_space<vmem>> -> memref<128x128xf32, #tpu.memory_space<vmem>>
        tpu.enqueue_dma source(%dma_start3A_57 : memref<128x128xf32, #tpu.memory_space<vmem>>) target(%dma_start3A_54 : memref<128x128xf32, #tpu.memory_space<vmem_shared>>) target_semaphore(%run_scoped3A : memref<!tpu.dma_semaphore, #tpu.memory_space<semaphore_mem>>)
        %dma_wait3A = arith.constant 0 : i32
        %dma_wait3A_58 = arith.constant 0 : i32
        %dma_wait3A_59 = tpu.memref_slice %arg11[%dma_wait3A, %dma_wait3A_58] : memref<128x128xf32, #tpu.memory_space<vmem>> -> memref<128x128xf32, #tpu.memory_space<vmem>>
        %dma_wait3A_60 = arith.constant 0 : i32
        %dma_wait3A_61 = tpu.memref_slice %arg12[%add3A_8, %dma_wait3A_60] : memref<10112x128xf32, #tpu.memory_space<vmem_shared>> -> memref<128x128xf32, #tpu.memory_space<vmem_shared>>
        %dma_wait3A_62 = arith.constant 0 : i32
        %dma_wait3A_63 = tpu.memref_slice %arg12[%add3A_8, %dma_wait3A_62] : memref<10112x128xf32, #tpu.memory_space<vmem_shared>> -> memref<128x128xf32, #tpu.memory_space<vmem_shared>>
        %dma_wait3A_64 = arith.constant 0 : i32
        %dma_wait3A_65 = arith.constant 0 : i32
        %dma_wait3A_66 = tpu.memref_slice %arg11[%dma_wait3A_64, %dma_wait3A_65] : memref<128x128xf32, #tpu.memory_space<vmem>> -> memref<128x128xf32, #tpu.memory_space<vmem>>
        tpu.wait_dma2 semaphore(%run_scoped3A : memref<!tpu.dma_semaphore, #tpu.memory_space<semaphore_mem>>) src(%dma_wait3A_66 : memref<128x128xf32, #tpu.memory_space<vmem>>) dst(%dma_wait3A_63 : memref<128x128xf32, #tpu.memory_space<vmem_shared>>)
        tpu.yield
      }) : () -> ()
      %add3A_9 = arith.constant 128 : i32
      %add3A_10 = arith.addi %mul3A_7, %add3A_9 : i32
      "tpu.region"() ({
        %run_scoped3A = tpu.sem_alloc : memref<!tpu.dma_semaphore, #tpu.memory_space<semaphore_mem>>
        %dma_start3A = arith.constant 0 : i32
        %dma_start3A_49 = arith.constant 0 : i32
        %dma_start3A_50 = tpu.memref_slice %arg11[%dma_start3A, %dma_start3A_49] : memref<128x128xf32, #tpu.memory_space<vmem>> -> memref<128x128xf32, #tpu.memory_space<vmem>>
        %dma_start3A_51 = arith.constant 0 : i32
        %dma_start3A_52 = tpu.memref_slice %arg12[%add3A_10, %dma_start3A_51] : memref<10112x128xf32, #tpu.memory_space<vmem_shared>> -> memref<128x128xf32, #tpu.memory_space<vmem_shared>>
        %dma_start3A_53 = arith.constant 0 : i32
        %dma_start3A_54 = tpu.memref_slice %arg12[%add3A_10, %dma_start3A_53] : memref<10112x128xf32, #tpu.memory_space<vmem_shared>> -> memref<128x128xf32, #tpu.memory_space<vmem_shared>>
        %dma_start3A_55 = arith.constant 0 : i32
        %dma_start3A_56 = arith.constant 0 : i32
        %dma_start3A_57 = tpu.memref_slice %arg11[%dma_start3A_55, %dma_start3A_56] : memref<128x128xf32, #tpu.memory_space<vmem>> -> memref<128x128xf32, #tpu.memory_space<vmem>>
        tpu.enqueue_dma source(%dma_start3A_57 : memref<128x128xf32, #tpu.memory_space<vmem>>) target(%dma_start3A_54 : memref<128x128xf32, #tpu.memory_space<vmem_shared>>) target_semaphore(%run_scoped3A : memref<!tpu.dma_semaphore, #tpu.memory_space<semaphore_mem>>)
        %dma_wait3A = arith.constant 0 : i32
        %dma_wait3A_58 = arith.constant 0 : i32
        %dma_wait3A_59 = tpu.memref_slice %arg11[%dma_wait3A, %dma_wait3A_58] : memref<128x128xf32, #tpu.memory_space<vmem>> -> memref<128x128xf32, #tpu.memory_space<vmem>>
        %dma_wait3A_60 = arith.constant 0 : i32
        %dma_wait3A_61 = tpu.memref_slice %arg12[%add3A_10, %dma_wait3A_60] : memref<10112x128xf32, #tpu.memory_space<vmem_shared>> -> memref<128x128xf32, #tpu.memory_space<vmem_shared>>
        %dma_wait3A_62 = arith.constant 0 : i32
        %dma_wait3A_63 = tpu.memref_slice %arg12[%add3A_10, %dma_wait3A_62] : memref<10112x128xf32, #tpu.memory_space<vmem_shared>> -> memref<128x128xf32, #tpu.memory_space<vmem_shared>>
        %dma_wait3A_64 = arith.constant 0 : i32
        %dma_wait3A_65 = arith.constant 0 : i32
        %dma_wait3A_66 = tpu.memref_slice %arg11[%dma_wait3A_64, %dma_wait3A_65] : memref<128x128xf32, #tpu.memory_space<vmem>> -> memref<128x128xf32, #tpu.memory_space<vmem>>
        tpu.wait_dma2 semaphore(%run_scoped3A : memref<!tpu.dma_semaphore, #tpu.memory_space<semaphore_mem>>) src(%dma_wait3A_66 : memref<128x128xf32, #tpu.memory_space<vmem>>) dst(%dma_wait3A_63 : memref<128x128xf32, #tpu.memory_space<vmem_shared>>)
        tpu.yield
      }) : () -> ()
      %add3A_11 = arith.constant 256 : i32
      %add3A_12 = arith.addi %mul3A_7, %add3A_11 : i32
      "tpu.region"() ({
        %run_scoped3A = tpu.sem_alloc : memref<!tpu.dma_semaphore, #tpu.memory_space<semaphore_mem>>
        %dma_start3A = arith.constant 0 : i32
        %dma_start3A_49 = arith.constant 0 : i32
        %dma_start3A_50 = tpu.memref_slice %arg11[%dma_start3A, %dma_start3A_49] : memref<128x128xf32, #tpu.memory_space<vmem>> -> memref<128x128xf32, #tpu.memory_space<vmem>>
        %dma_start3A_51 = arith.constant 0 : i32
        %dma_start3A_52 = tpu.memref_slice %arg12[%add3A_12, %dma_start3A_51] : memref<10112x128xf32, #tpu.memory_space<vmem_shared>> -> memref<128x128xf32, #tpu.memory_space<vmem_shared>>
        %dma_start3A_53 = arith.constant 0 : i32
        %dma_start3A_54 = tpu.memref_slice %arg12[%add3A_12, %dma_start3A_53] : memref<10112x128xf32, #tpu.memory_space<vmem_shared>> -> memref<128x128xf32, #tpu.memory_space<vmem_shared>>
        %dma_start3A_55 = arith.constant 0 : i32
        %dma_start3A_56 = arith.constant 0 : i32
        %dma_start3A_57 = tpu.memref_slice %arg11[%dma_start3A_55, %dma_start3A_56] : memref<128x128xf32, #tpu.memory_space<vmem>> -> memref<128x128xf32, #tpu.memory_space<vmem>>
        tpu.enqueue_dma source(%dma_start3A_57 : memref<128x128xf32, #tpu.memory_space<vmem>>) target(%dma_start3A_54 : memref<128x128xf32, #tpu.memory_space<vmem_shared>>) target_semaphore(%run_scoped3A : memref<!tpu.dma_semaphore, #tpu.memory_space<semaphore_mem>>)
        %dma_wait3A = arith.constant 0 : i32
        %dma_wait3A_58 = arith.constant 0 : i32
        %dma_wait3A_59 = tpu.memref_slice %arg11[%dma_wait3A, %dma_wait3A_58] : memref<128x128xf32, #tpu.memory_space<vmem>> -> memref<128x128xf32, #tpu.memory_space<vmem>>
        %dma_wait3A_60 = arith.constant 0 : i32
        %dma_wait3A_61 = tpu.memref_slice %arg12[%add3A_12, %dma_wait3A_60] : memref<10112x128xf32, #tpu.memory_space<vmem_shared>> -> memref<128x128xf32, #tpu.memory_space<vmem_shared>>
        %dma_wait3A_62 = arith.constant 0 : i32
        %dma_wait3A_63 = tpu.memref_slice %arg12[%add3A_12, %dma_wait3A_62] : memref<10112x128xf32, #tpu.memory_space<vmem_shared>> -> memref<128x128xf32, #tpu.memory_space<vmem_shared>>
        %dma_wait3A_64 = arith.constant 0 : i32
        %dma_wait3A_65 = arith.constant 0 : i32
        %dma_wait3A_66 = tpu.memref_slice %arg11[%dma_wait3A_64, %dma_wait3A_65] : memref<128x128xf32, #tpu.memory_space<vmem>> -> memref<128x128xf32, #tpu.memory_space<vmem>>
        tpu.wait_dma2 semaphore(%run_scoped3A : memref<!tpu.dma_semaphore, #tpu.memory_space<semaphore_mem>>) src(%dma_wait3A_66 : memref<128x128xf32, #tpu.memory_space<vmem>>) dst(%dma_wait3A_63 : memref<128x128xf32, #tpu.memory_space<vmem_shared>>)
        tpu.yield
      }) : () -> ()
      %add3A_13 = arith.constant 384 : i32
      %add3A_14 = arith.addi %mul3A_7, %add3A_13 : i32
      "tpu.region"() ({
        %run_scoped3A = tpu.sem_alloc : memref<!tpu.dma_semaphore, #tpu.memory_space<semaphore_mem>>
        %dma_start3A = arith.constant 0 : i32
        %dma_start3A_49 = arith.constant 0 : i32
        %dma_start3A_50 = tpu.memref_slice %arg11[%dma_start3A, %dma_start3A_49] : memref<128x128xf32, #tpu.memory_space<vmem>> -> memref<128x128xf32, #tpu.memory_space<vmem>>
        %dma_start3A_51 = arith.constant 0 : i32
        %dma_start3A_52 = tpu.memref_slice %arg12[%add3A_14, %dma_start3A_51] : memref<10112x128xf32, #tpu.memory_space<vmem_shared>> -> memref<128x128xf32, #tpu.memory_space<vmem_shared>>
        %dma_start3A_53 = arith.constant 0 : i32
        %dma_start3A_54 = tpu.memref_slice %arg12[%add3A_14, %dma_start3A_53] : memref<10112x128xf32, #tpu.memory_space<vmem_shared>> -> memref<128x128xf32, #tpu.memory_space<vmem_shared>>
        %dma_start3A_55 = arith.constant 0 : i32
        %dma_start3A_56 = arith.constant 0 : i32
        %dma_start3A_57 = tpu.memref_slice %arg11[%dma_start3A_55, %dma_start3A_56] : memref<128x128xf32, #tpu.memory_space<vmem>> -> memref<128x128xf32, #tpu.memory_space<vmem>>
        tpu.enqueue_dma source(%dma_start3A_57 : memref<128x128xf32, #tpu.memory_space<vmem>>) target(%dma_start3A_54 : memref<128x128xf32, #tpu.memory_space<vmem_shared>>) target_semaphore(%run_scoped3A : memref<!tpu.dma_semaphore, #tpu.memory_space<semaphore_mem>>)
        %dma_wait3A = arith.constant 0 : i32
        %dma_wait3A_58 = arith.constant 0 : i32
        %dma_wait3A_59 = tpu.memref_slice %arg11[%dma_wait3A, %dma_wait3A_58] : memref<128x128xf32, #tpu.memory_space<vmem>> -> memref<128x128xf32, #tpu.memory_space<vmem>>
        %dma_wait3A_60 = arith.constant 0 : i32
        %dma_wait3A_61 = tpu.memref_slice %arg12[%add3A_14, %dma_wait3A_60] : memref<10112x128xf32, #tpu.memory_space<vmem_shared>> -> memref<128x128xf32, #tpu.memory_space<vmem_shared>>
        %dma_wait3A_62 = arith.constant 0 : i32
        %dma_wait3A_63 = tpu.memref_slice %arg12[%add3A_14, %dma_wait3A_62] : memref<10112x128xf32, #tpu.memory_space<vmem_shared>> -> memref<128x128xf32, #tpu.memory_space<vmem_shared>>
        %dma_wait3A_64 = arith.constant 0 : i32
        %dma_wait3A_65 = arith.constant 0 : i32
        %dma_wait3A_66 = tpu.memref_slice %arg11[%dma_wait3A_64, %dma_wait3A_65] : memref<128x128xf32, #tpu.memory_space<vmem>> -> memref<128x128xf32, #tpu.memory_space<vmem>>
        tpu.wait_dma2 semaphore(%run_scoped3A : memref<!tpu.dma_semaphore, #tpu.memory_space<semaphore_mem>>) src(%dma_wait3A_66 : memref<128x128xf32, #tpu.memory_space<vmem>>) dst(%dma_wait3A_63 : memref<128x128xf32, #tpu.memory_space<vmem_shared>>)
        tpu.yield
      }) : () -> ()
      %add3A_15 = arith.constant 512 : i32
      %add3A_16 = arith.addi %mul3A_7, %add3A_15 : i32
      "tpu.region"() ({
        %run_scoped3A = tpu.sem_alloc : memref<!tpu.dma_semaphore, #tpu.memory_space<semaphore_mem>>
        %dma_start3A = arith.constant 0 : i32
        %dma_start3A_49 = arith.constant 0 : i32
        %dma_start3A_50 = tpu.memref_slice %arg11[%dma_start3A, %dma_start3A_49] : memref<128x128xf32, #tpu.memory_space<vmem>> -> memref<120x128xf32, #tpu.memory_space<vmem>>
        %dma_start3A_51 = arith.constant 0 : i32
        %dma_start3A_52 = tpu.memref_slice %arg12[%add3A_16, %dma_start3A_51] : memref<10112x128xf32, #tpu.memory_space<vmem_shared>> -> memref<120x128xf32, #tpu.memory_space<vmem_shared>>
        %dma_start3A_53 = arith.constant 0 : i32
        %dma_start3A_54 = tpu.memref_slice %arg12[%add3A_16, %dma_start3A_53] : memref<10112x128xf32, #tpu.memory_space<vmem_shared>> -> memref<120x128xf32, #tpu.memory_space<vmem_shared>>
        %dma_start3A_55 = arith.constant 0 : i32
        %dma_start3A_56 = arith.constant 0 : i32
        %dma_start3A_57 = tpu.memref_slice %arg11[%dma_start3A_55, %dma_start3A_56] : memref<128x128xf32, #tpu.memory_space<vmem>> -> memref<120x128xf32, #tpu.memory_space<vmem>>
        tpu.enqueue_dma source(%dma_start3A_57 : memref<120x128xf32, #tpu.memory_space<vmem>>) target(%dma_start3A_54 : memref<120x128xf32, #tpu.memory_space<vmem_shared>>) target_semaphore(%run_scoped3A : memref<!tpu.dma_semaphore, #tpu.memory_space<semaphore_mem>>)
        %dma_wait3A = arith.constant 0 : i32
        %dma_wait3A_58 = arith.constant 0 : i32
        %dma_wait3A_59 = tpu.memref_slice %arg11[%dma_wait3A, %dma_wait3A_58] : memref<128x128xf32, #tpu.memory_space<vmem>> -> memref<120x128xf32, #tpu.memory_space<vmem>>
        %dma_wait3A_60 = arith.constant 0 : i32
        %dma_wait3A_61 = tpu.memref_slice %arg12[%add3A_16, %dma_wait3A_60] : memref<10112x128xf32, #tpu.memory_space<vmem_shared>> -> memref<120x128xf32, #tpu.memory_space<vmem_shared>>
        %dma_wait3A_62 = arith.constant 0 : i32
        %dma_wait3A_63 = tpu.memref_slice %arg12[%add3A_16, %dma_wait3A_62] : memref<10112x128xf32, #tpu.memory_space<vmem_shared>> -> memref<120x128xf32, #tpu.memory_space<vmem_shared>>
        %dma_wait3A_64 = arith.constant 0 : i32
        %dma_wait3A_65 = arith.constant 0 : i32
        %dma_wait3A_66 = tpu.memref_slice %arg11[%dma_wait3A_64, %dma_wait3A_65] : memref<128x128xf32, #tpu.memory_space<vmem>> -> memref<120x128xf32, #tpu.memory_space<vmem>>
        tpu.wait_dma2 semaphore(%run_scoped3A : memref<!tpu.dma_semaphore, #tpu.memory_space<semaphore_mem>>) src(%dma_wait3A_66 : memref<120x128xf32, #tpu.memory_space<vmem>>) dst(%dma_wait3A_63 : memref<120x128xf32, #tpu.memory_space<vmem_shared>>)
        tpu.yield
      }) : () -> ()
      %barrier3A = arith.constant 0 : index
      tpu.barrier barrier_id(%barrier3A)
      "tpu.region"() ({
        %run_scoped3A = tpu.sem_alloc : memref<!tpu.dma_semaphore, #tpu.memory_space<semaphore_mem>>
        %dma_start3A = arith.constant 0 : i32
        %dma_start3A_49 = arith.constant 0 : i32
        %dma_start3A_50 = tpu.memref_slice %arg9[%dma_start3A, %dma_start3A_49] : memref<40x128xi32, #tpu.memory_space<vmem>> -> memref<40x128xi32, #tpu.memory_space<vmem>>
        %dma_start3A_51 = arith.constant 0 : i32
        %dma_start3A_52 = arith.constant 0 : i32
        %dma_start3A_53 = tpu.memref_slice %arg4[%arg1, %dma_start3A_51, %dma_start3A_52] : memref<16x79x128xi32, #tpu.memory_space<hbm>> -> memref<1x40x128xi32, #tpu.memory_space<hbm>>
        %dma_start3A_54 = tpu.memref_squeeze %dma_start3A_53 : memref<1x40x128xi32, #tpu.memory_space<hbm>> -> memref<40x128xi32, #tpu.memory_space<hbm>>
        %dma_start3A_55 = arith.constant 0 : i32
        %dma_start3A_56 = arith.constant 0 : i32
        %dma_start3A_57 = tpu.memref_slice %arg9[%dma_start3A_55, %dma_start3A_56] : memref<40x128xi32, #tpu.memory_space<vmem>> -> memref<40x128xi32, #tpu.memory_space<vmem>>
        %dma_start3A_58 = arith.constant 0 : i32
        %dma_start3A_59 = arith.constant 0 : i32
        %dma_start3A_60 = tpu.memref_slice %arg4[%arg1, %dma_start3A_58, %dma_start3A_59] : memref<16x79x128xi32, #tpu.memory_space<hbm>> -> memref<1x40x128xi32, #tpu.memory_space<hbm>>
        %dma_start3A_61 = tpu.memref_squeeze %dma_start3A_60 : memref<1x40x128xi32, #tpu.memory_space<hbm>> -> memref<40x128xi32, #tpu.memory_space<hbm>>
        tpu.enqueue_dma source(%dma_start3A_61 : memref<40x128xi32, #tpu.memory_space<hbm>>) target(%dma_start3A_57 : memref<40x128xi32, #tpu.memory_space<vmem>>) target_semaphore(%run_scoped3A : memref<!tpu.dma_semaphore, #tpu.memory_space<semaphore_mem>>)
        %dma_wait3A = arith.constant 0 : i32
        %dma_wait3A_62 = arith.constant 0 : i32
        %dma_wait3A_63 = tpu.memref_slice %arg9[%dma_wait3A, %dma_wait3A_62] : memref<40x128xi32, #tpu.memory_space<vmem>> -> memref<40x128xi32, #tpu.memory_space<vmem>>
        %dma_wait3A_64 = arith.constant 0 : i32
        %dma_wait3A_65 = arith.constant 0 : i32
        %dma_wait3A_66 = tpu.memref_slice %arg4[%arg1, %dma_wait3A_64, %dma_wait3A_65] : memref<16x79x128xi32, #tpu.memory_space<hbm>> -> memref<1x40x128xi32, #tpu.memory_space<hbm>>
        %dma_wait3A_67 = tpu.memref_squeeze %dma_wait3A_66 : memref<1x40x128xi32, #tpu.memory_space<hbm>> -> memref<40x128xi32, #tpu.memory_space<hbm>>
        %dma_wait3A_68 = arith.constant 0 : i32
        %dma_wait3A_69 = arith.constant 0 : i32
        %dma_wait3A_70 = tpu.memref_slice %arg9[%dma_wait3A_68, %dma_wait3A_69] : memref<40x128xi32, #tpu.memory_space<vmem>> -> memref<40x128xi32, #tpu.memory_space<vmem>>
        %dma_wait3A_71 = arith.constant 0 : i32
        %dma_wait3A_72 = arith.constant 0 : i32
        %dma_wait3A_73 = tpu.memref_slice %arg4[%arg1, %dma_wait3A_71, %dma_wait3A_72] : memref<16x79x128xi32, #tpu.memory_space<hbm>> -> memref<1x40x128xi32, #tpu.memory_space<hbm>>
        %dma_wait3A_74 = tpu.memref_squeeze %dma_wait3A_73 : memref<1x40x128xi32, #tpu.memory_space<hbm>> -> memref<40x128xi32, #tpu.memory_space<hbm>>
        tpu.wait_dma2 semaphore(%run_scoped3A : memref<!tpu.dma_semaphore, #tpu.memory_space<semaphore_mem>>) src(%dma_wait3A_74 : memref<40x128xi32, #tpu.memory_space<hbm>>) dst(%dma_wait3A_70 : memref<40x128xi32, #tpu.memory_space<vmem>>)
        tpu.yield
      }) : () -> ()
      "tpu.region"() ({
        %run_scoped3A = tpu.sem_alloc : memref<!tpu.dma_semaphore, #tpu.memory_space<semaphore_mem>>
        %dma_start3A = arith.constant 0 : i32
        %dma_start3A_49 = arith.constant 0 : i32
        %dma_start3A_50 = tpu.memref_slice %arg10[%dma_start3A, %dma_start3A_49] : memref<40x128xi32, #tpu.memory_space<vmem>> -> memref<40x128xi32, #tpu.memory_space<vmem>>
        %dma_start3A_51 = arith.constant 0 : i32
        %dma_start3A_52 = arith.constant 0 : i32
        %dma_start3A_53 = tpu.memref_slice %arg5[%arg1, %dma_start3A_51, %dma_start3A_52] : memref<16x79x128xi32, #tpu.memory_space<hbm>> -> memref<1x40x128xi32, #tpu.memory_space<hbm>>
        %dma_start3A_54 = tpu.memref_squeeze %dma_start3A_53 : memref<1x40x128xi32, #tpu.memory_space<hbm>> -> memref<40x128xi32, #tpu.memory_space<hbm>>
        %dma_start3A_55 = arith.constant 0 : i32
        %dma_start3A_56 = arith.constant 0 : i32
        %dma_start3A_57 = tpu.memref_slice %arg10[%dma_start3A_55, %dma_start3A_56] : memref<40x128xi32, #tpu.memory_space<vmem>> -> memref<40x128xi32, #tpu.memory_space<vmem>>
        %dma_start3A_58 = arith.constant 0 : i32
        %dma_start3A_59 = arith.constant 0 : i32
        %dma_start3A_60 = tpu.memref_slice %arg5[%arg1, %dma_start3A_58, %dma_start3A_59] : memref<16x79x128xi32, #tpu.memory_space<hbm>> -> memref<1x40x128xi32, #tpu.memory_space<hbm>>
        %dma_start3A_61 = tpu.memref_squeeze %dma_start3A_60 : memref<1x40x128xi32, #tpu.memory_space<hbm>> -> memref<40x128xi32, #tpu.memory_space<hbm>>
        tpu.enqueue_dma source(%dma_start3A_61 : memref<40x128xi32, #tpu.memory_space<hbm>>) target(%dma_start3A_57 : memref<40x128xi32, #tpu.memory_space<vmem>>) target_semaphore(%run_scoped3A : memref<!tpu.dma_semaphore, #tpu.memory_space<semaphore_mem>>)
        %dma_wait3A = arith.constant 0 : i32
        %dma_wait3A_62 = arith.constant 0 : i32
        %dma_wait3A_63 = tpu.memref_slice %arg10[%dma_wait3A, %dma_wait3A_62] : memref<40x128xi32, #tpu.memory_space<vmem>> -> memref<40x128xi32, #tpu.memory_space<vmem>>
        %dma_wait3A_64 = arith.constant 0 : i32
        %dma_wait3A_65 = arith.constant 0 : i32
        %dma_wait3A_66 = tpu.memref_slice %arg5[%arg1, %dma_wait3A_64, %dma_wait3A_65] : memref<16x79x128xi32, #tpu.memory_space<hbm>> -> memref<1x40x128xi32, #tpu.memory_space<hbm>>
        %dma_wait3A_67 = tpu.memref_squeeze %dma_wait3A_66 : memref<1x40x128xi32, #tpu.memory_space<hbm>> -> memref<40x128xi32, #tpu.memory_space<hbm>>
        %dma_wait3A_68 = arith.constant 0 : i32
        %dma_wait3A_69 = arith.constant 0 : i32
        %dma_wait3A_70 = tpu.memref_slice %arg10[%dma_wait3A_68, %dma_wait3A_69] : memref<40x128xi32, #tpu.memory_space<vmem>> -> memref<40x128xi32, #tpu.memory_space<vmem>>
        %dma_wait3A_71 = arith.constant 0 : i32
        %dma_wait3A_72 = arith.constant 0 : i32
        %dma_wait3A_73 = tpu.memref_slice %arg5[%arg1, %dma_wait3A_71, %dma_wait3A_72] : memref<16x79x128xi32, #tpu.memory_space<hbm>> -> memref<1x40x128xi32, #tpu.memory_space<hbm>>
        %dma_wait3A_74 = tpu.memref_squeeze %dma_wait3A_73 : memref<1x40x128xi32, #tpu.memory_space<hbm>> -> memref<40x128xi32, #tpu.memory_space<hbm>>
        tpu.wait_dma2 semaphore(%run_scoped3A : memref<!tpu.dma_semaphore, #tpu.memory_space<semaphore_mem>>) src(%dma_wait3A_74 : memref<40x128xi32, #tpu.memory_space<hbm>>) dst(%dma_wait3A_70 : memref<40x128xi32, #tpu.memory_space<vmem>>)
        tpu.yield
      }) : () -> ()
      %scan3A = arith.constant 0 : i32
      %scan3A_17 = arith.constant 0 : i32
      %scan3A_18 = arith.constant 40 : i32
      %scan3A_19 = arith.addi %scan3A_17, %scan3A_18 : i32
      %scan3A_20 = arith.constant 1 : i32
      scf.for %scan3A_49 = %scan3A_17 to %scan3A_19 step %scan3A_20  : i32 {
        %dma_start3A = arith.constant 0 : i32
        %dma_start3A_50 = tpu.memref_slice %arg9[%scan3A_49, %dma_start3A] : memref<40x128xi32, #tpu.memory_space<vmem>> -> memref<1x128xi32, #tpu.memory_space<vmem>>
        %dma_start3A_51 = tpu.memref_squeeze %dma_start3A_50 : memref<1x128xi32, #tpu.memory_space<vmem>> -> memref<128xi32, #tpu.memory_space<vmem>>
        %dma_start3A_52 = arith.constant 0 : i32
        %dma_start3A_53 = arith.constant 0 : i32
        %dma_start3A_54 = tpu.memref_slice %arg3[%dma_start3A_52, %dma_start3A_53] : memref<10000x128xf32, #tpu.memory_space<hbm>> -> memref<10000x128xf32, #tpu.memory_space<hbm>>
        tpu.enqueue_indirect_dma source(%dma_start3A_54 : memref<10000x128xf32, #tpu.memory_space<hbm>>) target(%arg11 : memref<128x128xf32, #tpu.memory_space<vmem>>) offsets(%dma_start3A_51 : memref<128xi32, #tpu.memory_space<vmem>>) semaphore(%arg13 : memref<!tpu.dma_semaphore, #tpu.memory_space<semaphore_mem>>)
        %dma_wait3A = arith.constant 0 : i32
        %dma_wait3A_55 = tpu.memref_slice %arg9[%scan3A_49, %dma_wait3A] : memref<40x128xi32, #tpu.memory_space<vmem>> -> memref<1x128xi32, #tpu.memory_space<vmem>>
        %dma_wait3A_56 = tpu.memref_squeeze %dma_wait3A_55 : memref<1x128xi32, #tpu.memory_space<vmem>> -> memref<128xi32, #tpu.memory_space<vmem>>
        %dma_wait3A_57 = arith.constant 0 : i32
        %dma_wait3A_58 = arith.constant 0 : i32
        %dma_wait3A_59 = tpu.memref_slice %arg3[%dma_wait3A_57, %dma_wait3A_58] : memref<10000x128xf32, #tpu.memory_space<hbm>> -> memref<10000x128xf32, #tpu.memory_space<hbm>>
        tpu.wait_indirect_dma semaphore(%arg13 : memref<!tpu.dma_semaphore, #tpu.memory_space<semaphore_mem>>) src(%dma_wait3A_59 : memref<10000x128xf32, #tpu.memory_space<hbm>>) dst(%arg11 : memref<128x128xf32, #tpu.memory_space<vmem>>)
        "tpu.region"() ({
          %run_scoped3A = tpu.sem_alloc : memref<!tpu.dma_semaphore, #tpu.memory_space<semaphore_mem>>
          %dma_start3A_60 = arith.constant 0 : i32
          %dma_start3A_61 = tpu.memref_slice %arg10[%scan3A_49, %dma_start3A_60] : memref<40x128xi32, #tpu.memory_space<vmem>> -> memref<1x128xi32, #tpu.memory_space<vmem>>
          %dma_start3A_62 = tpu.memref_squeeze %dma_start3A_61 : memref<1x128xi32, #tpu.memory_space<vmem>> -> memref<128xi32, #tpu.memory_space<vmem>>
          %dma_start3A_63 = arith.constant 0 : i32
          %dma_start3A_64 = arith.constant 0 : i32
          %dma_start3A_65 = tpu.memref_slice %arg12[%dma_start3A_63, %dma_start3A_64] : memref<10112x128xf32, #tpu.memory_space<vmem_shared>> -> memref<10112x128xf32, #tpu.memory_space<vmem_shared>>
          tpu.enqueue_indirect_dma source(%arg11 : memref<128x128xf32, #tpu.memory_space<vmem>>) target(%dma_start3A_65 : memref<10112x128xf32, #tpu.memory_space<vmem_shared>>) offsets(%dma_start3A_62 : memref<128xi32, #tpu.memory_space<vmem>>) semaphore(%run_scoped3A : memref<!tpu.dma_semaphore, #tpu.memory_space<semaphore_mem>>) {add = true}
          %dma_wait3A_66 = arith.constant 0 : i32
          %dma_wait3A_67 = tpu.memref_slice %arg10[%scan3A_49, %dma_wait3A_66] : memref<40x128xi32, #tpu.memory_space<vmem>> -> memref<1x128xi32, #tpu.memory_space<vmem>>
          %dma_wait3A_68 = tpu.memref_squeeze %dma_wait3A_67 : memref<1x128xi32, #tpu.memory_space<vmem>> -> memref<128xi32, #tpu.memory_space<vmem>>
          %dma_wait3A_69 = arith.constant 0 : i32
          %dma_wait3A_70 = arith.constant 0 : i32
          %dma_wait3A_71 = tpu.memref_slice %arg12[%dma_wait3A_69, %dma_wait3A_70] : memref<10112x128xf32, #tpu.memory_space<vmem_shared>> -> memref<10112x128xf32, #tpu.memory_space<vmem_shared>>
          tpu.wait_indirect_dma semaphore(%run_scoped3A : memref<!tpu.dma_semaphore, #tpu.memory_space<semaphore_mem>>) src(%arg11 : memref<128x128xf32, #tpu.memory_space<vmem>>) dst(%dma_wait3A_71 : memref<10112x128xf32, #tpu.memory_space<vmem_shared>>)
          tpu.yield
        }) : () -> ()
      }
      %scan3A_21 = arith.constant 40 : i32
      "tpu.region"() ({
        %run_scoped3A = tpu.sem_alloc : memref<!tpu.dma_semaphore, #tpu.memory_space<semaphore_mem>>
        %dma_start3A = arith.constant 0 : i32
        %dma_start3A_49 = arith.constant 0 : i32
        %dma_start3A_50 = tpu.memref_slice %arg9[%dma_start3A, %dma_start3A_49] : memref<40x128xi32, #tpu.memory_space<vmem>> -> memref<39x128xi32, #tpu.memory_space<vmem>>
        %dma_start3A_51 = arith.constant 40 : i32
        %dma_start3A_52 = arith.constant 0 : i32
        %dma_start3A_53 = tpu.memref_slice %arg4[%arg1, %dma_start3A_51, %dma_start3A_52] : memref<16x79x128xi32, #tpu.memory_space<hbm>> -> memref<1x39x128xi32, #tpu.memory_space<hbm>>
        %dma_start3A_54 = tpu.memref_squeeze %dma_start3A_53 : memref<1x39x128xi32, #tpu.memory_space<hbm>> -> memref<39x128xi32, #tpu.memory_space<hbm>>
        %dma_start3A_55 = arith.constant 0 : i32
        %dma_start3A_56 = arith.constant 0 : i32
        %dma_start3A_57 = tpu.memref_slice %arg9[%dma_start3A_55, %dma_start3A_56] : memref<40x128xi32, #tpu.memory_space<vmem>> -> memref<39x128xi32, #tpu.memory_space<vmem>>
        %dma_start3A_58 = arith.constant 40 : i32
        %dma_start3A_59 = arith.constant 0 : i32
        %dma_start3A_60 = tpu.memref_slice %arg4[%arg1, %dma_start3A_58, %dma_start3A_59] : memref<16x79x128xi32, #tpu.memory_space<hbm>> -> memref<1x39x128xi32, #tpu.memory_space<hbm>>
        %dma_start3A_61 = tpu.memref_squeeze %dma_start3A_60 : memref<1x39x128xi32, #tpu.memory_space<hbm>> -> memref<39x128xi32, #tpu.memory_space<hbm>>
        tpu.enqueue_dma source(%dma_start3A_61 : memref<39x128xi32, #tpu.memory_space<hbm>>) target(%dma_start3A_57 : memref<39x128xi32, #tpu.memory_space<vmem>>) target_semaphore(%run_scoped3A : memref<!tpu.dma_semaphore, #tpu.memory_space<semaphore_mem>>)
        %dma_wait3A = arith.constant 0 : i32
        %dma_wait3A_62 = arith.constant 0 : i32
        %dma_wait3A_63 = tpu.memref_slice %arg9[%dma_wait3A, %dma_wait3A_62] : memref<40x128xi32, #tpu.memory_space<vmem>> -> memref<39x128xi32, #tpu.memory_space<vmem>>
        %dma_wait3A_64 = arith.constant 40 : i32
        %dma_wait3A_65 = arith.constant 0 : i32
        %dma_wait3A_66 = tpu.memref_slice %arg4[%arg1, %dma_wait3A_64, %dma_wait3A_65] : memref<16x79x128xi32, #tpu.memory_space<hbm>> -> memref<1x39x128xi32, #tpu.memory_space<hbm>>
        %dma_wait3A_67 = tpu.memref_squeeze %dma_wait3A_66 : memref<1x39x128xi32, #tpu.memory_space<hbm>> -> memref<39x128xi32, #tpu.memory_space<hbm>>
        %dma_wait3A_68 = arith.constant 0 : i32
        %dma_wait3A_69 = arith.constant 0 : i32
        %dma_wait3A_70 = tpu.memref_slice %arg9[%dma_wait3A_68, %dma_wait3A_69] : memref<40x128xi32, #tpu.memory_space<vmem>> -> memref<39x128xi32, #tpu.memory_space<vmem>>
        %dma_wait3A_71 = arith.constant 40 : i32
        %dma_wait3A_72 = arith.constant 0 : i32
        %dma_wait3A_73 = tpu.memref_slice %arg4[%arg1, %dma_wait3A_71, %dma_wait3A_72] : memref<16x79x128xi32, #tpu.memory_space<hbm>> -> memref<1x39x128xi32, #tpu.memory_space<hbm>>
        %dma_wait3A_74 = tpu.memref_squeeze %dma_wait3A_73 : memref<1x39x128xi32, #tpu.memory_space<hbm>> -> memref<39x128xi32, #tpu.memory_space<hbm>>
        tpu.wait_dma2 semaphore(%run_scoped3A : memref<!tpu.dma_semaphore, #tpu.memory_space<semaphore_mem>>) src(%dma_wait3A_74 : memref<39x128xi32, #tpu.memory_space<hbm>>) dst(%dma_wait3A_70 : memref<39x128xi32, #tpu.memory_space<vmem>>)
        tpu.yield
      }) : () -> ()
      "tpu.region"() ({
        %run_scoped3A = tpu.sem_alloc : memref<!tpu.dma_semaphore, #tpu.memory_space<semaphore_mem>>
        %dma_start3A = arith.constant 0 : i32
        %dma_start3A_49 = arith.constant 0 : i32
        %dma_start3A_50 = tpu.memref_slice %arg10[%dma_start3A, %dma_start3A_49] : memref<40x128xi32, #tpu.memory_space<vmem>> -> memref<39x128xi32, #tpu.memory_space<vmem>>
        %dma_start3A_51 = arith.constant 40 : i32
        %dma_start3A_52 = arith.constant 0 : i32
        %dma_start3A_53 = tpu.memref_slice %arg5[%arg1, %dma_start3A_51, %dma_start3A_52] : memref<16x79x128xi32, #tpu.memory_space<hbm>> -> memref<1x39x128xi32, #tpu.memory_space<hbm>>
        %dma_start3A_54 = tpu.memref_squeeze %dma_start3A_53 : memref<1x39x128xi32, #tpu.memory_space<hbm>> -> memref<39x128xi32, #tpu.memory_space<hbm>>
        %dma_start3A_55 = arith.constant 0 : i32
        %dma_start3A_56 = arith.constant 0 : i32
        %dma_start3A_57 = tpu.memref_slice %arg10[%dma_start3A_55, %dma_start3A_56] : memref<40x128xi32, #tpu.memory_space<vmem>> -> memref<39x128xi32, #tpu.memory_space<vmem>>
        %dma_start3A_58 = arith.constant 40 : i32
        %dma_start3A_59 = arith.constant 0 : i32
        %dma_start3A_60 = tpu.memref_slice %arg5[%arg1, %dma_start3A_58, %dma_start3A_59] : memref<16x79x128xi32, #tpu.memory_space<hbm>> -> memref<1x39x128xi32, #tpu.memory_space<hbm>>
        %dma_start3A_61 = tpu.memref_squeeze %dma_start3A_60 : memref<1x39x128xi32, #tpu.memory_space<hbm>> -> memref<39x128xi32, #tpu.memory_space<hbm>>
        tpu.enqueue_dma source(%dma_start3A_61 : memref<39x128xi32, #tpu.memory_space<hbm>>) target(%dma_start3A_57 : memref<39x128xi32, #tpu.memory_space<vmem>>) target_semaphore(%run_scoped3A : memref<!tpu.dma_semaphore, #tpu.memory_space<semaphore_mem>>)
        %dma_wait3A = arith.constant 0 : i32
        %dma_wait3A_62 = arith.constant 0 : i32
        %dma_wait3A_63 = tpu.memref_slice %arg10[%dma_wait3A, %dma_wait3A_62] : memref<40x128xi32, #tpu.memory_space<vmem>> -> memref<39x128xi32, #tpu.memory_space<vmem>>
        %dma_wait3A_64 = arith.constant 40 : i32
        %dma_wait3A_65 = arith.constant 0 : i32
        %dma_wait3A_66 = tpu.memref_slice %arg5[%arg1, %dma_wait3A_64, %dma_wait3A_65] : memref<16x79x128xi32, #tpu.memory_space<hbm>> -> memref<1x39x128xi32, #tpu.memory_space<hbm>>
        %dma_wait3A_67 = tpu.memref_squeeze %dma_wait3A_66 : memref<1x39x128xi32, #tpu.memory_space<hbm>> -> memref<39x128xi32, #tpu.memory_space<hbm>>
        %dma_wait3A_68 = arith.constant 0 : i32
        %dma_wait3A_69 = arith.constant 0 : i32
        %dma_wait3A_70 = tpu.memref_slice %arg10[%dma_wait3A_68, %dma_wait3A_69] : memref<40x128xi32, #tpu.memory_space<vmem>> -> memref<39x128xi32, #tpu.memory_space<vmem>>
        %dma_wait3A_71 = arith.constant 40 : i32
        %dma_wait3A_72 = arith.constant 0 : i32
        %dma_wait3A_73 = tpu.memref_slice %arg5[%arg1, %dma_wait3A_71, %dma_wait3A_72] : memref<16x79x128xi32, #tpu.memory_space<hbm>> -> memref<1x39x128xi32, #tpu.memory_space<hbm>>
        %dma_wait3A_74 = tpu.memref_squeeze %dma_wait3A_73 : memref<1x39x128xi32, #tpu.memory_space<hbm>> -> memref<39x128xi32, #tpu.memory_space<hbm>>
        tpu.wait_dma2 semaphore(%run_scoped3A : memref<!tpu.dma_semaphore, #tpu.memory_space<semaphore_mem>>) src(%dma_wait3A_74 : memref<39x128xi32, #tpu.memory_space<hbm>>) dst(%dma_wait3A_70 : memref<39x128xi32, #tpu.memory_space<vmem>>)
        tpu.yield
      }) : () -> ()
      %scan3A_22 = arith.constant 0 : i32
      %scan3A_23 = arith.constant 0 : i32
      %scan3A_24 = arith.constant 39 : i32
      %scan3A_25 = arith.addi %scan3A_23, %scan3A_24 : i32
      %scan3A_26 = arith.constant 1 : i32
      scf.for %scan3A_49 = %scan3A_23 to %scan3A_25 step %scan3A_26  : i32 {
        %dma_start3A = arith.constant 0 : i32
        %dma_start3A_50 = tpu.memref_slice %arg9[%scan3A_49, %dma_start3A] : memref<40x128xi32, #tpu.memory_space<vmem>> -> memref<1x128xi32, #tpu.memory_space<vmem>>
        %dma_start3A_51 = tpu.memref_squeeze %dma_start3A_50 : memref<1x128xi32, #tpu.memory_space<vmem>> -> memref<128xi32, #tpu.memory_space<vmem>>
        %dma_start3A_52 = arith.constant 0 : i32
        %dma_start3A_53 = arith.constant 0 : i32
        %dma_start3A_54 = tpu.memref_slice %arg3[%dma_start3A_52, %dma_start3A_53] : memref<10000x128xf32, #tpu.memory_space<hbm>> -> memref<10000x128xf32, #tpu.memory_space<hbm>>
        tpu.enqueue_indirect_dma source(%dma_start3A_54 : memref<10000x128xf32, #tpu.memory_space<hbm>>) target(%arg11 : memref<128x128xf32, #tpu.memory_space<vmem>>) offsets(%dma_start3A_51 : memref<128xi32, #tpu.memory_space<vmem>>) semaphore(%arg13 : memref<!tpu.dma_semaphore, #tpu.memory_space<semaphore_mem>>)
        %dma_wait3A = arith.constant 0 : i32
        %dma_wait3A_55 = tpu.memref_slice %arg9[%scan3A_49, %dma_wait3A] : memref<40x128xi32, #tpu.memory_space<vmem>> -> memref<1x128xi32, #tpu.memory_space<vmem>>
        %dma_wait3A_56 = tpu.memref_squeeze %dma_wait3A_55 : memref<1x128xi32, #tpu.memory_space<vmem>> -> memref<128xi32, #tpu.memory_space<vmem>>
        %dma_wait3A_57 = arith.constant 0 : i32
        %dma_wait3A_58 = arith.constant 0 : i32
        %dma_wait3A_59 = tpu.memref_slice %arg3[%dma_wait3A_57, %dma_wait3A_58] : memref<10000x128xf32, #tpu.memory_space<hbm>> -> memref<10000x128xf32, #tpu.memory_space<hbm>>
        tpu.wait_indirect_dma semaphore(%arg13 : memref<!tpu.dma_semaphore, #tpu.memory_space<semaphore_mem>>) src(%dma_wait3A_59 : memref<10000x128xf32, #tpu.memory_space<hbm>>) dst(%arg11 : memref<128x128xf32, #tpu.memory_space<vmem>>)
        "tpu.region"() ({
          %run_scoped3A = tpu.sem_alloc : memref<!tpu.dma_semaphore, #tpu.memory_space<semaphore_mem>>
          %dma_start3A_60 = arith.constant 0 : i32
          %dma_start3A_61 = tpu.memref_slice %arg10[%scan3A_49, %dma_start3A_60] : memref<40x128xi32, #tpu.memory_space<vmem>> -> memref<1x128xi32, #tpu.memory_space<vmem>>
          %dma_start3A_62 = tpu.memref_squeeze %dma_start3A_61 : memref<1x128xi32, #tpu.memory_space<vmem>> -> memref<128xi32, #tpu.memory_space<vmem>>
          %dma_start3A_63 = arith.constant 0 : i32
          %dma_start3A_64 = arith.constant 0 : i32
          %dma_start3A_65 = tpu.memref_slice %arg12[%dma_start3A_63, %dma_start3A_64] : memref<10112x128xf32, #tpu.memory_space<vmem_shared>> -> memref<10112x128xf32, #tpu.memory_space<vmem_shared>>
          tpu.enqueue_indirect_dma source(%arg11 : memref<128x128xf32, #tpu.memory_space<vmem>>) target(%dma_start3A_65 : memref<10112x128xf32, #tpu.memory_space<vmem_shared>>) offsets(%dma_start3A_62 : memref<128xi32, #tpu.memory_space<vmem>>) semaphore(%run_scoped3A : memref<!tpu.dma_semaphore, #tpu.memory_space<semaphore_mem>>) {add = true}
          %dma_wait3A_66 = arith.constant 0 : i32
          %dma_wait3A_67 = tpu.memref_slice %arg10[%scan3A_49, %dma_wait3A_66] : memref<40x128xi32, #tpu.memory_space<vmem>> -> memref<1x128xi32, #tpu.memory_space<vmem>>
          %dma_wait3A_68 = tpu.memref_squeeze %dma_wait3A_67 : memref<1x128xi32, #tpu.memory_space<vmem>> -> memref<128xi32, #tpu.memory_space<vmem>>
          %dma_wait3A_69 = arith.constant 0 : i32
          %dma_wait3A_70 = arith.constant 0 : i32
          %dma_wait3A_71 = tpu.memref_slice %arg12[%dma_wait3A_69, %dma_wait3A_70] : memref<10112x128xf32, #tpu.memory_space<vmem_shared>> -> memref<10112x128xf32, #tpu.memory_space<vmem_shared>>
          tpu.wait_indirect_dma semaphore(%run_scoped3A : memref<!tpu.dma_semaphore, #tpu.memory_space<semaphore_mem>>) src(%arg11 : memref<128x128xf32, #tpu.memory_space<vmem>>) dst(%dma_wait3A_71 : memref<10112x128xf32, #tpu.memory_space<vmem_shared>>)
          tpu.yield
        }) : () -> ()
      }
      %scan3A_27 = arith.constant 39 : i32
      %barrier3A_28 = arith.constant 0 : index
      tpu.barrier barrier_id(%barrier3A_28)
      %add3A_29 = arith.constant 0 : i32
      %add3A_30 = arith.addi %mul3A_7, %add3A_29 : i32
      "tpu.region"() ({
        %run_scoped3A = tpu.sem_alloc : memref<!tpu.dma_semaphore, #tpu.memory_space<semaphore_mem>>
        %dma_start3A = arith.constant 0 : i32
        %dma_start3A_49 = arith.constant 0 : i32
        %dma_start3A_50 = tpu.memref_slice %arg11[%dma_start3A, %dma_start3A_49] : memref<128x128xf32, #tpu.memory_space<vmem>> -> memref<128x128xf32, #tpu.memory_space<vmem>>
        %dma_start3A_51 = arith.constant 0 : i32
        %dma_start3A_52 = tpu.memref_slice %arg12[%add3A_30, %dma_start3A_51] : memref<10112x128xf32, #tpu.memory_space<vmem_shared>> -> memref<128x128xf32, #tpu.memory_space<vmem_shared>>
        %dma_start3A_53 = arith.constant 0 : i32
        %dma_start3A_54 = arith.constant 0 : i32
        %dma_start3A_55 = tpu.memref_slice %arg11[%dma_start3A_53, %dma_start3A_54] : memref<128x128xf32, #tpu.memory_space<vmem>> -> memref<128x128xf32, #tpu.memory_space<vmem>>
        %dma_start3A_56 = arith.constant 0 : i32
        %dma_start3A_57 = tpu.memref_slice %arg12[%add3A_30, %dma_start3A_56] : memref<10112x128xf32, #tpu.memory_space<vmem_shared>> -> memref<128x128xf32, #tpu.memory_space<vmem_shared>>
        tpu.enqueue_dma source(%dma_start3A_57 : memref<128x128xf32, #tpu.memory_space<vmem_shared>>) target(%dma_start3A_55 : memref<128x128xf32, #tpu.memory_space<vmem>>) target_semaphore(%run_scoped3A : memref<!tpu.dma_semaphore, #tpu.memory_space<semaphore_mem>>)
        %dma_wait3A = arith.constant 0 : i32
        %dma_wait3A_58 = arith.constant 0 : i32
        %dma_wait3A_59 = tpu.memref_slice %arg11[%dma_wait3A, %dma_wait3A_58] : memref<128x128xf32, #tpu.memory_space<vmem>> -> memref<128x128xf32, #tpu.memory_space<vmem>>
        %dma_wait3A_60 = arith.constant 0 : i32
        %dma_wait3A_61 = tpu.memref_slice %arg12[%add3A_30, %dma_wait3A_60] : memref<10112x128xf32, #tpu.memory_space<vmem_shared>> -> memref<128x128xf32, #tpu.memory_space<vmem_shared>>
        %dma_wait3A_62 = arith.constant 0 : i32
        %dma_wait3A_63 = arith.constant 0 : i32
        %dma_wait3A_64 = tpu.memref_slice %arg11[%dma_wait3A_62, %dma_wait3A_63] : memref<128x128xf32, #tpu.memory_space<vmem>> -> memref<128x128xf32, #tpu.memory_space<vmem>>
        %dma_wait3A_65 = arith.constant 0 : i32
        %dma_wait3A_66 = tpu.memref_slice %arg12[%add3A_30, %dma_wait3A_65] : memref<10112x128xf32, #tpu.memory_space<vmem_shared>> -> memref<128x128xf32, #tpu.memory_space<vmem_shared>>
        tpu.wait_dma2 semaphore(%run_scoped3A : memref<!tpu.dma_semaphore, #tpu.memory_space<semaphore_mem>>) src(%dma_wait3A_66 : memref<128x128xf32, #tpu.memory_space<vmem_shared>>) dst(%dma_wait3A_64 : memref<128x128xf32, #tpu.memory_space<vmem>>)
        tpu.yield
      }) : () -> ()
      %add3A_31 = arith.constant 0 : i32
      %add3A_32 = arith.addi %mul3A_7, %add3A_31 : i32
      "tpu.region"() ({
        %run_scoped3A = tpu.sem_alloc : memref<!tpu.dma_semaphore, #tpu.memory_space<semaphore_mem>>
        %dma_start3A = arith.constant 0 : i32
        %dma_start3A_49 = arith.constant 0 : i32
        %dma_start3A_50 = tpu.memref_slice %arg11[%dma_start3A, %dma_start3A_49] : memref<128x128xf32, #tpu.memory_space<vmem>> -> memref<128x128xf32, #tpu.memory_space<vmem>>
        %dma_start3A_51 = arith.constant 0 : i32
        %dma_start3A_52 = tpu.memref_slice %arg8[%add3A_32, %dma_start3A_51] : memref<10112x128xf32, #tpu.memory_space<hbm>> -> memref<128x128xf32, #tpu.memory_space<hbm>>
        %dma_start3A_53 = arith.constant 0 : i32
        %dma_start3A_54 = tpu.memref_slice %arg8[%add3A_32, %dma_start3A_53] : memref<10112x128xf32, #tpu.memory_space<hbm>> -> memref<128x128xf32, #tpu.memory_space<hbm>>
        %dma_start3A_55 = arith.constant 0 : i32
        %dma_start3A_56 = arith.constant 0 : i32
        %dma_start3A_57 = tpu.memref_slice %arg11[%dma_start3A_55, %dma_start3A_56] : memref<128x128xf32, #tpu.memory_space<vmem>> -> memref<128x128xf32, #tpu.memory_space<vmem>>
        tpu.enqueue_dma source(%dma_start3A_57 : memref<128x128xf32, #tpu.memory_space<vmem>>) target(%dma_start3A_54 : memref<128x128xf32, #tpu.memory_space<hbm>>) target_semaphore(%run_scoped3A : memref<!tpu.dma_semaphore, #tpu.memory_space<semaphore_mem>>)
        %dma_wait3A = arith.constant 0 : i32
        %dma_wait3A_58 = arith.constant 0 : i32
        %dma_wait3A_59 = tpu.memref_slice %arg11[%dma_wait3A, %dma_wait3A_58] : memref<128x128xf32, #tpu.memory_space<vmem>> -> memref<128x128xf32, #tpu.memory_space<vmem>>
        %dma_wait3A_60 = arith.constant 0 : i32
        %dma_wait3A_61 = tpu.memref_slice %arg8[%add3A_32, %dma_wait3A_60] : memref<10112x128xf32, #tpu.memory_space<hbm>> -> memref<128x128xf32, #tpu.memory_space<hbm>>
        %dma_wait3A_62 = arith.constant 0 : i32
        %dma_wait3A_63 = tpu.memref_slice %arg8[%add3A_32, %dma_wait3A_62] : memref<10112x128xf32, #tpu.memory_space<hbm>> -> memref<128x128xf32, #tpu.memory_space<hbm>>
        %dma_wait3A_64 = arith.constant 0 : i32
        %dma_wait3A_65 = arith.constant 0 : i32
        %dma_wait3A_66 = tpu.memref_slice %arg11[%dma_wait3A_64, %dma_wait3A_65] : memref<128x128xf32, #tpu.memory_space<vmem>> -> memref<128x128xf32, #tpu.memory_space<vmem>>
        tpu.wait_dma2 semaphore(%run_scoped3A : memref<!tpu.dma_semaphore, #tpu.memory_space<semaphore_mem>>) src(%dma_wait3A_66 : memref<128x128xf32, #tpu.memory_space<vmem>>) dst(%dma_wait3A_63 : memref<128x128xf32, #tpu.memory_space<hbm>>)
        tpu.yield
      }) : () -> ()
      %add3A_33 = arith.constant 128 : i32
      %add3A_34 = arith.addi %mul3A_7, %add3A_33 : i32
      "tpu.region"() ({
        %run_scoped3A = tpu.sem_alloc : memref<!tpu.dma_semaphore, #tpu.memory_space<semaphore_mem>>
        %dma_start3A = arith.constant 0 : i32
        %dma_start3A_49 = arith.constant 0 : i32
        %dma_start3A_50 = tpu.memref_slice %arg11[%dma_start3A, %dma_start3A_49] : memref<128x128xf32, #tpu.memory_space<vmem>> -> memref<128x128xf32, #tpu.memory_space<vmem>>
        %dma_start3A_51 = arith.constant 0 : i32
        %dma_start3A_52 = tpu.memref_slice %arg12[%add3A_34, %dma_start3A_51] : memref<10112x128xf32, #tpu.memory_space<vmem_shared>> -> memref<128x128xf32, #tpu.memory_space<vmem_shared>>
        %dma_start3A_53 = arith.constant 0 : i32
        %dma_start3A_54 = arith.constant 0 : i32
        %dma_start3A_55 = tpu.memref_slice %arg11[%dma_start3A_53, %dma_start3A_54] : memref<128x128xf32, #tpu.memory_space<vmem>> -> memref<128x128xf32, #tpu.memory_space<vmem>>
        %dma_start3A_56 = arith.constant 0 : i32
        %dma_start3A_57 = tpu.memref_slice %arg12[%add3A_34, %dma_start3A_56] : memref<10112x128xf32, #tpu.memory_space<vmem_shared>> -> memref<128x128xf32, #tpu.memory_space<vmem_shared>>
        tpu.enqueue_dma source(%dma_start3A_57 : memref<128x128xf32, #tpu.memory_space<vmem_shared>>) target(%dma_start3A_55 : memref<128x128xf32, #tpu.memory_space<vmem>>) target_semaphore(%run_scoped3A : memref<!tpu.dma_semaphore, #tpu.memory_space<semaphore_mem>>)
        %dma_wait3A = arith.constant 0 : i32
        %dma_wait3A_58 = arith.constant 0 : i32
        %dma_wait3A_59 = tpu.memref_slice %arg11[%dma_wait3A, %dma_wait3A_58] : memref<128x128xf32, #tpu.memory_space<vmem>> -> memref<128x128xf32, #tpu.memory_space<vmem>>
        %dma_wait3A_60 = arith.constant 0 : i32
        %dma_wait3A_61 = tpu.memref_slice %arg12[%add3A_34, %dma_wait3A_60] : memref<10112x128xf32, #tpu.memory_space<vmem_shared>> -> memref<128x128xf32, #tpu.memory_space<vmem_shared>>
        %dma_wait3A_62 = arith.constant 0 : i32
        %dma_wait3A_63 = arith.constant 0 : i32
        %dma_wait3A_64 = tpu.memref_slice %arg11[%dma_wait3A_62, %dma_wait3A_63] : memref<128x128xf32, #tpu.memory_space<vmem>> -> memref<128x128xf32, #tpu.memory_space<vmem>>
        %dma_wait3A_65 = arith.constant 0 : i32
        %dma_wait3A_66 = tpu.memref_slice %arg12[%add3A_34, %dma_wait3A_65] : memref<10112x128xf32, #tpu.memory_space<vmem_shared>> -> memref<128x128xf32, #tpu.memory_space<vmem_shared>>
        tpu.wait_dma2 semaphore(%run_scoped3A : memref<!tpu.dma_semaphore, #tpu.memory_space<semaphore_mem>>) src(%dma_wait3A_66 : memref<128x128xf32, #tpu.memory_space<vmem_shared>>) dst(%dma_wait3A_64 : memref<128x128xf32, #tpu.memory_space<vmem>>)
        tpu.yield
      }) : () -> ()
      %add3A_35 = arith.constant 128 : i32
      %add3A_36 = arith.addi %mul3A_7, %add3A_35 : i32
      "tpu.region"() ({
        %run_scoped3A = tpu.sem_alloc : memref<!tpu.dma_semaphore, #tpu.memory_space<semaphore_mem>>
        %dma_start3A = arith.constant 0 : i32
        %dma_start3A_49 = arith.constant 0 : i32
        %dma_start3A_50 = tpu.memref_slice %arg11[%dma_start3A, %dma_start3A_49] : memref<128x128xf32, #tpu.memory_space<vmem>> -> memref<128x128xf32, #tpu.memory_space<vmem>>
        %dma_start3A_51 = arith.constant 0 : i32
        %dma_start3A_52 = tpu.memref_slice %arg8[%add3A_36, %dma_start3A_51] : memref<10112x128xf32, #tpu.memory_space<hbm>> -> memref<128x128xf32, #tpu.memory_space<hbm>>
        %dma_start3A_53 = arith.constant 0 : i32
        %dma_start3A_54 = tpu.memref_slice %arg8[%add3A_36, %dma_start3A_53] : memref<10112x128xf32, #tpu.memory_space<hbm>> -> memref<128x128xf32, #tpu.memory_space<hbm>>
        %dma_start3A_55 = arith.constant 0 : i32
        %dma_start3A_56 = arith.constant 0 : i32
        %dma_start3A_57 = tpu.memref_slice %arg11[%dma_start3A_55, %dma_start3A_56] : memref<128x128xf32, #tpu.memory_space<vmem>> -> memref<128x128xf32, #tpu.memory_space<vmem>>
        tpu.enqueue_dma source(%dma_start3A_57 : memref<128x128xf32, #tpu.memory_space<vmem>>) target(%dma_start3A_54 : memref<128x128xf32, #tpu.memory_space<hbm>>) target_semaphore(%run_scoped3A : memref<!tpu.dma_semaphore, #tpu.memory_space<semaphore_mem>>)
        %dma_wait3A = arith.constant 0 : i32
        %dma_wait3A_58 = arith.constant 0 : i32
        %dma_wait3A_59 = tpu.memref_slice %arg11[%dma_wait3A, %dma_wait3A_58] : memref<128x128xf32, #tpu.memory_space<vmem>> -> memref<128x128xf32, #tpu.memory_space<vmem>>
        %dma_wait3A_60 = arith.constant 0 : i32
        %dma_wait3A_61 = tpu.memref_slice %arg8[%add3A_36, %dma_wait3A_60] : memref<10112x128xf32, #tpu.memory_space<hbm>> -> memref<128x128xf32, #tpu.memory_space<hbm>>
        %dma_wait3A_62 = arith.constant 0 : i32
        %dma_wait3A_63 = tpu.memref_slice %arg8[%add3A_36, %dma_wait3A_62] : memref<10112x128xf32, #tpu.memory_space<hbm>> -> memref<128x128xf32, #tpu.memory_space<hbm>>
        %dma_wait3A_64 = arith.constant 0 : i32
        %dma_wait3A_65 = arith.constant 0 : i32
        %dma_wait3A_66 = tpu.memref_slice %arg11[%dma_wait3A_64, %dma_wait3A_65] : memref<128x128xf32, #tpu.memory_space<vmem>> -> memref<128x128xf32, #tpu.memory_space<vmem>>
        tpu.wait_dma2 semaphore(%run_scoped3A : memref<!tpu.dma_semaphore, #tpu.memory_space<semaphore_mem>>) src(%dma_wait3A_66 : memref<128x128xf32, #tpu.memory_space<vmem>>) dst(%dma_wait3A_63 : memref<128x128xf32, #tpu.memory_space<hbm>>)
        tpu.yield
      }) : () -> ()
      %add3A_37 = arith.constant 256 : i32
      %add3A_38 = arith.addi %mul3A_7, %add3A_37 : i32
      "tpu.region"() ({
        %run_scoped3A = tpu.sem_alloc : memref<!tpu.dma_semaphore, #tpu.memory_space<semaphore_mem>>
        %dma_start3A = arith.constant 0 : i32
        %dma_start3A_49 = arith.constant 0 : i32
        %dma_start3A_50 = tpu.memref_slice %arg11[%dma_start3A, %dma_start3A_49] : memref<128x128xf32, #tpu.memory_space<vmem>> -> memref<128x128xf32, #tpu.memory_space<vmem>>
        %dma_start3A_51 = arith.constant 0 : i32
        %dma_start3A_52 = tpu.memref_slice %arg12[%add3A_38, %dma_start3A_51] : memref<10112x128xf32, #tpu.memory_space<vmem_shared>> -> memref<128x128xf32, #tpu.memory_space<vmem_shared>>
        %dma_start3A_53 = arith.constant 0 : i32
        %dma_start3A_54 = arith.constant 0 : i32
        %dma_start3A_55 = tpu.memref_slice %arg11[%dma_start3A_53, %dma_start3A_54] : memref<128x128xf32, #tpu.memory_space<vmem>> -> memref<128x128xf32, #tpu.memory_space<vmem>>
        %dma_start3A_56 = arith.constant 0 : i32
        %dma_start3A_57 = tpu.memref_slice %arg12[%add3A_38, %dma_start3A_56] : memref<10112x128xf32, #tpu.memory_space<vmem_shared>> -> memref<128x128xf32, #tpu.memory_space<vmem_shared>>
        tpu.enqueue_dma source(%dma_start3A_57 : memref<128x128xf32, #tpu.memory_space<vmem_shared>>) target(%dma_start3A_55 : memref<128x128xf32, #tpu.memory_space<vmem>>) target_semaphore(%run_scoped3A : memref<!tpu.dma_semaphore, #tpu.memory_space<semaphore_mem>>)
        %dma_wait3A = arith.constant 0 : i32
        %dma_wait3A_58 = arith.constant 0 : i32
        %dma_wait3A_59 = tpu.memref_slice %arg11[%dma_wait3A, %dma_wait3A_58] : memref<128x128xf32, #tpu.memory_space<vmem>> -> memref<128x128xf32, #tpu.memory_space<vmem>>
        %dma_wait3A_60 = arith.constant 0 : i32
        %dma_wait3A_61 = tpu.memref_slice %arg12[%add3A_38, %dma_wait3A_60] : memref<10112x128xf32, #tpu.memory_space<vmem_shared>> -> memref<128x128xf32, #tpu.memory_space<vmem_shared>>
        %dma_wait3A_62 = arith.constant 0 : i32
        %dma_wait3A_63 = arith.constant 0 : i32
        %dma_wait3A_64 = tpu.memref_slice %arg11[%dma_wait3A_62, %dma_wait3A_63] : memref<128x128xf32, #tpu.memory_space<vmem>> -> memref<128x128xf32, #tpu.memory_space<vmem>>
        %dma_wait3A_65 = arith.constant 0 : i32
        %dma_wait3A_66 = tpu.memref_slice %arg12[%add3A_38, %dma_wait3A_65] : memref<10112x128xf32, #tpu.memory_space<vmem_shared>> -> memref<128x128xf32, #tpu.memory_space<vmem_shared>>
        tpu.wait_dma2 semaphore(%run_scoped3A : memref<!tpu.dma_semaphore, #tpu.memory_space<semaphore_mem>>) src(%dma_wait3A_66 : memref<128x128xf32, #tpu.memory_space<vmem_shared>>) dst(%dma_wait3A_64 : memref<128x128xf32, #tpu.memory_space<vmem>>)
        tpu.yield
      }) : () -> ()
      %add3A_39 = arith.constant 256 : i32
      %add3A_40 = arith.addi %mul3A_7, %add3A_39 : i32
      "tpu.region"() ({
        %run_scoped3A = tpu.sem_alloc : memref<!tpu.dma_semaphore, #tpu.memory_space<semaphore_mem>>
        %dma_start3A = arith.constant 0 : i32
        %dma_start3A_49 = arith.constant 0 : i32
        %dma_start3A_50 = tpu.memref_slice %arg11[%dma_start3A, %dma_start3A_49] : memref<128x128xf32, #tpu.memory_space<vmem>> -> memref<128x128xf32, #tpu.memory_space<vmem>>
        %dma_start3A_51 = arith.constant 0 : i32
        %dma_start3A_52 = tpu.memref_slice %arg8[%add3A_40, %dma_start3A_51] : memref<10112x128xf32, #tpu.memory_space<hbm>> -> memref<128x128xf32, #tpu.memory_space<hbm>>
        %dma_start3A_53 = arith.constant 0 : i32
        %dma_start3A_54 = tpu.memref_slice %arg8[%add3A_40, %dma_start3A_53] : memref<10112x128xf32, #tpu.memory_space<hbm>> -> memref<128x128xf32, #tpu.memory_space<hbm>>
        %dma_start3A_55 = arith.constant 0 : i32
        %dma_start3A_56 = arith.constant 0 : i32
        %dma_start3A_57 = tpu.memref_slice %arg11[%dma_start3A_55, %dma_start3A_56] : memref<128x128xf32, #tpu.memory_space<vmem>> -> memref<128x128xf32, #tpu.memory_space<vmem>>
        tpu.enqueue_dma source(%dma_start3A_57 : memref<128x128xf32, #tpu.memory_space<vmem>>) target(%dma_start3A_54 : memref<128x128xf32, #tpu.memory_space<hbm>>) target_semaphore(%run_scoped3A : memref<!tpu.dma_semaphore, #tpu.memory_space<semaphore_mem>>)
        %dma_wait3A = arith.constant 0 : i32
        %dma_wait3A_58 = arith.constant 0 : i32
        %dma_wait3A_59 = tpu.memref_slice %arg11[%dma_wait3A, %dma_wait3A_58] : memref<128x128xf32, #tpu.memory_space<vmem>> -> memref<128x128xf32, #tpu.memory_space<vmem>>
        %dma_wait3A_60 = arith.constant 0 : i32
        %dma_wait3A_61 = tpu.memref_slice %arg8[%add3A_40, %dma_wait3A_60] : memref<10112x128xf32, #tpu.memory_space<hbm>> -> memref<128x128xf32, #tpu.memory_space<hbm>>
        %dma_wait3A_62 = arith.constant 0 : i32
        %dma_wait3A_63 = tpu.memref_slice %arg8[%add3A_40, %dma_wait3A_62] : memref<10112x128xf32, #tpu.memory_space<hbm>> -> memref<128x128xf32, #tpu.memory_space<hbm>>
        %dma_wait3A_64 = arith.constant 0 : i32
        %dma_wait3A_65 = arith.constant 0 : i32
        %dma_wait3A_66 = tpu.memref_slice %arg11[%dma_wait3A_64, %dma_wait3A_65] : memref<128x128xf32, #tpu.memory_space<vmem>> -> memref<128x128xf32, #tpu.memory_space<vmem>>
        tpu.wait_dma2 semaphore(%run_scoped3A : memref<!tpu.dma_semaphore, #tpu.memory_space<semaphore_mem>>) src(%dma_wait3A_66 : memref<128x128xf32, #tpu.memory_space<vmem>>) dst(%dma_wait3A_63 : memref<128x128xf32, #tpu.memory_space<hbm>>)
        tpu.yield
      }) : () -> ()
      %add3A_41 = arith.constant 384 : i32
      %add3A_42 = arith.addi %mul3A_7, %add3A_41 : i32
      "tpu.region"() ({
        %run_scoped3A = tpu.sem_alloc : memref<!tpu.dma_semaphore, #tpu.memory_space<semaphore_mem>>
        %dma_start3A = arith.constant 0 : i32
        %dma_start3A_49 = arith.constant 0 : i32
        %dma_start3A_50 = tpu.memref_slice %arg11[%dma_start3A, %dma_start3A_49] : memref<128x128xf32, #tpu.memory_space<vmem>> -> memref<128x128xf32, #tpu.memory_space<vmem>>
        %dma_start3A_51 = arith.constant 0 : i32
        %dma_start3A_52 = tpu.memref_slice %arg12[%add3A_42, %dma_start3A_51] : memref<10112x128xf32, #tpu.memory_space<vmem_shared>> -> memref<128x128xf32, #tpu.memory_space<vmem_shared>>
        %dma_start3A_53 = arith.constant 0 : i32
        %dma_start3A_54 = arith.constant 0 : i32
        %dma_start3A_55 = tpu.memref_slice %arg11[%dma_start3A_53, %dma_start3A_54] : memref<128x128xf32, #tpu.memory_space<vmem>> -> memref<128x128xf32, #tpu.memory_space<vmem>>
        %dma_start3A_56 = arith.constant 0 : i32
        %dma_start3A_57 = tpu.memref_slice %arg12[%add3A_42, %dma_start3A_56] : memref<10112x128xf32, #tpu.memory_space<vmem_shared>> -> memref<128x128xf32, #tpu.memory_space<vmem_shared>>
        tpu.enqueue_dma source(%dma_start3A_57 : memref<128x128xf32, #tpu.memory_space<vmem_shared>>) target(%dma_start3A_55 : memref<128x128xf32, #tpu.memory_space<vmem>>) target_semaphore(%run_scoped3A : memref<!tpu.dma_semaphore, #tpu.memory_space<semaphore_mem>>)
        %dma_wait3A = arith.constant 0 : i32
        %dma_wait3A_58 = arith.constant 0 : i32
        %dma_wait3A_59 = tpu.memref_slice %arg11[%dma_wait3A, %dma_wait3A_58] : memref<128x128xf32, #tpu.memory_space<vmem>> -> memref<128x128xf32, #tpu.memory_space<vmem>>
        %dma_wait3A_60 = arith.constant 0 : i32
        %dma_wait3A_61 = tpu.memref_slice %arg12[%add3A_42, %dma_wait3A_60] : memref<10112x128xf32, #tpu.memory_space<vmem_shared>> -> memref<128x128xf32, #tpu.memory_space<vmem_shared>>
        %dma_wait3A_62 = arith.constant 0 : i32
        %dma_wait3A_63 = arith.constant 0 : i32
        %dma_wait3A_64 = tpu.memref_slice %arg11[%dma_wait3A_62, %dma_wait3A_63] : memref<128x128xf32, #tpu.memory_space<vmem>> -> memref<128x128xf32, #tpu.memory_space<vmem>>
        %dma_wait3A_65 = arith.constant 0 : i32
        %dma_wait3A_66 = tpu.memref_slice %arg12[%add3A_42, %dma_wait3A_65] : memref<10112x128xf32, #tpu.memory_space<vmem_shared>> -> memref<128x128xf32, #tpu.memory_space<vmem_shared>>
        tpu.wait_dma2 semaphore(%run_scoped3A : memref<!tpu.dma_semaphore, #tpu.memory_space<semaphore_mem>>) src(%dma_wait3A_66 : memref<128x128xf32, #tpu.memory_space<vmem_shared>>) dst(%dma_wait3A_64 : memref<128x128xf32, #tpu.memory_space<vmem>>)
        tpu.yield
      }) : () -> ()
      %add3A_43 = arith.constant 384 : i32
      %add3A_44 = arith.addi %mul3A_7, %add3A_43 : i32
      "tpu.region"() ({
        %run_scoped3A = tpu.sem_alloc : memref<!tpu.dma_semaphore, #tpu.memory_space<semaphore_mem>>
        %dma_start3A = arith.constant 0 : i32
        %dma_start3A_49 = arith.constant 0 : i32
        %dma_start3A_50 = tpu.memref_slice %arg11[%dma_start3A, %dma_start3A_49] : memref<128x128xf32, #tpu.memory_space<vmem>> -> memref<128x128xf32, #tpu.memory_space<vmem>>
        %dma_start3A_51 = arith.constant 0 : i32
        %dma_start3A_52 = tpu.memref_slice %arg8[%add3A_44, %dma_start3A_51] : memref<10112x128xf32, #tpu.memory_space<hbm>> -> memref<128x128xf32, #tpu.memory_space<hbm>>
        %dma_start3A_53 = arith.constant 0 : i32
        %dma_start3A_54 = tpu.memref_slice %arg8[%add3A_44, %dma_start3A_53] : memref<10112x128xf32, #tpu.memory_space<hbm>> -> memref<128x128xf32, #tpu.memory_space<hbm>>
        %dma_start3A_55 = arith.constant 0 : i32
        %dma_start3A_56 = arith.constant 0 : i32
        %dma_start3A_57 = tpu.memref_slice %arg11[%dma_start3A_55, %dma_start3A_56] : memref<128x128xf32, #tpu.memory_space<vmem>> -> memref<128x128xf32, #tpu.memory_space<vmem>>
        tpu.enqueue_dma source(%dma_start3A_57 : memref<128x128xf32, #tpu.memory_space<vmem>>) target(%dma_start3A_54 : memref<128x128xf32, #tpu.memory_space<hbm>>) target_semaphore(%run_scoped3A : memref<!tpu.dma_semaphore, #tpu.memory_space<semaphore_mem>>)
        %dma_wait3A = arith.constant 0 : i32
        %dma_wait3A_58 = arith.constant 0 : i32
        %dma_wait3A_59 = tpu.memref_slice %arg11[%dma_wait3A, %dma_wait3A_58] : memref<128x128xf32, #tpu.memory_space<vmem>> -> memref<128x128xf32, #tpu.memory_space<vmem>>
        %dma_wait3A_60 = arith.constant 0 : i32
        %dma_wait3A_61 = tpu.memref_slice %arg8[%add3A_44, %dma_wait3A_60] : memref<10112x128xf32, #tpu.memory_space<hbm>> -> memref<128x128xf32, #tpu.memory_space<hbm>>
        %dma_wait3A_62 = arith.constant 0 : i32
        %dma_wait3A_63 = tpu.memref_slice %arg8[%add3A_44, %dma_wait3A_62] : memref<10112x128xf32, #tpu.memory_space<hbm>> -> memref<128x128xf32, #tpu.memory_space<hbm>>
        %dma_wait3A_64 = arith.constant 0 : i32
        %dma_wait3A_65 = arith.constant 0 : i32
        %dma_wait3A_66 = tpu.memref_slice %arg11[%dma_wait3A_64, %dma_wait3A_65] : memref<128x128xf32, #tpu.memory_space<vmem>> -> memref<128x128xf32, #tpu.memory_space<vmem>>
        tpu.wait_dma2 semaphore(%run_scoped3A : memref<!tpu.dma_semaphore, #tpu.memory_space<semaphore_mem>>) src(%dma_wait3A_66 : memref<128x128xf32, #tpu.memory_space<vmem>>) dst(%dma_wait3A_63 : memref<128x128xf32, #tpu.memory_space<hbm>>)
        tpu.yield
      }) : () -> ()
      %add3A_45 = arith.constant 512 : i32
      %add3A_46 = arith.addi %mul3A_7, %add3A_45 : i32
      "tpu.region"() ({
        %run_scoped3A = tpu.sem_alloc : memref<!tpu.dma_semaphore, #tpu.memory_space<semaphore_mem>>
        %dma_start3A = arith.constant 0 : i32
        %dma_start3A_49 = arith.constant 0 : i32
        %dma_start3A_50 = tpu.memref_slice %arg11[%dma_start3A, %dma_start3A_49] : memref<128x128xf32, #tpu.memory_space<vmem>> -> memref<120x128xf32, #tpu.memory_space<vmem>>
        %dma_start3A_51 = arith.constant 0 : i32
        %dma_start3A_52 = tpu.memref_slice %arg12[%add3A_46, %dma_start3A_51] : memref<10112x128xf32, #tpu.memory_space<vmem_shared>> -> memref<120x128xf32, #tpu.memory_space<vmem_shared>>
        %dma_start3A_53 = arith.constant 0 : i32
        %dma_start3A_54 = arith.constant 0 : i32
        %dma_start3A_55 = tpu.memref_slice %arg11[%dma_start3A_53, %dma_start3A_54] : memref<128x128xf32, #tpu.memory_space<vmem>> -> memref<120x128xf32, #tpu.memory_space<vmem>>
        %dma_start3A_56 = arith.constant 0 : i32
        %dma_start3A_57 = tpu.memref_slice %arg12[%add3A_46, %dma_start3A_56] : memref<10112x128xf32, #tpu.memory_space<vmem_shared>> -> memref<120x128xf32, #tpu.memory_space<vmem_shared>>
        tpu.enqueue_dma source(%dma_start3A_57 : memref<120x128xf32, #tpu.memory_space<vmem_shared>>) target(%dma_start3A_55 : memref<120x128xf32, #tpu.memory_space<vmem>>) target_semaphore(%run_scoped3A : memref<!tpu.dma_semaphore, #tpu.memory_space<semaphore_mem>>)
        %dma_wait3A = arith.constant 0 : i32
        %dma_wait3A_58 = arith.constant 0 : i32
        %dma_wait3A_59 = tpu.memref_slice %arg11[%dma_wait3A, %dma_wait3A_58] : memref<128x128xf32, #tpu.memory_space<vmem>> -> memref<120x128xf32, #tpu.memory_space<vmem>>
        %dma_wait3A_60 = arith.constant 0 : i32
        %dma_wait3A_61 = tpu.memref_slice %arg12[%add3A_46, %dma_wait3A_60] : memref<10112x128xf32, #tpu.memory_space<vmem_shared>> -> memref<120x128xf32, #tpu.memory_space<vmem_shared>>
        %dma_wait3A_62 = arith.constant 0 : i32
        %dma_wait3A_63 = arith.constant 0 : i32
        %dma_wait3A_64 = tpu.memref_slice %arg11[%dma_wait3A_62, %dma_wait3A_63] : memref<128x128xf32, #tpu.memory_space<vmem>> -> memref<120x128xf32, #tpu.memory_space<vmem>>
        %dma_wait3A_65 = arith.constant 0 : i32
        %dma_wait3A_66 = tpu.memref_slice %arg12[%add3A_46, %dma_wait3A_65] : memref<10112x128xf32, #tpu.memory_space<vmem_shared>> -> memref<120x128xf32, #tpu.memory_space<vmem_shared>>
        tpu.wait_dma2 semaphore(%run_scoped3A : memref<!tpu.dma_semaphore, #tpu.memory_space<semaphore_mem>>) src(%dma_wait3A_66 : memref<120x128xf32, #tpu.memory_space<vmem_shared>>) dst(%dma_wait3A_64 : memref<120x128xf32, #tpu.memory_space<vmem>>)
        tpu.yield
      }) : () -> ()
      %add3A_47 = arith.constant 512 : i32
      %add3A_48 = arith.addi %mul3A_7, %add3A_47 : i32
      "tpu.region"() ({
        %run_scoped3A = tpu.sem_alloc : memref<!tpu.dma_semaphore, #tpu.memory_space<semaphore_mem>>
        %dma_start3A = arith.constant 0 : i32
        %dma_start3A_49 = arith.constant 0 : i32
        %dma_start3A_50 = tpu.memref_slice %arg11[%dma_start3A, %dma_start3A_49] : memref<128x128xf32, #tpu.memory_space<vmem>> -> memref<120x128xf32, #tpu.memory_space<vmem>>
        %dma_start3A_51 = arith.constant 0 : i32
        %dma_start3A_52 = tpu.memref_slice %arg8[%add3A_48, %dma_start3A_51] : memref<10112x128xf32, #tpu.memory_space<hbm>> -> memref<120x128xf32, #tpu.memory_space<hbm>>
        %dma_start3A_53 = arith.constant 0 : i32
        %dma_start3A_54 = tpu.memref_slice %arg8[%add3A_48, %dma_start3A_53] : memref<10112x128xf32, #tpu.memory_space<hbm>> -> memref<120x128xf32, #tpu.memory_space<hbm>>
        %dma_start3A_55 = arith.constant 0 : i32
        %dma_start3A_56 = arith.constant 0 : i32
        %dma_start3A_57 = tpu.memref_slice %arg11[%dma_start3A_55, %dma_start3A_56] : memref<128x128xf32, #tpu.memory_space<vmem>> -> memref<120x128xf32, #tpu.memory_space<vmem>>
        tpu.enqueue_dma source(%dma_start3A_57 : memref<120x128xf32, #tpu.memory_space<vmem>>) target(%dma_start3A_54 : memref<120x128xf32, #tpu.memory_space<hbm>>) target_semaphore(%run_scoped3A : memref<!tpu.dma_semaphore, #tpu.memory_space<semaphore_mem>>)
        %dma_wait3A = arith.constant 0 : i32
        %dma_wait3A_58 = arith.constant 0 : i32
        %dma_wait3A_59 = tpu.memref_slice %arg11[%dma_wait3A, %dma_wait3A_58] : memref<128x128xf32, #tpu.memory_space<vmem>> -> memref<120x128xf32, #tpu.memory_space<vmem>>
        %dma_wait3A_60 = arith.constant 0 : i32
        %dma_wait3A_61 = tpu.memref_slice %arg8[%add3A_48, %dma_wait3A_60] : memref<10112x128xf32, #tpu.memory_space<hbm>> -> memref<120x128xf32, #tpu.memory_space<hbm>>
        %dma_wait3A_62 = arith.constant 0 : i32
        %dma_wait3A_63 = tpu.memref_slice %arg8[%add3A_48, %dma_wait3A_62] : memref<10112x128xf32, #tpu.memory_space<hbm>> -> memref<120x128xf32, #tpu.memory_space<hbm>>
        %dma_wait3A_64 = arith.constant 0 : i32
        %dma_wait3A_65 = arith.constant 0 : i32
        %dma_wait3A_66 = tpu.memref_slice %arg11[%dma_wait3A_64, %dma_wait3A_65] : memref<128x128xf32, #tpu.memory_space<vmem>> -> memref<120x128xf32, #tpu.memory_space<vmem>>
        tpu.wait_dma2 semaphore(%run_scoped3A : memref<!tpu.dma_semaphore, #tpu.memory_space<semaphore_mem>>) src(%dma_wait3A_66 : memref<120x128xf32, #tpu.memory_space<vmem>>) dst(%dma_wait3A_63 : memref<120x128xf32, #tpu.memory_space<hbm>>)
        tpu.yield
      }) : () -> ()
    } else {
    }
    return
  }
}

module attributes {stable_mosaic.version = 14 : i64} {
  func.func @_pre_body(%arg0: i32, %arg1: memref<1000x256xf32, #tpu.memory_space<vmem>>, %arg2: memref<256x256xf32, #tpu.memory_space<vmem>>, %arg3: memref<256x256xf32, #tpu.memory_space<vmem>>, %arg4: memref<1x256xf32, #tpu.memory_space<vmem>>, %arg5: memref<1000x128xf32, #tpu.memory_space<vmem>>, %arg6: memref<1000x128xf32, #tpu.memory_space<vmem>>, %arg7: memref<1000x256xf32, #tpu.memory_space<vmem>>) attributes {dimension_semantics = [#tpu.dimension_semantics<arbitrary>], iteration_bounds = array<i64: 10>, scalar_prefetch = 0 : i64, scratch_operands = 0 : i64, tpu.core_type = #tpu.core_type<tc>, window_params = [{transform_indices = @transform_0, window_bounds = array<i64: 1000, 256>}, {pipeline_mode = #tpu.pipeline_mode<synchronous>, transform_indices = @transform_1, window_bounds = array<i64: 256, 256>}, {pipeline_mode = #tpu.pipeline_mode<synchronous>, transform_indices = @transform_2, window_bounds = array<i64: 256, 256>}, {pipeline_mode = #tpu.pipeline_mode<synchronous>, transform_indices = @transform_3, window_bounds = array<i64: 1, 256>}, {transform_indices = @transform_4, window_bounds = array<i64: 1000, 128>}, {transform_indices = @transform_5, window_bounds = array<i64: 1000, 128>}, {transform_indices = @transform_6, window_bounds = array<i64: 1000, 256>}]} {
    %get3A = arith.constant 0 : index
    %get3A_0 = arith.constant 0 : index
    %get3A_1 = vector.load %arg1[%get3A, %get3A_0] : memref<1000x256xf32, #tpu.memory_space<vmem>>, vector<1000x256xf32>
    %get3A_2 = arith.constant 0 : index
    %get3A_3 = arith.constant 0 : index
    %get3A_4 = vector.load %arg2[%get3A_2, %get3A_3] : memref<256x256xf32, #tpu.memory_space<vmem>>, vector<256x256xf32>
    %dot_general3A = arith.constant dense<0.000000e+00> : vector<1000x256xf32>
    %dot_general3A_5 = tpu.matmul %get3A_1, %get3A_4, %dot_general3A {dimension_numbers = #tpu.dot_dimension_numbers<[1], [0], [0], [1], [0, 0, 1, 1], [], []>, transpose_lhs_hint = false} : vector<1000x256xf32>, vector<256x256xf32>, vector<1000x256xf32> -> vector<1000x256xf32>
    %slice3A = vector.extract_strided_slice %dot_general3A_5 {offsets = [0, 0], sizes = [1000, 128], strides = [1, 1]} : vector<1000x256xf32> to vector<1000x128xf32>
    %swap3A = arith.constant 0 : index
    %swap3A_6 = arith.constant 0 : index
    %swap3A_7 = vector.load %arg5[%swap3A, %swap3A_6] : memref<1000x128xf32, #tpu.memory_space<vmem>>, vector<1000x128xf32>
    tpu.vector_store %arg5[%swap3A, %swap3A_6], %slice3A {strides = array<i32>} : memref<1000x128xf32, #tpu.memory_space<vmem>>, vector<1000x128xf32>,
    %slice3A_8 = vector.extract_strided_slice %dot_general3A_5 {offsets = [0, 128], sizes = [1000, 128], strides = [1, 1]} : vector<1000x256xf32> to vector<1000x128xf32>
    %swap3A_9 = arith.constant 0 : index
    %swap3A_10 = arith.constant 0 : index
    %swap3A_11 = vector.load %arg6[%swap3A_9, %swap3A_10] : memref<1000x128xf32, #tpu.memory_space<vmem>>, vector<1000x128xf32>
    tpu.vector_store %arg6[%swap3A_9, %swap3A_10], %slice3A_8 {strides = array<i32>} : memref<1000x128xf32, #tpu.memory_space<vmem>>, vector<1000x128xf32>,
    %get3A_12 = arith.constant 0 : index
    %get3A_13 = arith.constant 0 : index
    %get3A_14 = vector.load %arg3[%get3A_12, %get3A_13] : memref<256x256xf32, #tpu.memory_space<vmem>>, vector<256x256xf32>
    %dot_general3A_15 = arith.constant dense<0.000000e+00> : vector<1000x256xf32>
    %dot_general3A_16 = tpu.matmul %get3A_1, %get3A_14, %dot_general3A_15 {dimension_numbers = #tpu.dot_dimension_numbers<[1], [0], [0], [1], [0, 0, 1, 1], [], []>, transpose_lhs_hint = false} : vector<1000x256xf32>, vector<256x256xf32>, vector<1000x256xf32> -> vector<1000x256xf32>
    %get3A_17 = arith.constant 0 : index
    %get3A_18 = arith.constant 0 : index
    %get3A_19 = vector.load %arg4[%get3A_17, %get3A_18] : memref<1x256xf32, #tpu.memory_space<vmem>>, vector<1x256xf32>
    %add3A = vector.broadcast %get3A_19 : vector<1x256xf32> to vector<1000x256xf32>
    %add3A_20 = arith.addf %dot_general3A_16, %add3A : vector<1000x256xf32>
    %swap3A_21 = arith.constant 0 : index
    %swap3A_22 = arith.constant 0 : index
    %swap3A_23 = vector.load %arg7[%swap3A_21, %swap3A_22] : memref<1000x256xf32, #tpu.memory_space<vmem>>, vector<1000x256xf32>
    tpu.vector_store %arg7[%swap3A_21, %swap3A_22], %add3A_20 {strides = array<i32>} : memref<1000x256xf32, #tpu.memory_space<vmem>>, vector<1000x256xf32>,
    return
  }
  func.func @transform_0(%arg0: i32) -> (i32, i32) {
    %c0_i32 = arith.constant 0 : i32
    %c0_i32_0 = arith.constant 0 : i32
    return %arg0, %c0_i32 : i32, i32
  }
  func.func @transform_1(%arg0: i32) -> (i32, i32) {
    %c0_i32 = arith.constant 0 : i32
    %c0_i32_0 = arith.constant 0 : i32
    %c0_i32_1 = arith.constant 0 : i32
    return %c0_i32, %c0_i32_0 : i32, i32
  }
  func.func @transform_2(%arg0: i32) -> (i32, i32) {
    %c0_i32 = arith.constant 0 : i32
    %c0_i32_0 = arith.constant 0 : i32
    %c0_i32_1 = arith.constant 0 : i32
    return %c0_i32, %c0_i32_0 : i32, i32
  }
  func.func @transform_3(%arg0: i32) -> (i32, i32) {
    %c0_i32 = arith.constant 0 : i32
    %c0_i32_0 = arith.constant 0 : i32
    %c0_i32_1 = arith.constant 0 : i32
    return %c0_i32, %c0_i32_0 : i32, i32
  }
  func.func @transform_4(%arg0: i32) -> (i32, i32) {
    %c0_i32 = arith.constant 0 : i32
    %c0_i32_0 = arith.constant 0 : i32
    return %arg0, %c0_i32 : i32, i32
  }
  func.func @transform_5(%arg0: i32) -> (i32, i32) {
    %c0_i32 = arith.constant 0 : i32
    %c0_i32_0 = arith.constant 0 : i32
    return %arg0, %c0_i32 : i32, i32
  }
  func.func @transform_6(%arg0: i32) -> (i32, i32) {
    %c0_i32 = arith.constant 0 : i32
    %c0_i32_0 = arith.constant 0 : i32
    return %arg0, %c0_i32 : i32, i32
  }
}

module attributes {stable_mosaic.version = 14 : i64} {
  func.func @_post_body(%arg0: i32, %arg1: memref<1000x128xf32, #tpu.memory_space<vmem>>, %arg2: memref<1000x128xf32, #tpu.memory_space<vmem>>, %arg3: memref<1000x128xf32, #tpu.memory_space<vmem>>, %arg4: memref<1000x128xf32, #tpu.memory_space<vmem>>, %arg5: memref<1000x256xf32, #tpu.memory_space<vmem>>, %arg6: memref<1000x256xf32, #tpu.memory_space<vmem>>) attributes {dimension_semantics = [#tpu.dimension_semantics<arbitrary>], iteration_bounds = array<i64: 10>, scalar_prefetch = 0 : i64, scratch_operands = 0 : i64, tpu.core_type = #tpu.core_type<tc>, window_params = [{transform_indices = @transform_0, window_bounds = array<i64: 1000, 128>}, {transform_indices = @transform_1, window_bounds = array<i64: 1000, 128>}, {transform_indices = @transform_2, window_bounds = array<i64: 1000, 128>}, {transform_indices = @transform_3, window_bounds = array<i64: 1000, 128>}, {transform_indices = @transform_4, window_bounds = array<i64: 1000, 256>}, {transform_indices = @transform_5, window_bounds = array<i64: 1000, 256>}]} {
    %get3A = arith.constant 0 : index
    %get3A_0 = arith.constant 0 : index
    %get3A_1 = vector.load %arg3[%get3A, %get3A_0] : memref<1000x128xf32, #tpu.memory_space<vmem>>, vector<1000x1xf32>
    %get3A_2 = arith.constant 0 : index
    %get3A_3 = arith.constant 0 : index
    %get3A_4 = vector.load %arg4[%get3A_2, %get3A_3] : memref<1000x128xf32, #tpu.memory_space<vmem>>, vector<1000x1xf32>
    %add3A = arith.addf %get3A_1, %get3A_4 : vector<1000x1xf32>
    %max3A = arith.constant 1.000000e+00 : f32
    %max3A_5 = vector.broadcast %max3A : f32 to vector<1000x1xf32>
    %max3A_6 = arith.maximumf %add3A, %max3A_5 : vector<1000x1xf32>
    %div3A = arith.constant 1.000000e+00 : f32
    %div3A_7 = vector.broadcast %div3A : f32 to vector<1000x1xf32>
    %div3A_8 = arith.divf %div3A_7, %max3A_6 : vector<1000x1xf32>
    %get3A_9 = arith.constant 0 : index
    %get3A_10 = arith.constant 0 : index
    %get3A_11 = vector.load %arg1[%get3A_9, %get3A_10] : memref<1000x128xf32, #tpu.memory_space<vmem>>, vector<1000x128xf32>
    %get3A_12 = arith.constant 0 : index
    %get3A_13 = arith.constant 0 : index
    %get3A_14 = vector.load %arg2[%get3A_12, %get3A_13] : memref<1000x128xf32, #tpu.memory_space<vmem>>, vector<1000x128xf32>
    %concatenate3A = tpu.concatenate %get3A_11, %get3A_14 in 1 : vector<1000x128xf32>, vector<1000x128xf32> -> vector<1000x256xf32>
    %mul3A = vector.broadcast %div3A_8 : vector<1000x1xf32> to vector<1000x256xf32>
    %mul3A_15 = arith.mulf %concatenate3A, %mul3A : vector<1000x256xf32>
    %get3A_16 = arith.constant 0 : index
    %get3A_17 = arith.constant 0 : index
    %get3A_18 = vector.load %arg5[%get3A_16, %get3A_17] : memref<1000x256xf32, #tpu.memory_space<vmem>>, vector<1000x256xf32>
    %add3A_19 = arith.addf %mul3A_15, %get3A_18 : vector<1000x256xf32>
    %swap3A = arith.constant 0 : index
    %swap3A_20 = arith.constant 0 : index
    %swap3A_21 = vector.load %arg6[%swap3A, %swap3A_20] : memref<1000x256xf32, #tpu.memory_space<vmem>>, vector<1000x256xf32>
    tpu.vector_store %arg6[%swap3A, %swap3A_20], %add3A_19 {strides = array<i32>} : memref<1000x256xf32, #tpu.memory_space<vmem>>, vector<1000x256xf32>,
    return
  }
  func.func @transform_0(%arg0: i32) -> (i32, i32) {
    %c0_i32 = arith.constant 0 : i32
    %c0_i32_0 = arith.constant 0 : i32
    return %arg0, %c0_i32 : i32, i32
  }
  func.func @transform_1(%arg0: i32) -> (i32, i32) {
    %c0_i32 = arith.constant 0 : i32
    %c0_i32_0 = arith.constant 0 : i32
    return %arg0, %c0_i32 : i32, i32
  }
  func.func @transform_2(%arg0: i32) -> (i32, i32) {
    %c0_i32 = arith.constant 0 : i32
    %c0_i32_0 = arith.constant 0 : i32
    return %arg0, %c0_i32 : i32, i32
  }
  func.func @transform_3(%arg0: i32) -> (i32, i32) {
    %c0_i32 = arith.constant 0 : i32
    %c0_i32_0 = arith.constant 0 : i32
    return %arg0, %c0_i32 : i32, i32
  }
  func.func @transform_4(%arg0: i32) -> (i32, i32) {
    %c0_i32 = arith.constant 0 : i32
    %c0_i32_0 = arith.constant 0 : i32
    return %arg0, %c0_i32 : i32, i32
  }
  func.func @transform_5(%arg0: i32) -> (i32, i32) {
    %c0_i32 = arith.constant 0 : i32
    %c0_i32_0 = arith.constant 0 : i32
    return %arg0, %c0_i32 : i32, i32
  }
}

module attributes {stable_mosaic.version = 14 : i64} {
  func.func @_post_body(%arg0: i32, %arg1: memref<1000x128xf32, #tpu.memory_space<vmem>>, %arg2: memref<1000x128xf32, #tpu.memory_space<vmem>>, %arg3: memref<1000x128xf32, #tpu.memory_space<vmem>>, %arg4: memref<1000x128xf32, #tpu.memory_space<vmem>>, %arg5: memref<1000x256xf32, #tpu.memory_space<vmem>>, %arg6: memref<1000x256xf32, #tpu.memory_space<vmem>>) attributes {dimension_semantics = [#tpu.dimension_semantics<arbitrary>], iteration_bounds = array<i64: 10>, scalar_prefetch = 0 : i64, scratch_operands = 0 : i64, tpu.core_type = #tpu.core_type<tc>, window_params = [{transform_indices = @transform_0, window_bounds = array<i64: 1000, 128>}, {transform_indices = @transform_1, window_bounds = array<i64: 1000, 128>}, {transform_indices = @transform_2, window_bounds = array<i64: 1000, 128>}, {transform_indices = @transform_3, window_bounds = array<i64: 1000, 128>}, {transform_indices = @transform_4, window_bounds = array<i64: 1000, 256>}, {transform_indices = @transform_5, window_bounds = array<i64: 1000, 256>}]} {
    %get3A = arith.constant 0 : index
    %get3A_0 = arith.constant 0 : index
    %get3A_1 = vector.load %arg3[%get3A, %get3A_0] : memref<1000x128xf32, #tpu.memory_space<vmem>>, vector<1000x1xf32>
    %get3A_2 = arith.constant 0 : index
    %get3A_3 = arith.constant 0 : index
    %get3A_4 = vector.load %arg4[%get3A_2, %get3A_3] : memref<1000x128xf32, #tpu.memory_space<vmem>>, vector<1000x1xf32>
    %add3A = arith.addf %get3A_1, %get3A_4 : vector<1000x1xf32>
    %max3A = arith.constant 1.000000e+00 : f32
    %max3A_5 = vector.broadcast %max3A : f32 to vector<1000x1xf32>
    %max3A_6 = arith.maximumf %add3A, %max3A_5 : vector<1000x1xf32>
    %div3A = arith.constant 1.000000e+00 : f32
    %div3A_7 = vector.broadcast %div3A : f32 to vector<1000x1xf32>
    %div3A_8 = arith.divf %div3A_7, %max3A_6 : vector<1000x1xf32>
    %get3A_9 = arith.constant 0 : index
    %get3A_10 = arith.constant 0 : index
    %get3A_11 = vector.load %arg1[%get3A_9, %get3A_10] : memref<1000x128xf32, #tpu.memory_space<vmem>>, vector<1000x128xf32>
    %get3A_12 = arith.constant 0 : index
    %get3A_13 = arith.constant 0 : index
    %get3A_14 = vector.load %arg2[%get3A_12, %get3A_13] : memref<1000x128xf32, #tpu.memory_space<vmem>>, vector<1000x128xf32>
    %concatenate3A = tpu.concatenate %get3A_11, %get3A_14 in 1 : vector<1000x128xf32>, vector<1000x128xf32> -> vector<1000x256xf32>
    %mul3A = vector.broadcast %div3A_8 : vector<1000x1xf32> to vector<1000x256xf32>
    %mul3A_15 = arith.mulf %concatenate3A, %mul3A : vector<1000x256xf32>
    %get3A_16 = arith.constant 0 : index
    %get3A_17 = arith.constant 0 : index
    %get3A_18 = vector.load %arg5[%get3A_16, %get3A_17] : memref<1000x256xf32, #tpu.memory_space<vmem>>, vector<1000x256xf32>
    %add3A_19 = arith.addf %mul3A_15, %get3A_18 : vector<1000x256xf32>
    %max3A_20 = arith.constant 0.000000e+00 : f32
    %max3A_21 = vector.broadcast %max3A_20 : f32 to vector<1000x256xf32>
    %max3A_22 = arith.maximumf %add3A_19, %max3A_21 : vector<1000x256xf32>
    %swap3A = arith.constant 0 : index
    %swap3A_23 = arith.constant 0 : index
    %swap3A_24 = vector.load %arg6[%swap3A, %swap3A_23] : memref<1000x256xf32, #tpu.memory_space<vmem>>, vector<1000x256xf32>
    tpu.vector_store %arg6[%swap3A, %swap3A_23], %max3A_22 {strides = array<i32>} : memref<1000x256xf32, #tpu.memory_space<vmem>>, vector<1000x256xf32>,
    return
  }
  func.func @transform_0(%arg0: i32) -> (i32, i32) {
    %c0_i32 = arith.constant 0 : i32
    %c0_i32_0 = arith.constant 0 : i32
    return %arg0, %c0_i32 : i32, i32
  }
  func.func @transform_1(%arg0: i32) -> (i32, i32) {
    %c0_i32 = arith.constant 0 : i32
    %c0_i32_0 = arith.constant 0 : i32
    return %arg0, %c0_i32 : i32, i32
  }
  func.func @transform_2(%arg0: i32) -> (i32, i32) {
    %c0_i32 = arith.constant 0 : i32
    %c0_i32_0 = arith.constant 0 : i32
    return %arg0, %c0_i32 : i32, i32
  }
  func.func @transform_3(%arg0: i32) -> (i32, i32) {
    %c0_i32 = arith.constant 0 : i32
    %c0_i32_0 = arith.constant 0 : i32
    return %arg0, %c0_i32 : i32, i32
  }
  func.func @transform_4(%arg0: i32) -> (i32, i32) {
    %c0_i32 = arith.constant 0 : i32
    %c0_i32_0 = arith.constant 0 : i32
    return %arg0, %c0_i32 : i32, i32
  }
  func.func @transform_5(%arg0: i32) -> (i32, i32) {
    %c0_i32 = arith.constant 0 : i32
    %c0_i32_0 = arith.constant 0 : i32
    return %arg0, %c0_i32 : i32, i32
  }
}

</mosaic_0001>

<sc_bundles>
// kernel: kernel.12.cloned.1.call-start
scs
__scs_entry_jumppad:
0x0: {  	(pc) =	sbr.rel $0x88, $3  }
0x1: {  	(tag) =	ssettag $0x0;
	lr =	simm.s32 $0x1  }
0x2: {  	[smem:$0x3F99] =	sst lr;
	_ =	strace $0xD0000000  }
0x3: {  	_ = 	snop  }
0x4: {  	_ = 	snop  }
0x5: {  	_ = 	snop  }
0x6: {  	_ = 	snop  }
0x7: {  	_ = 	snop  }
__scs_overlays_trampoline_lowered:
0x8: {  	[smem:$0x3FA8] =	sst s0  }
0x9: {  	[smem:$0x3FA9] =	sst s1  }
0xa: {  	[smem:$0x3FAA] =	sst s2  }
0xb: {  	[smem:$0x3FAB] =	sst s3  }
0xc: {  	[smem:$0x3FAC] =	sst s4  }
0xd: {  	[smem:$0x3FAD] =	sst s5  }
0xe: {  	[smem:$0x3FAE] =	sst s6  }
0xf: {  	[smem:$0x3FAF] =	sst s7  }
0x10: {  	[smem:$0x3FB0] =	sst s8  }
0x11: {  	[smem:$0x3FB1] =	sst s9;
	s0 =	simm.s32 @!p0 $0x0  }
0x12: {  	s1 =	sld [smem:$0x3F97];
	s0 =	simm.s32 @p0 $0x1  }
0x13: {  	[smem:$0x3FB2] =	sst s0;
	s0 =	simm.s32 @!p1 $0x0  }
0x14: {  	s2 =	sld [smem:$0x3F96];
	s0 =	simm.s32 @p1 $0x1  }
0x15: {  	[smem:$0x3FB3] =	sst s0;
	s0 =	simm.s32 @!p2 $0x0  }
0x16: {  	s3 =	sld [smem:$0x3FDB];
	s0 =	simm.s32 @p2 $0x1  }
0x17: {  	s4 =	simm.s32 $0x1BF5;
	[smem:$0x3FB5] =	sst s0  }
0x18: {  	s0 =	sld [smem:$0x3F98];
	_ =	swait.ge [sflag:s4], $0x0  }
0x19: {  	s7 =	sld [smem:$0x3F99]  }
0x1a: {  	s8 =	sadd.s32 $0xFFFFE003, lr  }
0x1b: {  	s9 =	sadd.s32 $0xFFFFFEF7, lr;
	s5 =	simm.s32 $0xFFFFFFFF;
	p2 =	slt.u32 s8, $0xFFFFF086  }
0x1c: {  	p1 =	slt.u32 s9, $0xF7A;
	s5 =	simm.s32 @!p2 $0x0  }
0x1d: {  	s5 =	simm.s32 @p1 $0x1;
	p0 =	seq.s32 s7, s2  }
0x1e: {  	s7 =	smul.u32 @!p0 $0xF7A, s2;
	p2 =	seq.s32 @!p0 s5, $0x0  }
0x1f: {  	s9 =	smul.u32 $0xF7A, s1;
	s8 =	simm.s32 @!p0 $0x1BF5;
	p2 =	por !p2, p0  }
0x20: {  	[sflag:s8] =	ssyncset.s32 @!p0 $0xFFFFF086;
	s6 =	sadd.s32 @!p0 s3, s7;
	s7 =	simm.s32 @!p0 $0x108  }
0x21: {  	s3 =	sadd.s32 s3, s9;
	s6 =	sadd.s32 @!p0 $0x88, s6;
	s7 =	simm.s32 @p2 $0x1082  }
0x22: {  	[simem:s7], [sflag:s8] =	dma.local @!p0 [hbm:s6], $0xF7A  }
0x23: {  	s9 =	sor.u32 $0xD0000000, s2;
	s6 =	simm.s32 $0x108;
	_ =	swait.ge @!p0 [sflag:s8], $0x0  }
0x24: {  	s3 =	sadd.s32 $0x88, s3;
	s6 =	simm.s32 @!p1 $0x1082;
	[sflag:s4] =	ssyncset.s32 $0xFFFFF086  }
0x25: {  	[simem:s6], [sflag:s4] =	dma.local [hbm:s3], $0xF7A  }
0x26: {  	[smem:$0x3F99] =	sst s1;
	(tag) =	ssettag s2;
	_ =	strace s9  }
0x27: {  	s1 =	sld [smem:$0x3FA9]  }
0x28: {  	s2 =	sld [smem:$0x3FAA]  }
0x29: {  	s4 =	sld [smem:$0x3FAC]  }
0x2a: {  	p0 =	seq.s32 s5, $0x0;
	s5 =	sld [smem:$0x3FAD]  }
0x2b: {  	s6 =	sld [smem:$0x3FAE]  }
0x2c: {  	s7 =	sld [smem:$0x3FAF]  }
0x2d: {  	s3 =	simm.s32 $0x108;
	s8 =	sld [smem:$0x3FB0]  }
0x2e: {  	s3 =	simm.s32 @!p0 $0x1082;
	s9 =	sld [smem:$0x3FB1]  }
0x2f: {  	lr =	sadd.s32 s0, s3;
	s0 =	sld [smem:$0x3FA8]  }
0x30: {  	s3 =	sld [smem:$0x3FAB]  }
0x31: {  	[smem:$0x3FB4] =	sst s10  }
0x32: {  	s10 =	sld [smem:$0x3FB2];
	_ =	sdelay $0x3  }
0x33: {  	p0 =	seq.s32 s10, $0x1;
	s10 =	sld [smem:$0x3FB4];
	_ =	sdelay $0x3  }
0x34: {  	[smem:$0x3FB4] =	sst s10  }
0x35: {  	s10 =	sld [smem:$0x3FB3];
	_ =	sdelay $0x3  }
0x36: {  	p1 =	seq.s32 s10, $0x1;
	s10 =	sld [smem:$0x3FB4];
	_ =	sdelay $0x3  }
0x37: {  	[smem:$0x3FB4] =	sst s10  }
0x38: {  	s10 =	sld [smem:$0x3FB5]  }
0x39: {  	_ = 	snop;
	(pc) =	sbr.ind lr, $3  }
0x3a: {  	_ = 	snop  }
0x3b: {  	_ = 	snop  }
0x3c: {  	p2 =	seq.s32 s10, $0x1;
	s10 =	sld [smem:$0x3FB4]  }
0x3d: {  	_ =	shalt  }
0x3e: {  	_ =	shalt  }
0x3f: {  	_ =	shalt  }
0x40: {  	_ =	shalt  }
0x41: {  	_ =	shalt  }
0x42: {  	_ =	shalt  }
0x43: {  	_ =	shalt  }
0x44: {  	_ =	shalt  }
0x45: {  	_ =	shalt  }
0x46: {  	_ =	shalt  }
0x47: {  	_ =	shalt  }
0x48: {  	_ =	shalt  }
0x49: {  	_ =	shalt  }
0x4a: {  	_ =	shalt  }
0x4b: {  	_ =	shalt  }
0x4c: {  	_ =	shalt  }
0x4d: {  	_ =	shalt  }
0x4e: {  	_ =	shalt  }
0x4f: {  	_ =	shalt  }
0x50: {  	_ =	shalt  }
0x51: {  	_ =	shalt  }
0x52: {  	_ =	shalt  }
0x53: {  	_ =	shalt  }
0x54: {  	_ =	shalt  }
0x55: {  	_ =	shalt  }
0x56: {  	_ =	shalt  }
0x57: {  	_ =	shalt  }
0x58: {  	_ =	shalt  }
0x59: {  	_ =	shalt  }
0x5a: {  	_ =	shalt  }
0x5b: {  	_ =	shalt  }
0x5c: {  	_ =	shalt  }
0x5d: {  	_ =	shalt  }
0x5e: {  	_ =	shalt  }
0x5f: {  	_ =	shalt  }
0x60: {  	_ =	shalt  }
0x61: {  	_ =	shalt  }
0x62: {  	_ =	shalt  }
0x63: {  	_ =	shalt  }
0x64: {  	_ =	shalt  }
0x65: {  	_ =	shalt  }
0x66: {  	_ =	shalt  }
0x67: {  	_ =	shalt  }
0x68: {  	_ =	shalt  }
0x69: {  	_ =	shalt  }
0x6a: {  	_ =	shalt  }
0x6b: {  	_ =	shalt  }
0x6c: {  	_ =	shalt  }
0x6d: {  	_ =	shalt  }
0x6e: {  	_ =	shalt  }
0x6f: {  	_ =	shalt  }
0x70: {  	_ =	shalt  }
0x71: {  	_ =	shalt  }
0x72: {  	_ =	shalt  }
0x73: {  	_ =	shalt  }
0x74: {  	_ =	shalt  }
0x75: {  	_ =	shalt  }
0x76: {  	_ =	shalt  }
0x77: {  	_ =	shalt  }
0x78: {  	_ =	shalt  }
0x79: {  	_ =	shalt  }
0x7a: {  	_ =	shalt  }
0x7b: {  	_ =	shalt  }
0x7c: {  	_ =	shalt  }
0x7d: {  	_ =	shalt  }
0x7e: {  	_ =	shalt  }
0x7f: {  	_ =	shalt  }
0x80: {  	_ =	shalt  }
0x81: {  	_ =	shalt  }
0x82: {  	_ =	shalt  }
0x83: {  	_ =	shalt  }
0x84: {  	_ =	shalt  }
0x85: {  	_ =	shalt  }
0x86: {  	_ =	shalt  }
0x87: {  	_ =	shalt  }
.Lfunc_end0:
.L_simem_size_0:
called_computation.1_lowered:
.L_overlay_start_0:
0x88: {  	s2 =	sld [smem:$0x3FD9]  }
0x89: {  	s3 =	sld [smem:$0x3FFE];
	_ =	sdelay $0x1  }
0x8a: {  	s1 =	srdreg.scid  }
0x8b: {  	s0 =	sand.u32 $0x1, s1  }
0x8c: {  	s17 =	sshll.u32 s0, $0xA;
	s2 =	sadd.s32 s3, s2  }
0x8d: {  	s2 =	sadd.s32 s2, s17  }
0x8e: {  	[smem:$0x3FC0] =	sst s2  }
0x8f: {  	_ = 	snop  }
0x90: {  	(tm) =	ssettm $0x1  }
0x91: {  	s18 =	sld [smem:$0x3FFB];
	_ =	sdelay $0x3  }
0x92: {  	_ =	strace s18  }
0x93: {  	s2 =	sld [smem:$0x3FFC];
	_ =	sdelay $0x3  }
0x94: {  	_ =	strace s2  }
0x95: {  	s2 =	sld [smem:$0x3FFD];
	_ =	sdelay $0x3  }
0x96: {  	_ =	strace s2  }
0x97: {  	_ =	strace $0x8FFFFFFF  }
0x98: {  	s19 =	sld [smem:$0x3FDB];
	_ =	sdelay $0x1  }
0x99: {  	s20 =	simm.s32 $_scs_section_size  }
0x9a: {  	s4 =	simm.s32 $_size__tile_overlayer_lowered;
	s5 =	simm.s32 $_tile_overlayer_lowered  }
0x9b: {  	s6 =	simm.s32 $0x1BFF;
	s21 =	sshll.u32 s5, $0x1;
	s3 =	sadd.s32 s20, s19  }
0x9c: {  	s22 =	simm.s32 $0x0;
	s4 =	sshll.u32 s4, $0x1;
	s5 =	sadd.s32 s21, s3  }
0x9d: {  	[timem:s22], [sflag:s6] =	dma.local [hbm:s5], s4  }
0x9e: {  	_ =	swait.ge [sflag:s6], s4  }
0x9f: {  	s4 =	ssub.s32 $0x0, s4;
	[sflag:s6] =	ssyncset.done $0x0  }
0xa0: {  	[sflag:s6] =	ssyncadd.s32 s4;
	_ =	sdelay $0x1  }
0xa1: {  	s23 =	simm.s32 $0x1B8B  }
0xa2: {  	_ =	swait.ge [sflag:s23], $0x1  }
0xa3: {  	[sflag:s23] =	ssyncset.done $0x0  }
0xa4: {  	[sflag:s23] =	ssyncadd.s32 $0xFFFFFFFF  }
0xa5: {  	s4 =	sld [smem:$0x0]  }
0xa6: {  	s5 =	sand.u32 $0xFFFFFFFE, s1  }
0xa7: {  	p0 =	sne.s32 s1, s5  }
0xa8: {  	s5 =	sshll.u32 @p0 s5, $0xE  }
0xa9: {  	s5 =	sadd.s32 @p0 $0x11B8D, s5;
	s6 =	sshll.u32 @p0 s4, $0x11  }
0xaa: {  	s5 =	sor.u32 @p0 s6, s5  }
0xab: {  	[sflag:s5] =	ssyncadd.remote.s32 @p0 $0x1;
	_ =	sdelay $0x1  }
0xac: {  	s5 =	simm.s32 @p0 $0x1B8D  }
0xad: {  	_ =	swait.eq @p0 [sflag:s5], $0x1  }
0xae: {  	[sflag:s5] =	ssyncadd.s32 @p0 $0xFFFFFFFF  }
0xaf: {  	s6 =	sshll.u32 @!p0 s1, $0xE  }
0xb0: {  	s6 =	sor.u32 @!p0 $0x4000, s6;
	s5 =	simm.s32 @!p0 $0x1B8D  }
0xb1: {  	s4 =	sshll.u32 @!p0 s4, $0x11;
	s6 =	sadd.s32 @!p0 $0x11B8D, s6;
	_ =	swait.eq @!p0 [sflag:s5], $0x1  }
0xb2: {  	s4 =	sor.u32 @!p0 s4, s6;
	[sflag:s5] =	ssyncadd.s32 @!p0 $0xFFFFFFFF  }
0xb3: {  	s25 =	simm.s32 $0x1B8E;
	s24 =	sld [smem:$0x3FFE];
	[sflag:s4] =	ssyncadd.remote.s32 @!p0 $0x1  }
0xb4: {  	s26 =	simm.s32 $execute0_lowered;
	[smem:$0x3FD2] =	sst s25  }
0xb5: {  	s5 =	sshll.u32 s26, $0x1;
	_ =	strace $0x80000049;
	[dreg:$0x1] =	wrdreg $0xFFFFFFFF  }
0xb6: {  	s28 =	simm.s32 $_size_execute0_lowered;
	s3 =	sadd.s32 s3, s5;
	[dreg:$0x0] =	wrdreg $0x0  }
0xb7: {  	s5 =	sshll.u32 s28, $0x1;
	[dreg:$0x2] =	wrdreg s3  }
0xb8: {  	[dreg:$0x3] =	wrdreg s5  }
0xb9: {  	[dreg:$0x4] =	wrdreg $0xC0  }
0xba: {  	_ =	task [dreg:s22], $0x5FFFF  }
0xbb: {  	[dreg:$0x1] =	wrdreg $0xFFFFFFFF  }
0xbc: {  	[dreg:$0x0] =	wrdreg $0x60  }
0xbd: {  	[dreg:$0x2] =	wrdreg s24  }
0xbe: {  	[dreg:$0x3] =	wrdreg $0x68000  }
0xbf: {  	[dreg:$0x4] =	wrdreg $0xA  }
0xc0: {  	_ =	task.clear_ibuf [dreg:s22], $0x5FFFF;
	_ =	strace $0x90000049  }
0xc1: {  	s29 =	simm.s32 $0xA;
	_ =	strace $0x8000004B  }
0xc2: {  	_ =	swait.ge [sflag:s29], $0x1  }
0xc3: {  	[sflag:s29] =	ssyncadd.s32 $0xFFFFFFFF  }
0xc4: {  	_ =	strace $0x9000004B  }
0xc5: {  	_ =	sfence  }
0xc6: {  	s30 =	sld [smem:$0x0];
	_ =	sdelay $0x2  }
0xc7: {  	s31 =	sshll.u32 s1, $0xD;
	s1 =	sshrl.u32 s1, $0x2  }
0xc8: {  	s4 =	sand.u32 $0x4000, s31;
	s1 =	sadd.s32 s1, s30  }
0xc9: {  	s0 =	sor.u32 s4, s0;
	s1 =	sshll.u32 s1, $0x11  }
0xca: {  	s0 =	sor.u32 s1, s0  }
0xcb: {  	s0 =	sadd.s32 $0x8F2B, s0  }
0xcc: {  	[sflag:s0] =	ssyncadd.remote.s32 $0x1  }
0xcd: {  	_ =	sfence.sel $0xFFFF  }
0xce: {  	[dreg:$0x0] =	wrdreg $0xFFFFFFFF;
	(pc) =	sbr.abs _section_cstart, $3  }
0xcf: {  	[dreg:$0x1] =	wrdreg $0xFFFFFFFF  }
0xd0: {  	_ =	task.clear_ibuf [dreg:s22], $0x2FFFF;
	_ =	strace $0x9FFFFFFF  }
0xd1: {  	(tm) =	ssettm $0x7FFFFFFF  }
tec
execute0_lowered:
.L_overlay_start_1:
0x0: {  	(tag) =	ssettag $0x1  }
0x1: {  	s0 =	rddreg [dreg:$0x0]  }
0x2: {  	s1 =	rddreg [dreg:$0x1]  }
0x3: {  	s2 =	simm.s32 $0x0;
	s6 =	srdreg.scid;
	s4 =	stileid.u32  }
0x4: {  	s28 =	simm.s32 $0x80;
	s29 =	simm.s32 $0x1;
	s30 =	simm.s32 $0x0  }
0x5: {  	[smem:$0x7FF] =	sst s2;
	s3 =	sadd.s32 $0x60800, s0;
	s5 =	sadd.s32 $0x87A00, s0  }
0x6: {  	s16 =	sadd.s32 $0x5B800, s0;
	s17 =	sadd.s32 $0x4800, s0;
	s12 =	smul.u32 $0x278, s4  }
0x7: {  	s9 =	sand.u32 $0x1, s6;
	s6 =	sadd.s32 $0xA000, s0;
	s13 =	smul.u32 $0x4F000, s4  }
0x8: {  	s7 =	sadd.s32 $0xAEC00, s0;
	s8 =	sadd.s32 $0xD6400, s0;
	s26 =	smul.u32 $0x2800, s4  }
0x9: {  	_ =	strace $0x8000004A;
	s10 =	ssub.s32 $0x2, s9;
	[dreg:$0x3] =	wrdreg s7  }
0xa: {  	p0 =	seq.s32 s9, $0x1;
	s11 =	sshrl.u32 s10, $0x1;
	s19 =	sadd.s32 $0x80, s12  }
0xb: {  	s23 =	sshrl.u32 s13, $0x2;
	s20 =	sadd.s32 $0x100, s12;
	s21 =	sadd.s32 $0x180, s12  }
0xc: {  	s22 =	sadd.s32 $0x200, s12;
	s15 =	sshrl.u32 s26, $0x3;
	s26 =	simm.s32 $0x1400  }
0xd: {  	s7 =	ssub.s32 s10, s11;
	s24 =	sshll.u32 s19, $0x7;
	s9 =	sadd.s32 s23, s1  }
0xe: {  	s25 =	sshll.u32 s20, $0x7;
	s14 =	sshll.u32 s21, $0x7;
	s31 =	sshll.u32 s22, $0x7  }
0xf: {  	s18 =	sadd.s32 $0x280, s15;
	s19 =	sshll.u32 s19, $0x4;
	s20 =	sshll.u32 s20, $0x4  }
.Ltmp0:
0x10: {  	s21 =	sshll.u32 s21, $0x4;
	s22 =	sshll.u32 s22, $0x4;
	(pc) =	sbr.rel .LBB2_1-.Ltmp0, $4  }
0x11: {  	s10 =	sadd.s32 s24, s1;
	s11 =	sadd.s32 s25, s1;
	s12 =	sadd.s32 s14, s1  }
0x12: {  	s13 =	sadd.s32 s31, s1;
	s14 =	sadd.s32 s16, s15;
	s15 =	sadd.s32 s17, s15  }
0x13: {  	s16 =	sadd.s32 s16, s18;
	s17 =	sadd.s32 s17, s18;
	s18 =	smul.u32 $0x2780, s4  }
0x14: {  	s23 =	smax.u32 s7, $0x1;
	s24 =	simm.s32 $0x2800;
	s25 =	simm.s32 $0x2  }
.LBB2_11:
0x15: {  	s0 =	sshra.s32 s31, $0x2;
	[sflag:s25] =	ssyncadd.s32 $0xFFFFC000  }
0x16: {  	[tilespmem:s24], [sflag:$0x1] =	stream.indirect.gather [hbm4b:s5+s28], $0x80, s0, s28, $0xb8;
	[tilespmem:$0x1A400] =	vst v63  }
0x17: {  	_ =	swait.ge [sflag:s29], $0x4000  }
0x18: {  	[sflag:s29] =	ssyncset.done $0x0  }
0x19: {  	s0 =	sadd.s32 $0x1400, s0;
	[sflag:s29] =	ssyncadd.s32 $0xFFFFC000  }
0x1a: {  	[spmem:s1] =	stream.indirect.scatter.add.f32 [tilespmem:s24], [sflag:$0x2], $0x80, s0, s28, $0xb8;
	[tilespmem:$0x1A400] =	vst v63  }
0x1b: {  	_ =	swait.ge [sflag:s25], $0x4000  }
0x1c: {  	[sflag:s25] =	ssyncset.done $0x0  }
0x1d: {  	s31 =	smov.u32 s8;
	[sflag:s25] =	ssyncadd.s32 $0xFFFFC000  }
.LBB2_12:
0x1e: {  	[bflag:$0x0] =	sbarrier.arrive $0xFFFF  }
0x1f: {  	[tilespmem:s24], [sflag:$0x2] =	stream.linear.gather [spmem:s9], $0x4000, $0x38;
	[tilespmem:$0x1A400] =	vst v63  }
0x20: {  	_ =	swait.ge [sflag:s25], $0x4000  }
0x21: {  	[sflag:s25] =	ssyncset.done $0x0  }
0x22: {  	s0 =	sadd.s32 s31, s18;
	[sflag:s25] =	ssyncadd.s32 $0xFFFFC000  }
0x23: {  	[hbm4b:s0+s2] =	stream.linear.scatter [tilespmem:s24], [sflag:$0x2], $0x4000, $0x38;
	[tilespmem:$0x1A400] =	vst v63  }
0x24: {  	_ =	swait.ge [sflag:s25], $0x4000  }
0x25: {  	[sflag:s25] =	ssyncset.done $0x0  }
0x26: {  	[sflag:s25] =	ssyncadd.s32 $0xFFFFC000  }
0x27: {  	[tilespmem:s24], [sflag:$0x2] =	stream.linear.gather [spmem:s10], $0x4000, $0x38;
	[tilespmem:$0x1A400] =	vst v63  }
0x28: {  	_ =	swait.ge [sflag:s25], $0x4000  }
0x29: {  	[sflag:s25] =	ssyncset.done $0x0  }
0x2a: {  	s7 =	sadd.s32 s31, s19;
	[sflag:s25] =	ssyncadd.s32 $0xFFFFC000  }
0x2b: {  	[hbm4b:s7+s2] =	stream.linear.scatter [tilespmem:s24], [sflag:$0x2], $0x4000, $0x38;
	[tilespmem:$0x1A400] =	vst v63  }
0x2c: {  	_ =	swait.ge [sflag:s25], $0x4000  }
0x2d: {  	[sflag:s25] =	ssyncset.done $0x0  }
0x2e: {  	[sflag:s25] =	ssyncadd.s32 $0xFFFFC000  }
0x2f: {  	[tilespmem:s24], [sflag:$0x2] =	stream.linear.gather [spmem:s11], $0x4000, $0x38;
	[tilespmem:$0x1A400] =	vst v63  }
0x30: {  	_ =	swait.ge [sflag:s25], $0x4000  }
0x31: {  	[sflag:s25] =	ssyncset.done $0x0  }
0x32: {  	s4 =	sadd.s32 s31, s20;
	[sflag:s25] =	ssyncadd.s32 $0xFFFFC000  }
0x33: {  	[hbm4b:s4+s2] =	stream.linear.scatter [tilespmem:s24], [sflag:$0x2], $0x4000, $0x38;
	[tilespmem:$0x1A400] =	vst v63  }
0x34: {  	_ =	swait.ge [sflag:s25], $0x4000  }
0x35: {  	[sflag:s25] =	ssyncset.done $0x0  }
0x36: {  	[sflag:s25] =	ssyncadd.s32 $0xFFFFC000  }
0x37: {  	[tilespmem:s24], [sflag:$0x2] =	stream.linear.gather [spmem:s12], $0x4000, $0x38;
	[tilespmem:$0x1A400] =	vst v63  }
0x38: {  	_ =	swait.ge [sflag:s25], $0x4000  }
0x39: {  	[sflag:s25] =	ssyncset.done $0x0  }
0x3a: {  	s7 =	sadd.s32 s31, s21;
	[sflag:s25] =	ssyncadd.s32 $0xFFFFC000  }
0x3b: {  	[hbm4b:s7+s2] =	stream.linear.scatter [tilespmem:s24], [sflag:$0x2], $0x4000, $0x38;
	[tilespmem:$0x1A400] =	vst v63  }
0x3c: {  	_ =	swait.ge [sflag:s25], $0x4000  }
0x3d: {  	[sflag:s25] =	ssyncset.done $0x0  }
0x3e: {  	[sflag:s25] =	ssyncadd.s32 $0xFFFFC000  }
0x3f: {  	[tilespmem:s24], [sflag:$0x2] =	stream.linear.gather [spmem:s13], $0x3C00, $0x38;
	[tilespmem:$0x1A400] =	vst v63  }
0x40: {  	s30 =	sadd.s32 $0x1, s30;
	_ =	swait.ge [sflag:s25], $0x3C00  }
0x41: {  	p1 =	sne.s32 s30, s23;
	[sflag:s25] =	ssyncset.done $0x0  }
.Ltmp1:
0x42: {  	s31 =	sadd.s32 s31, s22;
	[sflag:s25] =	ssyncadd.s32 $0xFFFFC400;
	(pc) =	sbr.rel @!p1 .LBB2_13-.Ltmp1, $4  }
0x43: {  	[hbm4b:s31+s2] =	stream.linear.scatter [tilespmem:s24], [sflag:$0x2], $0x3C00, $0x38;
	[tilespmem:$0x1A400] =	vst v63  }
0x44: {  	_ =	swait.ge [sflag:s25], $0x3C00  }
0x45: {  	[sflag:s25] =	ssyncset.done $0x0  }
0x46: {  	[sflag:s25] =	ssyncadd.s32 $0xFFFFC400  }
.LBB2_1:
0x47: {  	[tilespmem:s24], [sflag:$0x2] =	stream.linear.gather [hbm4b:s6+s2], $0x4000, $0x38;
	[tilespmem:$0x1A400] =	vst v63  }
0x48: {  	_ =	swait.ge [sflag:s25], $0x4000  }
0x49: {  	[sflag:s25] =	ssyncset.done $0x0  }
0x4a: {  	[sflag:s25] =	ssyncadd.s32 $0xFFFFC000  }
0x4b: {  	[spmem:s9] =	stream.linear.scatter [tilespmem:s24], [sflag:$0x2], $0x4000, $0x38;
	[tilespmem:$0x1A400] =	vst v63  }
0x4c: {  	_ =	swait.ge [sflag:s25], $0x4000  }
0x4d: {  	[sflag:s25] =	ssyncset.done $0x0  }
0x4e: {  	[sflag:s25] =	ssyncadd.s32 $0xFFFFC000  }
0x4f: {  	[spmem:s10] =	stream.linear.scatter [tilespmem:s24], [sflag:$0x2], $0x4000, $0x38;
	[tilespmem:$0x1A400] =	vst v63  }
0x50: {  	_ =	swait.ge [sflag:s25], $0x4000  }
0x51: {  	[sflag:s25] =	ssyncset.done $0x0  }
0x52: {  	[sflag:s25] =	ssyncadd.s32 $0xFFFFC000  }
0x53: {  	[spmem:s11] =	stream.linear.scatter [tilespmem:s24], [sflag:$0x2], $0x4000, $0x38;
	[tilespmem:$0x1A400] =	vst v63  }
0x54: {  	_ =	swait.ge [sflag:s25], $0x4000  }
0x55: {  	[sflag:s25] =	ssyncset.done $0x0  }
0x56: {  	[sflag:s25] =	ssyncadd.s32 $0xFFFFC000  }
0x57: {  	[spmem:s12] =	stream.linear.scatter [tilespmem:s24], [sflag:$0x2], $0x4000, $0x38;
	[tilespmem:$0x1A400] =	vst v63  }
0x58: {  	_ =	swait.ge [sflag:s25], $0x4000  }
0x59: {  	[sflag:s25] =	ssyncset.done $0x0  }
0x5a: {  	[sflag:s25] =	ssyncadd.s32 $0xFFFFC000  }
0x5b: {  	[spmem:s13] =	stream.linear.scatter [tilespmem:s24], [sflag:$0x2], $0x3C00, $0x38;
	[tilespmem:$0x1A400] =	vst v63  }
0x5c: {  	_ =	swait.ge [sflag:s25], $0x3C00  }
0x5d: {  	[sflag:s25] =	ssyncset.done $0x0  }
0x5e: {  	[sflag:s25] =	ssyncadd.s32 $0xFFFFC400  }
0x5f: {  	[bflag:$0x0] =	sbarrier.arrive $0xFFFF  }
0x60: {  	[tilespmem:s2], [sflag:$0x2] =	stream.linear.gather [hbm4b:s14+s2], $0x1400, $0x38;
	[tilespmem:$0x1A400] =	vst v63  }
0x61: {  	_ =	swait.ge [sflag:s25], $0x1400  }
0x62: {  	[sflag:s25] =	ssyncset.done $0x0  }
.Ltmp2:
0x63: {  	[sflag:s25] =	ssyncadd.s32 $0xFFFFEC00;
	(pc) =	sbr.rel @!p0 .LBB2_2-.Ltmp2, $4  }
0x64: {  	[tilespmem:s26], [sflag:$0x2] =	stream.linear.gather [hbm4b:s15+s2], $0x1400, $0x38;
	[tilespmem:$0x1A400] =	vst v63  }
0x65: {  	_ =	swait.ge [sflag:s25], $0x1400  }
0x66: {  	[sflag:s25] =	ssyncset.done $0x0  }
0x67: {  	s0 =	simm.s32 $0x0;
	[sflag:s25] =	ssyncadd.s32 $0xFFFFEC00  }
0x68: {  	[tilespmem:s24], [sflag:$0x1] =	stream.indirect.gather [hbm4b:s5+s28], $0x80, s0, s28, $0xb8;
	[tilespmem:$0x1A400] =	vst v63  }
0x69: {  	_ =	swait.ge [sflag:s29], $0x4000  }
0x6a: {  	[sflag:s29] =	ssyncset.done $0x0  }
0x6b: {  	s7 =	simm.s32 $0x1400;
	[sflag:s29] =	ssyncadd.s32 $0xFFFFC000  }
0x6c: {  	[spmem:s1] =	stream.indirect.scatter.add.f32 [tilespmem:s24], [sflag:$0x2], $0x80, s7, s28, $0xb8;
	[tilespmem:$0x1A400] =	vst v63  }
0x6d: {  	_ =	swait.ge [sflag:s25], $0x4000  }
0x6e: {  	s31 =	simm.s32 $0x200;
	s0 =	simm.s32 $0x400;
	[sflag:s25] =	ssyncset.done $0x0  }
.LBB2_8:
0x6f: {  	s4 =	sshra.s32 s31, $0x2  }
0x70: {  	[sflag:s25] =	ssyncadd.s32 $0xFFFFC000;
	s31 =	smov.u32 s0;
	s7 =	sadd.s32 $0x200, s0  }
0x71: {  	[tilespmem:s24], [sflag:$0x1] =	stream.indirect.gather [hbm4b:s5+s28], $0x80, s4, s28, $0xb8;
	[tilespmem:$0x1A400] =	vst v63  }
0x72: {  	p1 =	sne.s32 s0, $0x4E00;
	_ =	swait.ge [sflag:s29], $0x4000  }
.Ltmp3:
0x73: {  	[sflag:s29] =	ssyncset.done $0x0;
	(pc) =	sbr.rel @p1 .LBB2_8-.Ltmp3, $4  }
0x74: {  	s0 =	sadd.s32 $0x1400, s4;
	[sflag:s29] =	ssyncadd.s32 $0xFFFFC000  }
0x75: {  	[spmem:s1] =	stream.indirect.scatter.add.f32 [tilespmem:s24], [sflag:$0x2], $0x80, s0, s28, $0xb8;
	[tilespmem:$0x1A400] =	vst v63  }
0x76: {  	_ =	swait.ge [sflag:s25], $0x4000  }
0x77: {  	s0 =	smov.u32 s7;
	[sflag:s25] =	ssyncset.done $0x0  }
0x78: {  	s0 =	sshra.s32 s31, $0x2;
	[sflag:s25] =	ssyncadd.s32 $0xFFFFC000  }
0x79: {  	[tilespmem:s24], [sflag:$0x1] =	stream.indirect.gather [hbm4b:s5+s28], $0x80, s0, s28, $0xb8;
	[tilespmem:$0x1A400] =	vst v63  }
0x7a: {  	_ =	swait.ge [sflag:s29], $0x4000  }
0x7b: {  	[sflag:s29] =	ssyncset.done $0x0  }
0x7c: {  	s0 =	sadd.s32 $0x1400, s0;
	[sflag:s29] =	ssyncadd.s32 $0xFFFFC000  }
0x7d: {  	[spmem:s1] =	stream.indirect.scatter.add.f32 [tilespmem:s24], [sflag:$0x2], $0x80, s0, s28, $0xb8;
	[tilespmem:$0x1A400] =	vst v63  }
0x7e: {  	_ =	swait.ge [sflag:s25], $0x4000  }
0x7f: {  	[sflag:s25] =	ssyncset.done $0x0  }
0x80: {  	s7 =	simm.s32 $0x0;
	[sflag:s25] =	ssyncadd.s32 $0xFFFFC000  }
0x81: {  	[tilespmem:s7], [sflag:$0x2] =	stream.linear.gather [hbm4b:s16+s7], $0x1380, $0x38;
	[tilespmem:$0x1A400] =	vst v63  }
0x82: {  	_ =	swait.ge [sflag:s25], $0x1380  }
0x83: {  	[sflag:s25] =	ssyncset.done $0x0  }
0x84: {  	[sflag:s25] =	ssyncadd.s32 $0xFFFFEC80  }
0x85: {  	[tilespmem:s26], [sflag:$0x2] =	stream.linear.gather [hbm4b:s17+s7], $0x1380, $0x38;
	[tilespmem:$0x1A400] =	vst v63  }
0x86: {  	_ =	swait.ge [sflag:s25], $0x1380  }
0x87: {  	[sflag:s25] =	ssyncset.done $0x0  }
0x88: {  	s4 =	simm.s32 $0x0;
	[sflag:s25] =	ssyncadd.s32 $0xFFFFEC80  }
0x89: {  	[tilespmem:s24], [sflag:$0x1] =	stream.indirect.gather [hbm4b:s5+s28], $0x80, s4, s28, $0xb8;
	[tilespmem:$0x1A400] =	vst v63  }
0x8a: {  	_ =	swait.ge [sflag:s29], $0x4000  }
0x8b: {  	[sflag:s29] =	ssyncset.done $0x0  }
0x8c: {  	s7 =	simm.s32 $0x1400;
	[sflag:s29] =	ssyncadd.s32 $0xFFFFC000  }
0x8d: {  	[spmem:s1] =	stream.indirect.scatter.add.f32 [tilespmem:s24], [sflag:$0x2], $0x80, s7, s28, $0xb8;
	[tilespmem:$0x1A400] =	vst v63  }
0x8e: {  	_ =	swait.ge [sflag:s25], $0x4000  }
0x8f: {  	s31 =	simm.s32 $0x200;
	s0 =	simm.s32 $0x400;
	[sflag:s25] =	ssyncset.done $0x0  }
.LBB2_10:
0x90: {  	s4 =	sshra.s32 s31, $0x2  }
0x91: {  	[sflag:s25] =	ssyncadd.s32 $0xFFFFC000;
	s31 =	smov.u32 s0;
	s7 =	sadd.s32 $0x200, s0  }
0x92: {  	[tilespmem:s24], [sflag:$0x1] =	stream.indirect.gather [hbm4b:s5+s28], $0x80, s4, s28, $0xb8;
	[tilespmem:$0x1A400] =	vst v63  }
0x93: {  	p1 =	sne.s32 s0, $0x4C00;
	_ =	swait.ge [sflag:s29], $0x4000  }
.Ltmp4:
0x94: {  	[sflag:s29] =	ssyncset.done $0x0;
	(pc) =	sbr.rel @p1 .LBB2_10-.Ltmp4, $4  }
0x95: {  	s0 =	sadd.s32 $0x1400, s4;
	[sflag:s29] =	ssyncadd.s32 $0xFFFFC000  }
0x96: {  	[spmem:s1] =	stream.indirect.scatter.add.f32 [tilespmem:s24], [sflag:$0x2], $0x80, s0, s28, $0xb8;
	[tilespmem:$0x1A400] =	vst v63  }
0x97: {  	_ =	swait.ge [sflag:s25], $0x4000  }
0x98: {  	s0 =	smov.u32 s7;
	[sflag:s25] =	ssyncset.done $0x0  }
.Ltmp5:
0x99: {  	_ = 	snop;
	(pc) =	sbr.rel .LBB2_11-.Ltmp5, $1  }
0x9a: {  	_ =	sdelay $0x3  }
.LBB2_2:
0x9b: {  	[tilespmem:s24], [sflag:$0x1] =	stream.indirect.gather [hbm4b:s3+s28], $0x80, s0, s28, $0xb8;
	[tilespmem:$0x1A400] =	vst v63  }
0x9c: {  	_ =	swait.ge [sflag:s29], $0x4000  }
0x9d: {  	[sflag:s29] =	ssyncset.done $0x0  }
0x9e: {  	s7 =	simm.s32 $0x1400;
	[sflag:s29] =	ssyncadd.s32 $0xFFFFC000  }
0x9f: {  	[spmem:s1] =	stream.indirect.scatter.add.f32 [tilespmem:s24], [sflag:$0x2], $0x80, s7, s28, $0xb8;
	[tilespmem:$0x1A400] =	vst v63  }
0xa0: {  	_ =	swait.ge [sflag:s25], $0x4000  }
0xa1: {  	s31 =	simm.s32 $0x200;
	s0 =	simm.s32 $0x400;
	[sflag:s25] =	ssyncset.done $0x0  }
.LBB2_3:
0xa2: {  	s4 =	sshra.s32 s31, $0x2  }
0xa3: {  	[sflag:s25] =	ssyncadd.s32 $0xFFFFC000;
	s31 =	smov.u32 s0;
	s7 =	sadd.s32 $0x200, s0  }
0xa4: {  	[tilespmem:s24], [sflag:$0x1] =	stream.indirect.gather [hbm4b:s3+s28], $0x80, s4, s28, $0xb8;
	[tilespmem:$0x1A400] =	vst v63  }
0xa5: {  	p1 =	sne.s32 s0, $0x4E00;
	_ =	swait.ge [sflag:s29], $0x4000  }
.Ltmp6:
0xa6: {  	[sflag:s29] =	ssyncset.done $0x0;
	(pc) =	sbr.rel @p1 .LBB2_3-.Ltmp6, $4  }
0xa7: {  	s0 =	sadd.s32 $0x1400, s4;
	[sflag:s29] =	ssyncadd.s32 $0xFFFFC000  }
0xa8: {  	[spmem:s1] =	stream.indirect.scatter.add.f32 [tilespmem:s24], [sflag:$0x2], $0x80, s0, s28, $0xb8;
	[tilespmem:$0x1A400] =	vst v63  }
0xa9: {  	_ =	swait.ge [sflag:s25], $0x4000  }
0xaa: {  	s0 =	smov.u32 s7;
	[sflag:s25] =	ssyncset.done $0x0  }
0xab: {  	s0 =	sshra.s32 s31, $0x2;
	[sflag:s25] =	ssyncadd.s32 $0xFFFFC000  }
0xac: {  	[tilespmem:s24], [sflag:$0x1] =	stream.indirect.gather [hbm4b:s3+s28], $0x80, s0, s28, $0xb8;
	[tilespmem:$0x1A400] =	vst v63  }
0xad: {  	_ =	swait.ge [sflag:s29], $0x4000  }
0xae: {  	[sflag:s29] =	ssyncset.done $0x0  }
0xaf: {  	s0 =	sadd.s32 $0x1400, s0;
	[sflag:s29] =	ssyncadd.s32 $0xFFFFC000  }
0xb0: {  	[spmem:s1] =	stream.indirect.scatter.add.f32 [tilespmem:s24], [sflag:$0x2], $0x80, s0, s28, $0xb8;
	[tilespmem:$0x1A400] =	vst v63  }
0xb1: {  	_ =	swait.ge [sflag:s25], $0x4000  }
0xb2: {  	[sflag:s25] =	ssyncset.done $0x0  }
0xb3: {  	s7 =	simm.s32 $0x0;
	[sflag:s25] =	ssyncadd.s32 $0xFFFFC000  }
0xb4: {  	[tilespmem:s7], [sflag:$0x2] =	stream.linear.gather [hbm4b:s16+s7], $0x1380, $0x38;
	[tilespmem:$0x1A400] =	vst v63  }
0xb5: {  	_ =	swait.ge [sflag:s25], $0x1380  }
0xb6: {  	[sflag:s25] =	ssyncset.done $0x0  }
0xb7: {  	[sflag:s25] =	ssyncadd.s32 $0xFFFFEC80  }
0xb8: {  	[tilespmem:s26], [sflag:$0x2] =	stream.linear.gather [hbm4b:s17+s7], $0x1380, $0x38;
	[tilespmem:$0x1A400] =	vst v63  }
0xb9: {  	_ =	swait.ge [sflag:s25], $0x1380  }
0xba: {  	[sflag:s25] =	ssyncset.done $0x0  }
0xbb: {  	s4 =	simm.s32 $0x0;
	[sflag:s25] =	ssyncadd.s32 $0xFFFFEC80  }
0xbc: {  	[tilespmem:s24], [sflag:$0x1] =	stream.indirect.gather [hbm4b:s3+s28], $0x80, s4, s28, $0xb8;
	[tilespmem:$0x1A400] =	vst v63  }
0xbd: {  	_ =	swait.ge [sflag:s29], $0x4000  }
0xbe: {  	[sflag:s29] =	ssyncset.done $0x0  }
0xbf: {  	s7 =	simm.s32 $0x1400;
	[sflag:s29] =	ssyncadd.s32 $0xFFFFC000  }
0xc0: {  	[spmem:s1] =	stream.indirect.scatter.add.f32 [tilespmem:s24], [sflag:$0x2], $0x80, s7, s28, $0xb8;
	[tilespmem:$0x1A400] =	vst v63  }
0xc1: {  	_ =	swait.ge [sflag:s25], $0x4000  }
0xc2: {  	s31 =	simm.s32 $0x200;
	s0 =	simm.s32 $0x400;
	[sflag:s25] =	ssyncset.done $0x0  }
.LBB2_5:
0xc3: {  	s4 =	sshra.s32 s31, $0x2  }
0xc4: {  	[sflag:s25] =	ssyncadd.s32 $0xFFFFC000;
	s31 =	smov.u32 s0;
	s7 =	sadd.s32 $0x200, s0  }
0xc5: {  	[tilespmem:s24], [sflag:$0x1] =	stream.indirect.gather [hbm4b:s3+s28], $0x80, s4, s28, $0xb8;
	[tilespmem:$0x1A400] =	vst v63  }
0xc6: {  	p1 =	seq.s32 s0, $0x4C00;
	_ =	swait.ge [sflag:s29], $0x4000  }
.Ltmp7:
0xc7: {  	[sflag:s29] =	ssyncset.done $0x0;
	(pc) =	sbr.rel @!p1 .LBB2_5-.Ltmp7, $4  }
0xc8: {  	s0 =	sadd.s32 $0x1400, s4;
	[sflag:s29] =	ssyncadd.s32 $0xFFFFC000  }
0xc9: {  	[spmem:s1] =	stream.indirect.scatter.add.f32 [tilespmem:s24], [sflag:$0x2], $0x80, s0, s28, $0xb8;
	[tilespmem:$0x1A400] =	vst v63  }
0xca: {  	_ =	swait.ge [sflag:s25], $0x4000  }
0xcb: {  	s0 =	smov.u32 s7;
	[sflag:s25] =	ssyncset.done $0x0  }
0xcc: {  	s0 =	sshra.s32 s31, $0x2;
	[sflag:s25] =	ssyncadd.s32 $0xFFFFC000  }
0xcd: {  	[tilespmem:s24], [sflag:$0x1] =	stream.indirect.gather [hbm4b:s3+s28], $0x80, s0, s28, $0xb8;
	[tilespmem:$0x1A400] =	vst v63  }
0xce: {  	_ =	swait.ge [sflag:s29], $0x4000  }
0xcf: {  	[sflag:s29] =	ssyncset.done $0x0  }
.Ltmp8:
0xd0: {  	s0 =	sadd.s32 $0x1400, s0;
	[sflag:s29] =	ssyncadd.s32 $0xFFFFC000;
	(pc) =	sbr.rel .LBB2_12-.Ltmp8, $4  }
0xd1: {  	[spmem:s1] =	stream.indirect.scatter.add.f32 [tilespmem:s24], [sflag:$0x2], $0x80, s0, s28, $0xb8;
	[tilespmem:$0x1A400] =	vst v63  }
0xd2: {  	_ =	swait.ge [sflag:s25], $0x4000  }
0xd3: {  	[sflag:s25] =	ssyncset.done $0x0  }
0xd4: {  	s31 =	rddreg [dreg:$0x3];
	[sflag:s25] =	ssyncadd.s32 $0xFFFFC000  }
.LBB2_13:
0xd5: {  	_ =	sfence.sel $0x180000  }
0xd6: {  	[bflag:$0x0] =	sbarrier.arrive $0xFFFF  }
0xd7: {  	_ =	strace $0x9000004A  }
0xd8: {  	s0 =	stileid.u32;
	[bflag:$0x2] =	sbarrier.arrive $0xFFFF  }
0xd9: {  	p0 =	sne.s32 s0, $0x0;
	s0 =	rddreg [dreg:$0x2]  }
0xda: {  	s0 =	sadd.s32 @!p0 $0x100000, s0  }
0xdb: {  	[sflag:s0] =	ssyncadd.tile.s32 @!p0 $0x1;
	_ =	shalt  }
.Lfunc_end2:
_tile_overlayer_lowered:
.L_overlay_start_2:
0xdc: {  	(tag) =	ssettag $0x2  }
0xdd: {  	s0 =	rddreg [dreg:$0x0];
	s2 =	stileid.u32  }
0xde: {  	s1 =	rddreg [dreg:$0x1];
	p0 =	sne.s32 s2, $0x0  }
0xdf: {  	s3 =	rddreg [dreg:$0x2];
	[bflag:$0x3] =	sbarrier.arrive $0xFFFF;
	s2 =	simm.s32 @!p0 $0x1C02  }
0xe0: {  	[timem:s3], [sflag:s2] =	dma.local @!p0 [hbm:s0], s1  }
0xe1: {  	s0 =	simm.s32 @!p0 $0x2  }
0xe2: {  	_ =	swait.ge @!p0 [sflag:s0], s1  }
0xe3: {  	s1 =	ssub.s32 @!p0 $0x0, s1;
	[sflag:s0] =	ssyncset.done @!p0 $0x0  }
0xe4: {  	[sflag:s0] =	ssyncadd.s32 @!p0 s1  }
0xe5: {  	[bflag:$0x3] =	sbarrier.arrive $0xFFFF  }
0xe6: {  	_ =	shalt  }

// kernel: kernel.15.cloned.1.call-start
scs
__scs_entry_jumppad:
0x0: {  	(pc) =	sbr.rel $0x88, $3  }
0x1: {  	(tag) =	ssettag $0x0;
	lr =	simm.s32 $0x1  }
0x2: {  	[smem:$0x3F99] =	sst lr;
	_ =	strace $0xD0000000  }
0x3: {  	_ = 	snop  }
0x4: {  	_ = 	snop  }
0x5: {  	_ = 	snop  }
0x6: {  	_ = 	snop  }
0x7: {  	_ = 	snop  }
__scs_overlays_trampoline_lowered:
0x8: {  	[smem:$0x3FA8] =	sst s0  }
0x9: {  	[smem:$0x3FA9] =	sst s1  }
0xa: {  	[smem:$0x3FAA] =	sst s2  }
0xb: {  	[smem:$0x3FAB] =	sst s3  }
0xc: {  	[smem:$0x3FAC] =	sst s4  }
0xd: {  	[smem:$0x3FAD] =	sst s5  }
0xe: {  	[smem:$0x3FAE] =	sst s6  }
0xf: {  	[smem:$0x3FAF] =	sst s7  }
0x10: {  	[smem:$0x3FB0] =	sst s8  }
0x11: {  	[smem:$0x3FB1] =	sst s9;
	s0 =	simm.s32 @!p0 $0x0  }
0x12: {  	s1 =	sld [smem:$0x3F97];
	s0 =	simm.s32 @p0 $0x1  }
0x13: {  	[smem:$0x3FB2] =	sst s0;
	s0 =	simm.s32 @!p1 $0x0  }
0x14: {  	s2 =	sld [smem:$0x3F96];
	s0 =	simm.s32 @p1 $0x1  }
0x15: {  	[smem:$0x3FB3] =	sst s0;
	s0 =	simm.s32 @!p2 $0x0  }
0x16: {  	s3 =	sld [smem:$0x3FDB];
	s0 =	simm.s32 @p2 $0x1  }
0x17: {  	s4 =	simm.s32 $0x1BF5;
	[smem:$0x3FB5] =	sst s0  }
0x18: {  	s0 =	sld [smem:$0x3F98];
	_ =	swait.ge [sflag:s4], $0x0  }
0x19: {  	s7 =	sld [smem:$0x3F99]  }
0x1a: {  	s8 =	sadd.s32 $0xFFFFE003, lr  }
0x1b: {  	s9 =	sadd.s32 $0xFFFFFEF7, lr;
	s5 =	simm.s32 $0xFFFFFFFF;
	p2 =	slt.u32 s8, $0xFFFFF086  }
0x1c: {  	p1 =	slt.u32 s9, $0xF7A;
	s5 =	simm.s32 @!p2 $0x0  }
0x1d: {  	s5 =	simm.s32 @p1 $0x1;
	p0 =	seq.s32 s7, s2  }
0x1e: {  	s7 =	smul.u32 @!p0 $0xF7A, s2;
	p2 =	seq.s32 @!p0 s5, $0x0  }
0x1f: {  	s9 =	smul.u32 $0xF7A, s1;
	s8 =	simm.s32 @!p0 $0x1BF5;
	p2 =	por !p2, p0  }
0x20: {  	[sflag:s8] =	ssyncset.s32 @!p0 $0xFFFFF086;
	s6 =	sadd.s32 @!p0 s3, s7;
	s7 =	simm.s32 @!p0 $0x108  }
0x21: {  	s3 =	sadd.s32 s3, s9;
	s6 =	sadd.s32 @!p0 $0x88, s6;
	s7 =	simm.s32 @p2 $0x1082  }
0x22: {  	[simem:s7], [sflag:s8] =	dma.local @!p0 [hbm:s6], $0xF7A  }
0x23: {  	s9 =	sor.u32 $0xD0000000, s2;
	s6 =	simm.s32 $0x108;
	_ =	swait.ge @!p0 [sflag:s8], $0x0  }
0x24: {  	s3 =	sadd.s32 $0x88, s3;
	s6 =	simm.s32 @!p1 $0x1082;
	[sflag:s4] =	ssyncset.s32 $0xFFFFF086  }
0x25: {  	[simem:s6], [sflag:s4] =	dma.local [hbm:s3], $0xF7A  }
0x26: {  	[smem:$0x3F99] =	sst s1;
	(tag) =	ssettag s2;
	_ =	strace s9  }
0x27: {  	s1 =	sld [smem:$0x3FA9]  }
0x28: {  	s2 =	sld [smem:$0x3FAA]  }
0x29: {  	s4 =	sld [smem:$0x3FAC]  }
0x2a: {  	p0 =	seq.s32 s5, $0x0;
	s5 =	sld [smem:$0x3FAD]  }
0x2b: {  	s6 =	sld [smem:$0x3FAE]  }
0x2c: {  	s7 =	sld [smem:$0x3FAF]  }
0x2d: {  	s3 =	simm.s32 $0x108;
	s8 =	sld [smem:$0x3FB0]  }
0x2e: {  	s3 =	simm.s32 @!p0 $0x1082;
	s9 =	sld [smem:$0x3FB1]  }
0x2f: {  	lr =	sadd.s32 s0, s3;
	s0 =	sld [smem:$0x3FA8]  }
0x30: {  	s3 =	sld [smem:$0x3FAB]  }
0x31: {  	[smem:$0x3FB4] =	sst s10  }
0x32: {  	s10 =	sld [smem:$0x3FB2];
	_ =	sdelay $0x3  }
0x33: {  	p0 =	seq.s32 s10, $0x1;
	s10 =	sld [smem:$0x3FB4];
	_ =	sdelay $0x3  }
0x34: {  	[smem:$0x3FB4] =	sst s10  }
0x35: {  	s10 =	sld [smem:$0x3FB3];
	_ =	sdelay $0x3  }
0x36: {  	p1 =	seq.s32 s10, $0x1;
	s10 =	sld [smem:$0x3FB4];
	_ =	sdelay $0x3  }
0x37: {  	[smem:$0x3FB4] =	sst s10  }
0x38: {  	s10 =	sld [smem:$0x3FB5]  }
0x39: {  	_ = 	snop;
	(pc) =	sbr.ind lr, $3  }
0x3a: {  	_ = 	snop  }
0x3b: {  	_ = 	snop  }
0x3c: {  	p2 =	seq.s32 s10, $0x1;
	s10 =	sld [smem:$0x3FB4]  }
0x3d: {  	_ =	shalt  }
0x3e: {  	_ =	shalt  }
0x3f: {  	_ =	shalt  }
0x40: {  	_ =	shalt  }
0x41: {  	_ =	shalt  }
0x42: {  	_ =	shalt  }
0x43: {  	_ =	shalt  }
0x44: {  	_ =	shalt  }
0x45: {  	_ =	shalt  }
0x46: {  	_ =	shalt  }
0x47: {  	_ =	shalt  }
0x48: {  	_ =	shalt  }
0x49: {  	_ =	shalt  }
0x4a: {  	_ =	shalt  }
0x4b: {  	_ =	shalt  }
0x4c: {  	_ =	shalt  }
0x4d: {  	_ =	shalt  }
0x4e: {  	_ =	shalt  }
0x4f: {  	_ =	shalt  }
0x50: {  	_ =	shalt  }
0x51: {  	_ =	shalt  }
0x52: {  	_ =	shalt  }
0x53: {  	_ =	shalt  }
0x54: {  	_ =	shalt  }
0x55: {  	_ =	shalt  }
0x56: {  	_ =	shalt  }
0x57: {  	_ =	shalt  }
0x58: {  	_ =	shalt  }
0x59: {  	_ =	shalt  }
0x5a: {  	_ =	shalt  }
0x5b: {  	_ =	shalt  }
0x5c: {  	_ =	shalt  }
0x5d: {  	_ =	shalt  }
0x5e: {  	_ =	shalt  }
0x5f: {  	_ =	shalt  }
0x60: {  	_ =	shalt  }
0x61: {  	_ =	shalt  }
0x62: {  	_ =	shalt  }
0x63: {  	_ =	shalt  }
0x64: {  	_ =	shalt  }
0x65: {  	_ =	shalt  }
0x66: {  	_ =	shalt  }
0x67: {  	_ =	shalt  }
0x68: {  	_ =	shalt  }
0x69: {  	_ =	shalt  }
0x6a: {  	_ =	shalt  }
0x6b: {  	_ =	shalt  }
0x6c: {  	_ =	shalt  }
0x6d: {  	_ =	shalt  }
0x6e: {  	_ =	shalt  }
0x6f: {  	_ =	shalt  }
0x70: {  	_ =	shalt  }
0x71: {  	_ =	shalt  }
0x72: {  	_ =	shalt  }
0x73: {  	_ =	shalt  }
0x74: {  	_ =	shalt  }
0x75: {  	_ =	shalt  }
0x76: {  	_ =	shalt  }
0x77: {  	_ =	shalt  }
0x78: {  	_ =	shalt  }
0x79: {  	_ =	shalt  }
0x7a: {  	_ =	shalt  }
0x7b: {  	_ =	shalt  }
0x7c: {  	_ =	shalt  }
0x7d: {  	_ =	shalt  }
0x7e: {  	_ =	shalt  }
0x7f: {  	_ =	shalt  }
0x80: {  	_ =	shalt  }
0x81: {  	_ =	shalt  }
0x82: {  	_ =	shalt  }
0x83: {  	_ =	shalt  }
0x84: {  	_ =	shalt  }
0x85: {  	_ =	shalt  }
0x86: {  	_ =	shalt  }
0x87: {  	_ =	shalt  }
.Lfunc_end0:
.L_simem_size_0:
called_computation.2_lowered:
.L_overlay_start_0:
0x88: {  	s2 =	sld [smem:$0x3FD9]  }
0x89: {  	s3 =	sld [smem:$0x3FFE];
	_ =	sdelay $0x1  }
0x8a: {  	s1 =	srdreg.scid  }
0x8b: {  	s0 =	sand.u32 $0x1, s1  }
0x8c: {  	s17 =	sshll.u32 s0, $0xA;
	s2 =	sadd.s32 s3, s2  }
0x8d: {  	s2 =	sadd.s32 s2, s17  }
0x8e: {  	[smem:$0x3FC0] =	sst s2  }
0x8f: {  	_ = 	snop  }
0x90: {  	s2 =	sld [smem:$0x3FD0];
	(tm) =	ssettm $0x1  }
0x91: {  	s18 =	sld [smem:$0x3FFB];
	_ =	sdelay $0x3  }
0x92: {  	_ =	strace s18  }
0x93: {  	s3 =	sld [smem:$0x3FFC];
	_ =	sdelay $0x3  }
0x94: {  	_ =	strace s3  }
0x95: {  	s3 =	sld [smem:$0x3FFD];
	_ =	sdelay $0x3  }
0x96: {  	_ =	strace s3  }
0x97: {  	_ =	strace $0x8FFFFFFF  }
0x98: {  	s19 =	sld [smem:$0x3FDB];
	_ =	sdelay $0x1  }
0x99: {  	s4 =	simm.s32 $_scs_section_size  }
0x9a: {  	s5 =	simm.s32 $_size__tile_overlayer_lowered;
	s6 =	simm.s32 $_tile_overlayer_lowered  }
0x9b: {  	s22 =	simm.s32 $0x1BFF;
	s21 =	sshll.u32 s6, $0x1;
	s3 =	sadd.s32 s4, s19  }
0x9c: {  	s7 =	simm.s32 $0x0;
	s20 =	sshll.u32 s5, $0x1;
	s5 =	sadd.s32 s21, s3  }
0x9d: {  	[timem:s7], [sflag:s22] =	dma.local [hbm:s5], s20  }
0x9e: {  	_ =	swait.ge [sflag:s22], s20  }
0x9f: {  	s4 =	ssub.s32 $0x0, s20;
	[sflag:s22] =	ssyncset.done $0x0  }
0xa0: {  	[sflag:s22] =	ssyncadd.s32 s4;
	_ =	sdelay $0x1  }
0xa1: {  	s23 =	simm.s32 $0x1B8B  }
0xa2: {  	_ =	swait.ge [sflag:s23], $0x1  }
0xa3: {  	[sflag:s23] =	ssyncset.done $0x0  }
0xa4: {  	s25 =	simm.s32 $0x1B8E;
	s24 =	sld [smem:$0x3FFE];
	[sflag:s23] =	ssyncadd.s32 $0xFFFFFFFF  }
0xa5: {  	s26 =	simm.s32 $execute0_lowered;
	[smem:$0x3FD2] =	sst s25  }
0xa6: {  	s5 =	sshll.u32 s26, $0x1;
	_ =	strace $0x8000004C;
	[dreg:$0x1] =	wrdreg $0xFFFFFFFF  }
0xa7: {  	s28 =	simm.s32 $_size_execute0_lowered;
	s3 =	sadd.s32 s3, s5;
	[dreg:$0x0] =	wrdreg $0x0  }
0xa8: {  	s5 =	sshll.u32 s28, $0x1;
	[dreg:$0x2] =	wrdreg s3  }
0xa9: {  	[dreg:$0x3] =	wrdreg s5  }
0xaa: {  	[dreg:$0x4] =	wrdreg $0xC0  }
0xab: {  	_ =	task [dreg:s7], $0x5FFFF  }
0xac: {  	[dreg:$0x1] =	wrdreg $0xFFFFFFFF  }
0xad: {  	[dreg:$0x0] =	wrdreg $0x60  }
0xae: {  	[dreg:$0x2] =	wrdreg s24  }
0xaf: {  	[dreg:$0x3] =	wrdreg s2  }
0xb0: {  	[dreg:$0x4] =	wrdreg $0x68000  }
0xb1: {  	[dreg:$0x5] =	wrdreg $0x9  }
0xb2: {  	_ =	task.clear_ibuf [dreg:s7], $0x6FFFF;
	_ =	strace $0x9000004C  }
0xb3: {  	s29 =	simm.s32 $0x9;
	_ =	strace $0x8000004E  }
0xb4: {  	_ =	swait.ge [sflag:s29], $0x1  }
0xb5: {  	[sflag:s29] =	ssyncadd.s32 $0xFFFFFFFF  }
0xb6: {  	_ =	strace $0x9000004E  }
0xb7: {  	_ =	sfence  }
0xb8: {  	s30 =	sld [smem:$0x0];
	_ =	sdelay $0x2  }
0xb9: {  	s31 =	sshll.u32 s1, $0xD;
	s1 =	sshrl.u32 s1, $0x2  }
0xba: {  	s3 =	sand.u32 $0x4000, s31;
	s1 =	sadd.s32 s1, s30  }
0xbb: {  	s0 =	sor.u32 s3, s0;
	s1 =	sshll.u32 s1, $0x11  }
0xbc: {  	s0 =	sor.u32 s1, s0  }
0xbd: {  	s0 =	sadd.s32 $0x8F2B, s0  }
0xbe: {  	[sflag:s0] =	ssyncadd.remote.s32 $0x1  }
0xbf: {  	_ =	sfence.sel $0xFFFF  }
0xc0: {  	[dreg:$0x0] =	wrdreg $0xFFFFFFFF;
	(pc) =	sbr.abs _section_cstart, $3  }
0xc1: {  	[dreg:$0x1] =	wrdreg $0xFFFFFFFF  }
0xc2: {  	_ =	task.clear_ibuf [dreg:s7], $0x2FFFF;
	_ =	strace $0x9FFFFFFF  }
0xc3: {  	(tm) =	ssettm $0x7FFFFFFF  }
tec
execute0_lowered:
.L_overlay_start_1:
0x0: {  	(tag) =	ssettag $0x1  }
0x1: {  	s0 =	rddreg [dreg:$0x0]  }
0x2: {  	s2 =	rddreg [dreg:$0x2];
	s3 =	simm.s32 $0x0  }
0x3: {  	s7 =	srdreg.scid;
	s1 =	stileid.u32;
	s28 =	simm.s32 $0x80  }
0x4: {  	s29 =	simm.s32 $0x1;
	s30 =	simm.s32 $0x0;
	[smem:$0x7FF] =	sst s3  }
0x5: {  	s5 =	sadd.s32 $0x60800, s0;
	s6 =	sadd.s32 $0x87A00, s0;
	s16 =	sadd.s32 $0x5B800, s0  }
0x6: {  	s9 =	sand.u32 $0x1, s7;
	s17 =	sadd.s32 $0x4800, s0;
	s12 =	smul.u32 $0x278, s1  }
0x7: {  	s7 =	sadd.s32 $0xA000, s0;
	s13 =	smul.u32 $0x4F000, s1;
	s8 =	sadd.s32 $0xFCE00, s0  }
0x8: {  	s26 =	smul.u32 $0x2800, s1;
	_ =	strace $0x8000004D;
	s10 =	ssub.s32 $0x2, s9  }
0x9: {  	p0 =	seq.s32 s9, $0x1;
	s11 =	sshrl.u32 s10, $0x1;
	s19 =	sadd.s32 $0x80, s12  }
0xa: {  	s23 =	sshrl.u32 s13, $0x2;
	s20 =	sadd.s32 $0x100, s12;
	s21 =	sadd.s32 $0x180, s12  }
0xb: {  	s22 =	sadd.s32 $0x200, s12;
	s15 =	sshrl.u32 s26, $0x3;
	s26 =	simm.s32 $0x1400  }
0xc: {  	s4 =	ssub.s32 s10, s11;
	s24 =	sshll.u32 s19, $0x7;
	s9 =	sadd.s32 s23, s2  }
0xd: {  	s25 =	sshll.u32 s20, $0x7;
	s14 =	sshll.u32 s21, $0x7;
	s31 =	sshll.u32 s22, $0x7  }
0xe: {  	s18 =	sadd.s32 $0x280, s15;
	s19 =	sshll.u32 s19, $0x4;
	s20 =	sshll.u32 s20, $0x4  }
.Ltmp0:
0xf: {  	s21 =	sshll.u32 s21, $0x4;
	s22 =	sshll.u32 s22, $0x4;
	(pc) =	sbr.rel .LBB2_1-.Ltmp0, $4  }
0x10: {  	s10 =	sadd.s32 s24, s2;
	s11 =	sadd.s32 s25, s2;
	s12 =	sadd.s32 s14, s2  }
0x11: {  	s13 =	sadd.s32 s31, s2;
	s14 =	sadd.s32 s16, s15;
	s15 =	sadd.s32 s17, s15  }
0x12: {  	s16 =	sadd.s32 s16, s18;
	s17 =	sadd.s32 s17, s18;
	s18 =	smul.u32 $0x2780, s1  }
0x13: {  	s23 =	smax.u32 s4, $0x1;
	s24 =	simm.s32 $0x2800;
	s25 =	simm.s32 $0x2  }
.LBB2_11:
0x14: {  	s0 =	sshra.s32 s31, $0x2;
	[sflag:s25] =	ssyncadd.s32 $0xFFFFC000  }
0x15: {  	[tilespmem:s24], [sflag:$0x1] =	stream.indirect.gather [hbm4b:s6+s28], $0x80, s0, s28, $0xb8;
	[tilespmem:$0x1A400] =	vst v63  }
0x16: {  	_ =	swait.ge [sflag:s29], $0x4000  }
0x17: {  	[sflag:s29] =	ssyncset.done $0x0  }
0x18: {  	s0 =	sadd.s32 $0x1400, s0;
	[sflag:s29] =	ssyncadd.s32 $0xFFFFC000  }
0x19: {  	[spmem:s2] =	stream.indirect.scatter.add.f32 [tilespmem:s24], [sflag:$0x2], $0x80, s0, s28, $0xb8;
	[tilespmem:$0x1A400] =	vst v63  }
0x1a: {  	_ =	swait.ge [sflag:s25], $0x4000  }
0x1b: {  	[sflag:s25] =	ssyncset.done $0x0  }
0x1c: {  	s31 =	smov.u32 s8;
	[sflag:s25] =	ssyncadd.s32 $0xFFFFC000  }
.LBB2_12:
0x1d: {  	[bflag:$0x0] =	sbarrier.arrive $0xFFFF  }
0x1e: {  	[tilespmem:s24], [sflag:$0x2] =	stream.linear.gather [spmem:s9], $0x4000, $0x38;
	[tilespmem:$0x1A400] =	vst v63  }
0x1f: {  	_ =	swait.ge [sflag:s25], $0x4000  }
0x20: {  	[sflag:s25] =	ssyncset.done $0x0  }
0x21: {  	s0 =	sadd.s32 s31, s18;
	[sflag:s25] =	ssyncadd.s32 $0xFFFFC000  }
0x22: {  	[hbm4b:s0+s3] =	stream.linear.scatter [tilespmem:s24], [sflag:$0x2], $0x4000, $0x38;
	[tilespmem:$0x1A400] =	vst v63  }
0x23: {  	_ =	swait.ge [sflag:s25], $0x4000  }
0x24: {  	[sflag:s25] =	ssyncset.done $0x0  }
0x25: {  	[sflag:s25] =	ssyncadd.s32 $0xFFFFC000  }
0x26: {  	[tilespmem:s24], [sflag:$0x2] =	stream.linear.gather [spmem:s10], $0x4000, $0x38;
	[tilespmem:$0x1A400] =	vst v63  }
0x27: {  	_ =	swait.ge [sflag:s25], $0x4000  }
0x28: {  	[sflag:s25] =	ssyncset.done $0x0  }
0x29: {  	s4 =	sadd.s32 s31, s19;
	[sflag:s25] =	ssyncadd.s32 $0xFFFFC000  }
0x2a: {  	[hbm4b:s4+s3] =	stream.linear.scatter [tilespmem:s24], [sflag:$0x2], $0x4000, $0x38;
	[tilespmem:$0x1A400] =	vst v63  }
0x2b: {  	_ =	swait.ge [sflag:s25], $0x4000  }
0x2c: {  	[sflag:s25] =	ssyncset.done $0x0  }
0x2d: {  	[sflag:s25] =	ssyncadd.s32 $0xFFFFC000  }
0x2e: {  	[tilespmem:s24], [sflag:$0x2] =	stream.linear.gather [spmem:s11], $0x4000, $0x38;
	[tilespmem:$0x1A400] =	vst v63  }
0x2f: {  	_ =	swait.ge [sflag:s25], $0x4000  }
0x30: {  	[sflag:s25] =	ssyncset.done $0x0  }
0x31: {  	s1 =	sadd.s32 s31, s20;
	[sflag:s25] =	ssyncadd.s32 $0xFFFFC000  }
0x32: {  	[hbm4b:s1+s3] =	stream.linear.scatter [tilespmem:s24], [sflag:$0x2], $0x4000, $0x38;
	[tilespmem:$0x1A400] =	vst v63  }
0x33: {  	_ =	swait.ge [sflag:s25], $0x4000  }
0x34: {  	[sflag:s25] =	ssyncset.done $0x0  }
0x35: {  	[sflag:s25] =	ssyncadd.s32 $0xFFFFC000  }
0x36: {  	[tilespmem:s24], [sflag:$0x2] =	stream.linear.gather [spmem:s12], $0x4000, $0x38;
	[tilespmem:$0x1A400] =	vst v63  }
0x37: {  	_ =	swait.ge [sflag:s25], $0x4000  }
0x38: {  	[sflag:s25] =	ssyncset.done $0x0  }
0x39: {  	s4 =	sadd.s32 s31, s21;
	[sflag:s25] =	ssyncadd.s32 $0xFFFFC000  }
0x3a: {  	[hbm4b:s4+s3] =	stream.linear.scatter [tilespmem:s24], [sflag:$0x2], $0x4000, $0x38;
	[tilespmem:$0x1A400] =	vst v63  }
0x3b: {  	_ =	swait.ge [sflag:s25], $0x4000  }
0x3c: {  	[sflag:s25] =	ssyncset.done $0x0  }
0x3d: {  	[sflag:s25] =	ssyncadd.s32 $0xFFFFC000  }
0x3e: {  	[tilespmem:s24], [sflag:$0x2] =	stream.linear.gather [spmem:s13], $0x3C00, $0x38;
	[tilespmem:$0x1A400] =	vst v63  }
0x3f: {  	s30 =	sadd.s32 $0x1, s30;
	_ =	swait.ge [sflag:s25], $0x3C00  }
0x40: {  	p1 =	sne.s32 s30, s23;
	[sflag:s25] =	ssyncset.done $0x0  }
.Ltmp1:
0x41: {  	s31 =	sadd.s32 s31, s22;
	[sflag:s25] =	ssyncadd.s32 $0xFFFFC400;
	(pc) =	sbr.rel @!p1 .LBB2_13-.Ltmp1, $4  }
0x42: {  	[hbm4b:s31+s3] =	stream.linear.scatter [tilespmem:s24], [sflag:$0x2], $0x3C00, $0x38;
	[tilespmem:$0x1A400] =	vst v63  }
0x43: {  	_ =	swait.ge [sflag:s25], $0x3C00  }
0x44: {  	[sflag:s25] =	ssyncset.done $0x0  }
0x45: {  	[sflag:s25] =	ssyncadd.s32 $0xFFFFC400  }
.LBB2_1:
0x46: {  	[tilespmem:s24], [sflag:$0x2] =	stream.linear.gather [hbm4b:s7+s3], $0x4000, $0x38;
	[tilespmem:$0x1A400] =	vst v63  }
0x47: {  	_ =	swait.ge [sflag:s25], $0x4000  }
0x48: {  	[sflag:s25] =	ssyncset.done $0x0  }
0x49: {  	[sflag:s25] =	ssyncadd.s32 $0xFFFFC000  }
0x4a: {  	[spmem:s9] =	stream.linear.scatter [tilespmem:s24], [sflag:$0x2], $0x4000, $0x38;
	[tilespmem:$0x1A400] =	vst v63  }
0x4b: {  	_ =	swait.ge [sflag:s25], $0x4000  }
0x4c: {  	[sflag:s25] =	ssyncset.done $0x0  }
0x4d: {  	[sflag:s25] =	ssyncadd.s32 $0xFFFFC000  }
0x4e: {  	[spmem:s10] =	stream.linear.scatter [tilespmem:s24], [sflag:$0x2], $0x4000, $0x38;
	[tilespmem:$0x1A400] =	vst v63  }
0x4f: {  	_ =	swait.ge [sflag:s25], $0x4000  }
0x50: {  	[sflag:s25] =	ssyncset.done $0x0  }
0x51: {  	[sflag:s25] =	ssyncadd.s32 $0xFFFFC000  }
0x52: {  	[spmem:s11] =	stream.linear.scatter [tilespmem:s24], [sflag:$0x2], $0x4000, $0x38;
	[tilespmem:$0x1A400] =	vst v63  }
0x53: {  	_ =	swait.ge [sflag:s25], $0x4000  }
0x54: {  	[sflag:s25] =	ssyncset.done $0x0  }
0x55: {  	[sflag:s25] =	ssyncadd.s32 $0xFFFFC000  }
0x56: {  	[spmem:s12] =	stream.linear.scatter [tilespmem:s24], [sflag:$0x2], $0x4000, $0x38;
	[tilespmem:$0x1A400] =	vst v63  }
0x57: {  	_ =	swait.ge [sflag:s25], $0x4000  }
0x58: {  	[sflag:s25] =	ssyncset.done $0x0  }
0x59: {  	[sflag:s25] =	ssyncadd.s32 $0xFFFFC000  }
0x5a: {  	[spmem:s13] =	stream.linear.scatter [tilespmem:s24], [sflag:$0x2], $0x3C00, $0x38;
	[tilespmem:$0x1A400] =	vst v63  }
0x5b: {  	_ =	swait.ge [sflag:s25], $0x3C00  }
0x5c: {  	[sflag:s25] =	ssyncset.done $0x0  }
0x5d: {  	[sflag:s25] =	ssyncadd.s32 $0xFFFFC400  }
0x5e: {  	[bflag:$0x0] =	sbarrier.arrive $0xFFFF  }
0x5f: {  	[tilespmem:s3], [sflag:$0x2] =	stream.linear.gather [hbm4b:s14+s3], $0x1400, $0x38;
	[tilespmem:$0x1A400] =	vst v63  }
0x60: {  	_ =	swait.ge [sflag:s25], $0x1400  }
0x61: {  	[sflag:s25] =	ssyncset.done $0x0  }
.Ltmp2:
0x62: {  	[sflag:s25] =	ssyncadd.s32 $0xFFFFEC00;
	(pc) =	sbr.rel @!p0 .LBB2_2-.Ltmp2, $4  }
0x63: {  	[tilespmem:s26], [sflag:$0x2] =	stream.linear.gather [hbm4b:s15+s3], $0x1400, $0x38;
	[tilespmem:$0x1A400] =	vst v63  }
0x64: {  	_ =	swait.ge [sflag:s25], $0x1400  }
0x65: {  	[sflag:s25] =	ssyncset.done $0x0  }
0x66: {  	s0 =	simm.s32 $0x0;
	[sflag:s25] =	ssyncadd.s32 $0xFFFFEC00  }
0x67: {  	[tilespmem:s24], [sflag:$0x1] =	stream.indirect.gather [hbm4b:s6+s28], $0x80, s0, s28, $0xb8;
	[tilespmem:$0x1A400] =	vst v63  }
0x68: {  	_ =	swait.ge [sflag:s29], $0x4000  }
0x69: {  	[sflag:s29] =	ssyncset.done $0x0  }
0x6a: {  	s4 =	simm.s32 $0x1400;
	[sflag:s29] =	ssyncadd.s32 $0xFFFFC000  }
0x6b: {  	[spmem:s2] =	stream.indirect.scatter.add.f32 [tilespmem:s24], [sflag:$0x2], $0x80, s4, s28, $0xb8;
	[tilespmem:$0x1A400] =	vst v63  }
0x6c: {  	_ =	swait.ge [sflag:s25], $0x4000  }
0x6d: {  	s31 =	simm.s32 $0x200;
	s0 =	simm.s32 $0x400;
	[sflag:s25] =	ssyncset.done $0x0  }
.LBB2_8:
0x6e: {  	s1 =	sshra.s32 s31, $0x2  }
0x6f: {  	[sflag:s25] =	ssyncadd.s32 $0xFFFFC000;
	s31 =	smov.u32 s0;
	s4 =	sadd.s32 $0x200, s0  }
0x70: {  	[tilespmem:s24], [sflag:$0x1] =	stream.indirect.gather [hbm4b:s6+s28], $0x80, s1, s28, $0xb8;
	[tilespmem:$0x1A400] =	vst v63  }
0x71: {  	p1 =	sne.s32 s0, $0x4E00;
	_ =	swait.ge [sflag:s29], $0x4000  }
.Ltmp3:
0x72: {  	[sflag:s29] =	ssyncset.done $0x0;
	(pc) =	sbr.rel @p1 .LBB2_8-.Ltmp3, $4  }
0x73: {  	s0 =	sadd.s32 $0x1400, s1;
	[sflag:s29] =	ssyncadd.s32 $0xFFFFC000  }
0x74: {  	[spmem:s2] =	stream.indirect.scatter.add.f32 [tilespmem:s24], [sflag:$0x2], $0x80, s0, s28, $0xb8;
	[tilespmem:$0x1A400] =	vst v63  }
0x75: {  	_ =	swait.ge [sflag:s25], $0x4000  }
0x76: {  	s0 =	smov.u32 s4;
	[sflag:s25] =	ssyncset.done $0x0  }
0x77: {  	s0 =	sshra.s32 s31, $0x2;
	[sflag:s25] =	ssyncadd.s32 $0xFFFFC000  }
0x78: {  	[tilespmem:s24], [sflag:$0x1] =	stream.indirect.gather [hbm4b:s6+s28], $0x80, s0, s28, $0xb8;
	[tilespmem:$0x1A400] =	vst v63  }
0x79: {  	_ =	swait.ge [sflag:s29], $0x4000  }
0x7a: {  	[sflag:s29] =	ssyncset.done $0x0  }
0x7b: {  	s0 =	sadd.s32 $0x1400, s0;
	[sflag:s29] =	ssyncadd.s32 $0xFFFFC000  }
0x7c: {  	[spmem:s2] =	stream.indirect.scatter.add.f32 [tilespmem:s24], [sflag:$0x2], $0x80, s0, s28, $0xb8;
	[tilespmem:$0x1A400] =	vst v63  }
0x7d: {  	_ =	swait.ge [sflag:s25], $0x4000  }
0x7e: {  	[sflag:s25] =	ssyncset.done $0x0  }
0x7f: {  	s4 =	simm.s32 $0x0;
	[sflag:s25] =	ssyncadd.s32 $0xFFFFC000  }
0x80: {  	[tilespmem:s4], [sflag:$0x2] =	stream.linear.gather [hbm4b:s16+s4], $0x1380, $0x38;
	[tilespmem:$0x1A400] =	vst v63  }
0x81: {  	_ =	swait.ge [sflag:s25], $0x1380  }
0x82: {  	[sflag:s25] =	ssyncset.done $0x0  }
0x83: {  	[sflag:s25] =	ssyncadd.s32 $0xFFFFEC80  }
0x84: {  	[tilespmem:s26], [sflag:$0x2] =	stream.linear.gather [hbm4b:s17+s4], $0x1380, $0x38;
	[tilespmem:$0x1A400] =	vst v63  }
0x85: {  	_ =	swait.ge [sflag:s25], $0x1380  }
0x86: {  	[sflag:s25] =	ssyncset.done $0x0  }
0x87: {  	s1 =	simm.s32 $0x0;
	[sflag:s25] =	ssyncadd.s32 $0xFFFFEC80  }
0x88: {  	[tilespmem:s24], [sflag:$0x1] =	stream.indirect.gather [hbm4b:s6+s28], $0x80, s1, s28, $0xb8;
	[tilespmem:$0x1A400] =	vst v63  }
0x89: {  	_ =	swait.ge [sflag:s29], $0x4000  }
0x8a: {  	[sflag:s29] =	ssyncset.done $0x0  }
0x8b: {  	s4 =	simm.s32 $0x1400;
	[sflag:s29] =	ssyncadd.s32 $0xFFFFC000  }
0x8c: {  	[spmem:s2] =	stream.indirect.scatter.add.f32 [tilespmem:s24], [sflag:$0x2], $0x80, s4, s28, $0xb8;
	[tilespmem:$0x1A400] =	vst v63  }
0x8d: {  	_ =	swait.ge [sflag:s25], $0x4000  }
0x8e: {  	s31 =	simm.s32 $0x200;
	s0 =	simm.s32 $0x400;
	[sflag:s25] =	ssyncset.done $0x0  }
.LBB2_10:
0x8f: {  	s1 =	sshra.s32 s31, $0x2  }
0x90: {  	[sflag:s25] =	ssyncadd.s32 $0xFFFFC000;
	s31 =	smov.u32 s0;
	s4 =	sadd.s32 $0x200, s0  }
0x91: {  	[tilespmem:s24], [sflag:$0x1] =	stream.indirect.gather [hbm4b:s6+s28], $0x80, s1, s28, $0xb8;
	[tilespmem:$0x1A400] =	vst v63  }
0x92: {  	p1 =	sne.s32 s0, $0x4C00;
	_ =	swait.ge [sflag:s29], $0x4000  }
.Ltmp4:
0x93: {  	[sflag:s29] =	ssyncset.done $0x0;
	(pc) =	sbr.rel @p1 .LBB2_10-.Ltmp4, $4  }
0x94: {  	s0 =	sadd.s32 $0x1400, s1;
	[sflag:s29] =	ssyncadd.s32 $0xFFFFC000  }
0x95: {  	[spmem:s2] =	stream.indirect.scatter.add.f32 [tilespmem:s24], [sflag:$0x2], $0x80, s0, s28, $0xb8;
	[tilespmem:$0x1A400] =	vst v63  }
0x96: {  	_ =	swait.ge [sflag:s25], $0x4000  }
0x97: {  	s0 =	smov.u32 s4;
	[sflag:s25] =	ssyncset.done $0x0  }
.Ltmp5:
0x98: {  	_ = 	snop;
	(pc) =	sbr.rel .LBB2_11-.Ltmp5, $1  }
0x99: {  	_ =	sdelay $0x3  }
.LBB2_2:
0x9a: {  	[tilespmem:s24], [sflag:$0x1] =	stream.indirect.gather [hbm4b:s5+s28], $0x80, s0, s28, $0xb8;
	[tilespmem:$0x1A400] =	vst v63  }
0x9b: {  	_ =	swait.ge [sflag:s29], $0x4000  }
0x9c: {  	[sflag:s29] =	ssyncset.done $0x0  }
0x9d: {  	s4 =	simm.s32 $0x1400;
	[sflag:s29] =	ssyncadd.s32 $0xFFFFC000  }
0x9e: {  	[spmem:s2] =	stream.indirect.scatter.add.f32 [tilespmem:s24], [sflag:$0x2], $0x80, s4, s28, $0xb8;
	[tilespmem:$0x1A400] =	vst v63  }
0x9f: {  	_ =	swait.ge [sflag:s25], $0x4000  }
0xa0: {  	s31 =	simm.s32 $0x200;
	s0 =	simm.s32 $0x400;
	[sflag:s25] =	ssyncset.done $0x0  }
.LBB2_3:
0xa1: {  	s4 =	sshra.s32 s31, $0x2  }
0xa2: {  	[sflag:s25] =	ssyncadd.s32 $0xFFFFC000;
	s31 =	smov.u32 s0;
	s1 =	sadd.s32 $0x200, s0  }
0xa3: {  	[tilespmem:s24], [sflag:$0x1] =	stream.indirect.gather [hbm4b:s5+s28], $0x80, s4, s28, $0xb8;
	[tilespmem:$0x1A400] =	vst v63  }
0xa4: {  	p1 =	sne.s32 s0, $0x4E00;
	_ =	swait.ge [sflag:s29], $0x4000  }
.Ltmp6:
0xa5: {  	[sflag:s29] =	ssyncset.done $0x0;
	(pc) =	sbr.rel @p1 .LBB2_3-.Ltmp6, $4  }
0xa6: {  	s0 =	sadd.s32 $0x1400, s4;
	[sflag:s29] =	ssyncadd.s32 $0xFFFFC000  }
0xa7: {  	[spmem:s2] =	stream.indirect.scatter.add.f32 [tilespmem:s24], [sflag:$0x2], $0x80, s0, s28, $0xb8;
	[tilespmem:$0x1A400] =	vst v63  }
0xa8: {  	_ =	swait.ge [sflag:s25], $0x4000  }
0xa9: {  	s0 =	smov.u32 s1;
	[sflag:s25] =	ssyncset.done $0x0  }
0xaa: {  	s0 =	sshra.s32 s31, $0x2;
	[sflag:s25] =	ssyncadd.s32 $0xFFFFC000  }
0xab: {  	[tilespmem:s24], [sflag:$0x1] =	stream.indirect.gather [hbm4b:s5+s28], $0x80, s0, s28, $0xb8;
	[tilespmem:$0x1A400] =	vst v63  }
0xac: {  	_ =	swait.ge [sflag:s29], $0x4000  }
0xad: {  	[sflag:s29] =	ssyncset.done $0x0  }
0xae: {  	s0 =	sadd.s32 $0x1400, s0;
	[sflag:s29] =	ssyncadd.s32 $0xFFFFC000  }
0xaf: {  	[spmem:s2] =	stream.indirect.scatter.add.f32 [tilespmem:s24], [sflag:$0x2], $0x80, s0, s28, $0xb8;
	[tilespmem:$0x1A400] =	vst v63  }
0xb0: {  	_ =	swait.ge [sflag:s25], $0x4000  }
0xb1: {  	[sflag:s25] =	ssyncset.done $0x0  }
0xb2: {  	s4 =	simm.s32 $0x0;
	[sflag:s25] =	ssyncadd.s32 $0xFFFFC000  }
0xb3: {  	[tilespmem:s4], [sflag:$0x2] =	stream.linear.gather [hbm4b:s16+s4], $0x1380, $0x38;
	[tilespmem:$0x1A400] =	vst v63  }
0xb4: {  	_ =	swait.ge [sflag:s25], $0x1380  }
0xb5: {  	[sflag:s25] =	ssyncset.done $0x0  }
0xb6: {  	[sflag:s25] =	ssyncadd.s32 $0xFFFFEC80  }
0xb7: {  	[tilespmem:s26], [sflag:$0x2] =	stream.linear.gather [hbm4b:s17+s4], $0x1380, $0x38;
	[tilespmem:$0x1A400] =	vst v63  }
0xb8: {  	_ =	swait.ge [sflag:s25], $0x1380  }
0xb9: {  	[sflag:s25] =	ssyncset.done $0x0  }
0xba: {  	s1 =	simm.s32 $0x0;
	[sflag:s25] =	ssyncadd.s32 $0xFFFFEC80  }
0xbb: {  	[tilespmem:s24], [sflag:$0x1] =	stream.indirect.gather [hbm4b:s5+s28], $0x80, s1, s28, $0xb8;
	[tilespmem:$0x1A400] =	vst v63  }
0xbc: {  	_ =	swait.ge [sflag:s29], $0x4000  }
0xbd: {  	[sflag:s29] =	ssyncset.done $0x0  }
0xbe: {  	s4 =	simm.s32 $0x1400;
	[sflag:s29] =	ssyncadd.s32 $0xFFFFC000  }
0xbf: {  	[spmem:s2] =	stream.indirect.scatter.add.f32 [tilespmem:s24], [sflag:$0x2], $0x80, s4, s28, $0xb8;
	[tilespmem:$0x1A400] =	vst v63  }
0xc0: {  	_ =	swait.ge [sflag:s25], $0x4000  }
0xc1: {  	s31 =	simm.s32 $0x200;
	s0 =	simm.s32 $0x400;
	[sflag:s25] =	ssyncset.done $0x0  }
.LBB2_5:
0xc2: {  	s1 =	sshra.s32 s31, $0x2  }
0xc3: {  	[sflag:s25] =	ssyncadd.s32 $0xFFFFC000;
	s31 =	smov.u32 s0;
	s4 =	sadd.s32 $0x200, s0  }
0xc4: {  	[tilespmem:s24], [sflag:$0x1] =	stream.indirect.gather [hbm4b:s5+s28], $0x80, s1, s28, $0xb8;
	[tilespmem:$0x1A400] =	vst v63  }
0xc5: {  	p1 =	seq.s32 s0, $0x4C00;
	_ =	swait.ge [sflag:s29], $0x4000  }
.Ltmp7:
0xc6: {  	[sflag:s29] =	ssyncset.done $0x0;
	(pc) =	sbr.rel @!p1 .LBB2_5-.Ltmp7, $4  }
0xc7: {  	s0 =	sadd.s32 $0x1400, s1;
	[sflag:s29] =	ssyncadd.s32 $0xFFFFC000  }
0xc8: {  	[spmem:s2] =	stream.indirect.scatter.add.f32 [tilespmem:s24], [sflag:$0x2], $0x80, s0, s28, $0xb8;
	[tilespmem:$0x1A400] =	vst v63  }
0xc9: {  	_ =	swait.ge [sflag:s25], $0x4000  }
0xca: {  	s0 =	smov.u32 s4;
	[sflag:s25] =	ssyncset.done $0x0  }
0xcb: {  	s0 =	sshra.s32 s31, $0x2;
	[sflag:s25] =	ssyncadd.s32 $0xFFFFC000  }
0xcc: {  	[tilespmem:s24], [sflag:$0x1] =	stream.indirect.gather [hbm4b:s5+s28], $0x80, s0, s28, $0xb8;
	[tilespmem:$0x1A400] =	vst v63  }
0xcd: {  	_ =	swait.ge [sflag:s29], $0x4000  }
0xce: {  	[sflag:s29] =	ssyncset.done $0x0  }
0xcf: {  	s0 =	sadd.s32 $0x1400, s0;
	[sflag:s29] =	ssyncadd.s32 $0xFFFFC000  }
0xd0: {  	[spmem:s2] =	stream.indirect.scatter.add.f32 [tilespmem:s24], [sflag:$0x2], $0x80, s0, s28, $0xb8;
	[tilespmem:$0x1A400] =	vst v63  }
.Ltmp8:
0xd1: {  	_ = 	snop;
	(pc) =	sbr.rel .LBB2_12-.Ltmp8, $4  }
0xd2: {  	_ =	swait.ge [sflag:s25], $0x4000  }
0xd3: {  	[sflag:s25] =	ssyncset.done $0x0  }
0xd4: {  	[sflag:s25] =	ssyncadd.s32 $0xFFFFC000  }
0xd5: {  	s31 =	rddreg [dreg:$0x1]  }
.LBB2_13:
0xd6: {  	_ =	sfence.sel $0x180000  }
0xd7: {  	[bflag:$0x0] =	sbarrier.arrive $0xFFFF  }
0xd8: {  	_ =	strace $0x9000004D  }
0xd9: {  	s0 =	stileid.u32;
	[bflag:$0x2] =	sbarrier.arrive $0xFFFF  }
0xda: {  	p0 =	sne.s32 s0, $0x0;
	s0 =	rddreg [dreg:$0x3]  }
0xdb: {  	s0 =	sadd.s32 @!p0 $0x100000, s0  }
0xdc: {  	[sflag:s0] =	ssyncadd.tile.s32 @!p0 $0x1;
	_ =	shalt  }
.Lfunc_end2:
_tile_overlayer_lowered:
.L_overlay_start_2:
0xdd: {  	(tag) =	ssettag $0x2  }
0xde: {  	s0 =	rddreg [dreg:$0x0];
	s2 =	stileid.u32  }
0xdf: {  	s1 =	rddreg [dreg:$0x1];
	p0 =	sne.s32 s2, $0x0  }
0xe0: {  	s3 =	rddreg [dreg:$0x2];
	[bflag:$0x3] =	sbarrier.arrive $0xFFFF;
	s2 =	simm.s32 @!p0 $0x1C02  }
0xe1: {  	[timem:s3], [sflag:s2] =	dma.local @!p0 [hbm:s0], s1  }
0xe2: {  	s0 =	simm.s32 @!p0 $0x2  }
0xe3: {  	_ =	swait.ge @!p0 [sflag:s0], s1  }
0xe4: {  	s1 =	ssub.s32 @!p0 $0x0, s1;
	[sflag:s0] =	ssyncset.done @!p0 $0x0  }
0xe5: {  	[sflag:s0] =	ssyncadd.s32 @!p0 s1  }
0xe6: {  	[bflag:$0x3] =	sbarrier.arrive $0xFFFF  }
0xe7: {  	_ =	shalt  }

// kernel: kernel.9.cloned.1.call-start
scs
__scs_entry_jumppad:
0x0: {  	(pc) =	sbr.rel $0x88, $3  }
0x1: {  	(tag) =	ssettag $0x0;
	lr =	simm.s32 $0x1  }
0x2: {  	[smem:$0x3F99] =	sst lr;
	_ =	strace $0xD0000000  }
0x3: {  	_ = 	snop  }
0x4: {  	_ = 	snop  }
0x5: {  	_ = 	snop  }
0x6: {  	_ = 	snop  }
0x7: {  	_ = 	snop  }
__scs_overlays_trampoline_lowered:
0x8: {  	[smem:$0x3FA8] =	sst s0  }
0x9: {  	[smem:$0x3FA9] =	sst s1  }
0xa: {  	[smem:$0x3FAA] =	sst s2  }
0xb: {  	[smem:$0x3FAB] =	sst s3  }
0xc: {  	[smem:$0x3FAC] =	sst s4  }
0xd: {  	[smem:$0x3FAD] =	sst s5  }
0xe: {  	[smem:$0x3FAE] =	sst s6  }
0xf: {  	[smem:$0x3FAF] =	sst s7  }
0x10: {  	[smem:$0x3FB0] =	sst s8  }
0x11: {  	[smem:$0x3FB1] =	sst s9;
	s0 =	simm.s32 @!p0 $0x0  }
0x12: {  	s1 =	sld [smem:$0x3F97];
	s0 =	simm.s32 @p0 $0x1  }
0x13: {  	[smem:$0x3FB2] =	sst s0;
	s0 =	simm.s32 @!p1 $0x0  }
0x14: {  	s2 =	sld [smem:$0x3F96];
	s0 =	simm.s32 @p1 $0x1  }
0x15: {  	[smem:$0x3FB3] =	sst s0;
	s0 =	simm.s32 @!p2 $0x0  }
0x16: {  	s3 =	sld [smem:$0x3FDB];
	s0 =	simm.s32 @p2 $0x1  }
0x17: {  	s4 =	simm.s32 $0x1BF5;
	[smem:$0x3FB5] =	sst s0  }
0x18: {  	s0 =	sld [smem:$0x3F98];
	_ =	swait.ge [sflag:s4], $0x0  }
0x19: {  	s7 =	sld [smem:$0x3F99]  }
0x1a: {  	s8 =	sadd.s32 $0xFFFFE003, lr  }
0x1b: {  	s9 =	sadd.s32 $0xFFFFFEF7, lr;
	s5 =	simm.s32 $0xFFFFFFFF;
	p2 =	slt.u32 s8, $0xFFFFF086  }
0x1c: {  	p1 =	slt.u32 s9, $0xF7A;
	s5 =	simm.s32 @!p2 $0x0  }
0x1d: {  	s5 =	simm.s32 @p1 $0x1;
	p0 =	seq.s32 s7, s2  }
0x1e: {  	s7 =	smul.u32 @!p0 $0xF7A, s2;
	p2 =	seq.s32 @!p0 s5, $0x0  }
0x1f: {  	s9 =	smul.u32 $0xF7A, s1;
	s8 =	simm.s32 @!p0 $0x1BF5;
	p2 =	por !p2, p0  }
0x20: {  	[sflag:s8] =	ssyncset.s32 @!p0 $0xFFFFF086;
	s6 =	sadd.s32 @!p0 s3, s7;
	s7 =	simm.s32 @!p0 $0x108  }
0x21: {  	s3 =	sadd.s32 s3, s9;
	s6 =	sadd.s32 @!p0 $0x88, s6;
	s7 =	simm.s32 @p2 $0x1082  }
0x22: {  	[simem:s7], [sflag:s8] =	dma.local @!p0 [hbm:s6], $0xF7A  }
0x23: {  	s9 =	sor.u32 $0xD0000000, s2;
	s6 =	simm.s32 $0x108;
	_ =	swait.ge @!p0 [sflag:s8], $0x0  }
0x24: {  	s3 =	sadd.s32 $0x88, s3;
	s6 =	simm.s32 @!p1 $0x1082;
	[sflag:s4] =	ssyncset.s32 $0xFFFFF086  }
0x25: {  	[simem:s6], [sflag:s4] =	dma.local [hbm:s3], $0xF7A  }
0x26: {  	[smem:$0x3F99] =	sst s1;
	(tag) =	ssettag s2;
	_ =	strace s9  }
0x27: {  	s1 =	sld [smem:$0x3FA9]  }
0x28: {  	s2 =	sld [smem:$0x3FAA]  }
0x29: {  	s4 =	sld [smem:$0x3FAC]  }
0x2a: {  	p0 =	seq.s32 s5, $0x0;
	s5 =	sld [smem:$0x3FAD]  }
0x2b: {  	s6 =	sld [smem:$0x3FAE]  }
0x2c: {  	s7 =	sld [smem:$0x3FAF]  }
0x2d: {  	s3 =	simm.s32 $0x108;
	s8 =	sld [smem:$0x3FB0]  }
0x2e: {  	s3 =	simm.s32 @!p0 $0x1082;
	s9 =	sld [smem:$0x3FB1]  }
0x2f: {  	lr =	sadd.s32 s0, s3;
	s0 =	sld [smem:$0x3FA8]  }
0x30: {  	s3 =	sld [smem:$0x3FAB]  }
0x31: {  	[smem:$0x3FB4] =	sst s10  }
0x32: {  	s10 =	sld [smem:$0x3FB2];
	_ =	sdelay $0x3  }
0x33: {  	p0 =	seq.s32 s10, $0x1;
	s10 =	sld [smem:$0x3FB4];
	_ =	sdelay $0x3  }
0x34: {  	[smem:$0x3FB4] =	sst s10  }
0x35: {  	s10 =	sld [smem:$0x3FB3];
	_ =	sdelay $0x3  }
0x36: {  	p1 =	seq.s32 s10, $0x1;
	s10 =	sld [smem:$0x3FB4];
	_ =	sdelay $0x3  }
0x37: {  	[smem:$0x3FB4] =	sst s10  }
0x38: {  	s10 =	sld [smem:$0x3FB5]  }
0x39: {  	_ = 	snop;
	(pc) =	sbr.ind lr, $3  }
0x3a: {  	_ = 	snop  }
0x3b: {  	_ = 	snop  }
0x3c: {  	p2 =	seq.s32 s10, $0x1;
	s10 =	sld [smem:$0x3FB4]  }
0x3d: {  	_ =	shalt  }
0x3e: {  	_ =	shalt  }
0x3f: {  	_ =	shalt  }
0x40: {  	_ =	shalt  }
0x41: {  	_ =	shalt  }
0x42: {  	_ =	shalt  }
0x43: {  	_ =	shalt  }
0x44: {  	_ =	shalt  }
0x45: {  	_ =	shalt  }
0x46: {  	_ =	shalt  }
0x47: {  	_ =	shalt  }
0x48: {  	_ =	shalt  }
0x49: {  	_ =	shalt  }
0x4a: {  	_ =	shalt  }
0x4b: {  	_ =	shalt  }
0x4c: {  	_ =	shalt  }
0x4d: {  	_ =	shalt  }
0x4e: {  	_ =	shalt  }
0x4f: {  	_ =	shalt  }
0x50: {  	_ =	shalt  }
0x51: {  	_ =	shalt  }
0x52: {  	_ =	shalt  }
0x53: {  	_ =	shalt  }
0x54: {  	_ =	shalt  }
0x55: {  	_ =	shalt  }
0x56: {  	_ =	shalt  }
0x57: {  	_ =	shalt  }
0x58: {  	_ =	shalt  }
0x59: {  	_ =	shalt  }
0x5a: {  	_ =	shalt  }
0x5b: {  	_ =	shalt  }
0x5c: {  	_ =	shalt  }
0x5d: {  	_ =	shalt  }
0x5e: {  	_ =	shalt  }
0x5f: {  	_ =	shalt  }
0x60: {  	_ =	shalt  }
0x61: {  	_ =	shalt  }
0x62: {  	_ =	shalt  }
0x63: {  	_ =	shalt  }
0x64: {  	_ =	shalt  }
0x65: {  	_ =	shalt  }
0x66: {  	_ =	shalt  }
0x67: {  	_ =	shalt  }
0x68: {  	_ =	shalt  }
0x69: {  	_ =	shalt  }
0x6a: {  	_ =	shalt  }
0x6b: {  	_ =	shalt  }
0x6c: {  	_ =	shalt  }
0x6d: {  	_ =	shalt  }
0x6e: {  	_ =	shalt  }
0x6f: {  	_ =	shalt  }
0x70: {  	_ =	shalt  }
0x71: {  	_ =	shalt  }
0x72: {  	_ =	shalt  }
0x73: {  	_ =	shalt  }
0x74: {  	_ =	shalt  }
0x75: {  	_ =	shalt  }
0x76: {  	_ =	shalt  }
0x77: {  	_ =	shalt  }
0x78: {  	_ =	shalt  }
0x79: {  	_ =	shalt  }
0x7a: {  	_ =	shalt  }
0x7b: {  	_ =	shalt  }
0x7c: {  	_ =	shalt  }
0x7d: {  	_ =	shalt  }
0x7e: {  	_ =	shalt  }
0x7f: {  	_ =	shalt  }
0x80: {  	_ =	shalt  }
0x81: {  	_ =	shalt  }
0x82: {  	_ =	shalt  }
0x83: {  	_ =	shalt  }
0x84: {  	_ =	shalt  }
0x85: {  	_ =	shalt  }
0x86: {  	_ =	shalt  }
0x87: {  	_ =	shalt  }
.Lfunc_end0:
.L_simem_size_0:
called_computation_lowered:
.L_overlay_start_0:
0x88: {  	s2 =	sld [smem:$0x3FD9]  }
0x89: {  	s3 =	sld [smem:$0x3FFE];
	_ =	sdelay $0x1  }
0x8a: {  	s1 =	srdreg.scid  }
0x8b: {  	s0 =	sand.u32 $0x1, s1  }
0x8c: {  	s16 =	sshll.u32 s0, $0xA;
	s2 =	sadd.s32 s3, s2  }
0x8d: {  	s2 =	sadd.s32 s2, s16  }
0x8e: {  	[smem:$0x3FC0] =	sst s2  }
0x8f: {  	_ = 	snop  }
0x90: {  	(tm) =	ssettm $0x1  }
0x91: {  	s17 =	sld [smem:$0x3FFB];
	_ =	sdelay $0x3  }
0x92: {  	_ =	strace s17  }
0x93: {  	s2 =	sld [smem:$0x3FFC];
	_ =	sdelay $0x3  }
0x94: {  	_ =	strace s2  }
0x95: {  	s2 =	sld [smem:$0x3FFD];
	_ =	sdelay $0x3  }
0x96: {  	_ =	strace s2  }
0x97: {  	_ =	strace $0x8FFFFFFF  }
0x98: {  	s18 =	sld [smem:$0x3FDB];
	_ =	sdelay $0x1  }
0x99: {  	s19 =	simm.s32 $_scs_section_size  }
0x9a: {  	s4 =	simm.s32 $_size__tile_overlayer_lowered;
	s5 =	simm.s32 $_tile_overlayer_lowered  }
0x9b: {  	s22 =	simm.s32 $0x1BFF;
	s21 =	sshll.u32 s5, $0x1;
	s2 =	sadd.s32 s19, s18  }
0x9c: {  	s6 =	simm.s32 $0x0;
	s20 =	sshll.u32 s4, $0x1;
	s4 =	sadd.s32 s21, s2  }
0x9d: {  	[timem:s6], [sflag:s22] =	dma.local [hbm:s4], s20  }
0x9e: {  	_ =	swait.ge [sflag:s22], s20  }
0x9f: {  	s3 =	ssub.s32 $0x0, s20;
	[sflag:s22] =	ssyncset.done $0x0  }
0xa0: {  	[sflag:s22] =	ssyncadd.s32 s3;
	_ =	sdelay $0x1  }
0xa1: {  	s23 =	simm.s32 $0x1B8B  }
0xa2: {  	_ =	swait.ge [sflag:s23], $0x1  }
0xa3: {  	[sflag:s23] =	ssyncset.done $0x0  }
0xa4: {  	s25 =	simm.s32 $0x1B8E;
	s24 =	sld [smem:$0x3FFE];
	[sflag:s23] =	ssyncadd.s32 $0xFFFFFFFF  }
0xa5: {  	s26 =	simm.s32 $execute0_lowered;
	[smem:$0x3FD2] =	sst s25  }
0xa6: {  	s4 =	sshll.u32 s26, $0x1;
	_ =	strace $0x80000046;
	[dreg:$0x1] =	wrdreg $0xFFFFFFFF  }
0xa7: {  	s28 =	simm.s32 $_size_execute0_lowered;
	s2 =	sadd.s32 s2, s4;
	[dreg:$0x0] =	wrdreg $0x0  }
0xa8: {  	s4 =	sshll.u32 s28, $0x1;
	[dreg:$0x2] =	wrdreg s2  }
0xa9: {  	[dreg:$0x3] =	wrdreg s4  }
0xaa: {  	[dreg:$0x4] =	wrdreg $0xC0  }
0xab: {  	_ =	task [dreg:s6], $0x5FFFF  }
0xac: {  	[dreg:$0x1] =	wrdreg $0xFFFFFFFF  }
0xad: {  	[dreg:$0x0] =	wrdreg $0x60  }
0xae: {  	[dreg:$0x2] =	wrdreg s24  }
0xaf: {  	[dreg:$0x3] =	wrdreg $0x54000  }
0xb0: {  	[dreg:$0x4] =	wrdreg $0x9  }
0xb1: {  	_ =	task.clear_ibuf [dreg:s6], $0x5FFFF;
	_ =	strace $0x90000046  }
0xb2: {  	s29 =	simm.s32 $0x9;
	_ =	strace $0x80000048  }
0xb3: {  	_ =	swait.ge [sflag:s29], $0x1  }
0xb4: {  	[sflag:s29] =	ssyncadd.s32 $0xFFFFFFFF  }
0xb5: {  	_ =	strace $0x90000048  }
0xb6: {  	_ =	sfence  }
0xb7: {  	s30 =	sld [smem:$0x0];
	_ =	sdelay $0x2  }
0xb8: {  	s31 =	sshll.u32 s1, $0xD;
	s1 =	sshrl.u32 s1, $0x2  }
0xb9: {  	s3 =	sand.u32 $0x4000, s31;
	s1 =	sadd.s32 s1, s30  }
0xba: {  	s0 =	sor.u32 s3, s0;
	s1 =	sshll.u32 s1, $0x11  }
0xbb: {  	s0 =	sor.u32 s1, s0  }
0xbc: {  	s0 =	sadd.s32 $0x8F2B, s0  }
0xbd: {  	[sflag:s0] =	ssyncadd.remote.s32 $0x1  }
0xbe: {  	_ =	sfence.sel $0xFFFF  }
0xbf: {  	[dreg:$0x0] =	wrdreg $0xFFFFFFFF;
	(pc) =	sbr.abs _section_cstart, $3  }
0xc0: {  	[dreg:$0x1] =	wrdreg $0xFFFFFFFF  }
0xc1: {  	_ =	task.clear_ibuf [dreg:s6], $0x2FFFF;
	_ =	strace $0x9FFFFFFF  }
0xc2: {  	(tm) =	ssettm $0x7FFFFFFF  }
0xc3: {  	_ =	shalt  }
tec
execute0_lowered:
.L_overlay_start_1:
0x0: {  	(tag) =	ssettag $0x1  }
0x1: {  	s7 =	rddreg [dreg:$0x0]  }
0x2: {  	s1 =	rddreg [dreg:$0x1]  }
0x3: {  	s0 =	rddreg [dreg:$0x2];
	s3 =	simm.s32 $0x0;
	s2 =	stileid.u32  }
0x4: {  	s6 =	srdreg.scid;
	s19 =	simm.s32 $0x80;
	s22 =	simm.s32 $0x0  }
0x5: {  	[smem:$0x7FF] =	sst s3;
	s15 =	sadd.s32 $0x4800, s7;
	s8 =	smul.u32 $0x4F000, s2  }
0x6: {  	s4 =	sadd.s32 $0x9800, s7;
	s5 =	sadd.s32 $0xA000, s7;
	s13 =	sand.u32 $0x1, s6  }
0x7: {  	s6 =	sadd.s32 $0xC800, s7;
	s7 =	sadd.s32 $0x34000, s7;
	s14 =	smul.u32 $0x2800, s2  }
0x8: {  	s17 =	smul.u32 $0x500, s2;
	s20 =	sshll.u32 s2, $0x6;
	_ =	strace $0x80000047  }
0x9: {  	s9 =	ssub.s32 $0x2, s13;
	p0 =	seq.s32 s13, $0x1;
	s20 =	sor.u32 $0x1C01, s20  }
0xa: {  	s8 =	sshrl.u32 s8, $0x2;
	s18 =	sshrl.u32 s14, $0x3;
	s14 =	smul.u32 $0x2780, s2  }
.Ltmp0:
0xb: {  	s10 =	sshrl.u32 s9, $0x1;
	s13 =	sadd.s32 s15, s17;
	(pc) =	sbr.rel .LBB2_1-.Ltmp0, $4  }
0xc: {  	s17 =	simm.s32 $0x1400;
	s8 =	sadd.s32 s8, s1;
	s16 =	ssub.s32 s9, s10  }
0xd: {  	s15 =	sadd.s32 s15, s18;
	s18 =	simm.s32 $0x1;
	s9 =	sadd.s32 $0x4000, s8  }
0xe: {  	s10 =	sadd.s32 $0x8000, s8;
	s11 =	sadd.s32 $0xC000, s8;
	s12 =	sadd.s32 $0x10000, s8  }
0xf: {  	s15 =	sadd.s32 $0x280, s15;
	s16 =	smax.u32 s16, $0x1;
	s21 =	sshrl.u32 s8, $0x3  }
.LBB2_7:
0x10: {  	[sflag:s18] =	ssyncadd.s32 $0xFFFFC000;
	s23 =	smov.u32 s7  }
.LBB2_8:
0x11: {  	s22 =	sadd.s32 $0x1, s22  }
0x12: {  	p1 =	sne.s32 s22, s16  }
.Ltmp1:
0x13: {  	s23 =	sadd.s32 s23, s14;
	[bflag:$0x0] =	sbarrier.arrive $0xFFFF;
	(pc) =	sbr.rel @!p1 .LBB2_9-.Ltmp1, $4  }
0x14: {  	[hbm:s23], [sflag:s20] =	dma.local [spmem:s21], $0x2780  }
0x15: {  	_ =	swait.ge [sflag:s18], $0x2780  }
0x16: {  	[sflag:s18] =	ssyncset.done $0x0  }
0x17: {  	[sflag:s18] =	ssyncadd.s32 $0xFFFFD880  }
.LBB2_1:
0x18: {  	[tilespmem:s17], [sflag:$0x1] =	stream.linear.gather [hbm4b:s5+s3], $0x4000, $0x38;
	[tilespmem:$0x19000] =	vst v63  }
0x19: {  	_ =	swait.ge [sflag:s18], $0x4000  }
0x1a: {  	[sflag:s18] =	ssyncset.done $0x0  }
0x1b: {  	[sflag:s18] =	ssyncadd.s32 $0xFFFFC000  }
0x1c: {  	[spmem:s8] =	stream.linear.scatter [tilespmem:s17], [sflag:$0x1], $0x4000, $0x38;
	[tilespmem:$0x19000] =	vst v63  }
0x1d: {  	_ =	swait.ge [sflag:s18], $0x4000  }
0x1e: {  	[sflag:s18] =	ssyncset.done $0x0  }
0x1f: {  	[sflag:s18] =	ssyncadd.s32 $0xFFFFC000  }
0x20: {  	[spmem:s9] =	stream.linear.scatter [tilespmem:s17], [sflag:$0x1], $0x4000, $0x38;
	[tilespmem:$0x19000] =	vst v63  }
0x21: {  	_ =	swait.ge [sflag:s18], $0x4000  }
0x22: {  	[sflag:s18] =	ssyncset.done $0x0  }
0x23: {  	[sflag:s18] =	ssyncadd.s32 $0xFFFFC000  }
0x24: {  	[spmem:s10] =	stream.linear.scatter [tilespmem:s17], [sflag:$0x1], $0x4000, $0x38;
	[tilespmem:$0x19000] =	vst v63  }
0x25: {  	_ =	swait.ge [sflag:s18], $0x4000  }
0x26: {  	[sflag:s18] =	ssyncset.done $0x0  }
0x27: {  	[sflag:s18] =	ssyncadd.s32 $0xFFFFC000  }
0x28: {  	[spmem:s11] =	stream.linear.scatter [tilespmem:s17], [sflag:$0x1], $0x4000, $0x38;
	[tilespmem:$0x19000] =	vst v63  }
0x29: {  	_ =	swait.ge [sflag:s18], $0x4000  }
0x2a: {  	[sflag:s18] =	ssyncset.done $0x0  }
0x2b: {  	[sflag:s18] =	ssyncadd.s32 $0xFFFFC000  }
0x2c: {  	[spmem:s12] =	stream.linear.scatter [tilespmem:s17], [sflag:$0x1], $0x3C00, $0x38;
	[tilespmem:$0x19000] =	vst v63  }
0x2d: {  	_ =	swait.ge [sflag:s18], $0x3C00  }
0x2e: {  	[sflag:s18] =	ssyncset.done $0x0  }
0x2f: {  	[sflag:s18] =	ssyncadd.s32 $0xFFFFC400  }
0x30: {  	[tilespmem:s17], [sflag:$0x1] =	stream.linear.gather [hbm4b:s4+s3], $0x4000, $0x38;
	[tilespmem:$0x19000] =	vst v63  }
.Ltmp2:
0x31: {  	_ =	swait.ge [sflag:s18], $0x4000;
	(pc) =	sbr.rel @!p0 .LBB2_2-.Ltmp2, $4  }
0x32: {  	[sflag:s18] =	ssyncset.done $0x0  }
0x33: {  	[sflag:s18] =	ssyncadd.s32 $0xFFFFC000  }
0x34: {  	[bflag:$0x0] =	sbarrier.arrive $0xFFFF  }
0x35: {  	s23 =	simm.s32 $0x0  }
0x36: {  	[tilespmem:s23], [sflag:$0x1] =	stream.linear.gather [hbm4b:s15+s23], $0x1380, $0x38;
	[tilespmem:$0x19000] =	vst v63  }
0x37: {  	_ =	swait.ge [sflag:s18], $0x1380  }
0x38: {  	[sflag:s18] =	ssyncset.done $0x0  }
0x39: {  	s31 =	simm.s32 $0x0;
	[sflag:s18] =	ssyncadd.s32 $0xFFFFEC80  }
0x3a: {  	[spmem:s1] =	stream.indirect.scatter.add.f32 [tilespmem:s17], [sflag:$0x1], $0x80, s31, s19, $0xb8;
	[tilespmem:$0x19000] =	vst v63  }
0x3b: {  	_ =	swait.ge [sflag:s18], $0x4000  }
0x3c: {  	s23 =	simm.s32 $0x200;
	[sflag:s18] =	ssyncset.done $0x0  }
.LBB2_6:
0x3d: {  	s24 =	sshra.s32 s23, $0x2;
	[sflag:s18] =	ssyncadd.s32 $0xFFFFC000;
	p1 =	sne.s32 s23, $0x4C00  }
0x3e: {  	[spmem:s1] =	stream.indirect.scatter.add.f32 [tilespmem:s17], [sflag:$0x1], $0x80, s24, s19, $0xb8;
	[tilespmem:$0x19000] =	vst v63  }
.Ltmp3:
0x3f: {  	_ = 	snop;
	(pc) =	sbr.rel @p1 .LBB2_6-.Ltmp3, $4  }
0x40: {  	_ = 	snop  }
0x41: {  	s23 =	sadd.s32 $0x200, s23  }
0x42: {  	_ =	swait.ge [sflag:s18], $0x4000  }
0x43: {  	[sflag:s18] =	ssyncset.done $0x0  }
.Ltmp4:
0x44: {  	_ = 	snop;
	(pc) =	sbr.rel .LBB2_7-.Ltmp4, $1  }
0x45: {  	_ =	sdelay $0x3  }
.LBB2_2:
0x46: {  	[tilespmem:s23], [sflag:$0x1] =	stream.linear.gather [hbm4b:s13+s23], $0x1400, $0x38;
	[tilespmem:$0x19000] =	vst v63  }
0x47: {  	_ =	swait.ge [sflag:s18], $0x1400  }
0x48: {  	[sflag:s18] =	ssyncset.done $0x0  }
0x49: {  	s31 =	simm.s32 $0x0;
	[sflag:s18] =	ssyncadd.s32 $0xFFFFEC00  }
0x4a: {  	[spmem:s1] =	stream.indirect.scatter.add.f32 [tilespmem:s17], [sflag:$0x1], $0x80, s31, s19, $0xb8;
	[tilespmem:$0x19000] =	vst v63  }
0x4b: {  	_ =	swait.ge [sflag:s18], $0x4000  }
0x4c: {  	s23 =	simm.s32 $0x200;
	[sflag:s18] =	ssyncset.done $0x0  }
.LBB2_3:
0x4d: {  	s24 =	sshra.s32 s23, $0x2;
	[sflag:s18] =	ssyncadd.s32 $0xFFFFC000;
	p1 =	seq.s32 s23, $0x4E00  }
0x4e: {  	[spmem:s1] =	stream.indirect.scatter.add.f32 [tilespmem:s17], [sflag:$0x1], $0x80, s24, s19, $0xb8;
	[tilespmem:$0x19000] =	vst v63  }
.Ltmp5:
0x4f: {  	_ = 	snop;
	(pc) =	sbr.rel @!p1 .LBB2_3-.Ltmp5, $4  }
0x50: {  	_ = 	snop  }
0x51: {  	s23 =	sadd.s32 $0x200, s23  }
0x52: {  	_ =	swait.ge [sflag:s18], $0x4000  }
0x53: {  	[sflag:s18] =	ssyncset.done $0x0  }
.Ltmp6:
0x54: {  	(pc) =	sbr.rel .LBB2_8-.Ltmp6, $2  }
0x55: {  	_ =	sdelay $0x2  }
0x56: {  	[sflag:s18] =	ssyncadd.s32 $0xFFFFC000;
	s23 =	smov.u32 s6  }
.LBB2_9:
0x57: {  	_ =	sfence.sel $0x180000  }
0x58: {  	[bflag:$0x0] =	sbarrier.arrive $0xFFFF  }
0x59: {  	p0 =	sne.s32 s2, $0x0;
	_ =	strace $0x90000047  }
0x5a: {  	s0 =	sadd.s32 @!p0 $0x100000, s0;
	[bflag:$0x2] =	sbarrier.arrive $0xFFFF  }
0x5b: {  	[sflag:s0] =	ssyncadd.tile.s32 @!p0 $0x1;
	_ =	shalt  }
.Lfunc_end2:
_tile_overlayer_lowered:
.L_overlay_start_2:
0x5c: {  	(tag) =	ssettag $0x2  }
0x5d: {  	s0 =	rddreg [dreg:$0x0];
	s2 =	stileid.u32  }
0x5e: {  	s1 =	rddreg [dreg:$0x1];
	p0 =	sne.s32 s2, $0x0  }
0x5f: {  	s3 =	rddreg [dreg:$0x2];
	[bflag:$0x3] =	sbarrier.arrive $0xFFFF;
	s2 =	simm.s32 @!p0 $0x1C01  }
0x60: {  	[timem:s3], [sflag:s2] =	dma.local @!p0 [hbm:s0], s1  }
0x61: {  	s0 =	simm.s32 @!p0 $0x1  }
0x62: {  	_ =	swait.ge @!p0 [sflag:s0], s1  }
0x63: {  	s1 =	ssub.s32 @!p0 $0x0, s1;
	[sflag:s0] =	ssyncset.done @!p0 $0x0  }
0x64: {  	[sflag:s0] =	ssyncadd.s32 @!p0 s1  }
0x65: {  	[bflag:$0x3] =	sbarrier.arrive $0xFFFF  }
0x66: {  	_ =	shalt  }

</sc_bundles>
